<compile_context>
chip_gen: v7x
topology: tpu7x:2x2x1
jax: 0.10.2.dev20260603
libtpu: 0.0.44.dev20260713+nightly
codegen_flags: <defaults>
</compile_context>

<pallas_src>
import functools

import jax
import jax.numpy as jnp
from jax import lax
from jax.experimental import pallas as pl
from jax.experimental.pallas import tpu as pltpu
from jax.experimental.pallas import tpu_sc as plsc

VOCAB = 1000000
DIM = 64
B = 16384
L = 50

NC = 2
NS = 16
NW = NC * NS
BPW = B // NW
CB = 8
CROWS = CB * L
NCHUNK = BPW // CB
GSUB = 100
NSUB = CROWS // GSUB


def _sc_body(tgt_hbm, ctx_hbm, emb_hbm, ctxemb_hbm, out_hbm,
             tgt_idx, tgt_rows,
             idx_a, rows_a, scr_a, idx_b, rows_b, scr_b,
             tsem, gsem_a, gsem_b, isem_a, isem_b, osem_a, osem_b):
    wid = lax.axis_index("s") * NC + lax.axis_index("c")
    iota = lax.iota(jnp.int32, 16)
    dnums = lax.GatherDimensionNumbers(
        offset_dims=(), collapsed_slice_dims=(0,), start_index_map=(0,))

    pltpu.sync_copy(tgt_hbm.at[pl.ds(wid * 4, 4)], tgt_idx)
    tcopies = [
        pltpu.async_copy(emb_hbm.at[tgt_idx.at[j]],
                         tgt_rows.at[pl.ds(j * 128, 128)], tsem)
        for j in range(4)
    ]

    def idx_desc(c, idx_ref, isem):
        return pltpu.make_async_copy(
            ctx_hbm.at[pl.ds(wid * (NCHUNK * NSUB) + c * NSUB, NSUB)],
            idx_ref, isem)

    def gather_descs(idx_ref, rows_ref, gsem):
        return [
            pltpu.make_async_copy(ctxemb_hbm.at[idx_ref.at[j]],
                                  rows_ref.at[pl.ds(j * GSUB, GSUB)], gsem)
            for j in range(NSUB)
        ]

    def out_desc(c, scr_ref, osem):
        return pltpu.make_async_copy(
            scr_ref, out_hbm.at[pl.ds(wid * (BPW * L) + c * CROWS, CROWS)],
            osem)

    def perm(vec, idxc):
        return lax.gather(vec, idxc, dnums, slice_sizes=(1,),
                          mode=lax.GatherScatterMode.PROMISE_IN_BOUNDS)

    def tree_reduce16(parts):
        d = 1
        while len(parts) > 1:
            idxc = lax.broadcast_in_dim(iota ^ d, (16, 1), (0,))
            selm = (iota & d) != 0
            halved = [p + perm(p, idxc) for p in parts]
            parts = [jnp.where(selm, halved[2 * i + 1], halved[2 * i])
                     for i in range(len(parts) // 2)]
            d *= 2
        return parts[0]

    def compute(c, rows_ref, scr_ref):
        def b_body(bl, carry):
            rb = bl * L
            trow = c * CB + bl
            tv = [tgt_rows[trow, pl.ds(dg * 16, 16)] for dg in range(4)]
            for g in range(4):
                parts = []
                for j in range(16):
                    row = rb + g * 16 + j
                    part = rows_ref[row, pl.ds(0, 16)] * tv[0]
                    for dg in range(1, 4):
                        cv = rows_ref[row, pl.ds(dg * 16, 16)]
                        part = part + cv * tv[dg]
                    parts.append(part)
                acc = tree_reduce16(parts)
                pos = jnp.full((16,), rb + g * 16, jnp.int32) + iota
                plsc.store_scatter(scr_ref, [pos], acc,
                                   mask=(g * 16 + iota) < L)
            return carry

        lax.fori_loop(0, CB, b_body, 0)

    def step(c, idx_p, rows_p, scr_p, gsem_p, isem_p, osem_p,
             idx_q, rows_q, scr_q, gsem_q, isem_q, osem_q):
        @pl.when(c + 1 < NCHUNK)
        def _():
            idx_desc(c + 1, idx_q, isem_q).wait()
            for dsc in gather_descs(idx_q, rows_q, gsem_q):
                dsc.start()

        for dsc in gather_descs(idx_p, rows_p, gsem_p):
            dsc.wait()

        @pl.when(c + 2 < NCHUNK)
        def _():
            idx_desc(c + 2, idx_p, isem_p).start()

        @pl.when(c >= 2)
        def _():
            out_desc(c - 2, scr_p, osem_p).wait()

        compute(c, rows_p, scr_p)
        out_desc(c, scr_p, osem_p).start()

    idx_desc(0, idx_a, isem_a).start()
    idx_desc(1, idx_b, isem_b).start()
    idx_desc(0, idx_a, isem_a).wait()
    for dsc in gather_descs(idx_a, rows_a, gsem_a):
        dsc.start()
    for cp in tcopies:
        cp.wait()

    def pair_body(c2, carry):
        step(2 * c2, idx_a, rows_a, scr_a, gsem_a, isem_a, osem_a,
             idx_b, rows_b, scr_b, gsem_b, isem_b, osem_b)
        step(2 * c2 + 1, idx_b, rows_b, scr_b, gsem_b, isem_b, osem_b,
             idx_a, rows_a, scr_a, gsem_a, isem_a, osem_a)
        return carry

    lax.fori_loop(0, NCHUNK // 2, pair_body, 0)

    out_desc(NCHUNK - 2, scr_a, osem_a).wait()
    out_desc(NCHUNK - 1, scr_b, osem_b).wait()


_sc_call = functools.partial(
    pl.kernel,
    out_type=jax.ShapeDtypeStruct((B * L,), jnp.float32),
    mesh=plsc.VectorSubcoreMesh(core_axis_name="c", subcore_axis_name="s"),
    scratch_types=[
        pltpu.VMEM((4, 128), jnp.int32),
        pltpu.VMEM((BPW, DIM), jnp.float32),
        pltpu.VMEM((NSUB, GSUB), jnp.int32),
        pltpu.VMEM((CROWS + 16, DIM), jnp.float32),
        pltpu.VMEM((CROWS,), jnp.float32),
        pltpu.VMEM((NSUB, GSUB), jnp.int32),
        pltpu.VMEM((CROWS + 16, DIM), jnp.float32),
        pltpu.VMEM((CROWS,), jnp.float32),
        pltpu.SemaphoreType.DMA,
        pltpu.SemaphoreType.DMA,
        pltpu.SemaphoreType.DMA,
        pltpu.SemaphoreType.DMA,
        pltpu.SemaphoreType.DMA,
        pltpu.SemaphoreType.DMA,
        pltpu.SemaphoreType.DMA,
    ],
    compiler_params=pltpu.CompilerParams(needs_layout_passes=False,
                                         use_tc_tiling_on_sc=False),
)(_sc_body)


def kernel(target, context, emb_weight, tgt_emb_weight):
    tgt2 = target.astype(jnp.int32).reshape(B // 128, 128)
    ctx2 = context.astype(jnp.int32).reshape(B * L // GSUB, GSUB)
    out = _sc_call(tgt2, ctx2, emb_weight, tgt_emb_weight)
    return out.reshape(B, L)

# --- scband reference (transcript-rebuilt; emitter-appended) ---
"""Pipeline reference for scband-skip-gram-87033217287002 (READ-ONLY COPY).

The authoritative reference and input builder live on the scoring server;
editing this copy changes nothing except your own understanding.
"""

import jax, jax.numpy as jnp
import numpy as np

VOCAB = 1000000
DIM = 64
PAD = 0
B = 16384
L = 50


def setup_inputs(seed: int = 0) -> dict:
    key = jax.random.key(seed)
    k1, k2, k3, k4 = jax.random.split(key, 4)
    # nn.Embedding weights initialized uniform(-0.5, 0.5); padding_idx row zeroed
    emb_weight = jax.random.uniform(k1, (VOCAB, DIM), minval=-0.5, maxval=0.5, dtype=jnp.float32)
    emb_weight = emb_weight.at[PAD].set(0.0)
    tgt_emb_weight = jax.random.uniform(k2, (VOCAB, DIM), minval=-0.5, maxval=0.5, dtype=jnp.float32)
    tgt_emb_weight = tgt_emb_weight.at[PAD].set(0.0)
    target = jax.random.randint(k3, (B,), 0, VOCAB, dtype=jnp.int64) if jax.config.read('jax_enable_x64') else jax.random.randint(k3, (B,), 0, VOCAB, dtype=jnp.int32)
    context = jax.random.randint(k4, (B, L), 0, VOCAB, dtype=jnp.int32)
    return {
        'target': target,
        'context': context,
        'emb_weight': emb_weight,
        'tgt_emb_weight': tgt_emb_weight,
    }


def reference(target, context, emb_weight, tgt_emb_weight):
    # emb_target = self.embeddings(target).unsqueeze(1) -> [B, 1, D]
    emb_target = jnp.take(emb_weight, target, axis=0)[:, None, :]
    # emb_context = self.target_embeddings(context) -> [B, L, D]
    emb_context = jnp.take(tgt_emb_weight, context, axis=0)
    # scores = bmm(emb_context, emb_target.transpose(1,2)).squeeze() -> [B, L]
    scores = jnp.matmul(emb_context, jnp.swapaxes(emb_target, 1, 2)).squeeze(-1)
    return scores

if __name__ == "__main__":
    import jax
    _d = setup_inputs()
    print(jax.jit(kernel)(*tuple(_d.values())))

</pallas_src>

<mosaic_0001>
#map = affine_map<(d0, d1) -> (0, 0)>
#map1 = affine_map<(d0, d1) -> (0)>
module attributes {stable_mosaic.version = 14 : i64} {
  func.func @_sc_body(%arg0: i32, %arg1: i32, %arg2: memref<128x128xi32, #tpu.memory_space<hbm>>, %arg3: memref<8192x100xi32, #tpu.memory_space<hbm>>, %arg4: memref<1000000x64xf32, #tpu.memory_space<hbm>>, %arg5: memref<1000000x64xf32, #tpu.memory_space<hbm>>, %arg6: memref<819200xf32, #tpu.memory_space<hbm>>, %arg7: memref<4x128xi32, #tpu.memory_space<vmem>>, %arg8: memref<512x64xf32, #tpu.memory_space<vmem>>, %arg9: memref<4x100xi32, #tpu.memory_space<vmem>>, %arg10: memref<416x64xf32, #tpu.memory_space<vmem>>, %arg11: memref<400xf32, #tpu.memory_space<vmem>>, %arg12: memref<4x100xi32, #tpu.memory_space<vmem>>, %arg13: memref<416x64xf32, #tpu.memory_space<vmem>>, %arg14: memref<400xf32, #tpu.memory_space<vmem>>, %arg15: memref<!tpu.dma_semaphore, #tpu.memory_space<semaphore_mem>>, %arg16: memref<!tpu.dma_semaphore, #tpu.memory_space<semaphore_mem>>, %arg17: memref<!tpu.dma_semaphore, #tpu.memory_space<semaphore_mem>>, %arg18: memref<!tpu.dma_semaphore, #tpu.memory_space<semaphore_mem>>, %arg19: memref<!tpu.dma_semaphore, #tpu.memory_space<semaphore_mem>>, %arg20: memref<!tpu.dma_semaphore, #tpu.memory_space<semaphore_mem>>, %arg21: memref<!tpu.dma_semaphore, #tpu.memory_space<semaphore_mem>>) attributes {dimension_semantics = [#tpu.dimension_semantics<core_parallel>, #tpu.dimension_semantics<subcore_parallel>], iteration_bounds = array<i64: 2, 16>, scalar_prefetch = 0 : i64, scratch_operands = 15 : i64, tpu.core_type = #tpu.core_type<sc_vector_subcore>, window_params = [{transform_indices = #map}, {transform_indices = #map}, {transform_indices = #map}, {transform_indices = #map}, {transform_indices = #map1}]} {
    %mul3A = arith.constant 2 : i32
    %mul3A_0 = arith.muli %arg1, %mul3A : i32
    %add3A = arith.addi %mul3A_0, %arg0 : i32
    %iota3A = tpu.iota {dimensions = array<i32: 0>} : vector<16xi32>
    %mul3A_1 = arith.constant 4 : i32
    %mul3A_2 = arith.muli %add3A, %mul3A_1 : i32
    "tpu.region"() ({
      %run_scoped3A = tpu.sem_alloc : memref<!tpu.dma_semaphore, #tpu.memory_space<semaphore_mem>>
      %dma_start3A_162 = arith.constant 0 : i32
      %dma_start3A_163 = tpu.memref_slice %arg2[%mul3A_2, %dma_start3A_162] : memref<128x128xi32, #tpu.memory_space<hbm>> -> memref<4x128xi32, #tpu.memory_space<hbm>>
      %dma_start3A_164 = arith.constant 0 : i32
      %dma_start3A_165 = tpu.memref_slice %arg2[%mul3A_2, %dma_start3A_164] : memref<128x128xi32, #tpu.memory_space<hbm>> -> memref<4x128xi32, #tpu.memory_space<hbm>>
      tpu.enqueue_dma source(%dma_start3A_165 : memref<4x128xi32, #tpu.memory_space<hbm>>) target(%arg7 : memref<4x128xi32, #tpu.memory_space<vmem>>) target_semaphore(%run_scoped3A : memref<!tpu.dma_semaphore, #tpu.memory_space<semaphore_mem>>)
      %dma_wait3A_166 = arith.constant 0 : i32
      %dma_wait3A_167 = tpu.memref_slice %arg2[%mul3A_2, %dma_wait3A_166] : memref<128x128xi32, #tpu.memory_space<hbm>> -> memref<4x128xi32, #tpu.memory_space<hbm>>
      %dma_wait3A_168 = arith.constant 0 : i32
      %dma_wait3A_169 = tpu.memref_slice %arg2[%mul3A_2, %dma_wait3A_168] : memref<128x128xi32, #tpu.memory_space<hbm>> -> memref<4x128xi32, #tpu.memory_space<hbm>>
      tpu.wait_dma2 semaphore(%run_scoped3A : memref<!tpu.dma_semaphore, #tpu.memory_space<semaphore_mem>>) src(%dma_wait3A_169 : memref<4x128xi32, #tpu.memory_space<hbm>>) dst(%arg7 : memref<4x128xi32, #tpu.memory_space<vmem>>)
      tpu.yield
    }) : () -> ()
    %dma_start3A = arith.constant 0 : i32
    %dma_start3A_3 = arith.constant 0 : i32
    %dma_start3A_4 = arith.constant 0 : i32
    %dma_start3A_5 = tpu.memref_slice %arg8[%dma_start3A_3, %dma_start3A_4] : memref<512x64xf32, #tpu.memory_space<vmem>> -> memref<128x64xf32, #tpu.memory_space<vmem>>
    %dma_start3A_6 = arith.constant 0 : i32
    %dma_start3A_7 = tpu.memref_slice %arg7[%dma_start3A, %dma_start3A_6] : memref<4x128xi32, #tpu.memory_space<vmem>> -> memref<1x128xi32, #tpu.memory_space<vmem>>
    %dma_start3A_8 = tpu.memref_squeeze %dma_start3A_7 : memref<1x128xi32, #tpu.memory_space<vmem>> -> memref<128xi32, #tpu.memory_space<vmem>>
    %dma_start3A_9 = arith.constant 0 : i32
    %dma_start3A_10 = arith.constant 0 : i32
    %dma_start3A_11 = tpu.memref_slice %arg4[%dma_start3A_9, %dma_start3A_10] : memref<1000000x64xf32, #tpu.memory_space<hbm>> -> memref<1000000x64xf32, #tpu.memory_space<hbm>>
    tpu.enqueue_indirect_dma source(%dma_start3A_11 : memref<1000000x64xf32, #tpu.memory_space<hbm>>) target(%dma_start3A_5 : memref<128x64xf32, #tpu.memory_space<vmem>>) offsets(%dma_start3A_8 : memref<128xi32, #tpu.memory_space<vmem>>) semaphore(%arg15 : memref<!tpu.dma_semaphore, #tpu.memory_space<semaphore_mem>>)
    %dma_start3A_12 = arith.constant 1 : i32
    %dma_start3A_13 = arith.constant 128 : i32
    %dma_start3A_14 = arith.constant 0 : i32
    %dma_start3A_15 = tpu.memref_slice %arg8[%dma_start3A_13, %dma_start3A_14] : memref<512x64xf32, #tpu.memory_space<vmem>> -> memref<128x64xf32, #tpu.memory_space<vmem>>
    %dma_start3A_16 = arith.constant 0 : i32
    %dma_start3A_17 = tpu.memref_slice %arg7[%dma_start3A_12, %dma_start3A_16] : memref<4x128xi32, #tpu.memory_space<vmem>> -> memref<1x128xi32, #tpu.memory_space<vmem>>
    %dma_start3A_18 = tpu.memref_squeeze %dma_start3A_17 : memref<1x128xi32, #tpu.memory_space<vmem>> -> memref<128xi32, #tpu.memory_space<vmem>>
    %dma_start3A_19 = arith.constant 0 : i32
    %dma_start3A_20 = arith.constant 0 : i32
    %dma_start3A_21 = tpu.memref_slice %arg4[%dma_start3A_19, %dma_start3A_20] : memref<1000000x64xf32, #tpu.memory_space<hbm>> -> memref<1000000x64xf32, #tpu.memory_space<hbm>>
    tpu.enqueue_indirect_dma source(%dma_start3A_21 : memref<1000000x64xf32, #tpu.memory_space<hbm>>) target(%dma_start3A_15 : memref<128x64xf32, #tpu.memory_space<vmem>>) offsets(%dma_start3A_18 : memref<128xi32, #tpu.memory_space<vmem>>) semaphore(%arg15 : memref<!tpu.dma_semaphore, #tpu.memory_space<semaphore_mem>>)
    %dma_start3A_22 = arith.constant 2 : i32
    %dma_start3A_23 = arith.constant 256 : i32
    %dma_start3A_24 = arith.constant 0 : i32
    %dma_start3A_25 = tpu.memref_slice %arg8[%dma_start3A_23, %dma_start3A_24] : memref<512x64xf32, #tpu.memory_space<vmem>> -> memref<128x64xf32, #tpu.memory_space<vmem>>
    %dma_start3A_26 = arith.constant 0 : i32
    %dma_start3A_27 = tpu.memref_slice %arg7[%dma_start3A_22, %dma_start3A_26] : memref<4x128xi32, #tpu.memory_space<vmem>> -> memref<1x128xi32, #tpu.memory_space<vmem>>
    %dma_start3A_28 = tpu.memref_squeeze %dma_start3A_27 : memref<1x128xi32, #tpu.memory_space<vmem>> -> memref<128xi32, #tpu.memory_space<vmem>>
    %dma_start3A_29 = arith.constant 0 : i32
    %dma_start3A_30 = arith.constant 0 : i32
    %dma_start3A_31 = tpu.memref_slice %arg4[%dma_start3A_29, %dma_start3A_30] : memref<1000000x64xf32, #tpu.memory_space<hbm>> -> memref<1000000x64xf32, #tpu.memory_space<hbm>>
    tpu.enqueue_indirect_dma source(%dma_start3A_31 : memref<1000000x64xf32, #tpu.memory_space<hbm>>) target(%dma_start3A_25 : memref<128x64xf32, #tpu.memory_space<vmem>>) offsets(%dma_start3A_28 : memref<128xi32, #tpu.memory_space<vmem>>) semaphore(%arg15 : memref<!tpu.dma_semaphore, #tpu.memory_space<semaphore_mem>>)
    %dma_start3A_32 = arith.constant 3 : i32
    %dma_start3A_33 = arith.constant 384 : i32
    %dma_start3A_34 = arith.constant 0 : i32
    %dma_start3A_35 = tpu.memref_slice %arg8[%dma_start3A_33, %dma_start3A_34] : memref<512x64xf32, #tpu.memory_space<vmem>> -> memref<128x64xf32, #tpu.memory_space<vmem>>
    %dma_start3A_36 = arith.constant 0 : i32
    %dma_start3A_37 = tpu.memref_slice %arg7[%dma_start3A_32, %dma_start3A_36] : memref<4x128xi32, #tpu.memory_space<vmem>> -> memref<1x128xi32, #tpu.memory_space<vmem>>
    %dma_start3A_38 = tpu.memref_squeeze %dma_start3A_37 : memref<1x128xi32, #tpu.memory_space<vmem>> -> memref<128xi32, #tpu.memory_space<vmem>>
    %dma_start3A_39 = arith.constant 0 : i32
    %dma_start3A_40 = arith.constant 0 : i32
    %dma_start3A_41 = tpu.memref_slice %arg4[%dma_start3A_39, %dma_start3A_40] : memref<1000000x64xf32, #tpu.memory_space<hbm>> -> memref<1000000x64xf32, #tpu.memory_space<hbm>>
    tpu.enqueue_indirect_dma source(%dma_start3A_41 : memref<1000000x64xf32, #tpu.memory_space<hbm>>) target(%dma_start3A_35 : memref<128x64xf32, #tpu.memory_space<vmem>>) offsets(%dma_start3A_38 : memref<128xi32, #tpu.memory_space<vmem>>) semaphore(%arg15 : memref<!tpu.dma_semaphore, #tpu.memory_space<semaphore_mem>>)
    %mul3A_42 = arith.constant 256 : i32
    %mul3A_43 = arith.muli %add3A, %mul3A_42 : i32
    %add3A_44 = arith.constant 0 : i32
    %add3A_45 = arith.addi %mul3A_43, %add3A_44 : i32
    %dma_start3A_46 = arith.constant 0 : i32
    %dma_start3A_47 = tpu.memref_slice %arg3[%add3A_45, %dma_start3A_46] : memref<8192x100xi32, #tpu.memory_space<hbm>> -> memref<4x100xi32, #tpu.memory_space<hbm>>
    %dma_start3A_48 = arith.constant 0 : i32
    %dma_start3A_49 = tpu.memref_slice %arg3[%add3A_45, %dma_start3A_48] : memref<8192x100xi32, #tpu.memory_space<hbm>> -> memref<4x100xi32, #tpu.memory_space<hbm>>
    tpu.enqueue_dma source(%dma_start3A_49 : memref<4x100xi32, #tpu.memory_space<hbm>>) target(%arg9 : memref<4x100xi32, #tpu.memory_space<vmem>>) target_semaphore(%arg18 : memref<!tpu.dma_semaphore, #tpu.memory_space<semaphore_mem>>)
    %mul3A_50 = arith.constant 256 : i32
    %mul3A_51 = arith.muli %add3A, %mul3A_50 : i32
    %add3A_52 = arith.constant 4 : i32
    %add3A_53 = arith.addi %mul3A_51, %add3A_52 : i32
    %dma_start3A_54 = arith.constant 0 : i32
    %dma_start3A_55 = tpu.memref_slice %arg3[%add3A_53, %dma_start3A_54] : memref<8192x100xi32, #tpu.memory_space<hbm>> -> memref<4x100xi32, #tpu.memory_space<hbm>>
    %dma_start3A_56 = arith.constant 0 : i32
    %dma_start3A_57 = tpu.memref_slice %arg3[%add3A_53, %dma_start3A_56] : memref<8192x100xi32, #tpu.memory_space<hbm>> -> memref<4x100xi32, #tpu.memory_space<hbm>>
    tpu.enqueue_dma source(%dma_start3A_57 : memref<4x100xi32, #tpu.memory_space<hbm>>) target(%arg12 : memref<4x100xi32, #tpu.memory_space<vmem>>) target_semaphore(%arg19 : memref<!tpu.dma_semaphore, #tpu.memory_space<semaphore_mem>>)
    %mul3A_58 = arith.constant 256 : i32
    %mul3A_59 = arith.muli %add3A, %mul3A_58 : i32
    %add3A_60 = arith.constant 0 : i32
    %add3A_61 = arith.addi %mul3A_59, %add3A_60 : i32
    %dma_wait3A = arith.constant 0 : i32
    %dma_wait3A_62 = tpu.memref_slice %arg3[%add3A_61, %dma_wait3A] : memref<8192x100xi32, #tpu.memory_space<hbm>> -> memref<4x100xi32, #tpu.memory_space<hbm>>
    %dma_wait3A_63 = arith.constant 0 : i32
    %dma_wait3A_64 = tpu.memref_slice %arg3[%add3A_61, %dma_wait3A_63] : memref<8192x100xi32, #tpu.memory_space<hbm>> -> memref<4x100xi32, #tpu.memory_space<hbm>>
    tpu.wait_dma2 semaphore(%arg18 : memref<!tpu.dma_semaphore, #tpu.memory_space<semaphore_mem>>) src(%dma_wait3A_64 : memref<4x100xi32, #tpu.memory_space<hbm>>) dst(%arg9 : memref<4x100xi32, #tpu.memory_space<vmem>>)
    %dma_start3A_65 = arith.constant 0 : i32
    %dma_start3A_66 = arith.constant 0 : i32
    %dma_start3A_67 = arith.constant 0 : i32
    %dma_start3A_68 = tpu.memref_slice %arg10[%dma_start3A_66, %dma_start3A_67] : memref<416x64xf32, #tpu.memory_space<vmem>> -> memref<100x64xf32, #tpu.memory_space<vmem>>
    %dma_start3A_69 = arith.constant 0 : i32
    %dma_start3A_70 = tpu.memref_slice %arg9[%dma_start3A_65, %dma_start3A_69] : memref<4x100xi32, #tpu.memory_space<vmem>> -> memref<1x100xi32, #tpu.memory_space<vmem>>
    %dma_start3A_71 = tpu.memref_squeeze %dma_start3A_70 : memref<1x100xi32, #tpu.memory_space<vmem>> -> memref<100xi32, #tpu.memory_space<vmem>>
    %dma_start3A_72 = arith.constant 0 : i32
    %dma_start3A_73 = arith.constant 0 : i32
    %dma_start3A_74 = tpu.memref_slice %arg5[%dma_start3A_72, %dma_start3A_73] : memref<1000000x64xf32, #tpu.memory_space<hbm>> -> memref<1000000x64xf32, #tpu.memory_space<hbm>>
    tpu.enqueue_indirect_dma source(%dma_start3A_74 : memref<1000000x64xf32, #tpu.memory_space<hbm>>) target(%dma_start3A_68 : memref<100x64xf32, #tpu.memory_space<vmem>>) offsets(%dma_start3A_71 : memref<100xi32, #tpu.memory_space<vmem>>) semaphore(%arg16 : memref<!tpu.dma_semaphore, #tpu.memory_space<semaphore_mem>>)
    %dma_start3A_75 = arith.constant 1 : i32
    %dma_start3A_76 = arith.constant 100 : i32
    %dma_start3A_77 = arith.constant 0 : i32
    %dma_start3A_78 = tpu.memref_slice %arg10[%dma_start3A_76, %dma_start3A_77] : memref<416x64xf32, #tpu.memory_space<vmem>> -> memref<100x64xf32, #tpu.memory_space<vmem>>
    %dma_start3A_79 = arith.constant 0 : i32
    %dma_start3A_80 = tpu.memref_slice %arg9[%dma_start3A_75, %dma_start3A_79] : memref<4x100xi32, #tpu.memory_space<vmem>> -> memref<1x100xi32, #tpu.memory_space<vmem>>
    %dma_start3A_81 = tpu.memref_squeeze %dma_start3A_80 : memref<1x100xi32, #tpu.memory_space<vmem>> -> memref<100xi32, #tpu.memory_space<vmem>>
    %dma_start3A_82 = arith.constant 0 : i32
    %dma_start3A_83 = arith.constant 0 : i32
    %dma_start3A_84 = tpu.memref_slice %arg5[%dma_start3A_82, %dma_start3A_83] : memref<1000000x64xf32, #tpu.memory_space<hbm>> -> memref<1000000x64xf32, #tpu.memory_space<hbm>>
    tpu.enqueue_indirect_dma source(%dma_start3A_84 : memref<1000000x64xf32, #tpu.memory_space<hbm>>) target(%dma_start3A_78 : memref<100x64xf32, #tpu.memory_space<vmem>>) offsets(%dma_start3A_81 : memref<100xi32, #tpu.memory_space<vmem>>) semaphore(%arg16 : memref<!tpu.dma_semaphore, #tpu.memory_space<semaphore_mem>>)
    %dma_start3A_85 = arith.constant 2 : i32
    %dma_start3A_86 = arith.constant 200 : i32
    %dma_start3A_87 = arith.constant 0 : i32
    %dma_start3A_88 = tpu.memref_slice %arg10[%dma_start3A_86, %dma_start3A_87] : memref<416x64xf32, #tpu.memory_space<vmem>> -> memref<100x64xf32, #tpu.memory_space<vmem>>
    %dma_start3A_89 = arith.constant 0 : i32
    %dma_start3A_90 = tpu.memref_slice %arg9[%dma_start3A_85, %dma_start3A_89] : memref<4x100xi32, #tpu.memory_space<vmem>> -> memref<1x100xi32, #tpu.memory_space<vmem>>
    %dma_start3A_91 = tpu.memref_squeeze %dma_start3A_90 : memref<1x100xi32, #tpu.memory_space<vmem>> -> memref<100xi32, #tpu.memory_space<vmem>>
    %dma_start3A_92 = arith.constant 0 : i32
    %dma_start3A_93 = arith.constant 0 : i32
    %dma_start3A_94 = tpu.memref_slice %arg5[%dma_start3A_92, %dma_start3A_93] : memref<1000000x64xf32, #tpu.memory_space<hbm>> -> memref<1000000x64xf32, #tpu.memory_space<hbm>>
    tpu.enqueue_indirect_dma source(%dma_start3A_94 : memref<1000000x64xf32, #tpu.memory_space<hbm>>) target(%dma_start3A_88 : memref<100x64xf32, #tpu.memory_space<vmem>>) offsets(%dma_start3A_91 : memref<100xi32, #tpu.memory_space<vmem>>) semaphore(%arg16 : memref<!tpu.dma_semaphore, #tpu.memory_space<semaphore_mem>>)
    %dma_start3A_95 = arith.constant 3 : i32
    %dma_start3A_96 = arith.constant 300 : i32
    %dma_start3A_97 = arith.constant 0 : i32
    %dma_start3A_98 = tpu.memref_slice %arg10[%dma_start3A_96, %dma_start3A_97] : memref<416x64xf32, #tpu.memory_space<vmem>> -> memref<100x64xf32, #tpu.memory_space<vmem>>
    %dma_start3A_99 = arith.constant 0 : i32
    %dma_start3A_100 = tpu.memref_slice %arg9[%dma_start3A_95, %dma_start3A_99] : memref<4x100xi32, #tpu.memory_space<vmem>> -> memref<1x100xi32, #tpu.memory_space<vmem>>
    %dma_start3A_101 = tpu.memref_squeeze %dma_start3A_100 : memref<1x100xi32, #tpu.memory_space<vmem>> -> memref<100xi32, #tpu.memory_space<vmem>>
    %dma_start3A_102 = arith.constant 0 : i32
    %dma_start3A_103 = arith.constant 0 : i32
    %dma_start3A_104 = tpu.memref_slice %arg5[%dma_start3A_102, %dma_start3A_103] : memref<1000000x64xf32, #tpu.memory_space<hbm>> -> memref<1000000x64xf32, #tpu.memory_space<hbm>>
    tpu.enqueue_indirect_dma source(%dma_start3A_104 : memref<1000000x64xf32, #tpu.memory_space<hbm>>) target(%dma_start3A_98 : memref<100x64xf32, #tpu.memory_space<vmem>>) offsets(%dma_start3A_101 : memref<100xi32, #tpu.memory_space<vmem>>) semaphore(%arg16 : memref<!tpu.dma_semaphore, #tpu.memory_space<semaphore_mem>>)
    %dma_wait3A_105 = arith.constant 0 : i32
    %dma_wait3A_106 = arith.constant 0 : i32
    %dma_wait3A_107 = arith.constant 0 : i32
    %dma_wait3A_108 = tpu.memref_slice %arg8[%dma_wait3A_106, %dma_wait3A_107] : memref<512x64xf32, #tpu.memory_space<vmem>> -> memref<128x64xf32, #tpu.memory_space<vmem>>
    %dma_wait3A_109 = arith.constant 0 : i32
    %dma_wait3A_110 = tpu.memref_slice %arg7[%dma_wait3A_105, %dma_wait3A_109] : memref<4x128xi32, #tpu.memory_space<vmem>> -> memref<1x128xi32, #tpu.memory_space<vmem>>
    %dma_wait3A_111 = tpu.memref_squeeze %dma_wait3A_110 : memref<1x128xi32, #tpu.memory_space<vmem>> -> memref<128xi32, #tpu.memory_space<vmem>>
    %dma_wait3A_112 = arith.constant 0 : i32
    %dma_wait3A_113 = arith.constant 0 : i32
    %dma_wait3A_114 = tpu.memref_slice %arg4[%dma_wait3A_112, %dma_wait3A_113] : memref<1000000x64xf32, #tpu.memory_space<hbm>> -> memref<1000000x64xf32, #tpu.memory_space<hbm>>
    tpu.wait_indirect_dma semaphore(%arg15 : memref<!tpu.dma_semaphore, #tpu.memory_space<semaphore_mem>>) src(%dma_wait3A_114 : memref<1000000x64xf32, #tpu.memory_space<hbm>>) dst(%dma_wait3A_108 : memref<128x64xf32, #tpu.memory_space<vmem>>)
    %dma_wait3A_115 = arith.constant 1 : i32
    %dma_wait3A_116 = arith.constant 128 : i32
    %dma_wait3A_117 = arith.constant 0 : i32
    %dma_wait3A_118 = tpu.memref_slice %arg8[%dma_wait3A_116, %dma_wait3A_117] : memref<512x64xf32, #tpu.memory_space<vmem>> -> memref<128x64xf32, #tpu.memory_space<vmem>>
    %dma_wait3A_119 = arith.constant 0 : i32
    %dma_wait3A_120 = tpu.memref_slice %arg7[%dma_wait3A_115, %dma_wait3A_119] : memref<4x128xi32, #tpu.memory_space<vmem>> -> memref<1x128xi32, #tpu.memory_space<vmem>>
    %dma_wait3A_121 = tpu.memref_squeeze %dma_wait3A_120 : memref<1x128xi32, #tpu.memory_space<vmem>> -> memref<128xi32, #tpu.memory_space<vmem>>
    %dma_wait3A_122 = arith.constant 0 : i32
    %dma_wait3A_123 = arith.constant 0 : i32
    %dma_wait3A_124 = tpu.memref_slice %arg4[%dma_wait3A_122, %dma_wait3A_123] : memref<1000000x64xf32, #tpu.memory_space<hbm>> -> memref<1000000x64xf32, #tpu.memory_space<hbm>>
    tpu.wait_indirect_dma semaphore(%arg15 : memref<!tpu.dma_semaphore, #tpu.memory_space<semaphore_mem>>) src(%dma_wait3A_124 : memref<1000000x64xf32, #tpu.memory_space<hbm>>) dst(%dma_wait3A_118 : memref<128x64xf32, #tpu.memory_space<vmem>>)
    %dma_wait3A_125 = arith.constant 2 : i32
    %dma_wait3A_126 = arith.constant 256 : i32
    %dma_wait3A_127 = arith.constant 0 : i32
    %dma_wait3A_128 = tpu.memref_slice %arg8[%dma_wait3A_126, %dma_wait3A_127] : memref<512x64xf32, #tpu.memory_space<vmem>> -> memref<128x64xf32, #tpu.memory_space<vmem>>
    %dma_wait3A_129 = arith.constant 0 : i32
    %dma_wait3A_130 = tpu.memref_slice %arg7[%dma_wait3A_125, %dma_wait3A_129] : memref<4x128xi32, #tpu.memory_space<vmem>> -> memref<1x128xi32, #tpu.memory_space<vmem>>
    %dma_wait3A_131 = tpu.memref_squeeze %dma_wait3A_130 : memref<1x128xi32, #tpu.memory_space<vmem>> -> memref<128xi32, #tpu.memory_space<vmem>>
    %dma_wait3A_132 = arith.constant 0 : i32
    %dma_wait3A_133 = arith.constant 0 : i32
    %dma_wait3A_134 = tpu.memref_slice %arg4[%dma_wait3A_132, %dma_wait3A_133] : memref<1000000x64xf32, #tpu.memory_space<hbm>> -> memref<1000000x64xf32, #tpu.memory_space<hbm>>
    tpu.wait_indirect_dma semaphore(%arg15 : memref<!tpu.dma_semaphore, #tpu.memory_space<semaphore_mem>>) src(%dma_wait3A_134 : memref<1000000x64xf32, #tpu.memory_space<hbm>>) dst(%dma_wait3A_128 : memref<128x64xf32, #tpu.memory_space<vmem>>)
    %dma_wait3A_135 = arith.constant 3 : i32
    %dma_wait3A_136 = arith.constant 384 : i32
    %dma_wait3A_137 = arith.constant 0 : i32
    %dma_wait3A_138 = tpu.memref_slice %arg8[%dma_wait3A_136, %dma_wait3A_137] : memref<512x64xf32, #tpu.memory_space<vmem>> -> memref<128x64xf32, #tpu.memory_space<vmem>>
    %dma_wait3A_139 = arith.constant 0 : i32
    %dma_wait3A_140 = tpu.memref_slice %arg7[%dma_wait3A_135, %dma_wait3A_139] : memref<4x128xi32, #tpu.memory_space<vmem>> -> memref<1x128xi32, #tpu.memory_space<vmem>>
    %dma_wait3A_141 = tpu.memref_squeeze %dma_wait3A_140 : memref<1x128xi32, #tpu.memory_space<vmem>> -> memref<128xi32, #tpu.memory_space<vmem>>
    %dma_wait3A_142 = arith.constant 0 : i32
    %dma_wait3A_143 = arith.constant 0 : i32
    %dma_wait3A_144 = tpu.memref_slice %arg4[%dma_wait3A_142, %dma_wait3A_143] : memref<1000000x64xf32, #tpu.memory_space<hbm>> -> memref<1000000x64xf32, #tpu.memory_space<hbm>>
    tpu.wait_indirect_dma semaphore(%arg15 : memref<!tpu.dma_semaphore, #tpu.memory_space<semaphore_mem>>) src(%dma_wait3A_144 : memref<1000000x64xf32, #tpu.memory_space<hbm>>) dst(%dma_wait3A_138 : memref<128x64xf32, #tpu.memory_space<vmem>>)
    %scan3A = arith.constant 0 : i32
    %scan3A_145 = arith.constant 0 : i32
    %scan3A_146 = arith.constant 32 : i32
    %scan3A_147 = arith.addi %scan3A_145, %scan3A_146 : i32
    %scan3A_148 = arith.constant 1 : i32
    scf.for %scan3A_162 = %scan3A_145 to %scan3A_147 step %scan3A_148  : i32 {
      %mul3A_163 = arith.constant 2 : i32
      %mul3A_164 = arith.muli %mul3A_163, %scan3A_162 : i32
      %add3A_165 = arith.constant 1 : i32
      %add3A_166 = arith.addi %mul3A_164, %add3A_165 : i32
      %lt3A = arith.constant 64 : i32
      %lt3A_167 = arith.cmpi slt, %add3A_166, %lt3A : i32
      %convert_element_type3A = arith.extui %lt3A_167 : i1 to i32
      %cond3A = arith.constant 0 : i32
      %cond3A_168 = arith.cmpi ne, %convert_element_type3A, %cond3A : i32
      scf.if %cond3A_168 {
        %add3A_309 = arith.constant 1 : i32
        %add3A_310 = arith.addi %mul3A_164, %add3A_309 : i32
        %mul3A_311 = arith.constant 256 : i32
        %mul3A_312 = arith.muli %add3A, %mul3A_311 : i32
        %mul3A_313 = arith.constant 4 : i32
        %mul3A_314 = arith.muli %add3A_310, %mul3A_313 : i32
        %add3A_315 = arith.addi %mul3A_312, %mul3A_314 : i32
        %dma_wait3A_316 = arith.constant 0 : i32
        %dma_wait3A_317 = tpu.memref_slice %arg3[%add3A_315, %dma_wait3A_316] : memref<8192x100xi32, #tpu.memory_space<hbm>> -> memref<4x100xi32, #tpu.memory_space<hbm>>
        %dma_wait3A_318 = arith.constant 0 : i32
        %dma_wait3A_319 = tpu.memref_slice %arg3[%add3A_315, %dma_wait3A_318] : memref<8192x100xi32, #tpu.memory_space<hbm>> -> memref<4x100xi32, #tpu.memory_space<hbm>>
        tpu.wait_dma2 semaphore(%arg19 : memref<!tpu.dma_semaphore, #tpu.memory_space<semaphore_mem>>) src(%dma_wait3A_319 : memref<4x100xi32, #tpu.memory_space<hbm>>) dst(%arg12 : memref<4x100xi32, #tpu.memory_space<vmem>>)
        %dma_start3A_320 = arith.constant 0 : i32
        %dma_start3A_321 = arith.constant 0 : i32
        %dma_start3A_322 = arith.constant 0 : i32
        %dma_start3A_323 = tpu.memref_slice %arg13[%dma_start3A_321, %dma_start3A_322] : memref<416x64xf32, #tpu.memory_space<vmem>> -> memref<100x64xf32, #tpu.memory_space<vmem>>
        %dma_start3A_324 = arith.constant 0 : i32
        %dma_start3A_325 = tpu.memref_slice %arg12[%dma_start3A_320, %dma_start3A_324] : memref<4x100xi32, #tpu.memory_space<vmem>> -> memref<1x100xi32, #tpu.memory_space<vmem>>
        %dma_start3A_326 = tpu.memref_squeeze %dma_start3A_325 : memref<1x100xi32, #tpu.memory_space<vmem>> -> memref<100xi32, #tpu.memory_space<vmem>>
        %dma_start3A_327 = arith.constant 0 : i32
        %dma_start3A_328 = arith.constant 0 : i32
        %dma_start3A_329 = tpu.memref_slice %arg5[%dma_start3A_327, %dma_start3A_328] : memref<1000000x64xf32, #tpu.memory_space<hbm>> -> memref<1000000x64xf32, #tpu.memory_space<hbm>>
        tpu.enqueue_indirect_dma source(%dma_start3A_329 : memref<1000000x64xf32, #tpu.memory_space<hbm>>) target(%dma_start3A_323 : memref<100x64xf32, #tpu.memory_space<vmem>>) offsets(%dma_start3A_326 : memref<100xi32, #tpu.memory_space<vmem>>) semaphore(%arg17 : memref<!tpu.dma_semaphore, #tpu.memory_space<semaphore_mem>>)
        %dma_start3A_330 = arith.constant 1 : i32
        %dma_start3A_331 = arith.constant 100 : i32
        %dma_start3A_332 = arith.constant 0 : i32
        %dma_start3A_333 = tpu.memref_slice %arg13[%dma_start3A_331, %dma_start3A_332] : memref<416x64xf32, #tpu.memory_space<vmem>> -> memref<100x64xf32, #tpu.memory_space<vmem>>
        %dma_start3A_334 = arith.constant 0 : i32
        %dma_start3A_335 = tpu.memref_slice %arg12[%dma_start3A_330, %dma_start3A_334] : memref<4x100xi32, #tpu.memory_space<vmem>> -> memref<1x100xi32, #tpu.memory_space<vmem>>
        %dma_start3A_336 = tpu.memref_squeeze %dma_start3A_335 : memref<1x100xi32, #tpu.memory_space<vmem>> -> memref<100xi32, #tpu.memory_space<vmem>>
        %dma_start3A_337 = arith.constant 0 : i32
        %dma_start3A_338 = arith.constant 0 : i32
        %dma_start3A_339 = tpu.memref_slice %arg5[%dma_start3A_337, %dma_start3A_338] : memref<1000000x64xf32, #tpu.memory_space<hbm>> -> memref<1000000x64xf32, #tpu.memory_space<hbm>>
        tpu.enqueue_indirect_dma source(%dma_start3A_339 : memref<1000000x64xf32, #tpu.memory_space<hbm>>) target(%dma_start3A_333 : memref<100x64xf32, #tpu.memory_space<vmem>>) offsets(%dma_start3A_336 : memref<100xi32, #tpu.memory_space<vmem>>) semaphore(%arg17 : memref<!tpu.dma_semaphore, #tpu.memory_space<semaphore_mem>>)
        %dma_start3A_340 = arith.constant 2 : i32
        %dma_start3A_341 = arith.constant 200 : i32
        %dma_start3A_342 = arith.constant 0 : i32
        %dma_start3A_343 = tpu.memref_slice %arg13[%dma_start3A_341, %dma_start3A_342] : memref<416x64xf32, #tpu.memory_space<vmem>> -> memref<100x64xf32, #tpu.memory_space<vmem>>
        %dma_start3A_344 = arith.constant 0 : i32
        %dma_start3A_345 = tpu.memref_slice %arg12[%dma_start3A_340, %dma_start3A_344] : memref<4x100xi32, #tpu.memory_space<vmem>> -> memref<1x100xi32, #tpu.memory_space<vmem>>
        %dma_start3A_346 = tpu.memref_squeeze %dma_start3A_345 : memref<1x100xi32, #tpu.memory_space<vmem>> -> memref<100xi32, #tpu.memory_space<vmem>>
        %dma_start3A_347 = arith.constant 0 : i32
        %dma_start3A_348 = arith.constant 0 : i32
        %dma_start3A_349 = tpu.memref_slice %arg5[%dma_start3A_347, %dma_start3A_348] : memref<1000000x64xf32, #tpu.memory_space<hbm>> -> memref<1000000x64xf32, #tpu.memory_space<hbm>>
        tpu.enqueue_indirect_dma source(%dma_start3A_349 : memref<1000000x64xf32, #tpu.memory_space<hbm>>) target(%dma_start3A_343 : memref<100x64xf32, #tpu.memory_space<vmem>>) offsets(%dma_start3A_346 : memref<100xi32, #tpu.memory_space<vmem>>) semaphore(%arg17 : memref<!tpu.dma_semaphore, #tpu.memory_space<semaphore_mem>>)
        %dma_start3A_350 = arith.constant 3 : i32
        %dma_start3A_351 = arith.constant 300 : i32
        %dma_start3A_352 = arith.constant 0 : i32
        %dma_start3A_353 = tpu.memref_slice %arg13[%dma_start3A_351, %dma_start3A_352] : memref<416x64xf32, #tpu.memory_space<vmem>> -> memref<100x64xf32, #tpu.memory_space<vmem>>
        %dma_start3A_354 = arith.constant 0 : i32
        %dma_start3A_355 = tpu.memref_slice %arg12[%dma_start3A_350, %dma_start3A_354] : memref<4x100xi32, #tpu.memory_space<vmem>> -> memref<1x100xi32, #tpu.memory_space<vmem>>
        %dma_start3A_356 = tpu.memref_squeeze %dma_start3A_355 : memref<1x100xi32, #tpu.memory_space<vmem>> -> memref<100xi32, #tpu.memory_space<vmem>>
        %dma_start3A_357 = arith.constant 0 : i32
        %dma_start3A_358 = arith.constant 0 : i32
        %dma_start3A_359 = tpu.memref_slice %arg5[%dma_start3A_357, %dma_start3A_358] : memref<1000000x64xf32, #tpu.memory_space<hbm>> -> memref<1000000x64xf32, #tpu.memory_space<hbm>>
        tpu.enqueue_indirect_dma source(%dma_start3A_359 : memref<1000000x64xf32, #tpu.memory_space<hbm>>) target(%dma_start3A_353 : memref<100x64xf32, #tpu.memory_space<vmem>>) offsets(%dma_start3A_356 : memref<100xi32, #tpu.memory_space<vmem>>) semaphore(%arg17 : memref<!tpu.dma_semaphore, #tpu.memory_space<semaphore_mem>>)
      } else {
      }
      %dma_wait3A_169 = arith.constant 0 : i32
      %dma_wait3A_170 = arith.constant 0 : i32
      %dma_wait3A_171 = arith.constant 0 : i32
      %dma_wait3A_172 = tpu.memref_slice %arg10[%dma_wait3A_170, %dma_wait3A_171] : memref<416x64xf32, #tpu.memory_space<vmem>> -> memref<100x64xf32, #tpu.memory_space<vmem>>
      %dma_wait3A_173 = arith.constant 0 : i32
      %dma_wait3A_174 = tpu.memref_slice %arg9[%dma_wait3A_169, %dma_wait3A_173] : memref<4x100xi32, #tpu.memory_space<vmem>> -> memref<1x100xi32, #tpu.memory_space<vmem>>
      %dma_wait3A_175 = tpu.memref_squeeze %dma_wait3A_174 : memref<1x100xi32, #tpu.memory_space<vmem>> -> memref<100xi32, #tpu.memory_space<vmem>>
      %dma_wait3A_176 = arith.constant 0 : i32
      %dma_wait3A_177 = arith.constant 0 : i32
      %dma_wait3A_178 = tpu.memref_slice %arg5[%dma_wait3A_176, %dma_wait3A_177] : memref<1000000x64xf32, #tpu.memory_space<hbm>> -> memref<1000000x64xf32, #tpu.memory_space<hbm>>
      tpu.wait_indirect_dma semaphore(%arg16 : memref<!tpu.dma_semaphore, #tpu.memory_space<semaphore_mem>>) src(%dma_wait3A_178 : memref<1000000x64xf32, #tpu.memory_space<hbm>>) dst(%dma_wait3A_172 : memref<100x64xf32, #tpu.memory_space<vmem>>)
      %dma_wait3A_179 = arith.constant 1 : i32
      %dma_wait3A_180 = arith.constant 100 : i32
      %dma_wait3A_181 = arith.constant 0 : i32
      %dma_wait3A_182 = tpu.memref_slice %arg10[%dma_wait3A_180, %dma_wait3A_181] : memref<416x64xf32, #tpu.memory_space<vmem>> -> memref<100x64xf32, #tpu.memory_space<vmem>>
      %dma_wait3A_183 = arith.constant 0 : i32
      %dma_wait3A_184 = tpu.memref_slice %arg9[%dma_wait3A_179, %dma_wait3A_183] : memref<4x100xi32, #tpu.memory_space<vmem>> -> memref<1x100xi32, #tpu.memory_space<vmem>>
      %dma_wait3A_185 = tpu.memref_squeeze %dma_wait3A_184 : memref<1x100xi32, #tpu.memory_space<vmem>> -> memref<100xi32, #tpu.memory_space<vmem>>
      %dma_wait3A_186 = arith.constant 0 : i32
      %dma_wait3A_187 = arith.constant 0 : i32
      %dma_wait3A_188 = tpu.memref_slice %arg5[%dma_wait3A_186, %dma_wait3A_187] : memref<1000000x64xf32, #tpu.memory_space<hbm>> -> memref<1000000x64xf32, #tpu.memory_space<hbm>>
      tpu.wait_indirect_dma semaphore(%arg16 : memref<!tpu.dma_semaphore, #tpu.memory_space<semaphore_mem>>) src(%dma_wait3A_188 : memref<1000000x64xf32, #tpu.memory_space<hbm>>) dst(%dma_wait3A_182 : memref<100x64xf32, #tpu.memory_space<vmem>>)
      %dma_wait3A_189 = arith.constant 2 : i32
      %dma_wait3A_190 = arith.constant 200 : i32
      %dma_wait3A_191 = arith.constant 0 : i32
      %dma_wait3A_192 = tpu.memref_slice %arg10[%dma_wait3A_190, %dma_wait3A_191] : memref<416x64xf32, #tpu.memory_space<vmem>> -> memref<100x64xf32, #tpu.memory_space<vmem>>
      %dma_wait3A_193 = arith.constant 0 : i32
      %dma_wait3A_194 = tpu.memref_slice %arg9[%dma_wait3A_189, %dma_wait3A_193] : memref<4x100xi32, #tpu.memory_space<vmem>> -> memref<1x100xi32, #tpu.memory_space<vmem>>
      %dma_wait3A_195 = tpu.memref_squeeze %dma_wait3A_194 : memref<1x100xi32, #tpu.memory_space<vmem>> -> memref<100xi32, #tpu.memory_space<vmem>>
      %dma_wait3A_196 = arith.constant 0 : i32
      %dma_wait3A_197 = arith.constant 0 : i32
      %dma_wait3A_198 = tpu.memref_slice %arg5[%dma_wait3A_196, %dma_wait3A_197] : memref<1000000x64xf32, #tpu.memory_space<hbm>> -> memref<1000000x64xf32, #tpu.memory_space<hbm>>
      tpu.wait_indirect_dma semaphore(%arg16 : memref<!tpu.dma_semaphore, #tpu.memory_space<semaphore_mem>>) src(%dma_wait3A_198 : memref<1000000x64xf32, #tpu.memory_space<hbm>>) dst(%dma_wait3A_192 : memref<100x64xf32, #tpu.memory_space<vmem>>)
      %dma_wait3A_199 = arith.constant 3 : i32
      %dma_wait3A_200 = arith.constant 300 : i32
      %dma_wait3A_201 = arith.constant 0 : i32
      %dma_wait3A_202 = tpu.memref_slice %arg10[%dma_wait3A_200, %dma_wait3A_201] : memref<416x64xf32, #tpu.memory_space<vmem>> -> memref<100x64xf32, #tpu.memory_space<vmem>>
      %dma_wait3A_203 = arith.constant 0 : i32
      %dma_wait3A_204 = tpu.memref_slice %arg9[%dma_wait3A_199, %dma_wait3A_203] : memref<4x100xi32, #tpu.memory_space<vmem>> -> memref<1x100xi32, #tpu.memory_space<vmem>>
      %dma_wait3A_205 = tpu.memref_squeeze %dma_wait3A_204 : memref<1x100xi32, #tpu.memory_space<vmem>> -> memref<100xi32, #tpu.memory_space<vmem>>
      %dma_wait3A_206 = arith.constant 0 : i32
      %dma_wait3A_207 = arith.constant 0 : i32
      %dma_wait3A_208 = tpu.memref_slice %arg5[%dma_wait3A_206, %dma_wait3A_207] : memref<1000000x64xf32, #tpu.memory_space<hbm>> -> memref<1000000x64xf32, #tpu.memory_space<hbm>>
      tpu.wait_indirect_dma semaphore(%arg16 : memref<!tpu.dma_semaphore, #tpu.memory_space<semaphore_mem>>) src(%dma_wait3A_208 : memref<1000000x64xf32, #tpu.memory_space<hbm>>) dst(%dma_wait3A_202 : memref<100x64xf32, #tpu.memory_space<vmem>>)
      %add3A_209 = arith.constant 2 : i32
      %add3A_210 = arith.addi %mul3A_164, %add3A_209 : i32
      %lt3A_211 = arith.constant 64 : i32
      %lt3A_212 = arith.cmpi slt, %add3A_210, %lt3A_211 : i32
      %convert_element_type3A_213 = arith.extui %lt3A_212 : i1 to i32
      %cond3A_214 = arith.constant 0 : i32
      %cond3A_215 = arith.cmpi ne, %convert_element_type3A_213, %cond3A_214 : i32
      scf.if %cond3A_215 {
        %add3A_309 = arith.constant 2 : i32
        %add3A_310 = arith.addi %mul3A_164, %add3A_309 : i32
        %mul3A_311 = arith.constant 256 : i32
        %mul3A_312 = arith.muli %add3A, %mul3A_311 : i32
        %mul3A_313 = arith.constant 4 : i32
        %mul3A_314 = arith.muli %add3A_310, %mul3A_313 : i32
        %add3A_315 = arith.addi %mul3A_312, %mul3A_314 : i32
        %dma_start3A_316 = arith.constant 0 : i32
        %dma_start3A_317 = tpu.memref_slice %arg3[%add3A_315, %dma_start3A_316] : memref<8192x100xi32, #tpu.memory_space<hbm>> -> memref<4x100xi32, #tpu.memory_space<hbm>>
        %dma_start3A_318 = arith.constant 0 : i32
        %dma_start3A_319 = tpu.memref_slice %arg3[%add3A_315, %dma_start3A_318] : memref<8192x100xi32, #tpu.memory_space<hbm>> -> memref<4x100xi32, #tpu.memory_space<hbm>>
        tpu.enqueue_dma source(%dma_start3A_319 : memref<4x100xi32, #tpu.memory_space<hbm>>) target(%arg9 : memref<4x100xi32, #tpu.memory_space<vmem>>) target_semaphore(%arg18 : memref<!tpu.dma_semaphore, #tpu.memory_space<semaphore_mem>>)
      } else {
      }
      %ge3A = arith.constant 2 : i32
      %ge3A_216 = arith.cmpi sge, %mul3A_164, %ge3A : i32
      %convert_element_type3A_217 = arith.extui %ge3A_216 : i1 to i32
      %cond3A_218 = arith.constant 0 : i32
      %cond3A_219 = arith.cmpi ne, %convert_element_type3A_217, %cond3A_218 : i32
      scf.if %cond3A_219 {
        %sub3A = arith.constant 2 : i32
        %sub3A_309 = arith.subi %mul3A_164, %sub3A : i32
        %mul3A_310 = arith.constant 25600 : i32
        %mul3A_311 = arith.muli %add3A, %mul3A_310 : i32
        %mul3A_312 = arith.constant 400 : i32
        %mul3A_313 = arith.muli %sub3A_309, %mul3A_312 : i32
        %add3A_314 = arith.addi %mul3A_311, %mul3A_313 : i32
        %dma_wait3A_315 = tpu.memref_slice %arg6[%add3A_314] : memref<819200xf32, #tpu.memory_space<hbm>> -> memref<400xf32, #tpu.memory_space<hbm>>
        %dma_wait3A_316 = tpu.memref_slice %arg6[%add3A_314] : memref<819200xf32, #tpu.memory_space<hbm>> -> memref<400xf32, #tpu.memory_space<hbm>>
        tpu.wait_dma2 semaphore(%arg20 : memref<!tpu.dma_semaphore, #tpu.memory_space<semaphore_mem>>) src(%arg11 : memref<400xf32, #tpu.memory_space<vmem>>) dst(%dma_wait3A_316 : memref<400xf32, #tpu.memory_space<hbm>>)
      } else {
      }
      %scan3A_220 = arith.constant 0 : i32
      %scan3A_221 = arith.constant 0 : i32
      %scan3A_222 = arith.constant 8 : i32
      %scan3A_223 = arith.addi %scan3A_221, %scan3A_222 : i32
      %scan3A_224 = arith.constant 1 : i32
      scf.for %scan3A_309 = %scan3A_221 to %scan3A_223 step %scan3A_224  : i32 {
        %mul3A_310 = arith.constant 50 : i32
        %mul3A_311 = arith.muli %scan3A_309, %mul3A_310 : i32
        %mul3A_312 = arith.constant 8 : i32
        %mul3A_313 = arith.muli %mul3A_164, %mul3A_312 : i32
        %add3A_314 = arith.addi %mul3A_313, %scan3A_309 : i32
        %get3A = arith.index_cast %add3A_314 : i32 to index
        %get3A_315 = arith.constant 0 : index
        %get3A_316 = tpu.vector_load %arg8[%get3A, %get3A_315] {strides = array<i32>} : memref<512x64xf32, #tpu.memory_space<vmem>>, vector<16xf32>,
        %get3A_317 = arith.index_cast %add3A_314 : i32 to index
        %get3A_318 = arith.constant 16 : index
        %get3A_319 = tpu.vector_load %arg8[%get3A_317, %get3A_318] {strides = array<i32>} : memref<512x64xf32, #tpu.memory_space<vmem>>, vector<16xf32>,
        %get3A_320 = arith.index_cast %add3A_314 : i32 to index
        %get3A_321 = arith.constant 32 : index
        %get3A_322 = tpu.vector_load %arg8[%get3A_320, %get3A_321] {strides = array<i32>} : memref<512x64xf32, #tpu.memory_space<vmem>>, vector<16xf32>,
        %get3A_323 = arith.index_cast %add3A_314 : i32 to index
        %get3A_324 = arith.constant 48 : index
        %get3A_325 = tpu.vector_load %arg8[%get3A_323, %get3A_324] {strides = array<i32>} : memref<512x64xf32, #tpu.memory_space<vmem>>, vector<16xf32>,
        %add3A_326 = arith.constant 0 : i32
        %add3A_327 = arith.addi %mul3A_311, %add3A_326 : i32
        %add3A_328 = arith.constant 0 : i32
        %add3A_329 = arith.addi %add3A_327, %add3A_328 : i32
        %get3A_330 = arith.index_cast %add3A_329 : i32 to index
        %get3A_331 = arith.constant 0 : index
        %get3A_332 = tpu.vector_load %arg10[%get3A_330, %get3A_331] {strides = array<i32>} : memref<416x64xf32, #tpu.memory_space<vmem>>, vector<16xf32>,
        %mul3A_333 = arith.mulf %get3A_332, %get3A_316 : vector<16xf32>
        %get3A_334 = arith.index_cast %add3A_329 : i32 to index
        %get3A_335 = arith.constant 16 : index
        %get3A_336 = tpu.vector_load %arg10[%get3A_334, %get3A_335] {strides = array<i32>} : memref<416x64xf32, #tpu.memory_space<vmem>>, vector<16xf32>,
        %mul3A_337 = arith.mulf %get3A_336, %get3A_319 : vector<16xf32>
        %add3A_338 = arith.addf %mul3A_333, %mul3A_337 : vector<16xf32>
        %get3A_339 = arith.index_cast %add3A_329 : i32 to index
        %get3A_340 = arith.constant 32 : index
        %get3A_341 = tpu.vector_load %arg10[%get3A_339, %get3A_340] {strides = array<i32>} : memref<416x64xf32, #tpu.memory_space<vmem>>, vector<16xf32>,
        %mul3A_342 = arith.mulf %get3A_341, %get3A_322 : vector<16xf32>
        %add3A_343 = arith.addf %add3A_338, %mul3A_342 : vector<16xf32>
        %get3A_344 = arith.index_cast %add3A_329 : i32 to index
        %get3A_345 = arith.constant 48 : index
        %get3A_346 = tpu.vector_load %arg10[%get3A_344, %get3A_345] {strides = array<i32>} : memref<416x64xf32, #tpu.memory_space<vmem>>, vector<16xf32>,
        %mul3A_347 = arith.mulf %get3A_346, %get3A_325 : vector<16xf32>
        %add3A_348 = arith.addf %add3A_343, %mul3A_347 : vector<16xf32>
        %add3A_349 = arith.constant 0 : i32
        %add3A_350 = arith.addi %mul3A_311, %add3A_349 : i32
        %add3A_351 = arith.constant 1 : i32
        %add3A_352 = arith.addi %add3A_350, %add3A_351 : i32
        %get3A_353 = arith.index_cast %add3A_352 : i32 to index
        %get3A_354 = arith.constant 0 : index
        %get3A_355 = tpu.vector_load %arg10[%get3A_353, %get3A_354] {strides = array<i32>} : memref<416x64xf32, #tpu.memory_space<vmem>>, vector<16xf32>,
        %mul3A_356 = arith.mulf %get3A_355, %get3A_316 : vector<16xf32>
        %get3A_357 = arith.index_cast %add3A_352 : i32 to index
        %get3A_358 = arith.constant 16 : index
        %get3A_359 = tpu.vector_load %arg10[%get3A_357, %get3A_358] {strides = array<i32>} : memref<416x64xf32, #tpu.memory_space<vmem>>, vector<16xf32>,
        %mul3A_360 = arith.mulf %get3A_359, %get3A_319 : vector<16xf32>
        %add3A_361 = arith.addf %mul3A_356, %mul3A_360 : vector<16xf32>
        %get3A_362 = arith.index_cast %add3A_352 : i32 to index
        %get3A_363 = arith.constant 32 : index
        %get3A_364 = tpu.vector_load %arg10[%get3A_362, %get3A_363] {strides = array<i32>} : memref<416x64xf32, #tpu.memory_space<vmem>>, vector<16xf32>,
        %mul3A_365 = arith.mulf %get3A_364, %get3A_322 : vector<16xf32>
        %add3A_366 = arith.addf %add3A_361, %mul3A_365 : vector<16xf32>
        %get3A_367 = arith.index_cast %add3A_352 : i32 to index
        %get3A_368 = arith.constant 48 : index
        %get3A_369 = tpu.vector_load %arg10[%get3A_367, %get3A_368] {strides = array<i32>} : memref<416x64xf32, #tpu.memory_space<vmem>>, vector<16xf32>,
        %mul3A_370 = arith.mulf %get3A_369, %get3A_325 : vector<16xf32>
        %add3A_371 = arith.addf %add3A_366, %mul3A_370 : vector<16xf32>
        %add3A_372 = arith.constant 0 : i32
        %add3A_373 = arith.addi %mul3A_311, %add3A_372 : i32
        %add3A_374 = arith.constant 2 : i32
        %add3A_375 = arith.addi %add3A_373, %add3A_374 : i32
        %get3A_376 = arith.index_cast %add3A_375 : i32 to index
        %get3A_377 = arith.constant 0 : index
        %get3A_378 = tpu.vector_load %arg10[%get3A_376, %get3A_377] {strides = array<i32>} : memref<416x64xf32, #tpu.memory_space<vmem>>, vector<16xf32>,
        %mul3A_379 = arith.mulf %get3A_378, %get3A_316 : vector<16xf32>
        %get3A_380 = arith.index_cast %add3A_375 : i32 to index
        %get3A_381 = arith.constant 16 : index
        %get3A_382 = tpu.vector_load %arg10[%get3A_380, %get3A_381] {strides = array<i32>} : memref<416x64xf32, #tpu.memory_space<vmem>>, vector<16xf32>,
        %mul3A_383 = arith.mulf %get3A_382, %get3A_319 : vector<16xf32>
        %add3A_384 = arith.addf %mul3A_379, %mul3A_383 : vector<16xf32>
        %get3A_385 = arith.index_cast %add3A_375 : i32 to index
        %get3A_386 = arith.constant 32 : index
        %get3A_387 = tpu.vector_load %arg10[%get3A_385, %get3A_386] {strides = array<i32>} : memref<416x64xf32, #tpu.memory_space<vmem>>, vector<16xf32>,
        %mul3A_388 = arith.mulf %get3A_387, %get3A_322 : vector<16xf32>
        %add3A_389 = arith.addf %add3A_384, %mul3A_388 : vector<16xf32>
        %get3A_390 = arith.index_cast %add3A_375 : i32 to index
        %get3A_391 = arith.constant 48 : index
        %get3A_392 = tpu.vector_load %arg10[%get3A_390, %get3A_391] {strides = array<i32>} : memref<416x64xf32, #tpu.memory_space<vmem>>, vector<16xf32>,
        %mul3A_393 = arith.mulf %get3A_392, %get3A_325 : vector<16xf32>
        %add3A_394 = arith.addf %add3A_389, %mul3A_393 : vector<16xf32>
        %add3A_395 = arith.constant 0 : i32
        %add3A_396 = arith.addi %mul3A_311, %add3A_395 : i32
        %add3A_397 = arith.constant 3 : i32
        %add3A_398 = arith.addi %add3A_396, %add3A_397 : i32
        %get3A_399 = arith.index_cast %add3A_398 : i32 to index
        %get3A_400 = arith.constant 0 : index
        %get3A_401 = tpu.vector_load %arg10[%get3A_399, %get3A_400] {strides = array<i32>} : memref<416x64xf32, #tpu.memory_space<vmem>>, vector<16xf32>,
        %mul3A_402 = arith.mulf %get3A_401, %get3A_316 : vector<16xf32>
        %get3A_403 = arith.index_cast %add3A_398 : i32 to index
        %get3A_404 = arith.constant 16 : index
        %get3A_405 = tpu.vector_load %arg10[%get3A_403, %get3A_404] {strides = array<i32>} : memref<416x64xf32, #tpu.memory_space<vmem>>, vector<16xf32>,
        %mul3A_406 = arith.mulf %get3A_405, %get3A_319 : vector<16xf32>
        %add3A_407 = arith.addf %mul3A_402, %mul3A_406 : vector<16xf32>
        %get3A_408 = arith.index_cast %add3A_398 : i32 to index
        %get3A_409 = arith.constant 32 : index
        %get3A_410 = tpu.vector_load %arg10[%get3A_408, %get3A_409] {strides = array<i32>} : memref<416x64xf32, #tpu.memory_space<vmem>>, vector<16xf32>,
        %mul3A_411 = arith.mulf %get3A_410, %get3A_322 : vector<16xf32>
        %add3A_412 = arith.addf %add3A_407, %mul3A_411 : vector<16xf32>
        %get3A_413 = arith.index_cast %add3A_398 : i32 to index
        %get3A_414 = arith.constant 48 : index
        %get3A_415 = tpu.vector_load %arg10[%get3A_413, %get3A_414] {strides = array<i32>} : memref<416x64xf32, #tpu.memory_space<vmem>>, vector<16xf32>,
        %mul3A_416 = arith.mulf %get3A_415, %get3A_325 : vector<16xf32>
        %add3A_417 = arith.addf %add3A_412, %mul3A_416 : vector<16xf32>
        %add3A_418 = arith.constant 0 : i32
        %add3A_419 = arith.addi %mul3A_311, %add3A_418 : i32
        %add3A_420 = arith.constant 4 : i32
        %add3A_421 = arith.addi %add3A_419, %add3A_420 : i32
        %get3A_422 = arith.index_cast %add3A_421 : i32 to index
        %get3A_423 = arith.constant 0 : index
        %get3A_424 = tpu.vector_load %arg10[%get3A_422, %get3A_423] {strides = array<i32>} : memref<416x64xf32, #tpu.memory_space<vmem>>, vector<16xf32>,
        %mul3A_425 = arith.mulf %get3A_424, %get3A_316 : vector<16xf32>
        %get3A_426 = arith.index_cast %add3A_421 : i32 to index
        %get3A_427 = arith.constant 16 : index
        %get3A_428 = tpu.vector_load %arg10[%get3A_426, %get3A_427] {strides = array<i32>} : memref<416x64xf32, #tpu.memory_space<vmem>>, vector<16xf32>,
        %mul3A_429 = arith.mulf %get3A_428, %get3A_319 : vector<16xf32>
        %add3A_430 = arith.addf %mul3A_425, %mul3A_429 : vector<16xf32>
        %get3A_431 = arith.index_cast %add3A_421 : i32 to index
        %get3A_432 = arith.constant 32 : index
        %get3A_433 = tpu.vector_load %arg10[%get3A_431, %get3A_432] {strides = array<i32>} : memref<416x64xf32, #tpu.memory_space<vmem>>, vector<16xf32>,
        %mul3A_434 = arith.mulf %get3A_433, %get3A_322 : vector<16xf32>
        %add3A_435 = arith.addf %add3A_430, %mul3A_434 : vector<16xf32>
        %get3A_436 = arith.index_cast %add3A_421 : i32 to index
        %get3A_437 = arith.constant 48 : index
        %get3A_438 = tpu.vector_load %arg10[%get3A_436, %get3A_437] {strides = array<i32>} : memref<416x64xf32, #tpu.memory_space<vmem>>, vector<16xf32>,
        %mul3A_439 = arith.mulf %get3A_438, %get3A_325 : vector<16xf32>
        %add3A_440 = arith.addf %add3A_435, %mul3A_439 : vector<16xf32>
        %add3A_441 = arith.constant 0 : i32
        %add3A_442 = arith.addi %mul3A_311, %add3A_441 : i32
        %add3A_443 = arith.constant 5 : i32
        %add3A_444 = arith.addi %add3A_442, %add3A_443 : i32
        %get3A_445 = arith.index_cast %add3A_444 : i32 to index
        %get3A_446 = arith.constant 0 : index
        %get3A_447 = tpu.vector_load %arg10[%get3A_445, %get3A_446] {strides = array<i32>} : memref<416x64xf32, #tpu.memory_space<vmem>>, vector<16xf32>,
        %mul3A_448 = arith.mulf %get3A_447, %get3A_316 : vector<16xf32>
        %get3A_449 = arith.index_cast %add3A_444 : i32 to index
        %get3A_450 = arith.constant 16 : index
        %get3A_451 = tpu.vector_load %arg10[%get3A_449, %get3A_450] {strides = array<i32>} : memref<416x64xf32, #tpu.memory_space<vmem>>, vector<16xf32>,
        %mul3A_452 = arith.mulf %get3A_451, %get3A_319 : vector<16xf32>
        %add3A_453 = arith.addf %mul3A_448, %mul3A_452 : vector<16xf32>
        %get3A_454 = arith.index_cast %add3A_444 : i32 to index
        %get3A_455 = arith.constant 32 : index
        %get3A_456 = tpu.vector_load %arg10[%get3A_454, %get3A_455] {strides = array<i32>} : memref<416x64xf32, #tpu.memory_space<vmem>>, vector<16xf32>,
        %mul3A_457 = arith.mulf %get3A_456, %get3A_322 : vector<16xf32>
        %add3A_458 = arith.addf %add3A_453, %mul3A_457 : vector<16xf32>
        %get3A_459 = arith.index_cast %add3A_444 : i32 to index
        %get3A_460 = arith.constant 48 : index
        %get3A_461 = tpu.vector_load %arg10[%get3A_459, %get3A_460] {strides = array<i32>} : memref<416x64xf32, #tpu.memory_space<vmem>>, vector<16xf32>,
        %mul3A_462 = arith.mulf %get3A_461, %get3A_325 : vector<16xf32>
        %add3A_463 = arith.addf %add3A_458, %mul3A_462 : vector<16xf32>
        %add3A_464 = arith.constant 0 : i32
        %add3A_465 = arith.addi %mul3A_311, %add3A_464 : i32
        %add3A_466 = arith.constant 6 : i32
        %add3A_467 = arith.addi %add3A_465, %add3A_466 : i32
        %get3A_468 = arith.index_cast %add3A_467 : i32 to index
        %get3A_469 = arith.constant 0 : index
        %get3A_470 = tpu.vector_load %arg10[%get3A_468, %get3A_469] {strides = array<i32>} : memref<416x64xf32, #tpu.memory_space<vmem>>, vector<16xf32>,
        %mul3A_471 = arith.mulf %get3A_470, %get3A_316 : vector<16xf32>
        %get3A_472 = arith.index_cast %add3A_467 : i32 to index
        %get3A_473 = arith.constant 16 : index
        %get3A_474 = tpu.vector_load %arg10[%get3A_472, %get3A_473] {strides = array<i32>} : memref<416x64xf32, #tpu.memory_space<vmem>>, vector<16xf32>,
        %mul3A_475 = arith.mulf %get3A_474, %get3A_319 : vector<16xf32>
        %add3A_476 = arith.addf %mul3A_471, %mul3A_475 : vector<16xf32>
        %get3A_477 = arith.index_cast %add3A_467 : i32 to index
        %get3A_478 = arith.constant 32 : index
        %get3A_479 = tpu.vector_load %arg10[%get3A_477, %get3A_478] {strides = array<i32>} : memref<416x64xf32, #tpu.memory_space<vmem>>, vector<16xf32>,
        %mul3A_480 = arith.mulf %get3A_479, %get3A_322 : vector<16xf32>
        %add3A_481 = arith.addf %add3A_476, %mul3A_480 : vector<16xf32>
        %get3A_482 = arith.index_cast %add3A_467 : i32 to index
        %get3A_483 = arith.constant 48 : index
        %get3A_484 = tpu.vector_load %arg10[%get3A_482, %get3A_483] {strides = array<i32>} : memref<416x64xf32, #tpu.memory_space<vmem>>, vector<16xf32>,
        %mul3A_485 = arith.mulf %get3A_484, %get3A_325 : vector<16xf32>
        %add3A_486 = arith.addf %add3A_481, %mul3A_485 : vector<16xf32>
        %add3A_487 = arith.constant 0 : i32
        %add3A_488 = arith.addi %mul3A_311, %add3A_487 : i32
        %add3A_489 = arith.constant 7 : i32
        %add3A_490 = arith.addi %add3A_488, %add3A_489 : i32
        %get3A_491 = arith.index_cast %add3A_490 : i32 to index
        %get3A_492 = arith.constant 0 : index
        %get3A_493 = tpu.vector_load %arg10[%get3A_491, %get3A_492] {strides = array<i32>} : memref<416x64xf32, #tpu.memory_space<vmem>>, vector<16xf32>,
        %mul3A_494 = arith.mulf %get3A_493, %get3A_316 : vector<16xf32>
        %get3A_495 = arith.index_cast %add3A_490 : i32 to index
        %get3A_496 = arith.constant 16 : index
        %get3A_497 = tpu.vector_load %arg10[%get3A_495, %get3A_496] {strides = array<i32>} : memref<416x64xf32, #tpu.memory_space<vmem>>, vector<16xf32>,
        %mul3A_498 = arith.mulf %get3A_497, %get3A_319 : vector<16xf32>
        %add3A_499 = arith.addf %mul3A_494, %mul3A_498 : vector<16xf32>
        %get3A_500 = arith.index_cast %add3A_490 : i32 to index
        %get3A_501 = arith.constant 32 : index
        %get3A_502 = tpu.vector_load %arg10[%get3A_500, %get3A_501] {strides = array<i32>} : memref<416x64xf32, #tpu.memory_space<vmem>>, vector<16xf32>,
        %mul3A_503 = arith.mulf %get3A_502, %get3A_322 : vector<16xf32>
        %add3A_504 = arith.addf %add3A_499, %mul3A_503 : vector<16xf32>
        %get3A_505 = arith.index_cast %add3A_490 : i32 to index
        %get3A_506 = arith.constant 48 : index
        %get3A_507 = tpu.vector_load %arg10[%get3A_505, %get3A_506] {strides = array<i32>} : memref<416x64xf32, #tpu.memory_space<vmem>>, vector<16xf32>,
        %mul3A_508 = arith.mulf %get3A_507, %get3A_325 : vector<16xf32>
        %add3A_509 = arith.addf %add3A_504, %mul3A_508 : vector<16xf32>
        %add3A_510 = arith.constant 0 : i32
        %add3A_511 = arith.addi %mul3A_311, %add3A_510 : i32
        %add3A_512 = arith.constant 8 : i32
        %add3A_513 = arith.addi %add3A_511, %add3A_512 : i32
        %get3A_514 = arith.index_cast %add3A_513 : i32 to index
        %get3A_515 = arith.constant 0 : index
        %get3A_516 = tpu.vector_load %arg10[%get3A_514, %get3A_515] {strides = array<i32>} : memref<416x64xf32, #tpu.memory_space<vmem>>, vector<16xf32>,
        %mul3A_517 = arith.mulf %get3A_516, %get3A_316 : vector<16xf32>
        %get3A_518 = arith.index_cast %add3A_513 : i32 to index
        %get3A_519 = arith.constant 16 : index
        %get3A_520 = tpu.vector_load %arg10[%get3A_518, %get3A_519] {strides = array<i32>} : memref<416x64xf32, #tpu.memory_space<vmem>>, vector<16xf32>,
        %mul3A_521 = arith.mulf %get3A_520, %get3A_319 : vector<16xf32>
        %add3A_522 = arith.addf %mul3A_517, %mul3A_521 : vector<16xf32>
        %get3A_523 = arith.index_cast %add3A_513 : i32 to index
        %get3A_524 = arith.constant 32 : index
        %get3A_525 = tpu.vector_load %arg10[%get3A_523, %get3A_524] {strides = array<i32>} : memref<416x64xf32, #tpu.memory_space<vmem>>, vector<16xf32>,
        %mul3A_526 = arith.mulf %get3A_525, %get3A_322 : vector<16xf32>
        %add3A_527 = arith.addf %add3A_522, %mul3A_526 : vector<16xf32>
        %get3A_528 = arith.index_cast %add3A_513 : i32 to index
        %get3A_529 = arith.constant 48 : index
        %get3A_530 = tpu.vector_load %arg10[%get3A_528, %get3A_529] {strides = array<i32>} : memref<416x64xf32, #tpu.memory_space<vmem>>, vector<16xf32>,
        %mul3A_531 = arith.mulf %get3A_530, %get3A_325 : vector<16xf32>
        %add3A_532 = arith.addf %add3A_527, %mul3A_531 : vector<16xf32>
        %add3A_533 = arith.constant 0 : i32
        %add3A_534 = arith.addi %mul3A_311, %add3A_533 : i32
        %add3A_535 = arith.constant 9 : i32
        %add3A_536 = arith.addi %add3A_534, %add3A_535 : i32
        %get3A_537 = arith.index_cast %add3A_536 : i32 to index
        %get3A_538 = arith.constant 0 : index
        %get3A_539 = tpu.vector_load %arg10[%get3A_537, %get3A_538] {strides = array<i32>} : memref<416x64xf32, #tpu.memory_space<vmem>>, vector<16xf32>,
        %mul3A_540 = arith.mulf %get3A_539, %get3A_316 : vector<16xf32>
        %get3A_541 = arith.index_cast %add3A_536 : i32 to index
        %get3A_542 = arith.constant 16 : index
        %get3A_543 = tpu.vector_load %arg10[%get3A_541, %get3A_542] {strides = array<i32>} : memref<416x64xf32, #tpu.memory_space<vmem>>, vector<16xf32>,
        %mul3A_544 = arith.mulf %get3A_543, %get3A_319 : vector<16xf32>
        %add3A_545 = arith.addf %mul3A_540, %mul3A_544 : vector<16xf32>
        %get3A_546 = arith.index_cast %add3A_536 : i32 to index
        %get3A_547 = arith.constant 32 : index
        %get3A_548 = tpu.vector_load %arg10[%get3A_546, %get3A_547] {strides = array<i32>} : memref<416x64xf32, #tpu.memory_space<vmem>>, vector<16xf32>,
        %mul3A_549 = arith.mulf %get3A_548, %get3A_322 : vector<16xf32>
        %add3A_550 = arith.addf %add3A_545, %mul3A_549 : vector<16xf32>
        %get3A_551 = arith.index_cast %add3A_536 : i32 to index
        %get3A_552 = arith.constant 48 : index
        %get3A_553 = tpu.vector_load %arg10[%get3A_551, %get3A_552] {strides = array<i32>} : memref<416x64xf32, #tpu.memory_space<vmem>>, vector<16xf32>,
        %mul3A_554 = arith.mulf %get3A_553, %get3A_325 : vector<16xf32>
        %add3A_555 = arith.addf %add3A_550, %mul3A_554 : vector<16xf32>
        %add3A_556 = arith.constant 0 : i32
        %add3A_557 = arith.addi %mul3A_311, %add3A_556 : i32
        %add3A_558 = arith.constant 10 : i32
        %add3A_559 = arith.addi %add3A_557, %add3A_558 : i32
        %get3A_560 = arith.index_cast %add3A_559 : i32 to index
        %get3A_561 = arith.constant 0 : index
        %get3A_562 = tpu.vector_load %arg10[%get3A_560, %get3A_561] {strides = array<i32>} : memref<416x64xf32, #tpu.memory_space<vmem>>, vector<16xf32>,
        %mul3A_563 = arith.mulf %get3A_562, %get3A_316 : vector<16xf32>
        %get3A_564 = arith.index_cast %add3A_559 : i32 to index
        %get3A_565 = arith.constant 16 : index
        %get3A_566 = tpu.vector_load %arg10[%get3A_564, %get3A_565] {strides = array<i32>} : memref<416x64xf32, #tpu.memory_space<vmem>>, vector<16xf32>,
        %mul3A_567 = arith.mulf %get3A_566, %get3A_319 : vector<16xf32>
        %add3A_568 = arith.addf %mul3A_563, %mul3A_567 : vector<16xf32>
        %get3A_569 = arith.index_cast %add3A_559 : i32 to index
        %get3A_570 = arith.constant 32 : index
        %get3A_571 = tpu.vector_load %arg10[%get3A_569, %get3A_570] {strides = array<i32>} : memref<416x64xf32, #tpu.memory_space<vmem>>, vector<16xf32>,
        %mul3A_572 = arith.mulf %get3A_571, %get3A_322 : vector<16xf32>
        %add3A_573 = arith.addf %add3A_568, %mul3A_572 : vector<16xf32>
        %get3A_574 = arith.index_cast %add3A_559 : i32 to index
        %get3A_575 = arith.constant 48 : index
        %get3A_576 = tpu.vector_load %arg10[%get3A_574, %get3A_575] {strides = array<i32>} : memref<416x64xf32, #tpu.memory_space<vmem>>, vector<16xf32>,
        %mul3A_577 = arith.mulf %get3A_576, %get3A_325 : vector<16xf32>
        %add3A_578 = arith.addf %add3A_573, %mul3A_577 : vector<16xf32>
        %add3A_579 = arith.constant 0 : i32
        %add3A_580 = arith.addi %mul3A_311, %add3A_579 : i32
        %add3A_581 = arith.constant 11 : i32
        %add3A_582 = arith.addi %add3A_580, %add3A_581 : i32
        %get3A_583 = arith.index_cast %add3A_582 : i32 to index
        %get3A_584 = arith.constant 0 : index
        %get3A_585 = tpu.vector_load %arg10[%get3A_583, %get3A_584] {strides = array<i32>} : memref<416x64xf32, #tpu.memory_space<vmem>>, vector<16xf32>,
        %mul3A_586 = arith.mulf %get3A_585, %get3A_316 : vector<16xf32>
        %get3A_587 = arith.index_cast %add3A_582 : i32 to index
        %get3A_588 = arith.constant 16 : index
        %get3A_589 = tpu.vector_load %arg10[%get3A_587, %get3A_588] {strides = array<i32>} : memref<416x64xf32, #tpu.memory_space<vmem>>, vector<16xf32>,
        %mul3A_590 = arith.mulf %get3A_589, %get3A_319 : vector<16xf32>
        %add3A_591 = arith.addf %mul3A_586, %mul3A_590 : vector<16xf32>
        %get3A_592 = arith.index_cast %add3A_582 : i32 to index
        %get3A_593 = arith.constant 32 : index
        %get3A_594 = tpu.vector_load %arg10[%get3A_592, %get3A_593] {strides = array<i32>} : memref<416x64xf32, #tpu.memory_space<vmem>>, vector<16xf32>,
        %mul3A_595 = arith.mulf %get3A_594, %get3A_322 : vector<16xf32>
        %add3A_596 = arith.addf %add3A_591, %mul3A_595 : vector<16xf32>
        %get3A_597 = arith.index_cast %add3A_582 : i32 to index
        %get3A_598 = arith.constant 48 : index
        %get3A_599 = tpu.vector_load %arg10[%get3A_597, %get3A_598] {strides = array<i32>} : memref<416x64xf32, #tpu.memory_space<vmem>>, vector<16xf32>,
        %mul3A_600 = arith.mulf %get3A_599, %get3A_325 : vector<16xf32>
        %add3A_601 = arith.addf %add3A_596, %mul3A_600 : vector<16xf32>
        %add3A_602 = arith.constant 0 : i32
        %add3A_603 = arith.addi %mul3A_311, %add3A_602 : i32
        %add3A_604 = arith.constant 12 : i32
        %add3A_605 = arith.addi %add3A_603, %add3A_604 : i32
        %get3A_606 = arith.index_cast %add3A_605 : i32 to index
        %get3A_607 = arith.constant 0 : index
        %get3A_608 = tpu.vector_load %arg10[%get3A_606, %get3A_607] {strides = array<i32>} : memref<416x64xf32, #tpu.memory_space<vmem>>, vector<16xf32>,
        %mul3A_609 = arith.mulf %get3A_608, %get3A_316 : vector<16xf32>
        %get3A_610 = arith.index_cast %add3A_605 : i32 to index
        %get3A_611 = arith.constant 16 : index
        %get3A_612 = tpu.vector_load %arg10[%get3A_610, %get3A_611] {strides = array<i32>} : memref<416x64xf32, #tpu.memory_space<vmem>>, vector<16xf32>,
        %mul3A_613 = arith.mulf %get3A_612, %get3A_319 : vector<16xf32>
        %add3A_614 = arith.addf %mul3A_609, %mul3A_613 : vector<16xf32>
        %get3A_615 = arith.index_cast %add3A_605 : i32 to index
        %get3A_616 = arith.constant 32 : index
        %get3A_617 = tpu.vector_load %arg10[%get3A_615, %get3A_616] {strides = array<i32>} : memref<416x64xf32, #tpu.memory_space<vmem>>, vector<16xf32>,
        %mul3A_618 = arith.mulf %get3A_617, %get3A_322 : vector<16xf32>
        %add3A_619 = arith.addf %add3A_614, %mul3A_618 : vector<16xf32>
        %get3A_620 = arith.index_cast %add3A_605 : i32 to index
        %get3A_621 = arith.constant 48 : index
        %get3A_622 = tpu.vector_load %arg10[%get3A_620, %get3A_621] {strides = array<i32>} : memref<416x64xf32, #tpu.memory_space<vmem>>, vector<16xf32>,
        %mul3A_623 = arith.mulf %get3A_622, %get3A_325 : vector<16xf32>
        %add3A_624 = arith.addf %add3A_619, %mul3A_623 : vector<16xf32>
        %add3A_625 = arith.constant 0 : i32
        %add3A_626 = arith.addi %mul3A_311, %add3A_625 : i32
        %add3A_627 = arith.constant 13 : i32
        %add3A_628 = arith.addi %add3A_626, %add3A_627 : i32
        %get3A_629 = arith.index_cast %add3A_628 : i32 to index
        %get3A_630 = arith.constant 0 : index
        %get3A_631 = tpu.vector_load %arg10[%get3A_629, %get3A_630] {strides = array<i32>} : memref<416x64xf32, #tpu.memory_space<vmem>>, vector<16xf32>,
        %mul3A_632 = arith.mulf %get3A_631, %get3A_316 : vector<16xf32>
        %get3A_633 = arith.index_cast %add3A_628 : i32 to index
        %get3A_634 = arith.constant 16 : index
        %get3A_635 = tpu.vector_load %arg10[%get3A_633, %get3A_634] {strides = array<i32>} : memref<416x64xf32, #tpu.memory_space<vmem>>, vector<16xf32>,
        %mul3A_636 = arith.mulf %get3A_635, %get3A_319 : vector<16xf32>
        %add3A_637 = arith.addf %mul3A_632, %mul3A_636 : vector<16xf32>
        %get3A_638 = arith.index_cast %add3A_628 : i32 to index
        %get3A_639 = arith.constant 32 : index
        %get3A_640 = tpu.vector_load %arg10[%get3A_638, %get3A_639] {strides = array<i32>} : memref<416x64xf32, #tpu.memory_space<vmem>>, vector<16xf32>,
        %mul3A_641 = arith.mulf %get3A_640, %get3A_322 : vector<16xf32>
        %add3A_642 = arith.addf %add3A_637, %mul3A_641 : vector<16xf32>
        %get3A_643 = arith.index_cast %add3A_628 : i32 to index
        %get3A_644 = arith.constant 48 : index
        %get3A_645 = tpu.vector_load %arg10[%get3A_643, %get3A_644] {strides = array<i32>} : memref<416x64xf32, #tpu.memory_space<vmem>>, vector<16xf32>,
        %mul3A_646 = arith.mulf %get3A_645, %get3A_325 : vector<16xf32>
        %add3A_647 = arith.addf %add3A_642, %mul3A_646 : vector<16xf32>
        %add3A_648 = arith.constant 0 : i32
        %add3A_649 = arith.addi %mul3A_311, %add3A_648 : i32
        %add3A_650 = arith.constant 14 : i32
        %add3A_651 = arith.addi %add3A_649, %add3A_650 : i32
        %get3A_652 = arith.index_cast %add3A_651 : i32 to index
        %get3A_653 = arith.constant 0 : index
        %get3A_654 = tpu.vector_load %arg10[%get3A_652, %get3A_653] {strides = array<i32>} : memref<416x64xf32, #tpu.memory_space<vmem>>, vector<16xf32>,
        %mul3A_655 = arith.mulf %get3A_654, %get3A_316 : vector<16xf32>
        %get3A_656 = arith.index_cast %add3A_651 : i32 to index
        %get3A_657 = arith.constant 16 : index
        %get3A_658 = tpu.vector_load %arg10[%get3A_656, %get3A_657] {strides = array<i32>} : memref<416x64xf32, #tpu.memory_space<vmem>>, vector<16xf32>,
        %mul3A_659 = arith.mulf %get3A_658, %get3A_319 : vector<16xf32>
        %add3A_660 = arith.addf %mul3A_655, %mul3A_659 : vector<16xf32>
        %get3A_661 = arith.index_cast %add3A_651 : i32 to index
        %get3A_662 = arith.constant 32 : index
        %get3A_663 = tpu.vector_load %arg10[%get3A_661, %get3A_662] {strides = array<i32>} : memref<416x64xf32, #tpu.memory_space<vmem>>, vector<16xf32>,
        %mul3A_664 = arith.mulf %get3A_663, %get3A_322 : vector<16xf32>
        %add3A_665 = arith.addf %add3A_660, %mul3A_664 : vector<16xf32>
        %get3A_666 = arith.index_cast %add3A_651 : i32 to index
        %get3A_667 = arith.constant 48 : index
        %get3A_668 = tpu.vector_load %arg10[%get3A_666, %get3A_667] {strides = array<i32>} : memref<416x64xf32, #tpu.memory_space<vmem>>, vector<16xf32>,
        %mul3A_669 = arith.mulf %get3A_668, %get3A_325 : vector<16xf32>
        %add3A_670 = arith.addf %add3A_665, %mul3A_669 : vector<16xf32>
        %add3A_671 = arith.constant 0 : i32
        %add3A_672 = arith.addi %mul3A_311, %add3A_671 : i32
        %add3A_673 = arith.constant 15 : i32
        %add3A_674 = arith.addi %add3A_672, %add3A_673 : i32
        %get3A_675 = arith.index_cast %add3A_674 : i32 to index
        %get3A_676 = arith.constant 0 : index
        %get3A_677 = tpu.vector_load %arg10[%get3A_675, %get3A_676] {strides = array<i32>} : memref<416x64xf32, #tpu.memory_space<vmem>>, vector<16xf32>,
        %mul3A_678 = arith.mulf %get3A_677, %get3A_316 : vector<16xf32>
        %get3A_679 = arith.index_cast %add3A_674 : i32 to index
        %get3A_680 = arith.constant 16 : index
        %get3A_681 = tpu.vector_load %arg10[%get3A_679, %get3A_680] {strides = array<i32>} : memref<416x64xf32, #tpu.memory_space<vmem>>, vector<16xf32>,
        %mul3A_682 = arith.mulf %get3A_681, %get3A_319 : vector<16xf32>
        %add3A_683 = arith.addf %mul3A_678, %mul3A_682 : vector<16xf32>
        %get3A_684 = arith.index_cast %add3A_674 : i32 to index
        %get3A_685 = arith.constant 32 : index
        %get3A_686 = tpu.vector_load %arg10[%get3A_684, %get3A_685] {strides = array<i32>} : memref<416x64xf32, #tpu.memory_space<vmem>>, vector<16xf32>,
        %mul3A_687 = arith.mulf %get3A_686, %get3A_322 : vector<16xf32>
        %add3A_688 = arith.addf %add3A_683, %mul3A_687 : vector<16xf32>
        %get3A_689 = arith.index_cast %add3A_674 : i32 to index
        %get3A_690 = arith.constant 48 : index
        %get3A_691 = tpu.vector_load %arg10[%get3A_689, %get3A_690] {strides = array<i32>} : memref<416x64xf32, #tpu.memory_space<vmem>>, vector<16xf32>,
        %mul3A_692 = arith.mulf %get3A_691, %get3A_325 : vector<16xf32>
        %add3A_693 = arith.addf %add3A_688, %mul3A_692 : vector<16xf32>
        %xor3A = arith.constant 1 : i32
        %xor3A_694 = vector.broadcast %xor3A : i32 to vector<16xi32>
        %xor3A_695 = arith.xori %iota3A, %xor3A_694 : vector<16xi32>
        %broadcast_in_dim3A = vector.shape_cast %xor3A_695 : vector<16xi32> to vector<16x1xi32>
        %and3A = arith.constant 1 : i32
        %and3A_696 = vector.broadcast %and3A : i32 to vector<16xi32>
        %and3A_697 = arith.andi %iota3A, %and3A_696 : vector<16xi32>
        %ne3A = arith.constant 0 : i32
        %ne3A_698 = vector.broadcast %ne3A : i32 to vector<16xi32>
        %ne3A_699 = arith.cmpi ne, %and3A_697, %ne3A_698 : vector<16xi32>
        %gather3A = vector.shape_cast %broadcast_in_dim3A : vector<16x1xi32> to vector<16xi32>
        %gather3A_700 = tpu.dynamic_gather %add3A_348[%gather3A] in [0] : vector<16xf32>, vector<16xi32> -> vector<16xf32>
        %add3A_701 = arith.addf %add3A_348, %gather3A_700 : vector<16xf32>
        %gather3A_702 = vector.shape_cast %broadcast_in_dim3A : vector<16x1xi32> to vector<16xi32>
        %gather3A_703 = tpu.dynamic_gather %add3A_371[%gather3A_702] in [0] : vector<16xf32>, vector<16xi32> -> vector<16xf32>
        %add3A_704 = arith.addf %add3A_371, %gather3A_703 : vector<16xf32>
        %gather3A_705 = vector.shape_cast %broadcast_in_dim3A : vector<16x1xi32> to vector<16xi32>
        %gather3A_706 = tpu.dynamic_gather %add3A_394[%gather3A_705] in [0] : vector<16xf32>, vector<16xi32> -> vector<16xf32>
        %add3A_707 = arith.addf %add3A_394, %gather3A_706 : vector<16xf32>
        %gather3A_708 = vector.shape_cast %broadcast_in_dim3A : vector<16x1xi32> to vector<16xi32>
        %gather3A_709 = tpu.dynamic_gather %add3A_417[%gather3A_708] in [0] : vector<16xf32>, vector<16xi32> -> vector<16xf32>
        %add3A_710 = arith.addf %add3A_417, %gather3A_709 : vector<16xf32>
        %gather3A_711 = vector.shape_cast %broadcast_in_dim3A : vector<16x1xi32> to vector<16xi32>
        %gather3A_712 = tpu.dynamic_gather %add3A_440[%gather3A_711] in [0] : vector<16xf32>, vector<16xi32> -> vector<16xf32>
        %add3A_713 = arith.addf %add3A_440, %gather3A_712 : vector<16xf32>
        %gather3A_714 = vector.shape_cast %broadcast_in_dim3A : vector<16x1xi32> to vector<16xi32>
        %gather3A_715 = tpu.dynamic_gather %add3A_463[%gather3A_714] in [0] : vector<16xf32>, vector<16xi32> -> vector<16xf32>
        %add3A_716 = arith.addf %add3A_463, %gather3A_715 : vector<16xf32>
        %gather3A_717 = vector.shape_cast %broadcast_in_dim3A : vector<16x1xi32> to vector<16xi32>
        %gather3A_718 = tpu.dynamic_gather %add3A_486[%gather3A_717] in [0] : vector<16xf32>, vector<16xi32> -> vector<16xf32>
        %add3A_719 = arith.addf %add3A_486, %gather3A_718 : vector<16xf32>
        %gather3A_720 = vector.shape_cast %broadcast_in_dim3A : vector<16x1xi32> to vector<16xi32>
        %gather3A_721 = tpu.dynamic_gather %add3A_509[%gather3A_720] in [0] : vector<16xf32>, vector<16xi32> -> vector<16xf32>
        %add3A_722 = arith.addf %add3A_509, %gather3A_721 : vector<16xf32>
        %gather3A_723 = vector.shape_cast %broadcast_in_dim3A : vector<16x1xi32> to vector<16xi32>
        %gather3A_724 = tpu.dynamic_gather %add3A_532[%gather3A_723] in [0] : vector<16xf32>, vector<16xi32> -> vector<16xf32>
        %add3A_725 = arith.addf %add3A_532, %gather3A_724 : vector<16xf32>
        %gather3A_726 = vector.shape_cast %broadcast_in_dim3A : vector<16x1xi32> to vector<16xi32>
        %gather3A_727 = tpu.dynamic_gather %add3A_555[%gather3A_726] in [0] : vector<16xf32>, vector<16xi32> -> vector<16xf32>
        %add3A_728 = arith.addf %add3A_555, %gather3A_727 : vector<16xf32>
        %gather3A_729 = vector.shape_cast %broadcast_in_dim3A : vector<16x1xi32> to vector<16xi32>
        %gather3A_730 = tpu.dynamic_gather %add3A_578[%gather3A_729] in [0] : vector<16xf32>, vector<16xi32> -> vector<16xf32>
        %add3A_731 = arith.addf %add3A_578, %gather3A_730 : vector<16xf32>
        %gather3A_732 = vector.shape_cast %broadcast_in_dim3A : vector<16x1xi32> to vector<16xi32>
        %gather3A_733 = tpu.dynamic_gather %add3A_601[%gather3A_732] in [0] : vector<16xf32>, vector<16xi32> -> vector<16xf32>
        %add3A_734 = arith.addf %add3A_601, %gather3A_733 : vector<16xf32>
        %gather3A_735 = vector.shape_cast %broadcast_in_dim3A : vector<16x1xi32> to vector<16xi32>
        %gather3A_736 = tpu.dynamic_gather %add3A_624[%gather3A_735] in [0] : vector<16xf32>, vector<16xi32> -> vector<16xf32>
        %add3A_737 = arith.addf %add3A_624, %gather3A_736 : vector<16xf32>
        %gather3A_738 = vector.shape_cast %broadcast_in_dim3A : vector<16x1xi32> to vector<16xi32>
        %gather3A_739 = tpu.dynamic_gather %add3A_647[%gather3A_738] in [0] : vector<16xf32>, vector<16xi32> -> vector<16xf32>
        %add3A_740 = arith.addf %add3A_647, %gather3A_739 : vector<16xf32>
        %gather3A_741 = vector.shape_cast %broadcast_in_dim3A : vector<16x1xi32> to vector<16xi32>
        %gather3A_742 = tpu.dynamic_gather %add3A_670[%gather3A_741] in [0] : vector<16xf32>, vector<16xi32> -> vector<16xf32>
        %add3A_743 = arith.addf %add3A_670, %gather3A_742 : vector<16xf32>
        %gather3A_744 = vector.shape_cast %broadcast_in_dim3A : vector<16x1xi32> to vector<16xi32>
        %gather3A_745 = tpu.dynamic_gather %add3A_693[%gather3A_744] in [0] : vector<16xf32>, vector<16xi32> -> vector<16xf32>
        %add3A_746 = arith.addf %add3A_693, %gather3A_745 : vector<16xf32>
        %select_n3A = arith.select %ne3A_699, %add3A_704, %add3A_701 : vector<16xi1>, vector<16xf32>
        %select_n3A_747 = arith.select %ne3A_699, %add3A_710, %add3A_707 : vector<16xi1>, vector<16xf32>
        %select_n3A_748 = arith.select %ne3A_699, %add3A_716, %add3A_713 : vector<16xi1>, vector<16xf32>
        %select_n3A_749 = arith.select %ne3A_699, %add3A_722, %add3A_719 : vector<16xi1>, vector<16xf32>
        %select_n3A_750 = arith.select %ne3A_699, %add3A_728, %add3A_725 : vector<16xi1>, vector<16xf32>
        %select_n3A_751 = arith.select %ne3A_699, %add3A_734, %add3A_731 : vector<16xi1>, vector<16xf32>
        %select_n3A_752 = arith.select %ne3A_699, %add3A_740, %add3A_737 : vector<16xi1>, vector<16xf32>
        %select_n3A_753 = arith.select %ne3A_699, %add3A_746, %add3A_743 : vector<16xi1>, vector<16xf32>
        %xor3A_754 = arith.constant 2 : i32
        %xor3A_755 = vector.broadcast %xor3A_754 : i32 to vector<16xi32>
        %xor3A_756 = arith.xori %iota3A, %xor3A_755 : vector<16xi32>
        %broadcast_in_dim3A_757 = vector.shape_cast %xor3A_756 : vector<16xi32> to vector<16x1xi32>
        %and3A_758 = arith.constant 2 : i32
        %and3A_759 = vector.broadcast %and3A_758 : i32 to vector<16xi32>
        %and3A_760 = arith.andi %iota3A, %and3A_759 : vector<16xi32>
        %ne3A_761 = arith.constant 0 : i32
        %ne3A_762 = vector.broadcast %ne3A_761 : i32 to vector<16xi32>
        %ne3A_763 = arith.cmpi ne, %and3A_760, %ne3A_762 : vector<16xi32>
        %gather3A_764 = vector.shape_cast %broadcast_in_dim3A_757 : vector<16x1xi32> to vector<16xi32>
        %gather3A_765 = tpu.dynamic_gather %select_n3A[%gather3A_764] in [0] : vector<16xf32>, vector<16xi32> -> vector<16xf32>
        %add3A_766 = arith.addf %select_n3A, %gather3A_765 : vector<16xf32>
        %gather3A_767 = vector.shape_cast %broadcast_in_dim3A_757 : vector<16x1xi32> to vector<16xi32>
        %gather3A_768 = tpu.dynamic_gather %select_n3A_747[%gather3A_767] in [0] : vector<16xf32>, vector<16xi32> -> vector<16xf32>
        %add3A_769 = arith.addf %select_n3A_747, %gather3A_768 : vector<16xf32>
        %gather3A_770 = vector.shape_cast %broadcast_in_dim3A_757 : vector<16x1xi32> to vector<16xi32>
        %gather3A_771 = tpu.dynamic_gather %select_n3A_748[%gather3A_770] in [0] : vector<16xf32>, vector<16xi32> -> vector<16xf32>
        %add3A_772 = arith.addf %select_n3A_748, %gather3A_771 : vector<16xf32>
        %gather3A_773 = vector.shape_cast %broadcast_in_dim3A_757 : vector<16x1xi32> to vector<16xi32>
        %gather3A_774 = tpu.dynamic_gather %select_n3A_749[%gather3A_773] in [0] : vector<16xf32>, vector<16xi32> -> vector<16xf32>
        %add3A_775 = arith.addf %select_n3A_749, %gather3A_774 : vector<16xf32>
        %gather3A_776 = vector.shape_cast %broadcast_in_dim3A_757 : vector<16x1xi32> to vector<16xi32>
        %gather3A_777 = tpu.dynamic_gather %select_n3A_750[%gather3A_776] in [0] : vector<16xf32>, vector<16xi32> -> vector<16xf32>
        %add3A_778 = arith.addf %select_n3A_750, %gather3A_777 : vector<16xf32>
        %gather3A_779 = vector.shape_cast %broadcast_in_dim3A_757 : vector<16x1xi32> to vector<16xi32>
        %gather3A_780 = tpu.dynamic_gather %select_n3A_751[%gather3A_779] in [0] : vector<16xf32>, vector<16xi32> -> vector<16xf32>
        %add3A_781 = arith.addf %select_n3A_751, %gather3A_780 : vector<16xf32>
        %gather3A_782 = vector.shape_cast %broadcast_in_dim3A_757 : vector<16x1xi32> to vector<16xi32>
        %gather3A_783 = tpu.dynamic_gather %select_n3A_752[%gather3A_782] in [0] : vector<16xf32>, vector<16xi32> -> vector<16xf32>
        %add3A_784 = arith.addf %select_n3A_752, %gather3A_783 : vector<16xf32>
        %gather3A_785 = vector.shape_cast %broadcast_in_dim3A_757 : vector<16x1xi32> to vector<16xi32>
        %gather3A_786 = tpu.dynamic_gather %select_n3A_753[%gather3A_785] in [0] : vector<16xf32>, vector<16xi32> -> vector<16xf32>
        %add3A_787 = arith.addf %select_n3A_753, %gather3A_786 : vector<16xf32>
        %select_n3A_788 = arith.select %ne3A_763, %add3A_769, %add3A_766 : vector<16xi1>, vector<16xf32>
        %select_n3A_789 = arith.select %ne3A_763, %add3A_775, %add3A_772 : vector<16xi1>, vector<16xf32>
        %select_n3A_790 = arith.select %ne3A_763, %add3A_781, %add3A_778 : vector<16xi1>, vector<16xf32>
        %select_n3A_791 = arith.select %ne3A_763, %add3A_787, %add3A_784 : vector<16xi1>, vector<16xf32>
        %xor3A_792 = arith.constant 4 : i32
        %xor3A_793 = vector.broadcast %xor3A_792 : i32 to vector<16xi32>
        %xor3A_794 = arith.xori %iota3A, %xor3A_793 : vector<16xi32>
        %broadcast_in_dim3A_795 = vector.shape_cast %xor3A_794 : vector<16xi32> to vector<16x1xi32>
        %and3A_796 = arith.constant 4 : i32
        %and3A_797 = vector.broadcast %and3A_796 : i32 to vector<16xi32>
        %and3A_798 = arith.andi %iota3A, %and3A_797 : vector<16xi32>
        %ne3A_799 = arith.constant 0 : i32
        %ne3A_800 = vector.broadcast %ne3A_799 : i32 to vector<16xi32>
        %ne3A_801 = arith.cmpi ne, %and3A_798, %ne3A_800 : vector<16xi32>
        %gather3A_802 = vector.shape_cast %broadcast_in_dim3A_795 : vector<16x1xi32> to vector<16xi32>
        %gather3A_803 = tpu.dynamic_gather %select_n3A_788[%gather3A_802] in [0] : vector<16xf32>, vector<16xi32> -> vector<16xf32>
        %add3A_804 = arith.addf %select_n3A_788, %gather3A_803 : vector<16xf32>
        %gather3A_805 = vector.shape_cast %broadcast_in_dim3A_795 : vector<16x1xi32> to vector<16xi32>
        %gather3A_806 = tpu.dynamic_gather %select_n3A_789[%gather3A_805] in [0] : vector<16xf32>, vector<16xi32> -> vector<16xf32>
        %add3A_807 = arith.addf %select_n3A_789, %gather3A_806 : vector<16xf32>
        %gather3A_808 = vector.shape_cast %broadcast_in_dim3A_795 : vector<16x1xi32> to vector<16xi32>
        %gather3A_809 = tpu.dynamic_gather %select_n3A_790[%gather3A_808] in [0] : vector<16xf32>, vector<16xi32> -> vector<16xf32>
        %add3A_810 = arith.addf %select_n3A_790, %gather3A_809 : vector<16xf32>
        %gather3A_811 = vector.shape_cast %broadcast_in_dim3A_795 : vector<16x1xi32> to vector<16xi32>
        %gather3A_812 = tpu.dynamic_gather %select_n3A_791[%gather3A_811] in [0] : vector<16xf32>, vector<16xi32> -> vector<16xf32>
        %add3A_813 = arith.addf %select_n3A_791, %gather3A_812 : vector<16xf32>
        %select_n3A_814 = arith.select %ne3A_801, %add3A_807, %add3A_804 : vector<16xi1>, vector<16xf32>
        %select_n3A_815 = arith.select %ne3A_801, %add3A_813, %add3A_810 : vector<16xi1>, vector<16xf32>
        %xor3A_816 = arith.constant 8 : i32
        %xor3A_817 = vector.broadcast %xor3A_816 : i32 to vector<16xi32>
        %xor3A_818 = arith.xori %iota3A, %xor3A_817 : vector<16xi32>
        %broadcast_in_dim3A_819 = vector.shape_cast %xor3A_818 : vector<16xi32> to vector<16x1xi32>
        %and3A_820 = arith.constant 8 : i32
        %and3A_821 = vector.broadcast %and3A_820 : i32 to vector<16xi32>
        %and3A_822 = arith.andi %iota3A, %and3A_821 : vector<16xi32>
        %ne3A_823 = arith.constant 0 : i32
        %ne3A_824 = vector.broadcast %ne3A_823 : i32 to vector<16xi32>
        %ne3A_825 = arith.cmpi ne, %and3A_822, %ne3A_824 : vector<16xi32>
        %gather3A_826 = vector.shape_cast %broadcast_in_dim3A_819 : vector<16x1xi32> to vector<16xi32>
        %gather3A_827 = tpu.dynamic_gather %select_n3A_814[%gather3A_826] in [0] : vector<16xf32>, vector<16xi32> -> vector<16xf32>
        %add3A_828 = arith.addf %select_n3A_814, %gather3A_827 : vector<16xf32>
        %gather3A_829 = vector.shape_cast %broadcast_in_dim3A_819 : vector<16x1xi32> to vector<16xi32>
        %gather3A_830 = tpu.dynamic_gather %select_n3A_815[%gather3A_829] in [0] : vector<16xf32>, vector<16xi32> -> vector<16xf32>
        %add3A_831 = arith.addf %select_n3A_815, %gather3A_830 : vector<16xf32>
        %select_n3A_832 = arith.select %ne3A_825, %add3A_831, %add3A_828 : vector<16xi1>, vector<16xf32>
        %add3A_833 = arith.constant 0 : i32
        %add3A_834 = arith.addi %mul3A_311, %add3A_833 : i32
        %broadcast_in_dim3A_835 = vector.broadcast %add3A_834 : i32 to vector<16xi32>
        %add3A_836 = arith.addi %broadcast_in_dim3A_835, %iota3A : vector<16xi32>
        %add3A_837 = arith.constant 0 : i32
        %add3A_838 = vector.broadcast %add3A_837 : i32 to vector<16xi32>
        %add3A_839 = arith.addi %add3A_838, %iota3A : vector<16xi32>
        %lt3A_840 = arith.constant 50 : i32
        %lt3A_841 = vector.broadcast %lt3A_840 : i32 to vector<16xi32>
        %lt3A_842 = arith.cmpi slt, %add3A_839, %lt3A_841 : vector<16xi32>
        tpu.vector_store_idx %arg11[%add3A_836], %select_n3A_832 masked %lt3A_842 : memref<400xf32, #tpu.memory_space<vmem>>[vector<16xi32>], vector<16xf32>, vector<16xi1>
        %add3A_843 = arith.constant 16 : i32
        %add3A_844 = arith.addi %mul3A_311, %add3A_843 : i32
        %add3A_845 = arith.constant 0 : i32
        %add3A_846 = arith.addi %add3A_844, %add3A_845 : i32
        %get3A_847 = arith.index_cast %add3A_846 : i32 to index
        %get3A_848 = arith.constant 0 : index
        %get3A_849 = tpu.vector_load %arg10[%get3A_847, %get3A_848] {strides = array<i32>} : memref<416x64xf32, #tpu.memory_space<vmem>>, vector<16xf32>,
        %mul3A_850 = arith.mulf %get3A_849, %get3A_316 : vector<16xf32>
        %get3A_851 = arith.index_cast %add3A_846 : i32 to index
        %get3A_852 = arith.constant 16 : index
        %get3A_853 = tpu.vector_load %arg10[%get3A_851, %get3A_852] {strides = array<i32>} : memref<416x64xf32, #tpu.memory_space<vmem>>, vector<16xf32>,
        %mul3A_854 = arith.mulf %get3A_853, %get3A_319 : vector<16xf32>
        %add3A_855 = arith.addf %mul3A_850, %mul3A_854 : vector<16xf32>
        %get3A_856 = arith.index_cast %add3A_846 : i32 to index
        %get3A_857 = arith.constant 32 : index
        %get3A_858 = tpu.vector_load %arg10[%get3A_856, %get3A_857] {strides = array<i32>} : memref<416x64xf32, #tpu.memory_space<vmem>>, vector<16xf32>,
        %mul3A_859 = arith.mulf %get3A_858, %get3A_322 : vector<16xf32>
        %add3A_860 = arith.addf %add3A_855, %mul3A_859 : vector<16xf32>
        %get3A_861 = arith.index_cast %add3A_846 : i32 to index
        %get3A_862 = arith.constant 48 : index
        %get3A_863 = tpu.vector_load %arg10[%get3A_861, %get3A_862] {strides = array<i32>} : memref<416x64xf32, #tpu.memory_space<vmem>>, vector<16xf32>,
        %mul3A_864 = arith.mulf %get3A_863, %get3A_325 : vector<16xf32>
        %add3A_865 = arith.addf %add3A_860, %mul3A_864 : vector<16xf32>
        %add3A_866 = arith.constant 16 : i32
        %add3A_867 = arith.addi %mul3A_311, %add3A_866 : i32
        %add3A_868 = arith.constant 1 : i32
        %add3A_869 = arith.addi %add3A_867, %add3A_868 : i32
        %get3A_870 = arith.index_cast %add3A_869 : i32 to index
        %get3A_871 = arith.constant 0 : index
        %get3A_872 = tpu.vector_load %arg10[%get3A_870, %get3A_871] {strides = array<i32>} : memref<416x64xf32, #tpu.memory_space<vmem>>, vector<16xf32>,
        %mul3A_873 = arith.mulf %get3A_872, %get3A_316 : vector<16xf32>
        %get3A_874 = arith.index_cast %add3A_869 : i32 to index
        %get3A_875 = arith.constant 16 : index
        %get3A_876 = tpu.vector_load %arg10[%get3A_874, %get3A_875] {strides = array<i32>} : memref<416x64xf32, #tpu.memory_space<vmem>>, vector<16xf32>,
        %mul3A_877 = arith.mulf %get3A_876, %get3A_319 : vector<16xf32>
        %add3A_878 = arith.addf %mul3A_873, %mul3A_877 : vector<16xf32>
        %get3A_879 = arith.index_cast %add3A_869 : i32 to index
        %get3A_880 = arith.constant 32 : index
        %get3A_881 = tpu.vector_load %arg10[%get3A_879, %get3A_880] {strides = array<i32>} : memref<416x64xf32, #tpu.memory_space<vmem>>, vector<16xf32>,
        %mul3A_882 = arith.mulf %get3A_881, %get3A_322 : vector<16xf32>
        %add3A_883 = arith.addf %add3A_878, %mul3A_882 : vector<16xf32>
        %get3A_884 = arith.index_cast %add3A_869 : i32 to index
        %get3A_885 = arith.constant 48 : index
        %get3A_886 = tpu.vector_load %arg10[%get3A_884, %get3A_885] {strides = array<i32>} : memref<416x64xf32, #tpu.memory_space<vmem>>, vector<16xf32>,
        %mul3A_887 = arith.mulf %get3A_886, %get3A_325 : vector<16xf32>
        %add3A_888 = arith.addf %add3A_883, %mul3A_887 : vector<16xf32>
        %add3A_889 = arith.constant 16 : i32
        %add3A_890 = arith.addi %mul3A_311, %add3A_889 : i32
        %add3A_891 = arith.constant 2 : i32
        %add3A_892 = arith.addi %add3A_890, %add3A_891 : i32
        %get3A_893 = arith.index_cast %add3A_892 : i32 to index
        %get3A_894 = arith.constant 0 : index
        %get3A_895 = tpu.vector_load %arg10[%get3A_893, %get3A_894] {strides = array<i32>} : memref<416x64xf32, #tpu.memory_space<vmem>>, vector<16xf32>,
        %mul3A_896 = arith.mulf %get3A_895, %get3A_316 : vector<16xf32>
        %get3A_897 = arith.index_cast %add3A_892 : i32 to index
        %get3A_898 = arith.constant 16 : index
        %get3A_899 = tpu.vector_load %arg10[%get3A_897, %get3A_898] {strides = array<i32>} : memref<416x64xf32, #tpu.memory_space<vmem>>, vector<16xf32>,
        %mul3A_900 = arith.mulf %get3A_899, %get3A_319 : vector<16xf32>
        %add3A_901 = arith.addf %mul3A_896, %mul3A_900 : vector<16xf32>
        %get3A_902 = arith.index_cast %add3A_892 : i32 to index
        %get3A_903 = arith.constant 32 : index
        %get3A_904 = tpu.vector_load %arg10[%get3A_902, %get3A_903] {strides = array<i32>} : memref<416x64xf32, #tpu.memory_space<vmem>>, vector<16xf32>,
        %mul3A_905 = arith.mulf %get3A_904, %get3A_322 : vector<16xf32>
        %add3A_906 = arith.addf %add3A_901, %mul3A_905 : vector<16xf32>
        %get3A_907 = arith.index_cast %add3A_892 : i32 to index
        %get3A_908 = arith.constant 48 : index
        %get3A_909 = tpu.vector_load %arg10[%get3A_907, %get3A_908] {strides = array<i32>} : memref<416x64xf32, #tpu.memory_space<vmem>>, vector<16xf32>,
        %mul3A_910 = arith.mulf %get3A_909, %get3A_325 : vector<16xf32>
        %add3A_911 = arith.addf %add3A_906, %mul3A_910 : vector<16xf32>
        %add3A_912 = arith.constant 16 : i32
        %add3A_913 = arith.addi %mul3A_311, %add3A_912 : i32
        %add3A_914 = arith.constant 3 : i32
        %add3A_915 = arith.addi %add3A_913, %add3A_914 : i32
        %get3A_916 = arith.index_cast %add3A_915 : i32 to index
        %get3A_917 = arith.constant 0 : index
        %get3A_918 = tpu.vector_load %arg10[%get3A_916, %get3A_917] {strides = array<i32>} : memref<416x64xf32, #tpu.memory_space<vmem>>, vector<16xf32>,
        %mul3A_919 = arith.mulf %get3A_918, %get3A_316 : vector<16xf32>
        %get3A_920 = arith.index_cast %add3A_915 : i32 to index
        %get3A_921 = arith.constant 16 : index
        %get3A_922 = tpu.vector_load %arg10[%get3A_920, %get3A_921] {strides = array<i32>} : memref<416x64xf32, #tpu.memory_space<vmem>>, vector<16xf32>,
        %mul3A_923 = arith.mulf %get3A_922, %get3A_319 : vector<16xf32>
        %add3A_924 = arith.addf %mul3A_919, %mul3A_923 : vector<16xf32>
        %get3A_925 = arith.index_cast %add3A_915 : i32 to index
        %get3A_926 = arith.constant 32 : index
        %get3A_927 = tpu.vector_load %arg10[%get3A_925, %get3A_926] {strides = array<i32>} : memref<416x64xf32, #tpu.memory_space<vmem>>, vector<16xf32>,
        %mul3A_928 = arith.mulf %get3A_927, %get3A_322 : vector<16xf32>
        %add3A_929 = arith.addf %add3A_924, %mul3A_928 : vector<16xf32>
        %get3A_930 = arith.index_cast %add3A_915 : i32 to index
        %get3A_931 = arith.constant 48 : index
        %get3A_932 = tpu.vector_load %arg10[%get3A_930, %get3A_931] {strides = array<i32>} : memref<416x64xf32, #tpu.memory_space<vmem>>, vector<16xf32>,
        %mul3A_933 = arith.mulf %get3A_932, %get3A_325 : vector<16xf32>
        %add3A_934 = arith.addf %add3A_929, %mul3A_933 : vector<16xf32>
        %add3A_935 = arith.constant 16 : i32
        %add3A_936 = arith.addi %mul3A_311, %add3A_935 : i32
        %add3A_937 = arith.constant 4 : i32
        %add3A_938 = arith.addi %add3A_936, %add3A_937 : i32
        %get3A_939 = arith.index_cast %add3A_938 : i32 to index
        %get3A_940 = arith.constant 0 : index
        %get3A_941 = tpu.vector_load %arg10[%get3A_939, %get3A_940] {strides = array<i32>} : memref<416x64xf32, #tpu.memory_space<vmem>>, vector<16xf32>,
        %mul3A_942 = arith.mulf %get3A_941, %get3A_316 : vector<16xf32>
        %get3A_943 = arith.index_cast %add3A_938 : i32 to index
        %get3A_944 = arith.constant 16 : index
        %get3A_945 = tpu.vector_load %arg10[%get3A_943, %get3A_944] {strides = array<i32>} : memref<416x64xf32, #tpu.memory_space<vmem>>, vector<16xf32>,
        %mul3A_946 = arith.mulf %get3A_945, %get3A_319 : vector<16xf32>
        %add3A_947 = arith.addf %mul3A_942, %mul3A_946 : vector<16xf32>
        %get3A_948 = arith.index_cast %add3A_938 : i32 to index
        %get3A_949 = arith.constant 32 : index
        %get3A_950 = tpu.vector_load %arg10[%get3A_948, %get3A_949] {strides = array<i32>} : memref<416x64xf32, #tpu.memory_space<vmem>>, vector<16xf32>,
        %mul3A_951 = arith.mulf %get3A_950, %get3A_322 : vector<16xf32>
        %add3A_952 = arith.addf %add3A_947, %mul3A_951 : vector<16xf32>
        %get3A_953 = arith.index_cast %add3A_938 : i32 to index
        %get3A_954 = arith.constant 48 : index
        %get3A_955 = tpu.vector_load %arg10[%get3A_953, %get3A_954] {strides = array<i32>} : memref<416x64xf32, #tpu.memory_space<vmem>>, vector<16xf32>,
        %mul3A_956 = arith.mulf %get3A_955, %get3A_325 : vector<16xf32>
        %add3A_957 = arith.addf %add3A_952, %mul3A_956 : vector<16xf32>
        %add3A_958 = arith.constant 16 : i32
        %add3A_959 = arith.addi %mul3A_311, %add3A_958 : i32
        %add3A_960 = arith.constant 5 : i32
        %add3A_961 = arith.addi %add3A_959, %add3A_960 : i32
        %get3A_962 = arith.index_cast %add3A_961 : i32 to index
        %get3A_963 = arith.constant 0 : index
        %get3A_964 = tpu.vector_load %arg10[%get3A_962, %get3A_963] {strides = array<i32>} : memref<416x64xf32, #tpu.memory_space<vmem>>, vector<16xf32>,
        %mul3A_965 = arith.mulf %get3A_964, %get3A_316 : vector<16xf32>
        %get3A_966 = arith.index_cast %add3A_961 : i32 to index
        %get3A_967 = arith.constant 16 : index
        %get3A_968 = tpu.vector_load %arg10[%get3A_966, %get3A_967] {strides = array<i32>} : memref<416x64xf32, #tpu.memory_space<vmem>>, vector<16xf32>,
        %mul3A_969 = arith.mulf %get3A_968, %get3A_319 : vector<16xf32>
        %add3A_970 = arith.addf %mul3A_965, %mul3A_969 : vector<16xf32>
        %get3A_971 = arith.index_cast %add3A_961 : i32 to index
        %get3A_972 = arith.constant 32 : index
        %get3A_973 = tpu.vector_load %arg10[%get3A_971, %get3A_972] {strides = array<i32>} : memref<416x64xf32, #tpu.memory_space<vmem>>, vector<16xf32>,
        %mul3A_974 = arith.mulf %get3A_973, %get3A_322 : vector<16xf32>
        %add3A_975 = arith.addf %add3A_970, %mul3A_974 : vector<16xf32>
        %get3A_976 = arith.index_cast %add3A_961 : i32 to index
        %get3A_977 = arith.constant 48 : index
        %get3A_978 = tpu.vector_load %arg10[%get3A_976, %get3A_977] {strides = array<i32>} : memref<416x64xf32, #tpu.memory_space<vmem>>, vector<16xf32>,
        %mul3A_979 = arith.mulf %get3A_978, %get3A_325 : vector<16xf32>
        %add3A_980 = arith.addf %add3A_975, %mul3A_979 : vector<16xf32>
        %add3A_981 = arith.constant 16 : i32
        %add3A_982 = arith.addi %mul3A_311, %add3A_981 : i32
        %add3A_983 = arith.constant 6 : i32
        %add3A_984 = arith.addi %add3A_982, %add3A_983 : i32
        %get3A_985 = arith.index_cast %add3A_984 : i32 to index
        %get3A_986 = arith.constant 0 : index
        %get3A_987 = tpu.vector_load %arg10[%get3A_985, %get3A_986] {strides = array<i32>} : memref<416x64xf32, #tpu.memory_space<vmem>>, vector<16xf32>,
        %mul3A_988 = arith.mulf %get3A_987, %get3A_316 : vector<16xf32>
        %get3A_989 = arith.index_cast %add3A_984 : i32 to index
        %get3A_990 = arith.constant 16 : index
        %get3A_991 = tpu.vector_load %arg10[%get3A_989, %get3A_990] {strides = array<i32>} : memref<416x64xf32, #tpu.memory_space<vmem>>, vector<16xf32>,
        %mul3A_992 = arith.mulf %get3A_991, %get3A_319 : vector<16xf32>
        %add3A_993 = arith.addf %mul3A_988, %mul3A_992 : vector<16xf32>
        %get3A_994 = arith.index_cast %add3A_984 : i32 to index
        %get3A_995 = arith.constant 32 : index
        %get3A_996 = tpu.vector_load %arg10[%get3A_994, %get3A_995] {strides = array<i32>} : memref<416x64xf32, #tpu.memory_space<vmem>>, vector<16xf32>,
        %mul3A_997 = arith.mulf %get3A_996, %get3A_322 : vector<16xf32>
        %add3A_998 = arith.addf %add3A_993, %mul3A_997 : vector<16xf32>
        %get3A_999 = arith.index_cast %add3A_984 : i32 to index
        %get3A_1000 = arith.constant 48 : index
        %get3A_1001 = tpu.vector_load %arg10[%get3A_999, %get3A_1000] {strides = array<i32>} : memref<416x64xf32, #tpu.memory_space<vmem>>, vector<16xf32>,
        %mul3A_1002 = arith.mulf %get3A_1001, %get3A_325 : vector<16xf32>
        %add3A_1003 = arith.addf %add3A_998, %mul3A_1002 : vector<16xf32>
        %add3A_1004 = arith.constant 16 : i32
        %add3A_1005 = arith.addi %mul3A_311, %add3A_1004 : i32
        %add3A_1006 = arith.constant 7 : i32
        %add3A_1007 = arith.addi %add3A_1005, %add3A_1006 : i32
        %get3A_1008 = arith.index_cast %add3A_1007 : i32 to index
        %get3A_1009 = arith.constant 0 : index
        %get3A_1010 = tpu.vector_load %arg10[%get3A_1008, %get3A_1009] {strides = array<i32>} : memref<416x64xf32, #tpu.memory_space<vmem>>, vector<16xf32>,
        %mul3A_1011 = arith.mulf %get3A_1010, %get3A_316 : vector<16xf32>
        %get3A_1012 = arith.index_cast %add3A_1007 : i32 to index
        %get3A_1013 = arith.constant 16 : index
        %get3A_1014 = tpu.vector_load %arg10[%get3A_1012, %get3A_1013] {strides = array<i32>} : memref<416x64xf32, #tpu.memory_space<vmem>>, vector<16xf32>,
        %mul3A_1015 = arith.mulf %get3A_1014, %get3A_319 : vector<16xf32>
        %add3A_1016 = arith.addf %mul3A_1011, %mul3A_1015 : vector<16xf32>
        %get3A_1017 = arith.index_cast %add3A_1007 : i32 to index
        %get3A_1018 = arith.constant 32 : index
        %get3A_1019 = tpu.vector_load %arg10[%get3A_1017, %get3A_1018] {strides = array<i32>} : memref<416x64xf32, #tpu.memory_space<vmem>>, vector<16xf32>,
        %mul3A_1020 = arith.mulf %get3A_1019, %get3A_322 : vector<16xf32>
        %add3A_1021 = arith.addf %add3A_1016, %mul3A_1020 : vector<16xf32>
        %get3A_1022 = arith.index_cast %add3A_1007 : i32 to index
        %get3A_1023 = arith.constant 48 : index
        %get3A_1024 = tpu.vector_load %arg10[%get3A_1022, %get3A_1023] {strides = array<i32>} : memref<416x64xf32, #tpu.memory_space<vmem>>, vector<16xf32>,
        %mul3A_1025 = arith.mulf %get3A_1024, %get3A_325 : vector<16xf32>
        %add3A_1026 = arith.addf %add3A_1021, %mul3A_1025 : vector<16xf32>
        %add3A_1027 = arith.constant 16 : i32
        %add3A_1028 = arith.addi %mul3A_311, %add3A_1027 : i32
        %add3A_1029 = arith.constant 8 : i32
        %add3A_1030 = arith.addi %add3A_1028, %add3A_1029 : i32
        %get3A_1031 = arith.index_cast %add3A_1030 : i32 to index
        %get3A_1032 = arith.constant 0 : index
        %get3A_1033 = tpu.vector_load %arg10[%get3A_1031, %get3A_1032] {strides = array<i32>} : memref<416x64xf32, #tpu.memory_space<vmem>>, vector<16xf32>,
        %mul3A_1034 = arith.mulf %get3A_1033, %get3A_316 : vector<16xf32>
        %get3A_1035 = arith.index_cast %add3A_1030 : i32 to index
        %get3A_1036 = arith.constant 16 : index
        %get3A_1037 = tpu.vector_load %arg10[%get3A_1035, %get3A_1036] {strides = array<i32>} : memref<416x64xf32, #tpu.memory_space<vmem>>, vector<16xf32>,
        %mul3A_1038 = arith.mulf %get3A_1037, %get3A_319 : vector<16xf32>
        %add3A_1039 = arith.addf %mul3A_1034, %mul3A_1038 : vector<16xf32>
        %get3A_1040 = arith.index_cast %add3A_1030 : i32 to index
        %get3A_1041 = arith.constant 32 : index
        %get3A_1042 = tpu.vector_load %arg10[%get3A_1040, %get3A_1041] {strides = array<i32>} : memref<416x64xf32, #tpu.memory_space<vmem>>, vector<16xf32>,
        %mul3A_1043 = arith.mulf %get3A_1042, %get3A_322 : vector<16xf32>
        %add3A_1044 = arith.addf %add3A_1039, %mul3A_1043 : vector<16xf32>
        %get3A_1045 = arith.index_cast %add3A_1030 : i32 to index
        %get3A_1046 = arith.constant 48 : index
        %get3A_1047 = tpu.vector_load %arg10[%get3A_1045, %get3A_1046] {strides = array<i32>} : memref<416x64xf32, #tpu.memory_space<vmem>>, vector<16xf32>,
        %mul3A_1048 = arith.mulf %get3A_1047, %get3A_325 : vector<16xf32>
        %add3A_1049 = arith.addf %add3A_1044, %mul3A_1048 : vector<16xf32>
        %add3A_1050 = arith.constant 16 : i32
        %add3A_1051 = arith.addi %mul3A_311, %add3A_1050 : i32
        %add3A_1052 = arith.constant 9 : i32
        %add3A_1053 = arith.addi %add3A_1051, %add3A_1052 : i32
        %get3A_1054 = arith.index_cast %add3A_1053 : i32 to index
        %get3A_1055 = arith.constant 0 : index
        %get3A_1056 = tpu.vector_load %arg10[%get3A_1054, %get3A_1055] {strides = array<i32>} : memref<416x64xf32, #tpu.memory_space<vmem>>, vector<16xf32>,
        %mul3A_1057 = arith.mulf %get3A_1056, %get3A_316 : vector<16xf32>
        %get3A_1058 = arith.index_cast %add3A_1053 : i32 to index
        %get3A_1059 = arith.constant 16 : index
        %get3A_1060 = tpu.vector_load %arg10[%get3A_1058, %get3A_1059] {strides = array<i32>} : memref<416x64xf32, #tpu.memory_space<vmem>>, vector<16xf32>,
        %mul3A_1061 = arith.mulf %get3A_1060, %get3A_319 : vector<16xf32>
        %add3A_1062 = arith.addf %mul3A_1057, %mul3A_1061 : vector<16xf32>
        %get3A_1063 = arith.index_cast %add3A_1053 : i32 to index
        %get3A_1064 = arith.constant 32 : index
        %get3A_1065 = tpu.vector_load %arg10[%get3A_1063, %get3A_1064] {strides = array<i32>} : memref<416x64xf32, #tpu.memory_space<vmem>>, vector<16xf32>,
        %mul3A_1066 = arith.mulf %get3A_1065, %get3A_322 : vector<16xf32>
        %add3A_1067 = arith.addf %add3A_1062, %mul3A_1066 : vector<16xf32>
        %get3A_1068 = arith.index_cast %add3A_1053 : i32 to index
        %get3A_1069 = arith.constant 48 : index
        %get3A_1070 = tpu.vector_load %arg10[%get3A_1068, %get3A_1069] {strides = array<i32>} : memref<416x64xf32, #tpu.memory_space<vmem>>, vector<16xf32>,
        %mul3A_1071 = arith.mulf %get3A_1070, %get3A_325 : vector<16xf32>
        %add3A_1072 = arith.addf %add3A_1067, %mul3A_1071 : vector<16xf32>
        %add3A_1073 = arith.constant 16 : i32
        %add3A_1074 = arith.addi %mul3A_311, %add3A_1073 : i32
        %add3A_1075 = arith.constant 10 : i32
        %add3A_1076 = arith.addi %add3A_1074, %add3A_1075 : i32
        %get3A_1077 = arith.index_cast %add3A_1076 : i32 to index
        %get3A_1078 = arith.constant 0 : index
        %get3A_1079 = tpu.vector_load %arg10[%get3A_1077, %get3A_1078] {strides = array<i32>} : memref<416x64xf32, #tpu.memory_space<vmem>>, vector<16xf32>,
        %mul3A_1080 = arith.mulf %get3A_1079, %get3A_316 : vector<16xf32>
        %get3A_1081 = arith.index_cast %add3A_1076 : i32 to index
        %get3A_1082 = arith.constant 16 : index
        %get3A_1083 = tpu.vector_load %arg10[%get3A_1081, %get3A_1082] {strides = array<i32>} : memref<416x64xf32, #tpu.memory_space<vmem>>, vector<16xf32>,
        %mul3A_1084 = arith.mulf %get3A_1083, %get3A_319 : vector<16xf32>
        %add3A_1085 = arith.addf %mul3A_1080, %mul3A_1084 : vector<16xf32>
        %get3A_1086 = arith.index_cast %add3A_1076 : i32 to index
        %get3A_1087 = arith.constant 32 : index
        %get3A_1088 = tpu.vector_load %arg10[%get3A_1086, %get3A_1087] {strides = array<i32>} : memref<416x64xf32, #tpu.memory_space<vmem>>, vector<16xf32>,
        %mul3A_1089 = arith.mulf %get3A_1088, %get3A_322 : vector<16xf32>
        %add3A_1090 = arith.addf %add3A_1085, %mul3A_1089 : vector<16xf32>
        %get3A_1091 = arith.index_cast %add3A_1076 : i32 to index
        %get3A_1092 = arith.constant 48 : index
        %get3A_1093 = tpu.vector_load %arg10[%get3A_1091, %get3A_1092] {strides = array<i32>} : memref<416x64xf32, #tpu.memory_space<vmem>>, vector<16xf32>,
        %mul3A_1094 = arith.mulf %get3A_1093, %get3A_325 : vector<16xf32>
        %add3A_1095 = arith.addf %add3A_1090, %mul3A_1094 : vector<16xf32>
        %add3A_1096 = arith.constant 16 : i32
        %add3A_1097 = arith.addi %mul3A_311, %add3A_1096 : i32
        %add3A_1098 = arith.constant 11 : i32
        %add3A_1099 = arith.addi %add3A_1097, %add3A_1098 : i32
        %get3A_1100 = arith.index_cast %add3A_1099 : i32 to index
        %get3A_1101 = arith.constant 0 : index
        %get3A_1102 = tpu.vector_load %arg10[%get3A_1100, %get3A_1101] {strides = array<i32>} : memref<416x64xf32, #tpu.memory_space<vmem>>, vector<16xf32>,
        %mul3A_1103 = arith.mulf %get3A_1102, %get3A_316 : vector<16xf32>
        %get3A_1104 = arith.index_cast %add3A_1099 : i32 to index
        %get3A_1105 = arith.constant 16 : index
        %get3A_1106 = tpu.vector_load %arg10[%get3A_1104, %get3A_1105] {strides = array<i32>} : memref<416x64xf32, #tpu.memory_space<vmem>>, vector<16xf32>,
        %mul3A_1107 = arith.mulf %get3A_1106, %get3A_319 : vector<16xf32>
        %add3A_1108 = arith.addf %mul3A_1103, %mul3A_1107 : vector<16xf32>
        %get3A_1109 = arith.index_cast %add3A_1099 : i32 to index
        %get3A_1110 = arith.constant 32 : index
        %get3A_1111 = tpu.vector_load %arg10[%get3A_1109, %get3A_1110] {strides = array<i32>} : memref<416x64xf32, #tpu.memory_space<vmem>>, vector<16xf32>,
        %mul3A_1112 = arith.mulf %get3A_1111, %get3A_322 : vector<16xf32>
        %add3A_1113 = arith.addf %add3A_1108, %mul3A_1112 : vector<16xf32>
        %get3A_1114 = arith.index_cast %add3A_1099 : i32 to index
        %get3A_1115 = arith.constant 48 : index
        %get3A_1116 = tpu.vector_load %arg10[%get3A_1114, %get3A_1115] {strides = array<i32>} : memref<416x64xf32, #tpu.memory_space<vmem>>, vector<16xf32>,
        %mul3A_1117 = arith.mulf %get3A_1116, %get3A_325 : vector<16xf32>
        %add3A_1118 = arith.addf %add3A_1113, %mul3A_1117 : vector<16xf32>
        %add3A_1119 = arith.constant 16 : i32
        %add3A_1120 = arith.addi %mul3A_311, %add3A_1119 : i32
        %add3A_1121 = arith.constant 12 : i32
        %add3A_1122 = arith.addi %add3A_1120, %add3A_1121 : i32
        %get3A_1123 = arith.index_cast %add3A_1122 : i32 to index
        %get3A_1124 = arith.constant 0 : index
        %get3A_1125 = tpu.vector_load %arg10[%get3A_1123, %get3A_1124] {strides = array<i32>} : memref<416x64xf32, #tpu.memory_space<vmem>>, vector<16xf32>,
        %mul3A_1126 = arith.mulf %get3A_1125, %get3A_316 : vector<16xf32>
        %get3A_1127 = arith.index_cast %add3A_1122 : i32 to index
        %get3A_1128 = arith.constant 16 : index
        %get3A_1129 = tpu.vector_load %arg10[%get3A_1127, %get3A_1128] {strides = array<i32>} : memref<416x64xf32, #tpu.memory_space<vmem>>, vector<16xf32>,
        %mul3A_1130 = arith.mulf %get3A_1129, %get3A_319 : vector<16xf32>
        %add3A_1131 = arith.addf %mul3A_1126, %mul3A_1130 : vector<16xf32>
        %get3A_1132 = arith.index_cast %add3A_1122 : i32 to index
        %get3A_1133 = arith.constant 32 : index
        %get3A_1134 = tpu.vector_load %arg10[%get3A_1132, %get3A_1133] {strides = array<i32>} : memref<416x64xf32, #tpu.memory_space<vmem>>, vector<16xf32>,
        %mul3A_1135 = arith.mulf %get3A_1134, %get3A_322 : vector<16xf32>
        %add3A_1136 = arith.addf %add3A_1131, %mul3A_1135 : vector<16xf32>
        %get3A_1137 = arith.index_cast %add3A_1122 : i32 to index
        %get3A_1138 = arith.constant 48 : index
        %get3A_1139 = tpu.vector_load %arg10[%get3A_1137, %get3A_1138] {strides = array<i32>} : memref<416x64xf32, #tpu.memory_space<vmem>>, vector<16xf32>,
        %mul3A_1140 = arith.mulf %get3A_1139, %get3A_325 : vector<16xf32>
        %add3A_1141 = arith.addf %add3A_1136, %mul3A_1140 : vector<16xf32>
        %add3A_1142 = arith.constant 16 : i32
        %add3A_1143 = arith.addi %mul3A_311, %add3A_1142 : i32
        %add3A_1144 = arith.constant 13 : i32
        %add3A_1145 = arith.addi %add3A_1143, %add3A_1144 : i32
        %get3A_1146 = arith.index_cast %add3A_1145 : i32 to index
        %get3A_1147 = arith.constant 0 : index
        %get3A_1148 = tpu.vector_load %arg10[%get3A_1146, %get3A_1147] {strides = array<i32>} : memref<416x64xf32, #tpu.memory_space<vmem>>, vector<16xf32>,
        %mul3A_1149 = arith.mulf %get3A_1148, %get3A_316 : vector<16xf32>
        %get3A_1150 = arith.index_cast %add3A_1145 : i32 to index
        %get3A_1151 = arith.constant 16 : index
        %get3A_1152 = tpu.vector_load %arg10[%get3A_1150, %get3A_1151] {strides = array<i32>} : memref<416x64xf32, #tpu.memory_space<vmem>>, vector<16xf32>,
        %mul3A_1153 = arith.mulf %get3A_1152, %get3A_319 : vector<16xf32>
        %add3A_1154 = arith.addf %mul3A_1149, %mul3A_1153 : vector<16xf32>
        %get3A_1155 = arith.index_cast %add3A_1145 : i32 to index
        %get3A_1156 = arith.constant 32 : index
        %get3A_1157 = tpu.vector_load %arg10[%get3A_1155, %get3A_1156] {strides = array<i32>} : memref<416x64xf32, #tpu.memory_space<vmem>>, vector<16xf32>,
        %mul3A_1158 = arith.mulf %get3A_1157, %get3A_322 : vector<16xf32>
        %add3A_1159 = arith.addf %add3A_1154, %mul3A_1158 : vector<16xf32>
        %get3A_1160 = arith.index_cast %add3A_1145 : i32 to index
        %get3A_1161 = arith.constant 48 : index
        %get3A_1162 = tpu.vector_load %arg10[%get3A_1160, %get3A_1161] {strides = array<i32>} : memref<416x64xf32, #tpu.memory_space<vmem>>, vector<16xf32>,
        %mul3A_1163 = arith.mulf %get3A_1162, %get3A_325 : vector<16xf32>
        %add3A_1164 = arith.addf %add3A_1159, %mul3A_1163 : vector<16xf32>
        %add3A_1165 = arith.constant 16 : i32
        %add3A_1166 = arith.addi %mul3A_311, %add3A_1165 : i32
        %add3A_1167 = arith.constant 14 : i32
        %add3A_1168 = arith.addi %add3A_1166, %add3A_1167 : i32
        %get3A_1169 = arith.index_cast %add3A_1168 : i32 to index
        %get3A_1170 = arith.constant 0 : index
        %get3A_1171 = tpu.vector_load %arg10[%get3A_1169, %get3A_1170] {strides = array<i32>} : memref<416x64xf32, #tpu.memory_space<vmem>>, vector<16xf32>,
        %mul3A_1172 = arith.mulf %get3A_1171, %get3A_316 : vector<16xf32>
        %get3A_1173 = arith.index_cast %add3A_1168 : i32 to index
        %get3A_1174 = arith.constant 16 : index
        %get3A_1175 = tpu.vector_load %arg10[%get3A_1173, %get3A_1174] {strides = array<i32>} : memref<416x64xf32, #tpu.memory_space<vmem>>, vector<16xf32>,
        %mul3A_1176 = arith.mulf %get3A_1175, %get3A_319 : vector<16xf32>
        %add3A_1177 = arith.addf %mul3A_1172, %mul3A_1176 : vector<16xf32>
        %get3A_1178 = arith.index_cast %add3A_1168 : i32 to index
        %get3A_1179 = arith.constant 32 : index
        %get3A_1180 = tpu.vector_load %arg10[%get3A_1178, %get3A_1179] {strides = array<i32>} : memref<416x64xf32, #tpu.memory_space<vmem>>, vector<16xf32>,
        %mul3A_1181 = arith.mulf %get3A_1180, %get3A_322 : vector<16xf32>
        %add3A_1182 = arith.addf %add3A_1177, %mul3A_1181 : vector<16xf32>
        %get3A_1183 = arith.index_cast %add3A_1168 : i32 to index
        %get3A_1184 = arith.constant 48 : index
        %get3A_1185 = tpu.vector_load %arg10[%get3A_1183, %get3A_1184] {strides = array<i32>} : memref<416x64xf32, #tpu.memory_space<vmem>>, vector<16xf32>,
        %mul3A_1186 = arith.mulf %get3A_1185, %get3A_325 : vector<16xf32>
        %add3A_1187 = arith.addf %add3A_1182, %mul3A_1186 : vector<16xf32>
        %add3A_1188 = arith.constant 16 : i32
        %add3A_1189 = arith.addi %mul3A_311, %add3A_1188 : i32
        %add3A_1190 = arith.constant 15 : i32
        %add3A_1191 = arith.addi %add3A_1189, %add3A_1190 : i32
        %get3A_1192 = arith.index_cast %add3A_1191 : i32 to index
        %get3A_1193 = arith.constant 0 : index
        %get3A_1194 = tpu.vector_load %arg10[%get3A_1192, %get3A_1193] {strides = array<i32>} : memref<416x64xf32, #tpu.memory_space<vmem>>, vector<16xf32>,
        %mul3A_1195 = arith.mulf %get3A_1194, %get3A_316 : vector<16xf32>
        %get3A_1196 = arith.index_cast %add3A_1191 : i32 to index
        %get3A_1197 = arith.constant 16 : index
        %get3A_1198 = tpu.vector_load %arg10[%get3A_1196, %get3A_1197] {strides = array<i32>} : memref<416x64xf32, #tpu.memory_space<vmem>>, vector<16xf32>,
        %mul3A_1199 = arith.mulf %get3A_1198, %get3A_319 : vector<16xf32>
        %add3A_1200 = arith.addf %mul3A_1195, %mul3A_1199 : vector<16xf32>
        %get3A_1201 = arith.index_cast %add3A_1191 : i32 to index
        %get3A_1202 = arith.constant 32 : index
        %get3A_1203 = tpu.vector_load %arg10[%get3A_1201, %get3A_1202] {strides = array<i32>} : memref<416x64xf32, #tpu.memory_space<vmem>>, vector<16xf32>,
        %mul3A_1204 = arith.mulf %get3A_1203, %get3A_322 : vector<16xf32>
        %add3A_1205 = arith.addf %add3A_1200, %mul3A_1204 : vector<16xf32>
        %get3A_1206 = arith.index_cast %add3A_1191 : i32 to index
        %get3A_1207 = arith.constant 48 : index
        %get3A_1208 = tpu.vector_load %arg10[%get3A_1206, %get3A_1207] {strides = array<i32>} : memref<416x64xf32, #tpu.memory_space<vmem>>, vector<16xf32>,
        %mul3A_1209 = arith.mulf %get3A_1208, %get3A_325 : vector<16xf32>
        %add3A_1210 = arith.addf %add3A_1205, %mul3A_1209 : vector<16xf32>
        %xor3A_1211 = arith.constant 1 : i32
        %xor3A_1212 = vector.broadcast %xor3A_1211 : i32 to vector<16xi32>
        %xor3A_1213 = arith.xori %iota3A, %xor3A_1212 : vector<16xi32>
        %broadcast_in_dim3A_1214 = vector.shape_cast %xor3A_1213 : vector<16xi32> to vector<16x1xi32>
        %and3A_1215 = arith.constant 1 : i32
        %and3A_1216 = vector.broadcast %and3A_1215 : i32 to vector<16xi32>
        %and3A_1217 = arith.andi %iota3A, %and3A_1216 : vector<16xi32>
        %ne3A_1218 = arith.constant 0 : i32
        %ne3A_1219 = vector.broadcast %ne3A_1218 : i32 to vector<16xi32>
        %ne3A_1220 = arith.cmpi ne, %and3A_1217, %ne3A_1219 : vector<16xi32>
        %gather3A_1221 = vector.shape_cast %broadcast_in_dim3A_1214 : vector<16x1xi32> to vector<16xi32>
        %gather3A_1222 = tpu.dynamic_gather %add3A_865[%gather3A_1221] in [0] : vector<16xf32>, vector<16xi32> -> vector<16xf32>
        %add3A_1223 = arith.addf %add3A_865, %gather3A_1222 : vector<16xf32>
        %gather3A_1224 = vector.shape_cast %broadcast_in_dim3A_1214 : vector<16x1xi32> to vector<16xi32>
        %gather3A_1225 = tpu.dynamic_gather %add3A_888[%gather3A_1224] in [0] : vector<16xf32>, vector<16xi32> -> vector<16xf32>
        %add3A_1226 = arith.addf %add3A_888, %gather3A_1225 : vector<16xf32>
        %gather3A_1227 = vector.shape_cast %broadcast_in_dim3A_1214 : vector<16x1xi32> to vector<16xi32>
        %gather3A_1228 = tpu.dynamic_gather %add3A_911[%gather3A_1227] in [0] : vector<16xf32>, vector<16xi32> -> vector<16xf32>
        %add3A_1229 = arith.addf %add3A_911, %gather3A_1228 : vector<16xf32>
        %gather3A_1230 = vector.shape_cast %broadcast_in_dim3A_1214 : vector<16x1xi32> to vector<16xi32>
        %gather3A_1231 = tpu.dynamic_gather %add3A_934[%gather3A_1230] in [0] : vector<16xf32>, vector<16xi32> -> vector<16xf32>
        %add3A_1232 = arith.addf %add3A_934, %gather3A_1231 : vector<16xf32>
        %gather3A_1233 = vector.shape_cast %broadcast_in_dim3A_1214 : vector<16x1xi32> to vector<16xi32>
        %gather3A_1234 = tpu.dynamic_gather %add3A_957[%gather3A_1233] in [0] : vector<16xf32>, vector<16xi32> -> vector<16xf32>
        %add3A_1235 = arith.addf %add3A_957, %gather3A_1234 : vector<16xf32>
        %gather3A_1236 = vector.shape_cast %broadcast_in_dim3A_1214 : vector<16x1xi32> to vector<16xi32>
        %gather3A_1237 = tpu.dynamic_gather %add3A_980[%gather3A_1236] in [0] : vector<16xf32>, vector<16xi32> -> vector<16xf32>
        %add3A_1238 = arith.addf %add3A_980, %gather3A_1237 : vector<16xf32>
        %gather3A_1239 = vector.shape_cast %broadcast_in_dim3A_1214 : vector<16x1xi32> to vector<16xi32>
        %gather3A_1240 = tpu.dynamic_gather %add3A_1003[%gather3A_1239] in [0] : vector<16xf32>, vector<16xi32> -> vector<16xf32>
        %add3A_1241 = arith.addf %add3A_1003, %gather3A_1240 : vector<16xf32>
        %gather3A_1242 = vector.shape_cast %broadcast_in_dim3A_1214 : vector<16x1xi32> to vector<16xi32>
        %gather3A_1243 = tpu.dynamic_gather %add3A_1026[%gather3A_1242] in [0] : vector<16xf32>, vector<16xi32> -> vector<16xf32>
        %add3A_1244 = arith.addf %add3A_1026, %gather3A_1243 : vector<16xf32>
        %gather3A_1245 = vector.shape_cast %broadcast_in_dim3A_1214 : vector<16x1xi32> to vector<16xi32>
        %gather3A_1246 = tpu.dynamic_gather %add3A_1049[%gather3A_1245] in [0] : vector<16xf32>, vector<16xi32> -> vector<16xf32>
        %add3A_1247 = arith.addf %add3A_1049, %gather3A_1246 : vector<16xf32>
        %gather3A_1248 = vector.shape_cast %broadcast_in_dim3A_1214 : vector<16x1xi32> to vector<16xi32>
        %gather3A_1249 = tpu.dynamic_gather %add3A_1072[%gather3A_1248] in [0] : vector<16xf32>, vector<16xi32> -> vector<16xf32>
        %add3A_1250 = arith.addf %add3A_1072, %gather3A_1249 : vector<16xf32>
        %gather3A_1251 = vector.shape_cast %broadcast_in_dim3A_1214 : vector<16x1xi32> to vector<16xi32>
        %gather3A_1252 = tpu.dynamic_gather %add3A_1095[%gather3A_1251] in [0] : vector<16xf32>, vector<16xi32> -> vector<16xf32>
        %add3A_1253 = arith.addf %add3A_1095, %gather3A_1252 : vector<16xf32>
        %gather3A_1254 = vector.shape_cast %broadcast_in_dim3A_1214 : vector<16x1xi32> to vector<16xi32>
        %gather3A_1255 = tpu.dynamic_gather %add3A_1118[%gather3A_1254] in [0] : vector<16xf32>, vector<16xi32> -> vector<16xf32>
        %add3A_1256 = arith.addf %add3A_1118, %gather3A_1255 : vector<16xf32>
        %gather3A_1257 = vector.shape_cast %broadcast_in_dim3A_1214 : vector<16x1xi32> to vector<16xi32>
        %gather3A_1258 = tpu.dynamic_gather %add3A_1141[%gather3A_1257] in [0] : vector<16xf32>, vector<16xi32> -> vector<16xf32>
        %add3A_1259 = arith.addf %add3A_1141, %gather3A_1258 : vector<16xf32>
        %gather3A_1260 = vector.shape_cast %broadcast_in_dim3A_1214 : vector<16x1xi32> to vector<16xi32>
        %gather3A_1261 = tpu.dynamic_gather %add3A_1164[%gather3A_1260] in [0] : vector<16xf32>, vector<16xi32> -> vector<16xf32>
        %add3A_1262 = arith.addf %add3A_1164, %gather3A_1261 : vector<16xf32>
        %gather3A_1263 = vector.shape_cast %broadcast_in_dim3A_1214 : vector<16x1xi32> to vector<16xi32>
        %gather3A_1264 = tpu.dynamic_gather %add3A_1187[%gather3A_1263] in [0] : vector<16xf32>, vector<16xi32> -> vector<16xf32>
        %add3A_1265 = arith.addf %add3A_1187, %gather3A_1264 : vector<16xf32>
        %gather3A_1266 = vector.shape_cast %broadcast_in_dim3A_1214 : vector<16x1xi32> to vector<16xi32>
        %gather3A_1267 = tpu.dynamic_gather %add3A_1210[%gather3A_1266] in [0] : vector<16xf32>, vector<16xi32> -> vector<16xf32>
        %add3A_1268 = arith.addf %add3A_1210, %gather3A_1267 : vector<16xf32>
        %select_n3A_1269 = arith.select %ne3A_1220, %add3A_1226, %add3A_1223 : vector<16xi1>, vector<16xf32>
        %select_n3A_1270 = arith.select %ne3A_1220, %add3A_1232, %add3A_1229 : vector<16xi1>, vector<16xf32>
        %select_n3A_1271 = arith.select %ne3A_1220, %add3A_1238, %add3A_1235 : vector<16xi1>, vector<16xf32>
        %select_n3A_1272 = arith.select %ne3A_1220, %add3A_1244, %add3A_1241 : vector<16xi1>, vector<16xf32>
        %select_n3A_1273 = arith.select %ne3A_1220, %add3A_1250, %add3A_1247 : vector<16xi1>, vector<16xf32>
        %select_n3A_1274 = arith.select %ne3A_1220, %add3A_1256, %add3A_1253 : vector<16xi1>, vector<16xf32>
        %select_n3A_1275 = arith.select %ne3A_1220, %add3A_1262, %add3A_1259 : vector<16xi1>, vector<16xf32>
        %select_n3A_1276 = arith.select %ne3A_1220, %add3A_1268, %add3A_1265 : vector<16xi1>, vector<16xf32>
        %xor3A_1277 = arith.constant 2 : i32
        %xor3A_1278 = vector.broadcast %xor3A_1277 : i32 to vector<16xi32>
        %xor3A_1279 = arith.xori %iota3A, %xor3A_1278 : vector<16xi32>
        %broadcast_in_dim3A_1280 = vector.shape_cast %xor3A_1279 : vector<16xi32> to vector<16x1xi32>
        %and3A_1281 = arith.constant 2 : i32
        %and3A_1282 = vector.broadcast %and3A_1281 : i32 to vector<16xi32>
        %and3A_1283 = arith.andi %iota3A, %and3A_1282 : vector<16xi32>
        %ne3A_1284 = arith.constant 0 : i32
        %ne3A_1285 = vector.broadcast %ne3A_1284 : i32 to vector<16xi32>
        %ne3A_1286 = arith.cmpi ne, %and3A_1283, %ne3A_1285 : vector<16xi32>
        %gather3A_1287 = vector.shape_cast %broadcast_in_dim3A_1280 : vector<16x1xi32> to vector<16xi32>
        %gather3A_1288 = tpu.dynamic_gather %select_n3A_1269[%gather3A_1287] in [0] : vector<16xf32>, vector<16xi32> -> vector<16xf32>
        %add3A_1289 = arith.addf %select_n3A_1269, %gather3A_1288 : vector<16xf32>
        %gather3A_1290 = vector.shape_cast %broadcast_in_dim3A_1280 : vector<16x1xi32> to vector<16xi32>
        %gather3A_1291 = tpu.dynamic_gather %select_n3A_1270[%gather3A_1290] in [0] : vector<16xf32>, vector<16xi32> -> vector<16xf32>
        %add3A_1292 = arith.addf %select_n3A_1270, %gather3A_1291 : vector<16xf32>
        %gather3A_1293 = vector.shape_cast %broadcast_in_dim3A_1280 : vector<16x1xi32> to vector<16xi32>
        %gather3A_1294 = tpu.dynamic_gather %select_n3A_1271[%gather3A_1293] in [0] : vector<16xf32>, vector<16xi32> -> vector<16xf32>
        %add3A_1295 = arith.addf %select_n3A_1271, %gather3A_1294 : vector<16xf32>
        %gather3A_1296 = vector.shape_cast %broadcast_in_dim3A_1280 : vector<16x1xi32> to vector<16xi32>
        %gather3A_1297 = tpu.dynamic_gather %select_n3A_1272[%gather3A_1296] in [0] : vector<16xf32>, vector<16xi32> -> vector<16xf32>
        %add3A_1298 = arith.addf %select_n3A_1272, %gather3A_1297 : vector<16xf32>
        %gather3A_1299 = vector.shape_cast %broadcast_in_dim3A_1280 : vector<16x1xi32> to vector<16xi32>
        %gather3A_1300 = tpu.dynamic_gather %select_n3A_1273[%gather3A_1299] in [0] : vector<16xf32>, vector<16xi32> -> vector<16xf32>
        %add3A_1301 = arith.addf %select_n3A_1273, %gather3A_1300 : vector<16xf32>
        %gather3A_1302 = vector.shape_cast %broadcast_in_dim3A_1280 : vector<16x1xi32> to vector<16xi32>
        %gather3A_1303 = tpu.dynamic_gather %select_n3A_1274[%gather3A_1302] in [0] : vector<16xf32>, vector<16xi32> -> vector<16xf32>
        %add3A_1304 = arith.addf %select_n3A_1274, %gather3A_1303 : vector<16xf32>
        %gather3A_1305 = vector.shape_cast %broadcast_in_dim3A_1280 : vector<16x1xi32> to vector<16xi32>
        %gather3A_1306 = tpu.dynamic_gather %select_n3A_1275[%gather3A_1305] in [0] : vector<16xf32>, vector<16xi32> -> vector<16xf32>
        %add3A_1307 = arith.addf %select_n3A_1275, %gather3A_1306 : vector<16xf32>
        %gather3A_1308 = vector.shape_cast %broadcast_in_dim3A_1280 : vector<16x1xi32> to vector<16xi32>
        %gather3A_1309 = tpu.dynamic_gather %select_n3A_1276[%gather3A_1308] in [0] : vector<16xf32>, vector<16xi32> -> vector<16xf32>
        %add3A_1310 = arith.addf %select_n3A_1276, %gather3A_1309 : vector<16xf32>
        %select_n3A_1311 = arith.select %ne3A_1286, %add3A_1292, %add3A_1289 : vector<16xi1>, vector<16xf32>
        %select_n3A_1312 = arith.select %ne3A_1286, %add3A_1298, %add3A_1295 : vector<16xi1>, vector<16xf32>
        %select_n3A_1313 = arith.select %ne3A_1286, %add3A_1304, %add3A_1301 : vector<16xi1>, vector<16xf32>
        %select_n3A_1314 = arith.select %ne3A_1286, %add3A_1310, %add3A_1307 : vector<16xi1>, vector<16xf32>
        %xor3A_1315 = arith.constant 4 : i32
        %xor3A_1316 = vector.broadcast %xor3A_1315 : i32 to vector<16xi32>
        %xor3A_1317 = arith.xori %iota3A, %xor3A_1316 : vector<16xi32>
        %broadcast_in_dim3A_1318 = vector.shape_cast %xor3A_1317 : vector<16xi32> to vector<16x1xi32>
        %and3A_1319 = arith.constant 4 : i32
        %and3A_1320 = vector.broadcast %and3A_1319 : i32 to vector<16xi32>
        %and3A_1321 = arith.andi %iota3A, %and3A_1320 : vector<16xi32>
        %ne3A_1322 = arith.constant 0 : i32
        %ne3A_1323 = vector.broadcast %ne3A_1322 : i32 to vector<16xi32>
        %ne3A_1324 = arith.cmpi ne, %and3A_1321, %ne3A_1323 : vector<16xi32>
        %gather3A_1325 = vector.shape_cast %broadcast_in_dim3A_1318 : vector<16x1xi32> to vector<16xi32>
        %gather3A_1326 = tpu.dynamic_gather %select_n3A_1311[%gather3A_1325] in [0] : vector<16xf32>, vector<16xi32> -> vector<16xf32>
        %add3A_1327 = arith.addf %select_n3A_1311, %gather3A_1326 : vector<16xf32>
        %gather3A_1328 = vector.shape_cast %broadcast_in_dim3A_1318 : vector<16x1xi32> to vector<16xi32>
        %gather3A_1329 = tpu.dynamic_gather %select_n3A_1312[%gather3A_1328] in [0] : vector<16xf32>, vector<16xi32> -> vector<16xf32>
        %add3A_1330 = arith.addf %select_n3A_1312, %gather3A_1329 : vector<16xf32>
        %gather3A_1331 = vector.shape_cast %broadcast_in_dim3A_1318 : vector<16x1xi32> to vector<16xi32>
        %gather3A_1332 = tpu.dynamic_gather %select_n3A_1313[%gather3A_1331] in [0] : vector<16xf32>, vector<16xi32> -> vector<16xf32>
        %add3A_1333 = arith.addf %select_n3A_1313, %gather3A_1332 : vector<16xf32>
        %gather3A_1334 = vector.shape_cast %broadcast_in_dim3A_1318 : vector<16x1xi32> to vector<16xi32>
        %gather3A_1335 = tpu.dynamic_gather %select_n3A_1314[%gather3A_1334] in [0] : vector<16xf32>, vector<16xi32> -> vector<16xf32>
        %add3A_1336 = arith.addf %select_n3A_1314, %gather3A_1335 : vector<16xf32>
        %select_n3A_1337 = arith.select %ne3A_1324, %add3A_1330, %add3A_1327 : vector<16xi1>, vector<16xf32>
        %select_n3A_1338 = arith.select %ne3A_1324, %add3A_1336, %add3A_1333 : vector<16xi1>, vector<16xf32>
        %xor3A_1339 = arith.constant 8 : i32
        %xor3A_1340 = vector.broadcast %xor3A_1339 : i32 to vector<16xi32>
        %xor3A_1341 = arith.xori %iota3A, %xor3A_1340 : vector<16xi32>
        %broadcast_in_dim3A_1342 = vector.shape_cast %xor3A_1341 : vector<16xi32> to vector<16x1xi32>
        %and3A_1343 = arith.constant 8 : i32
        %and3A_1344 = vector.broadcast %and3A_1343 : i32 to vector<16xi32>
        %and3A_1345 = arith.andi %iota3A, %and3A_1344 : vector<16xi32>
        %ne3A_1346 = arith.constant 0 : i32
        %ne3A_1347 = vector.broadcast %ne3A_1346 : i32 to vector<16xi32>
        %ne3A_1348 = arith.cmpi ne, %and3A_1345, %ne3A_1347 : vector<16xi32>
        %gather3A_1349 = vector.shape_cast %broadcast_in_dim3A_1342 : vector<16x1xi32> to vector<16xi32>
        %gather3A_1350 = tpu.dynamic_gather %select_n3A_1337[%gather3A_1349] in [0] : vector<16xf32>, vector<16xi32> -> vector<16xf32>
        %add3A_1351 = arith.addf %select_n3A_1337, %gather3A_1350 : vector<16xf32>
        %gather3A_1352 = vector.shape_cast %broadcast_in_dim3A_1342 : vector<16x1xi32> to vector<16xi32>
        %gather3A_1353 = tpu.dynamic_gather %select_n3A_1338[%gather3A_1352] in [0] : vector<16xf32>, vector<16xi32> -> vector<16xf32>
        %add3A_1354 = arith.addf %select_n3A_1338, %gather3A_1353 : vector<16xf32>
        %select_n3A_1355 = arith.select %ne3A_1348, %add3A_1354, %add3A_1351 : vector<16xi1>, vector<16xf32>
        %add3A_1356 = arith.constant 16 : i32
        %add3A_1357 = arith.addi %mul3A_311, %add3A_1356 : i32
        %broadcast_in_dim3A_1358 = vector.broadcast %add3A_1357 : i32 to vector<16xi32>
        %add3A_1359 = arith.addi %broadcast_in_dim3A_1358, %iota3A : vector<16xi32>
        %add3A_1360 = arith.constant 16 : i32
        %add3A_1361 = vector.broadcast %add3A_1360 : i32 to vector<16xi32>
        %add3A_1362 = arith.addi %add3A_1361, %iota3A : vector<16xi32>
        %lt3A_1363 = arith.constant 50 : i32
        %lt3A_1364 = vector.broadcast %lt3A_1363 : i32 to vector<16xi32>
        %lt3A_1365 = arith.cmpi slt, %add3A_1362, %lt3A_1364 : vector<16xi32>
        tpu.vector_store_idx %arg11[%add3A_1359], %select_n3A_1355 masked %lt3A_1365 : memref<400xf32, #tpu.memory_space<vmem>>[vector<16xi32>], vector<16xf32>, vector<16xi1>
        %add3A_1366 = arith.constant 32 : i32
        %add3A_1367 = arith.addi %mul3A_311, %add3A_1366 : i32
        %add3A_1368 = arith.constant 0 : i32
        %add3A_1369 = arith.addi %add3A_1367, %add3A_1368 : i32
        %get3A_1370 = arith.index_cast %add3A_1369 : i32 to index
        %get3A_1371 = arith.constant 0 : index
        %get3A_1372 = tpu.vector_load %arg10[%get3A_1370, %get3A_1371] {strides = array<i32>} : memref<416x64xf32, #tpu.memory_space<vmem>>, vector<16xf32>,
        %mul3A_1373 = arith.mulf %get3A_1372, %get3A_316 : vector<16xf32>
        %get3A_1374 = arith.index_cast %add3A_1369 : i32 to index
        %get3A_1375 = arith.constant 16 : index
        %get3A_1376 = tpu.vector_load %arg10[%get3A_1374, %get3A_1375] {strides = array<i32>} : memref<416x64xf32, #tpu.memory_space<vmem>>, vector<16xf32>,
        %mul3A_1377 = arith.mulf %get3A_1376, %get3A_319 : vector<16xf32>
        %add3A_1378 = arith.addf %mul3A_1373, %mul3A_1377 : vector<16xf32>
        %get3A_1379 = arith.index_cast %add3A_1369 : i32 to index
        %get3A_1380 = arith.constant 32 : index
        %get3A_1381 = tpu.vector_load %arg10[%get3A_1379, %get3A_1380] {strides = array<i32>} : memref<416x64xf32, #tpu.memory_space<vmem>>, vector<16xf32>,
        %mul3A_1382 = arith.mulf %get3A_1381, %get3A_322 : vector<16xf32>
        %add3A_1383 = arith.addf %add3A_1378, %mul3A_1382 : vector<16xf32>
        %get3A_1384 = arith.index_cast %add3A_1369 : i32 to index
        %get3A_1385 = arith.constant 48 : index
        %get3A_1386 = tpu.vector_load %arg10[%get3A_1384, %get3A_1385] {strides = array<i32>} : memref<416x64xf32, #tpu.memory_space<vmem>>, vector<16xf32>,
        %mul3A_1387 = arith.mulf %get3A_1386, %get3A_325 : vector<16xf32>
        %add3A_1388 = arith.addf %add3A_1383, %mul3A_1387 : vector<16xf32>
        %add3A_1389 = arith.constant 32 : i32
        %add3A_1390 = arith.addi %mul3A_311, %add3A_1389 : i32
        %add3A_1391 = arith.constant 1 : i32
        %add3A_1392 = arith.addi %add3A_1390, %add3A_1391 : i32
        %get3A_1393 = arith.index_cast %add3A_1392 : i32 to index
        %get3A_1394 = arith.constant 0 : index
        %get3A_1395 = tpu.vector_load %arg10[%get3A_1393, %get3A_1394] {strides = array<i32>} : memref<416x64xf32, #tpu.memory_space<vmem>>, vector<16xf32>,
        %mul3A_1396 = arith.mulf %get3A_1395, %get3A_316 : vector<16xf32>
        %get3A_1397 = arith.index_cast %add3A_1392 : i32 to index
        %get3A_1398 = arith.constant 16 : index
        %get3A_1399 = tpu.vector_load %arg10[%get3A_1397, %get3A_1398] {strides = array<i32>} : memref<416x64xf32, #tpu.memory_space<vmem>>, vector<16xf32>,
        %mul3A_1400 = arith.mulf %get3A_1399, %get3A_319 : vector<16xf32>
        %add3A_1401 = arith.addf %mul3A_1396, %mul3A_1400 : vector<16xf32>
        %get3A_1402 = arith.index_cast %add3A_1392 : i32 to index
        %get3A_1403 = arith.constant 32 : index
        %get3A_1404 = tpu.vector_load %arg10[%get3A_1402, %get3A_1403] {strides = array<i32>} : memref<416x64xf32, #tpu.memory_space<vmem>>, vector<16xf32>,
        %mul3A_1405 = arith.mulf %get3A_1404, %get3A_322 : vector<16xf32>
        %add3A_1406 = arith.addf %add3A_1401, %mul3A_1405 : vector<16xf32>
        %get3A_1407 = arith.index_cast %add3A_1392 : i32 to index
        %get3A_1408 = arith.constant 48 : index
        %get3A_1409 = tpu.vector_load %arg10[%get3A_1407, %get3A_1408] {strides = array<i32>} : memref<416x64xf32, #tpu.memory_space<vmem>>, vector<16xf32>,
        %mul3A_1410 = arith.mulf %get3A_1409, %get3A_325 : vector<16xf32>
        %add3A_1411 = arith.addf %add3A_1406, %mul3A_1410 : vector<16xf32>
        %add3A_1412 = arith.constant 32 : i32
        %add3A_1413 = arith.addi %mul3A_311, %add3A_1412 : i32
        %add3A_1414 = arith.constant 2 : i32
        %add3A_1415 = arith.addi %add3A_1413, %add3A_1414 : i32
        %get3A_1416 = arith.index_cast %add3A_1415 : i32 to index
        %get3A_1417 = arith.constant 0 : index
        %get3A_1418 = tpu.vector_load %arg10[%get3A_1416, %get3A_1417] {strides = array<i32>} : memref<416x64xf32, #tpu.memory_space<vmem>>, vector<16xf32>,
        %mul3A_1419 = arith.mulf %get3A_1418, %get3A_316 : vector<16xf32>
        %get3A_1420 = arith.index_cast %add3A_1415 : i32 to index
        %get3A_1421 = arith.constant 16 : index
        %get3A_1422 = tpu.vector_load %arg10[%get3A_1420, %get3A_1421] {strides = array<i32>} : memref<416x64xf32, #tpu.memory_space<vmem>>, vector<16xf32>,
        %mul3A_1423 = arith.mulf %get3A_1422, %get3A_319 : vector<16xf32>
        %add3A_1424 = arith.addf %mul3A_1419, %mul3A_1423 : vector<16xf32>
        %get3A_1425 = arith.index_cast %add3A_1415 : i32 to index
        %get3A_1426 = arith.constant 32 : index
        %get3A_1427 = tpu.vector_load %arg10[%get3A_1425, %get3A_1426] {strides = array<i32>} : memref<416x64xf32, #tpu.memory_space<vmem>>, vector<16xf32>,
        %mul3A_1428 = arith.mulf %get3A_1427, %get3A_322 : vector<16xf32>
        %add3A_1429 = arith.addf %add3A_1424, %mul3A_1428 : vector<16xf32>
        %get3A_1430 = arith.index_cast %add3A_1415 : i32 to index
        %get3A_1431 = arith.constant 48 : index
        %get3A_1432 = tpu.vector_load %arg10[%get3A_1430, %get3A_1431] {strides = array<i32>} : memref<416x64xf32, #tpu.memory_space<vmem>>, vector<16xf32>,
        %mul3A_1433 = arith.mulf %get3A_1432, %get3A_325 : vector<16xf32>
        %add3A_1434 = arith.addf %add3A_1429, %mul3A_1433 : vector<16xf32>
        %add3A_1435 = arith.constant 32 : i32
        %add3A_1436 = arith.addi %mul3A_311, %add3A_1435 : i32
        %add3A_1437 = arith.constant 3 : i32
        %add3A_1438 = arith.addi %add3A_1436, %add3A_1437 : i32
        %get3A_1439 = arith.index_cast %add3A_1438 : i32 to index
        %get3A_1440 = arith.constant 0 : index
        %get3A_1441 = tpu.vector_load %arg10[%get3A_1439, %get3A_1440] {strides = array<i32>} : memref<416x64xf32, #tpu.memory_space<vmem>>, vector<16xf32>,
        %mul3A_1442 = arith.mulf %get3A_1441, %get3A_316 : vector<16xf32>
        %get3A_1443 = arith.index_cast %add3A_1438 : i32 to index
        %get3A_1444 = arith.constant 16 : index
        %get3A_1445 = tpu.vector_load %arg10[%get3A_1443, %get3A_1444] {strides = array<i32>} : memref<416x64xf32, #tpu.memory_space<vmem>>, vector<16xf32>,
        %mul3A_1446 = arith.mulf %get3A_1445, %get3A_319 : vector<16xf32>
        %add3A_1447 = arith.addf %mul3A_1442, %mul3A_1446 : vector<16xf32>
        %get3A_1448 = arith.index_cast %add3A_1438 : i32 to index
        %get3A_1449 = arith.constant 32 : index
        %get3A_1450 = tpu.vector_load %arg10[%get3A_1448, %get3A_1449] {strides = array<i32>} : memref<416x64xf32, #tpu.memory_space<vmem>>, vector<16xf32>,
        %mul3A_1451 = arith.mulf %get3A_1450, %get3A_322 : vector<16xf32>
        %add3A_1452 = arith.addf %add3A_1447, %mul3A_1451 : vector<16xf32>
        %get3A_1453 = arith.index_cast %add3A_1438 : i32 to index
        %get3A_1454 = arith.constant 48 : index
        %get3A_1455 = tpu.vector_load %arg10[%get3A_1453, %get3A_1454] {strides = array<i32>} : memref<416x64xf32, #tpu.memory_space<vmem>>, vector<16xf32>,
        %mul3A_1456 = arith.mulf %get3A_1455, %get3A_325 : vector<16xf32>
        %add3A_1457 = arith.addf %add3A_1452, %mul3A_1456 : vector<16xf32>
        %add3A_1458 = arith.constant 32 : i32
        %add3A_1459 = arith.addi %mul3A_311, %add3A_1458 : i32
        %add3A_1460 = arith.constant 4 : i32
        %add3A_1461 = arith.addi %add3A_1459, %add3A_1460 : i32
        %get3A_1462 = arith.index_cast %add3A_1461 : i32 to index
        %get3A_1463 = arith.constant 0 : index
        %get3A_1464 = tpu.vector_load %arg10[%get3A_1462, %get3A_1463] {strides = array<i32>} : memref<416x64xf32, #tpu.memory_space<vmem>>, vector<16xf32>,
        %mul3A_1465 = arith.mulf %get3A_1464, %get3A_316 : vector<16xf32>
        %get3A_1466 = arith.index_cast %add3A_1461 : i32 to index
        %get3A_1467 = arith.constant 16 : index
        %get3A_1468 = tpu.vector_load %arg10[%get3A_1466, %get3A_1467] {strides = array<i32>} : memref<416x64xf32, #tpu.memory_space<vmem>>, vector<16xf32>,
        %mul3A_1469 = arith.mulf %get3A_1468, %get3A_319 : vector<16xf32>
        %add3A_1470 = arith.addf %mul3A_1465, %mul3A_1469 : vector<16xf32>
        %get3A_1471 = arith.index_cast %add3A_1461 : i32 to index
        %get3A_1472 = arith.constant 32 : index
        %get3A_1473 = tpu.vector_load %arg10[%get3A_1471, %get3A_1472] {strides = array<i32>} : memref<416x64xf32, #tpu.memory_space<vmem>>, vector<16xf32>,
        %mul3A_1474 = arith.mulf %get3A_1473, %get3A_322 : vector<16xf32>
        %add3A_1475 = arith.addf %add3A_1470, %mul3A_1474 : vector<16xf32>
        %get3A_1476 = arith.index_cast %add3A_1461 : i32 to index
        %get3A_1477 = arith.constant 48 : index
        %get3A_1478 = tpu.vector_load %arg10[%get3A_1476, %get3A_1477] {strides = array<i32>} : memref<416x64xf32, #tpu.memory_space<vmem>>, vector<16xf32>,
        %mul3A_1479 = arith.mulf %get3A_1478, %get3A_325 : vector<16xf32>
        %add3A_1480 = arith.addf %add3A_1475, %mul3A_1479 : vector<16xf32>
        %add3A_1481 = arith.constant 32 : i32
        %add3A_1482 = arith.addi %mul3A_311, %add3A_1481 : i32
        %add3A_1483 = arith.constant 5 : i32
        %add3A_1484 = arith.addi %add3A_1482, %add3A_1483 : i32
        %get3A_1485 = arith.index_cast %add3A_1484 : i32 to index
        %get3A_1486 = arith.constant 0 : index
        %get3A_1487 = tpu.vector_load %arg10[%get3A_1485, %get3A_1486] {strides = array<i32>} : memref<416x64xf32, #tpu.memory_space<vmem>>, vector<16xf32>,
        %mul3A_1488 = arith.mulf %get3A_1487, %get3A_316 : vector<16xf32>
        %get3A_1489 = arith.index_cast %add3A_1484 : i32 to index
        %get3A_1490 = arith.constant 16 : index
        %get3A_1491 = tpu.vector_load %arg10[%get3A_1489, %get3A_1490] {strides = array<i32>} : memref<416x64xf32, #tpu.memory_space<vmem>>, vector<16xf32>,
        %mul3A_1492 = arith.mulf %get3A_1491, %get3A_319 : vector<16xf32>
        %add3A_1493 = arith.addf %mul3A_1488, %mul3A_1492 : vector<16xf32>
        %get3A_1494 = arith.index_cast %add3A_1484 : i32 to index
        %get3A_1495 = arith.constant 32 : index
        %get3A_1496 = tpu.vector_load %arg10[%get3A_1494, %get3A_1495] {strides = array<i32>} : memref<416x64xf32, #tpu.memory_space<vmem>>, vector<16xf32>,
        %mul3A_1497 = arith.mulf %get3A_1496, %get3A_322 : vector<16xf32>
        %add3A_1498 = arith.addf %add3A_1493, %mul3A_1497 : vector<16xf32>
        %get3A_1499 = arith.index_cast %add3A_1484 : i32 to index
        %get3A_1500 = arith.constant 48 : index
        %get3A_1501 = tpu.vector_load %arg10[%get3A_1499, %get3A_1500] {strides = array<i32>} : memref<416x64xf32, #tpu.memory_space<vmem>>, vector<16xf32>,
        %mul3A_1502 = arith.mulf %get3A_1501, %get3A_325 : vector<16xf32>
        %add3A_1503 = arith.addf %add3A_1498, %mul3A_1502 : vector<16xf32>
        %add3A_1504 = arith.constant 32 : i32
        %add3A_1505 = arith.addi %mul3A_311, %add3A_1504 : i32
        %add3A_1506 = arith.constant 6 : i32
        %add3A_1507 = arith.addi %add3A_1505, %add3A_1506 : i32
        %get3A_1508 = arith.index_cast %add3A_1507 : i32 to index
        %get3A_1509 = arith.constant 0 : index
        %get3A_1510 = tpu.vector_load %arg10[%get3A_1508, %get3A_1509] {strides = array<i32>} : memref<416x64xf32, #tpu.memory_space<vmem>>, vector<16xf32>,
        %mul3A_1511 = arith.mulf %get3A_1510, %get3A_316 : vector<16xf32>
        %get3A_1512 = arith.index_cast %add3A_1507 : i32 to index
        %get3A_1513 = arith.constant 16 : index
        %get3A_1514 = tpu.vector_load %arg10[%get3A_1512, %get3A_1513] {strides = array<i32>} : memref<416x64xf32, #tpu.memory_space<vmem>>, vector<16xf32>,
        %mul3A_1515 = arith.mulf %get3A_1514, %get3A_319 : vector<16xf32>
        %add3A_1516 = arith.addf %mul3A_1511, %mul3A_1515 : vector<16xf32>
        %get3A_1517 = arith.index_cast %add3A_1507 : i32 to index
        %get3A_1518 = arith.constant 32 : index
        %get3A_1519 = tpu.vector_load %arg10[%get3A_1517, %get3A_1518] {strides = array<i32>} : memref<416x64xf32, #tpu.memory_space<vmem>>, vector<16xf32>,
        %mul3A_1520 = arith.mulf %get3A_1519, %get3A_322 : vector<16xf32>
        %add3A_1521 = arith.addf %add3A_1516, %mul3A_1520 : vector<16xf32>
        %get3A_1522 = arith.index_cast %add3A_1507 : i32 to index
        %get3A_1523 = arith.constant 48 : index
        %get3A_1524 = tpu.vector_load %arg10[%get3A_1522, %get3A_1523] {strides = array<i32>} : memref<416x64xf32, #tpu.memory_space<vmem>>, vector<16xf32>,
        %mul3A_1525 = arith.mulf %get3A_1524, %get3A_325 : vector<16xf32>
        %add3A_1526 = arith.addf %add3A_1521, %mul3A_1525 : vector<16xf32>
        %add3A_1527 = arith.constant 32 : i32
        %add3A_1528 = arith.addi %mul3A_311, %add3A_1527 : i32
        %add3A_1529 = arith.constant 7 : i32
        %add3A_1530 = arith.addi %add3A_1528, %add3A_1529 : i32
        %get3A_1531 = arith.index_cast %add3A_1530 : i32 to index
        %get3A_1532 = arith.constant 0 : index
        %get3A_1533 = tpu.vector_load %arg10[%get3A_1531, %get3A_1532] {strides = array<i32>} : memref<416x64xf32, #tpu.memory_space<vmem>>, vector<16xf32>,
        %mul3A_1534 = arith.mulf %get3A_1533, %get3A_316 : vector<16xf32>
        %get3A_1535 = arith.index_cast %add3A_1530 : i32 to index
        %get3A_1536 = arith.constant 16 : index
        %get3A_1537 = tpu.vector_load %arg10[%get3A_1535, %get3A_1536] {strides = array<i32>} : memref<416x64xf32, #tpu.memory_space<vmem>>, vector<16xf32>,
        %mul3A_1538 = arith.mulf %get3A_1537, %get3A_319 : vector<16xf32>
        %add3A_1539 = arith.addf %mul3A_1534, %mul3A_1538 : vector<16xf32>
        %get3A_1540 = arith.index_cast %add3A_1530 : i32 to index
        %get3A_1541 = arith.constant 32 : index
        %get3A_1542 = tpu.vector_load %arg10[%get3A_1540, %get3A_1541] {strides = array<i32>} : memref<416x64xf32, #tpu.memory_space<vmem>>, vector<16xf32>,
        %mul3A_1543 = arith.mulf %get3A_1542, %get3A_322 : vector<16xf32>
        %add3A_1544 = arith.addf %add3A_1539, %mul3A_1543 : vector<16xf32>
        %get3A_1545 = arith.index_cast %add3A_1530 : i32 to index
        %get3A_1546 = arith.constant 48 : index
        %get3A_1547 = tpu.vector_load %arg10[%get3A_1545, %get3A_1546] {strides = array<i32>} : memref<416x64xf32, #tpu.memory_space<vmem>>, vector<16xf32>,
        %mul3A_1548 = arith.mulf %get3A_1547, %get3A_325 : vector<16xf32>
        %add3A_1549 = arith.addf %add3A_1544, %mul3A_1548 : vector<16xf32>
        %add3A_1550 = arith.constant 32 : i32
        %add3A_1551 = arith.addi %mul3A_311, %add3A_1550 : i32
        %add3A_1552 = arith.constant 8 : i32
        %add3A_1553 = arith.addi %add3A_1551, %add3A_1552 : i32
        %get3A_1554 = arith.index_cast %add3A_1553 : i32 to index
        %get3A_1555 = arith.constant 0 : index
        %get3A_1556 = tpu.vector_load %arg10[%get3A_1554, %get3A_1555] {strides = array<i32>} : memref<416x64xf32, #tpu.memory_space<vmem>>, vector<16xf32>,
        %mul3A_1557 = arith.mulf %get3A_1556, %get3A_316 : vector<16xf32>
        %get3A_1558 = arith.index_cast %add3A_1553 : i32 to index
        %get3A_1559 = arith.constant 16 : index
        %get3A_1560 = tpu.vector_load %arg10[%get3A_1558, %get3A_1559] {strides = array<i32>} : memref<416x64xf32, #tpu.memory_space<vmem>>, vector<16xf32>,
        %mul3A_1561 = arith.mulf %get3A_1560, %get3A_319 : vector<16xf32>
        %add3A_1562 = arith.addf %mul3A_1557, %mul3A_1561 : vector<16xf32>
        %get3A_1563 = arith.index_cast %add3A_1553 : i32 to index
        %get3A_1564 = arith.constant 32 : index
        %get3A_1565 = tpu.vector_load %arg10[%get3A_1563, %get3A_1564] {strides = array<i32>} : memref<416x64xf32, #tpu.memory_space<vmem>>, vector<16xf32>,
        %mul3A_1566 = arith.mulf %get3A_1565, %get3A_322 : vector<16xf32>
        %add3A_1567 = arith.addf %add3A_1562, %mul3A_1566 : vector<16xf32>
        %get3A_1568 = arith.index_cast %add3A_1553 : i32 to index
        %get3A_1569 = arith.constant 48 : index
        %get3A_1570 = tpu.vector_load %arg10[%get3A_1568, %get3A_1569] {strides = array<i32>} : memref<416x64xf32, #tpu.memory_space<vmem>>, vector<16xf32>,
        %mul3A_1571 = arith.mulf %get3A_1570, %get3A_325 : vector<16xf32>
        %add3A_1572 = arith.addf %add3A_1567, %mul3A_1571 : vector<16xf32>
        %add3A_1573 = arith.constant 32 : i32
        %add3A_1574 = arith.addi %mul3A_311, %add3A_1573 : i32
        %add3A_1575 = arith.constant 9 : i32
        %add3A_1576 = arith.addi %add3A_1574, %add3A_1575 : i32
        %get3A_1577 = arith.index_cast %add3A_1576 : i32 to index
        %get3A_1578 = arith.constant 0 : index
        %get3A_1579 = tpu.vector_load %arg10[%get3A_1577, %get3A_1578] {strides = array<i32>} : memref<416x64xf32, #tpu.memory_space<vmem>>, vector<16xf32>,
        %mul3A_1580 = arith.mulf %get3A_1579, %get3A_316 : vector<16xf32>
        %get3A_1581 = arith.index_cast %add3A_1576 : i32 to index
        %get3A_1582 = arith.constant 16 : index
        %get3A_1583 = tpu.vector_load %arg10[%get3A_1581, %get3A_1582] {strides = array<i32>} : memref<416x64xf32, #tpu.memory_space<vmem>>, vector<16xf32>,
        %mul3A_1584 = arith.mulf %get3A_1583, %get3A_319 : vector<16xf32>
        %add3A_1585 = arith.addf %mul3A_1580, %mul3A_1584 : vector<16xf32>
        %get3A_1586 = arith.index_cast %add3A_1576 : i32 to index
        %get3A_1587 = arith.constant 32 : index
        %get3A_1588 = tpu.vector_load %arg10[%get3A_1586, %get3A_1587] {strides = array<i32>} : memref<416x64xf32, #tpu.memory_space<vmem>>, vector<16xf32>,
        %mul3A_1589 = arith.mulf %get3A_1588, %get3A_322 : vector<16xf32>
        %add3A_1590 = arith.addf %add3A_1585, %mul3A_1589 : vector<16xf32>
        %get3A_1591 = arith.index_cast %add3A_1576 : i32 to index
        %get3A_1592 = arith.constant 48 : index
        %get3A_1593 = tpu.vector_load %arg10[%get3A_1591, %get3A_1592] {strides = array<i32>} : memref<416x64xf32, #tpu.memory_space<vmem>>, vector<16xf32>,
        %mul3A_1594 = arith.mulf %get3A_1593, %get3A_325 : vector<16xf32>
        %add3A_1595 = arith.addf %add3A_1590, %mul3A_1594 : vector<16xf32>
        %add3A_1596 = arith.constant 32 : i32
        %add3A_1597 = arith.addi %mul3A_311, %add3A_1596 : i32
        %add3A_1598 = arith.constant 10 : i32
        %add3A_1599 = arith.addi %add3A_1597, %add3A_1598 : i32
        %get3A_1600 = arith.index_cast %add3A_1599 : i32 to index
        %get3A_1601 = arith.constant 0 : index
        %get3A_1602 = tpu.vector_load %arg10[%get3A_1600, %get3A_1601] {strides = array<i32>} : memref<416x64xf32, #tpu.memory_space<vmem>>, vector<16xf32>,
        %mul3A_1603 = arith.mulf %get3A_1602, %get3A_316 : vector<16xf32>
        %get3A_1604 = arith.index_cast %add3A_1599 : i32 to index
        %get3A_1605 = arith.constant 16 : index
        %get3A_1606 = tpu.vector_load %arg10[%get3A_1604, %get3A_1605] {strides = array<i32>} : memref<416x64xf32, #tpu.memory_space<vmem>>, vector<16xf32>,
        %mul3A_1607 = arith.mulf %get3A_1606, %get3A_319 : vector<16xf32>
        %add3A_1608 = arith.addf %mul3A_1603, %mul3A_1607 : vector<16xf32>
        %get3A_1609 = arith.index_cast %add3A_1599 : i32 to index
        %get3A_1610 = arith.constant 32 : index
        %get3A_1611 = tpu.vector_load %arg10[%get3A_1609, %get3A_1610] {strides = array<i32>} : memref<416x64xf32, #tpu.memory_space<vmem>>, vector<16xf32>,
        %mul3A_1612 = arith.mulf %get3A_1611, %get3A_322 : vector<16xf32>
        %add3A_1613 = arith.addf %add3A_1608, %mul3A_1612 : vector<16xf32>
        %get3A_1614 = arith.index_cast %add3A_1599 : i32 to index
        %get3A_1615 = arith.constant 48 : index
        %get3A_1616 = tpu.vector_load %arg10[%get3A_1614, %get3A_1615] {strides = array<i32>} : memref<416x64xf32, #tpu.memory_space<vmem>>, vector<16xf32>,
        %mul3A_1617 = arith.mulf %get3A_1616, %get3A_325 : vector<16xf32>
        %add3A_1618 = arith.addf %add3A_1613, %mul3A_1617 : vector<16xf32>
        %add3A_1619 = arith.constant 32 : i32
        %add3A_1620 = arith.addi %mul3A_311, %add3A_1619 : i32
        %add3A_1621 = arith.constant 11 : i32
        %add3A_1622 = arith.addi %add3A_1620, %add3A_1621 : i32
        %get3A_1623 = arith.index_cast %add3A_1622 : i32 to index
        %get3A_1624 = arith.constant 0 : index
        %get3A_1625 = tpu.vector_load %arg10[%get3A_1623, %get3A_1624] {strides = array<i32>} : memref<416x64xf32, #tpu.memory_space<vmem>>, vector<16xf32>,
        %mul3A_1626 = arith.mulf %get3A_1625, %get3A_316 : vector<16xf32>
        %get3A_1627 = arith.index_cast %add3A_1622 : i32 to index
        %get3A_1628 = arith.constant 16 : index
        %get3A_1629 = tpu.vector_load %arg10[%get3A_1627, %get3A_1628] {strides = array<i32>} : memref<416x64xf32, #tpu.memory_space<vmem>>, vector<16xf32>,
        %mul3A_1630 = arith.mulf %get3A_1629, %get3A_319 : vector<16xf32>
        %add3A_1631 = arith.addf %mul3A_1626, %mul3A_1630 : vector<16xf32>
        %get3A_1632 = arith.index_cast %add3A_1622 : i32 to index
        %get3A_1633 = arith.constant 32 : index
        %get3A_1634 = tpu.vector_load %arg10[%get3A_1632, %get3A_1633] {strides = array<i32>} : memref<416x64xf32, #tpu.memory_space<vmem>>, vector<16xf32>,
        %mul3A_1635 = arith.mulf %get3A_1634, %get3A_322 : vector<16xf32>
        %add3A_1636 = arith.addf %add3A_1631, %mul3A_1635 : vector<16xf32>
        %get3A_1637 = arith.index_cast %add3A_1622 : i32 to index
        %get3A_1638 = arith.constant 48 : index
        %get3A_1639 = tpu.vector_load %arg10[%get3A_1637, %get3A_1638] {strides = array<i32>} : memref<416x64xf32, #tpu.memory_space<vmem>>, vector<16xf32>,
        %mul3A_1640 = arith.mulf %get3A_1639, %get3A_325 : vector<16xf32>
        %add3A_1641 = arith.addf %add3A_1636, %mul3A_1640 : vector<16xf32>
        %add3A_1642 = arith.constant 32 : i32
        %add3A_1643 = arith.addi %mul3A_311, %add3A_1642 : i32
        %add3A_1644 = arith.constant 12 : i32
        %add3A_1645 = arith.addi %add3A_1643, %add3A_1644 : i32
        %get3A_1646 = arith.index_cast %add3A_1645 : i32 to index
        %get3A_1647 = arith.constant 0 : index
        %get3A_1648 = tpu.vector_load %arg10[%get3A_1646, %get3A_1647] {strides = array<i32>} : memref<416x64xf32, #tpu.memory_space<vmem>>, vector<16xf32>,
        %mul3A_1649 = arith.mulf %get3A_1648, %get3A_316 : vector<16xf32>
        %get3A_1650 = arith.index_cast %add3A_1645 : i32 to index
        %get3A_1651 = arith.constant 16 : index
        %get3A_1652 = tpu.vector_load %arg10[%get3A_1650, %get3A_1651] {strides = array<i32>} : memref<416x64xf32, #tpu.memory_space<vmem>>, vector<16xf32>,
        %mul3A_1653 = arith.mulf %get3A_1652, %get3A_319 : vector<16xf32>
        %add3A_1654 = arith.addf %mul3A_1649, %mul3A_1653 : vector<16xf32>
        %get3A_1655 = arith.index_cast %add3A_1645 : i32 to index
        %get3A_1656 = arith.constant 32 : index
        %get3A_1657 = tpu.vector_load %arg10[%get3A_1655, %get3A_1656] {strides = array<i32>} : memref<416x64xf32, #tpu.memory_space<vmem>>, vector<16xf32>,
        %mul3A_1658 = arith.mulf %get3A_1657, %get3A_322 : vector<16xf32>
        %add3A_1659 = arith.addf %add3A_1654, %mul3A_1658 : vector<16xf32>
        %get3A_1660 = arith.index_cast %add3A_1645 : i32 to index
        %get3A_1661 = arith.constant 48 : index
        %get3A_1662 = tpu.vector_load %arg10[%get3A_1660, %get3A_1661] {strides = array<i32>} : memref<416x64xf32, #tpu.memory_space<vmem>>, vector<16xf32>,
        %mul3A_1663 = arith.mulf %get3A_1662, %get3A_325 : vector<16xf32>
        %add3A_1664 = arith.addf %add3A_1659, %mul3A_1663 : vector<16xf32>
        %add3A_1665 = arith.constant 32 : i32
        %add3A_1666 = arith.addi %mul3A_311, %add3A_1665 : i32
        %add3A_1667 = arith.constant 13 : i32
        %add3A_1668 = arith.addi %add3A_1666, %add3A_1667 : i32
        %get3A_1669 = arith.index_cast %add3A_1668 : i32 to index
        %get3A_1670 = arith.constant 0 : index
        %get3A_1671 = tpu.vector_load %arg10[%get3A_1669, %get3A_1670] {strides = array<i32>} : memref<416x64xf32, #tpu.memory_space<vmem>>, vector<16xf32>,
        %mul3A_1672 = arith.mulf %get3A_1671, %get3A_316 : vector<16xf32>
        %get3A_1673 = arith.index_cast %add3A_1668 : i32 to index
        %get3A_1674 = arith.constant 16 : index
        %get3A_1675 = tpu.vector_load %arg10[%get3A_1673, %get3A_1674] {strides = array<i32>} : memref<416x64xf32, #tpu.memory_space<vmem>>, vector<16xf32>,
        %mul3A_1676 = arith.mulf %get3A_1675, %get3A_319 : vector<16xf32>
        %add3A_1677 = arith.addf %mul3A_1672, %mul3A_1676 : vector<16xf32>
        %get3A_1678 = arith.index_cast %add3A_1668 : i32 to index
        %get3A_1679 = arith.constant 32 : index
        %get3A_1680 = tpu.vector_load %arg10[%get3A_1678, %get3A_1679] {strides = array<i32>} : memref<416x64xf32, #tpu.memory_space<vmem>>, vector<16xf32>,
        %mul3A_1681 = arith.mulf %get3A_1680, %get3A_322 : vector<16xf32>
        %add3A_1682 = arith.addf %add3A_1677, %mul3A_1681 : vector<16xf32>
        %get3A_1683 = arith.index_cast %add3A_1668 : i32 to index
        %get3A_1684 = arith.constant 48 : index
        %get3A_1685 = tpu.vector_load %arg10[%get3A_1683, %get3A_1684] {strides = array<i32>} : memref<416x64xf32, #tpu.memory_space<vmem>>, vector<16xf32>,
        %mul3A_1686 = arith.mulf %get3A_1685, %get3A_325 : vector<16xf32>
        %add3A_1687 = arith.addf %add3A_1682, %mul3A_1686 : vector<16xf32>
        %add3A_1688 = arith.constant 32 : i32
        %add3A_1689 = arith.addi %mul3A_311, %add3A_1688 : i32
        %add3A_1690 = arith.constant 14 : i32
        %add3A_1691 = arith.addi %add3A_1689, %add3A_1690 : i32
        %get3A_1692 = arith.index_cast %add3A_1691 : i32 to index
        %get3A_1693 = arith.constant 0 : index
        %get3A_1694 = tpu.vector_load %arg10[%get3A_1692, %get3A_1693] {strides = array<i32>} : memref<416x64xf32, #tpu.memory_space<vmem>>, vector<16xf32>,
        %mul3A_1695 = arith.mulf %get3A_1694, %get3A_316 : vector<16xf32>
        %get3A_1696 = arith.index_cast %add3A_1691 : i32 to index
        %get3A_1697 = arith.constant 16 : index
        %get3A_1698 = tpu.vector_load %arg10[%get3A_1696, %get3A_1697] {strides = array<i32>} : memref<416x64xf32, #tpu.memory_space<vmem>>, vector<16xf32>,
        %mul3A_1699 = arith.mulf %get3A_1698, %get3A_319 : vector<16xf32>
        %add3A_1700 = arith.addf %mul3A_1695, %mul3A_1699 : vector<16xf32>
        %get3A_1701 = arith.index_cast %add3A_1691 : i32 to index
        %get3A_1702 = arith.constant 32 : index
        %get3A_1703 = tpu.vector_load %arg10[%get3A_1701, %get3A_1702] {strides = array<i32>} : memref<416x64xf32, #tpu.memory_space<vmem>>, vector<16xf32>,
        %mul3A_1704 = arith.mulf %get3A_1703, %get3A_322 : vector<16xf32>
        %add3A_1705 = arith.addf %add3A_1700, %mul3A_1704 : vector<16xf32>
        %get3A_1706 = arith.index_cast %add3A_1691 : i32 to index
        %get3A_1707 = arith.constant 48 : index
        %get3A_1708 = tpu.vector_load %arg10[%get3A_1706, %get3A_1707] {strides = array<i32>} : memref<416x64xf32, #tpu.memory_space<vmem>>, vector<16xf32>,
        %mul3A_1709 = arith.mulf %get3A_1708, %get3A_325 : vector<16xf32>
        %add3A_1710 = arith.addf %add3A_1705, %mul3A_1709 : vector<16xf32>
        %add3A_1711 = arith.constant 32 : i32
        %add3A_1712 = arith.addi %mul3A_311, %add3A_1711 : i32
        %add3A_1713 = arith.constant 15 : i32
        %add3A_1714 = arith.addi %add3A_1712, %add3A_1713 : i32
        %get3A_1715 = arith.index_cast %add3A_1714 : i32 to index
        %get3A_1716 = arith.constant 0 : index
        %get3A_1717 = tpu.vector_load %arg10[%get3A_1715, %get3A_1716] {strides = array<i32>} : memref<416x64xf32, #tpu.memory_space<vmem>>, vector<16xf32>,
        %mul3A_1718 = arith.mulf %get3A_1717, %get3A_316 : vector<16xf32>
        %get3A_1719 = arith.index_cast %add3A_1714 : i32 to index
        %get3A_1720 = arith.constant 16 : index
        %get3A_1721 = tpu.vector_load %arg10[%get3A_1719, %get3A_1720] {strides = array<i32>} : memref<416x64xf32, #tpu.memory_space<vmem>>, vector<16xf32>,
        %mul3A_1722 = arith.mulf %get3A_1721, %get3A_319 : vector<16xf32>
        %add3A_1723 = arith.addf %mul3A_1718, %mul3A_1722 : vector<16xf32>
        %get3A_1724 = arith.index_cast %add3A_1714 : i32 to index
        %get3A_1725 = arith.constant 32 : index
        %get3A_1726 = tpu.vector_load %arg10[%get3A_1724, %get3A_1725] {strides = array<i32>} : memref<416x64xf32, #tpu.memory_space<vmem>>, vector<16xf32>,
        %mul3A_1727 = arith.mulf %get3A_1726, %get3A_322 : vector<16xf32>
        %add3A_1728 = arith.addf %add3A_1723, %mul3A_1727 : vector<16xf32>
        %get3A_1729 = arith.index_cast %add3A_1714 : i32 to index
        %get3A_1730 = arith.constant 48 : index
        %get3A_1731 = tpu.vector_load %arg10[%get3A_1729, %get3A_1730] {strides = array<i32>} : memref<416x64xf32, #tpu.memory_space<vmem>>, vector<16xf32>,
        %mul3A_1732 = arith.mulf %get3A_1731, %get3A_325 : vector<16xf32>
        %add3A_1733 = arith.addf %add3A_1728, %mul3A_1732 : vector<16xf32>
        %xor3A_1734 = arith.constant 1 : i32
        %xor3A_1735 = vector.broadcast %xor3A_1734 : i32 to vector<16xi32>
        %xor3A_1736 = arith.xori %iota3A, %xor3A_1735 : vector<16xi32>
        %broadcast_in_dim3A_1737 = vector.shape_cast %xor3A_1736 : vector<16xi32> to vector<16x1xi32>
        %and3A_1738 = arith.constant 1 : i32
        %and3A_1739 = vector.broadcast %and3A_1738 : i32 to vector<16xi32>
        %and3A_1740 = arith.andi %iota3A, %and3A_1739 : vector<16xi32>
        %ne3A_1741 = arith.constant 0 : i32
        %ne3A_1742 = vector.broadcast %ne3A_1741 : i32 to vector<16xi32>
        %ne3A_1743 = arith.cmpi ne, %and3A_1740, %ne3A_1742 : vector<16xi32>
        %gather3A_1744 = vector.shape_cast %broadcast_in_dim3A_1737 : vector<16x1xi32> to vector<16xi32>
        %gather3A_1745 = tpu.dynamic_gather %add3A_1388[%gather3A_1744] in [0] : vector<16xf32>, vector<16xi32> -> vector<16xf32>
        %add3A_1746 = arith.addf %add3A_1388, %gather3A_1745 : vector<16xf32>
        %gather3A_1747 = vector.shape_cast %broadcast_in_dim3A_1737 : vector<16x1xi32> to vector<16xi32>
        %gather3A_1748 = tpu.dynamic_gather %add3A_1411[%gather3A_1747] in [0] : vector<16xf32>, vector<16xi32> -> vector<16xf32>
        %add3A_1749 = arith.addf %add3A_1411, %gather3A_1748 : vector<16xf32>
        %gather3A_1750 = vector.shape_cast %broadcast_in_dim3A_1737 : vector<16x1xi32> to vector<16xi32>
        %gather3A_1751 = tpu.dynamic_gather %add3A_1434[%gather3A_1750] in [0] : vector<16xf32>, vector<16xi32> -> vector<16xf32>
        %add3A_1752 = arith.addf %add3A_1434, %gather3A_1751 : vector<16xf32>
        %gather3A_1753 = vector.shape_cast %broadcast_in_dim3A_1737 : vector<16x1xi32> to vector<16xi32>
        %gather3A_1754 = tpu.dynamic_gather %add3A_1457[%gather3A_1753] in [0] : vector<16xf32>, vector<16xi32> -> vector<16xf32>
        %add3A_1755 = arith.addf %add3A_1457, %gather3A_1754 : vector<16xf32>
        %gather3A_1756 = vector.shape_cast %broadcast_in_dim3A_1737 : vector<16x1xi32> to vector<16xi32>
        %gather3A_1757 = tpu.dynamic_gather %add3A_1480[%gather3A_1756] in [0] : vector<16xf32>, vector<16xi32> -> vector<16xf32>
        %add3A_1758 = arith.addf %add3A_1480, %gather3A_1757 : vector<16xf32>
        %gather3A_1759 = vector.shape_cast %broadcast_in_dim3A_1737 : vector<16x1xi32> to vector<16xi32>
        %gather3A_1760 = tpu.dynamic_gather %add3A_1503[%gather3A_1759] in [0] : vector<16xf32>, vector<16xi32> -> vector<16xf32>
        %add3A_1761 = arith.addf %add3A_1503, %gather3A_1760 : vector<16xf32>
        %gather3A_1762 = vector.shape_cast %broadcast_in_dim3A_1737 : vector<16x1xi32> to vector<16xi32>
        %gather3A_1763 = tpu.dynamic_gather %add3A_1526[%gather3A_1762] in [0] : vector<16xf32>, vector<16xi32> -> vector<16xf32>
        %add3A_1764 = arith.addf %add3A_1526, %gather3A_1763 : vector<16xf32>
        %gather3A_1765 = vector.shape_cast %broadcast_in_dim3A_1737 : vector<16x1xi32> to vector<16xi32>
        %gather3A_1766 = tpu.dynamic_gather %add3A_1549[%gather3A_1765] in [0] : vector<16xf32>, vector<16xi32> -> vector<16xf32>
        %add3A_1767 = arith.addf %add3A_1549, %gather3A_1766 : vector<16xf32>
        %gather3A_1768 = vector.shape_cast %broadcast_in_dim3A_1737 : vector<16x1xi32> to vector<16xi32>
        %gather3A_1769 = tpu.dynamic_gather %add3A_1572[%gather3A_1768] in [0] : vector<16xf32>, vector<16xi32> -> vector<16xf32>
        %add3A_1770 = arith.addf %add3A_1572, %gather3A_1769 : vector<16xf32>
        %gather3A_1771 = vector.shape_cast %broadcast_in_dim3A_1737 : vector<16x1xi32> to vector<16xi32>
        %gather3A_1772 = tpu.dynamic_gather %add3A_1595[%gather3A_1771] in [0] : vector<16xf32>, vector<16xi32> -> vector<16xf32>
        %add3A_1773 = arith.addf %add3A_1595, %gather3A_1772 : vector<16xf32>
        %gather3A_1774 = vector.shape_cast %broadcast_in_dim3A_1737 : vector<16x1xi32> to vector<16xi32>
        %gather3A_1775 = tpu.dynamic_gather %add3A_1618[%gather3A_1774] in [0] : vector<16xf32>, vector<16xi32> -> vector<16xf32>
        %add3A_1776 = arith.addf %add3A_1618, %gather3A_1775 : vector<16xf32>
        %gather3A_1777 = vector.shape_cast %broadcast_in_dim3A_1737 : vector<16x1xi32> to vector<16xi32>
        %gather3A_1778 = tpu.dynamic_gather %add3A_1641[%gather3A_1777] in [0] : vector<16xf32>, vector<16xi32> -> vector<16xf32>
        %add3A_1779 = arith.addf %add3A_1641, %gather3A_1778 : vector<16xf32>
        %gather3A_1780 = vector.shape_cast %broadcast_in_dim3A_1737 : vector<16x1xi32> to vector<16xi32>
        %gather3A_1781 = tpu.dynamic_gather %add3A_1664[%gather3A_1780] in [0] : vector<16xf32>, vector<16xi32> -> vector<16xf32>
        %add3A_1782 = arith.addf %add3A_1664, %gather3A_1781 : vector<16xf32>
        %gather3A_1783 = vector.shape_cast %broadcast_in_dim3A_1737 : vector<16x1xi32> to vector<16xi32>
        %gather3A_1784 = tpu.dynamic_gather %add3A_1687[%gather3A_1783] in [0] : vector<16xf32>, vector<16xi32> -> vector<16xf32>
        %add3A_1785 = arith.addf %add3A_1687, %gather3A_1784 : vector<16xf32>
        %gather3A_1786 = vector.shape_cast %broadcast_in_dim3A_1737 : vector<16x1xi32> to vector<16xi32>
        %gather3A_1787 = tpu.dynamic_gather %add3A_1710[%gather3A_1786] in [0] : vector<16xf32>, vector<16xi32> -> vector<16xf32>
        %add3A_1788 = arith.addf %add3A_1710, %gather3A_1787 : vector<16xf32>
        %gather3A_1789 = vector.shape_cast %broadcast_in_dim3A_1737 : vector<16x1xi32> to vector<16xi32>
        %gather3A_1790 = tpu.dynamic_gather %add3A_1733[%gather3A_1789] in [0] : vector<16xf32>, vector<16xi32> -> vector<16xf32>
        %add3A_1791 = arith.addf %add3A_1733, %gather3A_1790 : vector<16xf32>
        %select_n3A_1792 = arith.select %ne3A_1743, %add3A_1749, %add3A_1746 : vector<16xi1>, vector<16xf32>
        %select_n3A_1793 = arith.select %ne3A_1743, %add3A_1755, %add3A_1752 : vector<16xi1>, vector<16xf32>
        %select_n3A_1794 = arith.select %ne3A_1743, %add3A_1761, %add3A_1758 : vector<16xi1>, vector<16xf32>
        %select_n3A_1795 = arith.select %ne3A_1743, %add3A_1767, %add3A_1764 : vector<16xi1>, vector<16xf32>
        %select_n3A_1796 = arith.select %ne3A_1743, %add3A_1773, %add3A_1770 : vector<16xi1>, vector<16xf32>
        %select_n3A_1797 = arith.select %ne3A_1743, %add3A_1779, %add3A_1776 : vector<16xi1>, vector<16xf32>
        %select_n3A_1798 = arith.select %ne3A_1743, %add3A_1785, %add3A_1782 : vector<16xi1>, vector<16xf32>
        %select_n3A_1799 = arith.select %ne3A_1743, %add3A_1791, %add3A_1788 : vector<16xi1>, vector<16xf32>
        %xor3A_1800 = arith.constant 2 : i32
        %xor3A_1801 = vector.broadcast %xor3A_1800 : i32 to vector<16xi32>
        %xor3A_1802 = arith.xori %iota3A, %xor3A_1801 : vector<16xi32>
        %broadcast_in_dim3A_1803 = vector.shape_cast %xor3A_1802 : vector<16xi32> to vector<16x1xi32>
        %and3A_1804 = arith.constant 2 : i32
        %and3A_1805 = vector.broadcast %and3A_1804 : i32 to vector<16xi32>
        %and3A_1806 = arith.andi %iota3A, %and3A_1805 : vector<16xi32>
        %ne3A_1807 = arith.constant 0 : i32
        %ne3A_1808 = vector.broadcast %ne3A_1807 : i32 to vector<16xi32>
        %ne3A_1809 = arith.cmpi ne, %and3A_1806, %ne3A_1808 : vector<16xi32>
        %gather3A_1810 = vector.shape_cast %broadcast_in_dim3A_1803 : vector<16x1xi32> to vector<16xi32>
        %gather3A_1811 = tpu.dynamic_gather %select_n3A_1792[%gather3A_1810] in [0] : vector<16xf32>, vector<16xi32> -> vector<16xf32>
        %add3A_1812 = arith.addf %select_n3A_1792, %gather3A_1811 : vector<16xf32>
        %gather3A_1813 = vector.shape_cast %broadcast_in_dim3A_1803 : vector<16x1xi32> to vector<16xi32>
        %gather3A_1814 = tpu.dynamic_gather %select_n3A_1793[%gather3A_1813] in [0] : vector<16xf32>, vector<16xi32> -> vector<16xf32>
        %add3A_1815 = arith.addf %select_n3A_1793, %gather3A_1814 : vector<16xf32>
        %gather3A_1816 = vector.shape_cast %broadcast_in_dim3A_1803 : vector<16x1xi32> to vector<16xi32>
        %gather3A_1817 = tpu.dynamic_gather %select_n3A_1794[%gather3A_1816] in [0] : vector<16xf32>, vector<16xi32> -> vector<16xf32>
        %add3A_1818 = arith.addf %select_n3A_1794, %gather3A_1817 : vector<16xf32>
        %gather3A_1819 = vector.shape_cast %broadcast_in_dim3A_1803 : vector<16x1xi32> to vector<16xi32>
        %gather3A_1820 = tpu.dynamic_gather %select_n3A_1795[%gather3A_1819] in [0] : vector<16xf32>, vector<16xi32> -> vector<16xf32>
        %add3A_1821 = arith.addf %select_n3A_1795, %gather3A_1820 : vector<16xf32>
        %gather3A_1822 = vector.shape_cast %broadcast_in_dim3A_1803 : vector<16x1xi32> to vector<16xi32>
        %gather3A_1823 = tpu.dynamic_gather %select_n3A_1796[%gather3A_1822] in [0] : vector<16xf32>, vector<16xi32> -> vector<16xf32>
        %add3A_1824 = arith.addf %select_n3A_1796, %gather3A_1823 : vector<16xf32>
        %gather3A_1825 = vector.shape_cast %broadcast_in_dim3A_1803 : vector<16x1xi32> to vector<16xi32>
        %gather3A_1826 = tpu.dynamic_gather %select_n3A_1797[%gather3A_1825] in [0] : vector<16xf32>, vector<16xi32> -> vector<16xf32>
        %add3A_1827 = arith.addf %select_n3A_1797, %gather3A_1826 : vector<16xf32>
        %gather3A_1828 = vector.shape_cast %broadcast_in_dim3A_1803 : vector<16x1xi32> to vector<16xi32>
        %gather3A_1829 = tpu.dynamic_gather %select_n3A_1798[%gather3A_1828] in [0] : vector<16xf32>, vector<16xi32> -> vector<16xf32>
        %add3A_1830 = arith.addf %select_n3A_1798, %gather3A_1829 : vector<16xf32>
        %gather3A_1831 = vector.shape_cast %broadcast_in_dim3A_1803 : vector<16x1xi32> to vector<16xi32>
        %gather3A_1832 = tpu.dynamic_gather %select_n3A_1799[%gather3A_1831] in [0] : vector<16xf32>, vector<16xi32> -> vector<16xf32>
        %add3A_1833 = arith.addf %select_n3A_1799, %gather3A_1832 : vector<16xf32>
        %select_n3A_1834 = arith.select %ne3A_1809, %add3A_1815, %add3A_1812 : vector<16xi1>, vector<16xf32>
        %select_n3A_1835 = arith.select %ne3A_1809, %add3A_1821, %add3A_1818 : vector<16xi1>, vector<16xf32>
        %select_n3A_1836 = arith.select %ne3A_1809, %add3A_1827, %add3A_1824 : vector<16xi1>, vector<16xf32>
        %select_n3A_1837 = arith.select %ne3A_1809, %add3A_1833, %add3A_1830 : vector<16xi1>, vector<16xf32>
        %xor3A_1838 = arith.constant 4 : i32
        %xor3A_1839 = vector.broadcast %xor3A_1838 : i32 to vector<16xi32>
        %xor3A_1840 = arith.xori %iota3A, %xor3A_1839 : vector<16xi32>
        %broadcast_in_dim3A_1841 = vector.shape_cast %xor3A_1840 : vector<16xi32> to vector<16x1xi32>
        %and3A_1842 = arith.constant 4 : i32
        %and3A_1843 = vector.broadcast %and3A_1842 : i32 to vector<16xi32>
        %and3A_1844 = arith.andi %iota3A, %and3A_1843 : vector<16xi32>
        %ne3A_1845 = arith.constant 0 : i32
        %ne3A_1846 = vector.broadcast %ne3A_1845 : i32 to vector<16xi32>
        %ne3A_1847 = arith.cmpi ne, %and3A_1844, %ne3A_1846 : vector<16xi32>
        %gather3A_1848 = vector.shape_cast %broadcast_in_dim3A_1841 : vector<16x1xi32> to vector<16xi32>
        %gather3A_1849 = tpu.dynamic_gather %select_n3A_1834[%gather3A_1848] in [0] : vector<16xf32>, vector<16xi32> -> vector<16xf32>
        %add3A_1850 = arith.addf %select_n3A_1834, %gather3A_1849 : vector<16xf32>
        %gather3A_1851 = vector.shape_cast %broadcast_in_dim3A_1841 : vector<16x1xi32> to vector<16xi32>
        %gather3A_1852 = tpu.dynamic_gather %select_n3A_1835[%gather3A_1851] in [0] : vector<16xf32>, vector<16xi32> -> vector<16xf32>
        %add3A_1853 = arith.addf %select_n3A_1835, %gather3A_1852 : vector<16xf32>
        %gather3A_1854 = vector.shape_cast %broadcast_in_dim3A_1841 : vector<16x1xi32> to vector<16xi32>
        %gather3A_1855 = tpu.dynamic_gather %select_n3A_1836[%gather3A_1854] in [0] : vector<16xf32>, vector<16xi32> -> vector<16xf32>
        %add3A_1856 = arith.addf %select_n3A_1836, %gather3A_1855 : vector<16xf32>
        %gather3A_1857 = vector.shape_cast %broadcast_in_dim3A_1841 : vector<16x1xi32> to vector<16xi32>
        %gather3A_1858 = tpu.dynamic_gather %select_n3A_1837[%gather3A_1857] in [0] : vector<16xf32>, vector<16xi32> -> vector<16xf32>
        %add3A_1859 = arith.addf %select_n3A_1837, %gather3A_1858 : vector<16xf32>
        %select_n3A_1860 = arith.select %ne3A_1847, %add3A_1853, %add3A_1850 : vector<16xi1>, vector<16xf32>
        %select_n3A_1861 = arith.select %ne3A_1847, %add3A_1859, %add3A_1856 : vector<16xi1>, vector<16xf32>
        %xor3A_1862 = arith.constant 8 : i32
        %xor3A_1863 = vector.broadcast %xor3A_1862 : i32 to vector<16xi32>
        %xor3A_1864 = arith.xori %iota3A, %xor3A_1863 : vector<16xi32>
        %broadcast_in_dim3A_1865 = vector.shape_cast %xor3A_1864 : vector<16xi32> to vector<16x1xi32>
        %and3A_1866 = arith.constant 8 : i32
        %and3A_1867 = vector.broadcast %and3A_1866 : i32 to vector<16xi32>
        %and3A_1868 = arith.andi %iota3A, %and3A_1867 : vector<16xi32>
        %ne3A_1869 = arith.constant 0 : i32
        %ne3A_1870 = vector.broadcast %ne3A_1869 : i32 to vector<16xi32>
        %ne3A_1871 = arith.cmpi ne, %and3A_1868, %ne3A_1870 : vector<16xi32>
        %gather3A_1872 = vector.shape_cast %broadcast_in_dim3A_1865 : vector<16x1xi32> to vector<16xi32>
        %gather3A_1873 = tpu.dynamic_gather %select_n3A_1860[%gather3A_1872] in [0] : vector<16xf32>, vector<16xi32> -> vector<16xf32>
        %add3A_1874 = arith.addf %select_n3A_1860, %gather3A_1873 : vector<16xf32>
        %gather3A_1875 = vector.shape_cast %broadcast_in_dim3A_1865 : vector<16x1xi32> to vector<16xi32>
        %gather3A_1876 = tpu.dynamic_gather %select_n3A_1861[%gather3A_1875] in [0] : vector<16xf32>, vector<16xi32> -> vector<16xf32>
        %add3A_1877 = arith.addf %select_n3A_1861, %gather3A_1876 : vector<16xf32>
        %select_n3A_1878 = arith.select %ne3A_1871, %add3A_1877, %add3A_1874 : vector<16xi1>, vector<16xf32>
        %add3A_1879 = arith.constant 32 : i32
        %add3A_1880 = arith.addi %mul3A_311, %add3A_1879 : i32
        %broadcast_in_dim3A_1881 = vector.broadcast %add3A_1880 : i32 to vector<16xi32>
        %add3A_1882 = arith.addi %broadcast_in_dim3A_1881, %iota3A : vector<16xi32>
        %add3A_1883 = arith.constant 32 : i32
        %add3A_1884 = vector.broadcast %add3A_1883 : i32 to vector<16xi32>
        %add3A_1885 = arith.addi %add3A_1884, %iota3A : vector<16xi32>
        %lt3A_1886 = arith.constant 50 : i32
        %lt3A_1887 = vector.broadcast %lt3A_1886 : i32 to vector<16xi32>
        %lt3A_1888 = arith.cmpi slt, %add3A_1885, %lt3A_1887 : vector<16xi32>
        tpu.vector_store_idx %arg11[%add3A_1882], %select_n3A_1878 masked %lt3A_1888 : memref<400xf32, #tpu.memory_space<vmem>>[vector<16xi32>], vector<16xf32>, vector<16xi1>
        %add3A_1889 = arith.constant 48 : i32
        %add3A_1890 = arith.addi %mul3A_311, %add3A_1889 : i32
        %add3A_1891 = arith.constant 0 : i32
        %add3A_1892 = arith.addi %add3A_1890, %add3A_1891 : i32
        %get3A_1893 = arith.index_cast %add3A_1892 : i32 to index
        %get3A_1894 = arith.constant 0 : index
        %get3A_1895 = tpu.vector_load %arg10[%get3A_1893, %get3A_1894] {strides = array<i32>} : memref<416x64xf32, #tpu.memory_space<vmem>>, vector<16xf32>,
        %mul3A_1896 = arith.mulf %get3A_1895, %get3A_316 : vector<16xf32>
        %get3A_1897 = arith.index_cast %add3A_1892 : i32 to index
        %get3A_1898 = arith.constant 16 : index
        %get3A_1899 = tpu.vector_load %arg10[%get3A_1897, %get3A_1898] {strides = array<i32>} : memref<416x64xf32, #tpu.memory_space<vmem>>, vector<16xf32>,
        %mul3A_1900 = arith.mulf %get3A_1899, %get3A_319 : vector<16xf32>
        %add3A_1901 = arith.addf %mul3A_1896, %mul3A_1900 : vector<16xf32>
        %get3A_1902 = arith.index_cast %add3A_1892 : i32 to index
        %get3A_1903 = arith.constant 32 : index
        %get3A_1904 = tpu.vector_load %arg10[%get3A_1902, %get3A_1903] {strides = array<i32>} : memref<416x64xf32, #tpu.memory_space<vmem>>, vector<16xf32>,
        %mul3A_1905 = arith.mulf %get3A_1904, %get3A_322 : vector<16xf32>
        %add3A_1906 = arith.addf %add3A_1901, %mul3A_1905 : vector<16xf32>
        %get3A_1907 = arith.index_cast %add3A_1892 : i32 to index
        %get3A_1908 = arith.constant 48 : index
        %get3A_1909 = tpu.vector_load %arg10[%get3A_1907, %get3A_1908] {strides = array<i32>} : memref<416x64xf32, #tpu.memory_space<vmem>>, vector<16xf32>,
        %mul3A_1910 = arith.mulf %get3A_1909, %get3A_325 : vector<16xf32>
        %add3A_1911 = arith.addf %add3A_1906, %mul3A_1910 : vector<16xf32>
        %add3A_1912 = arith.constant 48 : i32
        %add3A_1913 = arith.addi %mul3A_311, %add3A_1912 : i32
        %add3A_1914 = arith.constant 1 : i32
        %add3A_1915 = arith.addi %add3A_1913, %add3A_1914 : i32
        %get3A_1916 = arith.index_cast %add3A_1915 : i32 to index
        %get3A_1917 = arith.constant 0 : index
        %get3A_1918 = tpu.vector_load %arg10[%get3A_1916, %get3A_1917] {strides = array<i32>} : memref<416x64xf32, #tpu.memory_space<vmem>>, vector<16xf32>,
        %mul3A_1919 = arith.mulf %get3A_1918, %get3A_316 : vector<16xf32>
        %get3A_1920 = arith.index_cast %add3A_1915 : i32 to index
        %get3A_1921 = arith.constant 16 : index
        %get3A_1922 = tpu.vector_load %arg10[%get3A_1920, %get3A_1921] {strides = array<i32>} : memref<416x64xf32, #tpu.memory_space<vmem>>, vector<16xf32>,
        %mul3A_1923 = arith.mulf %get3A_1922, %get3A_319 : vector<16xf32>
        %add3A_1924 = arith.addf %mul3A_1919, %mul3A_1923 : vector<16xf32>
        %get3A_1925 = arith.index_cast %add3A_1915 : i32 to index
        %get3A_1926 = arith.constant 32 : index
        %get3A_1927 = tpu.vector_load %arg10[%get3A_1925, %get3A_1926] {strides = array<i32>} : memref<416x64xf32, #tpu.memory_space<vmem>>, vector<16xf32>,
        %mul3A_1928 = arith.mulf %get3A_1927, %get3A_322 : vector<16xf32>
        %add3A_1929 = arith.addf %add3A_1924, %mul3A_1928 : vector<16xf32>
        %get3A_1930 = arith.index_cast %add3A_1915 : i32 to index
        %get3A_1931 = arith.constant 48 : index
        %get3A_1932 = tpu.vector_load %arg10[%get3A_1930, %get3A_1931] {strides = array<i32>} : memref<416x64xf32, #tpu.memory_space<vmem>>, vector<16xf32>,
        %mul3A_1933 = arith.mulf %get3A_1932, %get3A_325 : vector<16xf32>
        %add3A_1934 = arith.addf %add3A_1929, %mul3A_1933 : vector<16xf32>
        %add3A_1935 = arith.constant 48 : i32
        %add3A_1936 = arith.addi %mul3A_311, %add3A_1935 : i32
        %add3A_1937 = arith.constant 2 : i32
        %add3A_1938 = arith.addi %add3A_1936, %add3A_1937 : i32
        %get3A_1939 = arith.index_cast %add3A_1938 : i32 to index
        %get3A_1940 = arith.constant 0 : index
        %get3A_1941 = tpu.vector_load %arg10[%get3A_1939, %get3A_1940] {strides = array<i32>} : memref<416x64xf32, #tpu.memory_space<vmem>>, vector<16xf32>,
        %mul3A_1942 = arith.mulf %get3A_1941, %get3A_316 : vector<16xf32>
        %get3A_1943 = arith.index_cast %add3A_1938 : i32 to index
        %get3A_1944 = arith.constant 16 : index
        %get3A_1945 = tpu.vector_load %arg10[%get3A_1943, %get3A_1944] {strides = array<i32>} : memref<416x64xf32, #tpu.memory_space<vmem>>, vector<16xf32>,
        %mul3A_1946 = arith.mulf %get3A_1945, %get3A_319 : vector<16xf32>
        %add3A_1947 = arith.addf %mul3A_1942, %mul3A_1946 : vector<16xf32>
        %get3A_1948 = arith.index_cast %add3A_1938 : i32 to index
        %get3A_1949 = arith.constant 32 : index
        %get3A_1950 = tpu.vector_load %arg10[%get3A_1948, %get3A_1949] {strides = array<i32>} : memref<416x64xf32, #tpu.memory_space<vmem>>, vector<16xf32>,
        %mul3A_1951 = arith.mulf %get3A_1950, %get3A_322 : vector<16xf32>
        %add3A_1952 = arith.addf %add3A_1947, %mul3A_1951 : vector<16xf32>
        %get3A_1953 = arith.index_cast %add3A_1938 : i32 to index
        %get3A_1954 = arith.constant 48 : index
        %get3A_1955 = tpu.vector_load %arg10[%get3A_1953, %get3A_1954] {strides = array<i32>} : memref<416x64xf32, #tpu.memory_space<vmem>>, vector<16xf32>,
        %mul3A_1956 = arith.mulf %get3A_1955, %get3A_325 : vector<16xf32>
        %add3A_1957 = arith.addf %add3A_1952, %mul3A_1956 : vector<16xf32>
        %add3A_1958 = arith.constant 48 : i32
        %add3A_1959 = arith.addi %mul3A_311, %add3A_1958 : i32
        %add3A_1960 = arith.constant 3 : i32
        %add3A_1961 = arith.addi %add3A_1959, %add3A_1960 : i32
        %get3A_1962 = arith.index_cast %add3A_1961 : i32 to index
        %get3A_1963 = arith.constant 0 : index
        %get3A_1964 = tpu.vector_load %arg10[%get3A_1962, %get3A_1963] {strides = array<i32>} : memref<416x64xf32, #tpu.memory_space<vmem>>, vector<16xf32>,
        %mul3A_1965 = arith.mulf %get3A_1964, %get3A_316 : vector<16xf32>
        %get3A_1966 = arith.index_cast %add3A_1961 : i32 to index
        %get3A_1967 = arith.constant 16 : index
        %get3A_1968 = tpu.vector_load %arg10[%get3A_1966, %get3A_1967] {strides = array<i32>} : memref<416x64xf32, #tpu.memory_space<vmem>>, vector<16xf32>,
        %mul3A_1969 = arith.mulf %get3A_1968, %get3A_319 : vector<16xf32>
        %add3A_1970 = arith.addf %mul3A_1965, %mul3A_1969 : vector<16xf32>
        %get3A_1971 = arith.index_cast %add3A_1961 : i32 to index
        %get3A_1972 = arith.constant 32 : index
        %get3A_1973 = tpu.vector_load %arg10[%get3A_1971, %get3A_1972] {strides = array<i32>} : memref<416x64xf32, #tpu.memory_space<vmem>>, vector<16xf32>,
        %mul3A_1974 = arith.mulf %get3A_1973, %get3A_322 : vector<16xf32>
        %add3A_1975 = arith.addf %add3A_1970, %mul3A_1974 : vector<16xf32>
        %get3A_1976 = arith.index_cast %add3A_1961 : i32 to index
        %get3A_1977 = arith.constant 48 : index
        %get3A_1978 = tpu.vector_load %arg10[%get3A_1976, %get3A_1977] {strides = array<i32>} : memref<416x64xf32, #tpu.memory_space<vmem>>, vector<16xf32>,
        %mul3A_1979 = arith.mulf %get3A_1978, %get3A_325 : vector<16xf32>
        %add3A_1980 = arith.addf %add3A_1975, %mul3A_1979 : vector<16xf32>
        %add3A_1981 = arith.constant 48 : i32
        %add3A_1982 = arith.addi %mul3A_311, %add3A_1981 : i32
        %add3A_1983 = arith.constant 4 : i32
        %add3A_1984 = arith.addi %add3A_1982, %add3A_1983 : i32
        %get3A_1985 = arith.index_cast %add3A_1984 : i32 to index
        %get3A_1986 = arith.constant 0 : index
        %get3A_1987 = tpu.vector_load %arg10[%get3A_1985, %get3A_1986] {strides = array<i32>} : memref<416x64xf32, #tpu.memory_space<vmem>>, vector<16xf32>,
        %mul3A_1988 = arith.mulf %get3A_1987, %get3A_316 : vector<16xf32>
        %get3A_1989 = arith.index_cast %add3A_1984 : i32 to index
        %get3A_1990 = arith.constant 16 : index
        %get3A_1991 = tpu.vector_load %arg10[%get3A_1989, %get3A_1990] {strides = array<i32>} : memref<416x64xf32, #tpu.memory_space<vmem>>, vector<16xf32>,
        %mul3A_1992 = arith.mulf %get3A_1991, %get3A_319 : vector<16xf32>
        %add3A_1993 = arith.addf %mul3A_1988, %mul3A_1992 : vector<16xf32>
        %get3A_1994 = arith.index_cast %add3A_1984 : i32 to index
        %get3A_1995 = arith.constant 32 : index
        %get3A_1996 = tpu.vector_load %arg10[%get3A_1994, %get3A_1995] {strides = array<i32>} : memref<416x64xf32, #tpu.memory_space<vmem>>, vector<16xf32>,
        %mul3A_1997 = arith.mulf %get3A_1996, %get3A_322 : vector<16xf32>
        %add3A_1998 = arith.addf %add3A_1993, %mul3A_1997 : vector<16xf32>
        %get3A_1999 = arith.index_cast %add3A_1984 : i32 to index
        %get3A_2000 = arith.constant 48 : index
        %get3A_2001 = tpu.vector_load %arg10[%get3A_1999, %get3A_2000] {strides = array<i32>} : memref<416x64xf32, #tpu.memory_space<vmem>>, vector<16xf32>,
        %mul3A_2002 = arith.mulf %get3A_2001, %get3A_325 : vector<16xf32>
        %add3A_2003 = arith.addf %add3A_1998, %mul3A_2002 : vector<16xf32>
        %add3A_2004 = arith.constant 48 : i32
        %add3A_2005 = arith.addi %mul3A_311, %add3A_2004 : i32
        %add3A_2006 = arith.constant 5 : i32
        %add3A_2007 = arith.addi %add3A_2005, %add3A_2006 : i32
        %get3A_2008 = arith.index_cast %add3A_2007 : i32 to index
        %get3A_2009 = arith.constant 0 : index
        %get3A_2010 = tpu.vector_load %arg10[%get3A_2008, %get3A_2009] {strides = array<i32>} : memref<416x64xf32, #tpu.memory_space<vmem>>, vector<16xf32>,
        %mul3A_2011 = arith.mulf %get3A_2010, %get3A_316 : vector<16xf32>
        %get3A_2012 = arith.index_cast %add3A_2007 : i32 to index
        %get3A_2013 = arith.constant 16 : index
        %get3A_2014 = tpu.vector_load %arg10[%get3A_2012, %get3A_2013] {strides = array<i32>} : memref<416x64xf32, #tpu.memory_space<vmem>>, vector<16xf32>,
        %mul3A_2015 = arith.mulf %get3A_2014, %get3A_319 : vector<16xf32>
        %add3A_2016 = arith.addf %mul3A_2011, %mul3A_2015 : vector<16xf32>
        %get3A_2017 = arith.index_cast %add3A_2007 : i32 to index
        %get3A_2018 = arith.constant 32 : index
        %get3A_2019 = tpu.vector_load %arg10[%get3A_2017, %get3A_2018] {strides = array<i32>} : memref<416x64xf32, #tpu.memory_space<vmem>>, vector<16xf32>,
        %mul3A_2020 = arith.mulf %get3A_2019, %get3A_322 : vector<16xf32>
        %add3A_2021 = arith.addf %add3A_2016, %mul3A_2020 : vector<16xf32>
        %get3A_2022 = arith.index_cast %add3A_2007 : i32 to index
        %get3A_2023 = arith.constant 48 : index
        %get3A_2024 = tpu.vector_load %arg10[%get3A_2022, %get3A_2023] {strides = array<i32>} : memref<416x64xf32, #tpu.memory_space<vmem>>, vector<16xf32>,
        %mul3A_2025 = arith.mulf %get3A_2024, %get3A_325 : vector<16xf32>
        %add3A_2026 = arith.addf %add3A_2021, %mul3A_2025 : vector<16xf32>
        %add3A_2027 = arith.constant 48 : i32
        %add3A_2028 = arith.addi %mul3A_311, %add3A_2027 : i32
        %add3A_2029 = arith.constant 6 : i32
        %add3A_2030 = arith.addi %add3A_2028, %add3A_2029 : i32
        %get3A_2031 = arith.index_cast %add3A_2030 : i32 to index
        %get3A_2032 = arith.constant 0 : index
        %get3A_2033 = tpu.vector_load %arg10[%get3A_2031, %get3A_2032] {strides = array<i32>} : memref<416x64xf32, #tpu.memory_space<vmem>>, vector<16xf32>,
        %mul3A_2034 = arith.mulf %get3A_2033, %get3A_316 : vector<16xf32>
        %get3A_2035 = arith.index_cast %add3A_2030 : i32 to index
        %get3A_2036 = arith.constant 16 : index
        %get3A_2037 = tpu.vector_load %arg10[%get3A_2035, %get3A_2036] {strides = array<i32>} : memref<416x64xf32, #tpu.memory_space<vmem>>, vector<16xf32>,
        %mul3A_2038 = arith.mulf %get3A_2037, %get3A_319 : vector<16xf32>
        %add3A_2039 = arith.addf %mul3A_2034, %mul3A_2038 : vector<16xf32>
        %get3A_2040 = arith.index_cast %add3A_2030 : i32 to index
        %get3A_2041 = arith.constant 32 : index
        %get3A_2042 = tpu.vector_load %arg10[%get3A_2040, %get3A_2041] {strides = array<i32>} : memref<416x64xf32, #tpu.memory_space<vmem>>, vector<16xf32>,
        %mul3A_2043 = arith.mulf %get3A_2042, %get3A_322 : vector<16xf32>
        %add3A_2044 = arith.addf %add3A_2039, %mul3A_2043 : vector<16xf32>
        %get3A_2045 = arith.index_cast %add3A_2030 : i32 to index
        %get3A_2046 = arith.constant 48 : index
        %get3A_2047 = tpu.vector_load %arg10[%get3A_2045, %get3A_2046] {strides = array<i32>} : memref<416x64xf32, #tpu.memory_space<vmem>>, vector<16xf32>,
        %mul3A_2048 = arith.mulf %get3A_2047, %get3A_325 : vector<16xf32>
        %add3A_2049 = arith.addf %add3A_2044, %mul3A_2048 : vector<16xf32>
        %add3A_2050 = arith.constant 48 : i32
        %add3A_2051 = arith.addi %mul3A_311, %add3A_2050 : i32
        %add3A_2052 = arith.constant 7 : i32
        %add3A_2053 = arith.addi %add3A_2051, %add3A_2052 : i32
        %get3A_2054 = arith.index_cast %add3A_2053 : i32 to index
        %get3A_2055 = arith.constant 0 : index
        %get3A_2056 = tpu.vector_load %arg10[%get3A_2054, %get3A_2055] {strides = array<i32>} : memref<416x64xf32, #tpu.memory_space<vmem>>, vector<16xf32>,
        %mul3A_2057 = arith.mulf %get3A_2056, %get3A_316 : vector<16xf32>
        %get3A_2058 = arith.index_cast %add3A_2053 : i32 to index
        %get3A_2059 = arith.constant 16 : index
        %get3A_2060 = tpu.vector_load %arg10[%get3A_2058, %get3A_2059] {strides = array<i32>} : memref<416x64xf32, #tpu.memory_space<vmem>>, vector<16xf32>,
        %mul3A_2061 = arith.mulf %get3A_2060, %get3A_319 : vector<16xf32>
        %add3A_2062 = arith.addf %mul3A_2057, %mul3A_2061 : vector<16xf32>
        %get3A_2063 = arith.index_cast %add3A_2053 : i32 to index
        %get3A_2064 = arith.constant 32 : index
        %get3A_2065 = tpu.vector_load %arg10[%get3A_2063, %get3A_2064] {strides = array<i32>} : memref<416x64xf32, #tpu.memory_space<vmem>>, vector<16xf32>,
        %mul3A_2066 = arith.mulf %get3A_2065, %get3A_322 : vector<16xf32>
        %add3A_2067 = arith.addf %add3A_2062, %mul3A_2066 : vector<16xf32>
        %get3A_2068 = arith.index_cast %add3A_2053 : i32 to index
        %get3A_2069 = arith.constant 48 : index
        %get3A_2070 = tpu.vector_load %arg10[%get3A_2068, %get3A_2069] {strides = array<i32>} : memref<416x64xf32, #tpu.memory_space<vmem>>, vector<16xf32>,
        %mul3A_2071 = arith.mulf %get3A_2070, %get3A_325 : vector<16xf32>
        %add3A_2072 = arith.addf %add3A_2067, %mul3A_2071 : vector<16xf32>
        %add3A_2073 = arith.constant 48 : i32
        %add3A_2074 = arith.addi %mul3A_311, %add3A_2073 : i32
        %add3A_2075 = arith.constant 8 : i32
        %add3A_2076 = arith.addi %add3A_2074, %add3A_2075 : i32
        %get3A_2077 = arith.index_cast %add3A_2076 : i32 to index
        %get3A_2078 = arith.constant 0 : index
        %get3A_2079 = tpu.vector_load %arg10[%get3A_2077, %get3A_2078] {strides = array<i32>} : memref<416x64xf32, #tpu.memory_space<vmem>>, vector<16xf32>,
        %mul3A_2080 = arith.mulf %get3A_2079, %get3A_316 : vector<16xf32>
        %get3A_2081 = arith.index_cast %add3A_2076 : i32 to index
        %get3A_2082 = arith.constant 16 : index
        %get3A_2083 = tpu.vector_load %arg10[%get3A_2081, %get3A_2082] {strides = array<i32>} : memref<416x64xf32, #tpu.memory_space<vmem>>, vector<16xf32>,
        %mul3A_2084 = arith.mulf %get3A_2083, %get3A_319 : vector<16xf32>
        %add3A_2085 = arith.addf %mul3A_2080, %mul3A_2084 : vector<16xf32>
        %get3A_2086 = arith.index_cast %add3A_2076 : i32 to index
        %get3A_2087 = arith.constant 32 : index
        %get3A_2088 = tpu.vector_load %arg10[%get3A_2086, %get3A_2087] {strides = array<i32>} : memref<416x64xf32, #tpu.memory_space<vmem>>, vector<16xf32>,
        %mul3A_2089 = arith.mulf %get3A_2088, %get3A_322 : vector<16xf32>
        %add3A_2090 = arith.addf %add3A_2085, %mul3A_2089 : vector<16xf32>
        %get3A_2091 = arith.index_cast %add3A_2076 : i32 to index
        %get3A_2092 = arith.constant 48 : index
        %get3A_2093 = tpu.vector_load %arg10[%get3A_2091, %get3A_2092] {strides = array<i32>} : memref<416x64xf32, #tpu.memory_space<vmem>>, vector<16xf32>,
        %mul3A_2094 = arith.mulf %get3A_2093, %get3A_325 : vector<16xf32>
        %add3A_2095 = arith.addf %add3A_2090, %mul3A_2094 : vector<16xf32>
        %add3A_2096 = arith.constant 48 : i32
        %add3A_2097 = arith.addi %mul3A_311, %add3A_2096 : i32
        %add3A_2098 = arith.constant 9 : i32
        %add3A_2099 = arith.addi %add3A_2097, %add3A_2098 : i32
        %get3A_2100 = arith.index_cast %add3A_2099 : i32 to index
        %get3A_2101 = arith.constant 0 : index
        %get3A_2102 = tpu.vector_load %arg10[%get3A_2100, %get3A_2101] {strides = array<i32>} : memref<416x64xf32, #tpu.memory_space<vmem>>, vector<16xf32>,
        %mul3A_2103 = arith.mulf %get3A_2102, %get3A_316 : vector<16xf32>
        %get3A_2104 = arith.index_cast %add3A_2099 : i32 to index
        %get3A_2105 = arith.constant 16 : index
        %get3A_2106 = tpu.vector_load %arg10[%get3A_2104, %get3A_2105] {strides = array<i32>} : memref<416x64xf32, #tpu.memory_space<vmem>>, vector<16xf32>,
        %mul3A_2107 = arith.mulf %get3A_2106, %get3A_319 : vector<16xf32>
        %add3A_2108 = arith.addf %mul3A_2103, %mul3A_2107 : vector<16xf32>
        %get3A_2109 = arith.index_cast %add3A_2099 : i32 to index
        %get3A_2110 = arith.constant 32 : index
        %get3A_2111 = tpu.vector_load %arg10[%get3A_2109, %get3A_2110] {strides = array<i32>} : memref<416x64xf32, #tpu.memory_space<vmem>>, vector<16xf32>,
        %mul3A_2112 = arith.mulf %get3A_2111, %get3A_322 : vector<16xf32>
        %add3A_2113 = arith.addf %add3A_2108, %mul3A_2112 : vector<16xf32>
        %get3A_2114 = arith.index_cast %add3A_2099 : i32 to index
        %get3A_2115 = arith.constant 48 : index
        %get3A_2116 = tpu.vector_load %arg10[%get3A_2114, %get3A_2115] {strides = array<i32>} : memref<416x64xf32, #tpu.memory_space<vmem>>, vector<16xf32>,
        %mul3A_2117 = arith.mulf %get3A_2116, %get3A_325 : vector<16xf32>
        %add3A_2118 = arith.addf %add3A_2113, %mul3A_2117 : vector<16xf32>
        %add3A_2119 = arith.constant 48 : i32
        %add3A_2120 = arith.addi %mul3A_311, %add3A_2119 : i32
        %add3A_2121 = arith.constant 10 : i32
        %add3A_2122 = arith.addi %add3A_2120, %add3A_2121 : i32
        %get3A_2123 = arith.index_cast %add3A_2122 : i32 to index
        %get3A_2124 = arith.constant 0 : index
        %get3A_2125 = tpu.vector_load %arg10[%get3A_2123, %get3A_2124] {strides = array<i32>} : memref<416x64xf32, #tpu.memory_space<vmem>>, vector<16xf32>,
        %mul3A_2126 = arith.mulf %get3A_2125, %get3A_316 : vector<16xf32>
        %get3A_2127 = arith.index_cast %add3A_2122 : i32 to index
        %get3A_2128 = arith.constant 16 : index
        %get3A_2129 = tpu.vector_load %arg10[%get3A_2127, %get3A_2128] {strides = array<i32>} : memref<416x64xf32, #tpu.memory_space<vmem>>, vector<16xf32>,
        %mul3A_2130 = arith.mulf %get3A_2129, %get3A_319 : vector<16xf32>
        %add3A_2131 = arith.addf %mul3A_2126, %mul3A_2130 : vector<16xf32>
        %get3A_2132 = arith.index_cast %add3A_2122 : i32 to index
        %get3A_2133 = arith.constant 32 : index
        %get3A_2134 = tpu.vector_load %arg10[%get3A_2132, %get3A_2133] {strides = array<i32>} : memref<416x64xf32, #tpu.memory_space<vmem>>, vector<16xf32>,
        %mul3A_2135 = arith.mulf %get3A_2134, %get3A_322 : vector<16xf32>
        %add3A_2136 = arith.addf %add3A_2131, %mul3A_2135 : vector<16xf32>
        %get3A_2137 = arith.index_cast %add3A_2122 : i32 to index
        %get3A_2138 = arith.constant 48 : index
        %get3A_2139 = tpu.vector_load %arg10[%get3A_2137, %get3A_2138] {strides = array<i32>} : memref<416x64xf32, #tpu.memory_space<vmem>>, vector<16xf32>,
        %mul3A_2140 = arith.mulf %get3A_2139, %get3A_325 : vector<16xf32>
        %add3A_2141 = arith.addf %add3A_2136, %mul3A_2140 : vector<16xf32>
        %add3A_2142 = arith.constant 48 : i32
        %add3A_2143 = arith.addi %mul3A_311, %add3A_2142 : i32
        %add3A_2144 = arith.constant 11 : i32
        %add3A_2145 = arith.addi %add3A_2143, %add3A_2144 : i32
        %get3A_2146 = arith.index_cast %add3A_2145 : i32 to index
        %get3A_2147 = arith.constant 0 : index
        %get3A_2148 = tpu.vector_load %arg10[%get3A_2146, %get3A_2147] {strides = array<i32>} : memref<416x64xf32, #tpu.memory_space<vmem>>, vector<16xf32>,
        %mul3A_2149 = arith.mulf %get3A_2148, %get3A_316 : vector<16xf32>
        %get3A_2150 = arith.index_cast %add3A_2145 : i32 to index
        %get3A_2151 = arith.constant 16 : index
        %get3A_2152 = tpu.vector_load %arg10[%get3A_2150, %get3A_2151] {strides = array<i32>} : memref<416x64xf32, #tpu.memory_space<vmem>>, vector<16xf32>,
        %mul3A_2153 = arith.mulf %get3A_2152, %get3A_319 : vector<16xf32>
        %add3A_2154 = arith.addf %mul3A_2149, %mul3A_2153 : vector<16xf32>
        %get3A_2155 = arith.index_cast %add3A_2145 : i32 to index
        %get3A_2156 = arith.constant 32 : index
        %get3A_2157 = tpu.vector_load %arg10[%get3A_2155, %get3A_2156] {strides = array<i32>} : memref<416x64xf32, #tpu.memory_space<vmem>>, vector<16xf32>,
        %mul3A_2158 = arith.mulf %get3A_2157, %get3A_322 : vector<16xf32>
        %add3A_2159 = arith.addf %add3A_2154, %mul3A_2158 : vector<16xf32>
        %get3A_2160 = arith.index_cast %add3A_2145 : i32 to index
        %get3A_2161 = arith.constant 48 : index
        %get3A_2162 = tpu.vector_load %arg10[%get3A_2160, %get3A_2161] {strides = array<i32>} : memref<416x64xf32, #tpu.memory_space<vmem>>, vector<16xf32>,
        %mul3A_2163 = arith.mulf %get3A_2162, %get3A_325 : vector<16xf32>
        %add3A_2164 = arith.addf %add3A_2159, %mul3A_2163 : vector<16xf32>
        %add3A_2165 = arith.constant 48 : i32
        %add3A_2166 = arith.addi %mul3A_311, %add3A_2165 : i32
        %add3A_2167 = arith.constant 12 : i32
        %add3A_2168 = arith.addi %add3A_2166, %add3A_2167 : i32
        %get3A_2169 = arith.index_cast %add3A_2168 : i32 to index
        %get3A_2170 = arith.constant 0 : index
        %get3A_2171 = tpu.vector_load %arg10[%get3A_2169, %get3A_2170] {strides = array<i32>} : memref<416x64xf32, #tpu.memory_space<vmem>>, vector<16xf32>,
        %mul3A_2172 = arith.mulf %get3A_2171, %get3A_316 : vector<16xf32>
        %get3A_2173 = arith.index_cast %add3A_2168 : i32 to index
        %get3A_2174 = arith.constant 16 : index
        %get3A_2175 = tpu.vector_load %arg10[%get3A_2173, %get3A_2174] {strides = array<i32>} : memref<416x64xf32, #tpu.memory_space<vmem>>, vector<16xf32>,
        %mul3A_2176 = arith.mulf %get3A_2175, %get3A_319 : vector<16xf32>
        %add3A_2177 = arith.addf %mul3A_2172, %mul3A_2176 : vector<16xf32>
        %get3A_2178 = arith.index_cast %add3A_2168 : i32 to index
        %get3A_2179 = arith.constant 32 : index
        %get3A_2180 = tpu.vector_load %arg10[%get3A_2178, %get3A_2179] {strides = array<i32>} : memref<416x64xf32, #tpu.memory_space<vmem>>, vector<16xf32>,
        %mul3A_2181 = arith.mulf %get3A_2180, %get3A_322 : vector<16xf32>
        %add3A_2182 = arith.addf %add3A_2177, %mul3A_2181 : vector<16xf32>
        %get3A_2183 = arith.index_cast %add3A_2168 : i32 to index
        %get3A_2184 = arith.constant 48 : index
        %get3A_2185 = tpu.vector_load %arg10[%get3A_2183, %get3A_2184] {strides = array<i32>} : memref<416x64xf32, #tpu.memory_space<vmem>>, vector<16xf32>,
        %mul3A_2186 = arith.mulf %get3A_2185, %get3A_325 : vector<16xf32>
        %add3A_2187 = arith.addf %add3A_2182, %mul3A_2186 : vector<16xf32>
        %add3A_2188 = arith.constant 48 : i32
        %add3A_2189 = arith.addi %mul3A_311, %add3A_2188 : i32
        %add3A_2190 = arith.constant 13 : i32
        %add3A_2191 = arith.addi %add3A_2189, %add3A_2190 : i32
        %get3A_2192 = arith.index_cast %add3A_2191 : i32 to index
        %get3A_2193 = arith.constant 0 : index
        %get3A_2194 = tpu.vector_load %arg10[%get3A_2192, %get3A_2193] {strides = array<i32>} : memref<416x64xf32, #tpu.memory_space<vmem>>, vector<16xf32>,
        %mul3A_2195 = arith.mulf %get3A_2194, %get3A_316 : vector<16xf32>
        %get3A_2196 = arith.index_cast %add3A_2191 : i32 to index
        %get3A_2197 = arith.constant 16 : index
        %get3A_2198 = tpu.vector_load %arg10[%get3A_2196, %get3A_2197] {strides = array<i32>} : memref<416x64xf32, #tpu.memory_space<vmem>>, vector<16xf32>,
        %mul3A_2199 = arith.mulf %get3A_2198, %get3A_319 : vector<16xf32>
        %add3A_2200 = arith.addf %mul3A_2195, %mul3A_2199 : vector<16xf32>
        %get3A_2201 = arith.index_cast %add3A_2191 : i32 to index
        %get3A_2202 = arith.constant 32 : index
        %get3A_2203 = tpu.vector_load %arg10[%get3A_2201, %get3A_2202] {strides = array<i32>} : memref<416x64xf32, #tpu.memory_space<vmem>>, vector<16xf32>,
        %mul3A_2204 = arith.mulf %get3A_2203, %get3A_322 : vector<16xf32>
        %add3A_2205 = arith.addf %add3A_2200, %mul3A_2204 : vector<16xf32>
        %get3A_2206 = arith.index_cast %add3A_2191 : i32 to index
        %get3A_2207 = arith.constant 48 : index
        %get3A_2208 = tpu.vector_load %arg10[%get3A_2206, %get3A_2207] {strides = array<i32>} : memref<416x64xf32, #tpu.memory_space<vmem>>, vector<16xf32>,
        %mul3A_2209 = arith.mulf %get3A_2208, %get3A_325 : vector<16xf32>
        %add3A_2210 = arith.addf %add3A_2205, %mul3A_2209 : vector<16xf32>
        %add3A_2211 = arith.constant 48 : i32
        %add3A_2212 = arith.addi %mul3A_311, %add3A_2211 : i32
        %add3A_2213 = arith.constant 14 : i32
        %add3A_2214 = arith.addi %add3A_2212, %add3A_2213 : i32
        %get3A_2215 = arith.index_cast %add3A_2214 : i32 to index
        %get3A_2216 = arith.constant 0 : index
        %get3A_2217 = tpu.vector_load %arg10[%get3A_2215, %get3A_2216] {strides = array<i32>} : memref<416x64xf32, #tpu.memory_space<vmem>>, vector<16xf32>,
        %mul3A_2218 = arith.mulf %get3A_2217, %get3A_316 : vector<16xf32>
        %get3A_2219 = arith.index_cast %add3A_2214 : i32 to index
        %get3A_2220 = arith.constant 16 : index
        %get3A_2221 = tpu.vector_load %arg10[%get3A_2219, %get3A_2220] {strides = array<i32>} : memref<416x64xf32, #tpu.memory_space<vmem>>, vector<16xf32>,
        %mul3A_2222 = arith.mulf %get3A_2221, %get3A_319 : vector<16xf32>
        %add3A_2223 = arith.addf %mul3A_2218, %mul3A_2222 : vector<16xf32>
        %get3A_2224 = arith.index_cast %add3A_2214 : i32 to index
        %get3A_2225 = arith.constant 32 : index
        %get3A_2226 = tpu.vector_load %arg10[%get3A_2224, %get3A_2225] {strides = array<i32>} : memref<416x64xf32, #tpu.memory_space<vmem>>, vector<16xf32>,
        %mul3A_2227 = arith.mulf %get3A_2226, %get3A_322 : vector<16xf32>
        %add3A_2228 = arith.addf %add3A_2223, %mul3A_2227 : vector<16xf32>
        %get3A_2229 = arith.index_cast %add3A_2214 : i32 to index
        %get3A_2230 = arith.constant 48 : index
        %get3A_2231 = tpu.vector_load %arg10[%get3A_2229, %get3A_2230] {strides = array<i32>} : memref<416x64xf32, #tpu.memory_space<vmem>>, vector<16xf32>,
        %mul3A_2232 = arith.mulf %get3A_2231, %get3A_325 : vector<16xf32>
        %add3A_2233 = arith.addf %add3A_2228, %mul3A_2232 : vector<16xf32>
        %add3A_2234 = arith.constant 48 : i32
        %add3A_2235 = arith.addi %mul3A_311, %add3A_2234 : i32
        %add3A_2236 = arith.constant 15 : i32
        %add3A_2237 = arith.addi %add3A_2235, %add3A_2236 : i32
        %get3A_2238 = arith.index_cast %add3A_2237 : i32 to index
        %get3A_2239 = arith.constant 0 : index
        %get3A_2240 = tpu.vector_load %arg10[%get3A_2238, %get3A_2239] {strides = array<i32>} : memref<416x64xf32, #tpu.memory_space<vmem>>, vector<16xf32>,
        %mul3A_2241 = arith.mulf %get3A_2240, %get3A_316 : vector<16xf32>
        %get3A_2242 = arith.index_cast %add3A_2237 : i32 to index
        %get3A_2243 = arith.constant 16 : index
        %get3A_2244 = tpu.vector_load %arg10[%get3A_2242, %get3A_2243] {strides = array<i32>} : memref<416x64xf32, #tpu.memory_space<vmem>>, vector<16xf32>,
        %mul3A_2245 = arith.mulf %get3A_2244, %get3A_319 : vector<16xf32>
        %add3A_2246 = arith.addf %mul3A_2241, %mul3A_2245 : vector<16xf32>
        %get3A_2247 = arith.index_cast %add3A_2237 : i32 to index
        %get3A_2248 = arith.constant 32 : index
        %get3A_2249 = tpu.vector_load %arg10[%get3A_2247, %get3A_2248] {strides = array<i32>} : memref<416x64xf32, #tpu.memory_space<vmem>>, vector<16xf32>,
        %mul3A_2250 = arith.mulf %get3A_2249, %get3A_322 : vector<16xf32>
        %add3A_2251 = arith.addf %add3A_2246, %mul3A_2250 : vector<16xf32>
        %get3A_2252 = arith.index_cast %add3A_2237 : i32 to index
        %get3A_2253 = arith.constant 48 : index
        %get3A_2254 = tpu.vector_load %arg10[%get3A_2252, %get3A_2253] {strides = array<i32>} : memref<416x64xf32, #tpu.memory_space<vmem>>, vector<16xf32>,
        %mul3A_2255 = arith.mulf %get3A_2254, %get3A_325 : vector<16xf32>
        %add3A_2256 = arith.addf %add3A_2251, %mul3A_2255 : vector<16xf32>
        %xor3A_2257 = arith.constant 1 : i32
        %xor3A_2258 = vector.broadcast %xor3A_2257 : i32 to vector<16xi32>
        %xor3A_2259 = arith.xori %iota3A, %xor3A_2258 : vector<16xi32>
        %broadcast_in_dim3A_2260 = vector.shape_cast %xor3A_2259 : vector<16xi32> to vector<16x1xi32>
        %and3A_2261 = arith.constant 1 : i32
        %and3A_2262 = vector.broadcast %and3A_2261 : i32 to vector<16xi32>
        %and3A_2263 = arith.andi %iota3A, %and3A_2262 : vector<16xi32>
        %ne3A_2264 = arith.constant 0 : i32
        %ne3A_2265 = vector.broadcast %ne3A_2264 : i32 to vector<16xi32>
        %ne3A_2266 = arith.cmpi ne, %and3A_2263, %ne3A_2265 : vector<16xi32>
        %gather3A_2267 = vector.shape_cast %broadcast_in_dim3A_2260 : vector<16x1xi32> to vector<16xi32>
        %gather3A_2268 = tpu.dynamic_gather %add3A_1911[%gather3A_2267] in [0] : vector<16xf32>, vector<16xi32> -> vector<16xf32>
        %add3A_2269 = arith.addf %add3A_1911, %gather3A_2268 : vector<16xf32>
        %gather3A_2270 = vector.shape_cast %broadcast_in_dim3A_2260 : vector<16x1xi32> to vector<16xi32>
        %gather3A_2271 = tpu.dynamic_gather %add3A_1934[%gather3A_2270] in [0] : vector<16xf32>, vector<16xi32> -> vector<16xf32>
        %add3A_2272 = arith.addf %add3A_1934, %gather3A_2271 : vector<16xf32>
        %gather3A_2273 = vector.shape_cast %broadcast_in_dim3A_2260 : vector<16x1xi32> to vector<16xi32>
        %gather3A_2274 = tpu.dynamic_gather %add3A_1957[%gather3A_2273] in [0] : vector<16xf32>, vector<16xi32> -> vector<16xf32>
        %add3A_2275 = arith.addf %add3A_1957, %gather3A_2274 : vector<16xf32>
        %gather3A_2276 = vector.shape_cast %broadcast_in_dim3A_2260 : vector<16x1xi32> to vector<16xi32>
        %gather3A_2277 = tpu.dynamic_gather %add3A_1980[%gather3A_2276] in [0] : vector<16xf32>, vector<16xi32> -> vector<16xf32>
        %add3A_2278 = arith.addf %add3A_1980, %gather3A_2277 : vector<16xf32>
        %gather3A_2279 = vector.shape_cast %broadcast_in_dim3A_2260 : vector<16x1xi32> to vector<16xi32>
        %gather3A_2280 = tpu.dynamic_gather %add3A_2003[%gather3A_2279] in [0] : vector<16xf32>, vector<16xi32> -> vector<16xf32>
        %add3A_2281 = arith.addf %add3A_2003, %gather3A_2280 : vector<16xf32>
        %gather3A_2282 = vector.shape_cast %broadcast_in_dim3A_2260 : vector<16x1xi32> to vector<16xi32>
        %gather3A_2283 = tpu.dynamic_gather %add3A_2026[%gather3A_2282] in [0] : vector<16xf32>, vector<16xi32> -> vector<16xf32>
        %add3A_2284 = arith.addf %add3A_2026, %gather3A_2283 : vector<16xf32>
        %gather3A_2285 = vector.shape_cast %broadcast_in_dim3A_2260 : vector<16x1xi32> to vector<16xi32>
        %gather3A_2286 = tpu.dynamic_gather %add3A_2049[%gather3A_2285] in [0] : vector<16xf32>, vector<16xi32> -> vector<16xf32>
        %add3A_2287 = arith.addf %add3A_2049, %gather3A_2286 : vector<16xf32>
        %gather3A_2288 = vector.shape_cast %broadcast_in_dim3A_2260 : vector<16x1xi32> to vector<16xi32>
        %gather3A_2289 = tpu.dynamic_gather %add3A_2072[%gather3A_2288] in [0] : vector<16xf32>, vector<16xi32> -> vector<16xf32>
        %add3A_2290 = arith.addf %add3A_2072, %gather3A_2289 : vector<16xf32>
        %gather3A_2291 = vector.shape_cast %broadcast_in_dim3A_2260 : vector<16x1xi32> to vector<16xi32>
        %gather3A_2292 = tpu.dynamic_gather %add3A_2095[%gather3A_2291] in [0] : vector<16xf32>, vector<16xi32> -> vector<16xf32>
        %add3A_2293 = arith.addf %add3A_2095, %gather3A_2292 : vector<16xf32>
        %gather3A_2294 = vector.shape_cast %broadcast_in_dim3A_2260 : vector<16x1xi32> to vector<16xi32>
        %gather3A_2295 = tpu.dynamic_gather %add3A_2118[%gather3A_2294] in [0] : vector<16xf32>, vector<16xi32> -> vector<16xf32>
        %add3A_2296 = arith.addf %add3A_2118, %gather3A_2295 : vector<16xf32>
        %gather3A_2297 = vector.shape_cast %broadcast_in_dim3A_2260 : vector<16x1xi32> to vector<16xi32>
        %gather3A_2298 = tpu.dynamic_gather %add3A_2141[%gather3A_2297] in [0] : vector<16xf32>, vector<16xi32> -> vector<16xf32>
        %add3A_2299 = arith.addf %add3A_2141, %gather3A_2298 : vector<16xf32>
        %gather3A_2300 = vector.shape_cast %broadcast_in_dim3A_2260 : vector<16x1xi32> to vector<16xi32>
        %gather3A_2301 = tpu.dynamic_gather %add3A_2164[%gather3A_2300] in [0] : vector<16xf32>, vector<16xi32> -> vector<16xf32>
        %add3A_2302 = arith.addf %add3A_2164, %gather3A_2301 : vector<16xf32>
        %gather3A_2303 = vector.shape_cast %broadcast_in_dim3A_2260 : vector<16x1xi32> to vector<16xi32>
        %gather3A_2304 = tpu.dynamic_gather %add3A_2187[%gather3A_2303] in [0] : vector<16xf32>, vector<16xi32> -> vector<16xf32>
        %add3A_2305 = arith.addf %add3A_2187, %gather3A_2304 : vector<16xf32>
        %gather3A_2306 = vector.shape_cast %broadcast_in_dim3A_2260 : vector<16x1xi32> to vector<16xi32>
        %gather3A_2307 = tpu.dynamic_gather %add3A_2210[%gather3A_2306] in [0] : vector<16xf32>, vector<16xi32> -> vector<16xf32>
        %add3A_2308 = arith.addf %add3A_2210, %gather3A_2307 : vector<16xf32>
        %gather3A_2309 = vector.shape_cast %broadcast_in_dim3A_2260 : vector<16x1xi32> to vector<16xi32>
        %gather3A_2310 = tpu.dynamic_gather %add3A_2233[%gather3A_2309] in [0] : vector<16xf32>, vector<16xi32> -> vector<16xf32>
        %add3A_2311 = arith.addf %add3A_2233, %gather3A_2310 : vector<16xf32>
        %gather3A_2312 = vector.shape_cast %broadcast_in_dim3A_2260 : vector<16x1xi32> to vector<16xi32>
        %gather3A_2313 = tpu.dynamic_gather %add3A_2256[%gather3A_2312] in [0] : vector<16xf32>, vector<16xi32> -> vector<16xf32>
        %add3A_2314 = arith.addf %add3A_2256, %gather3A_2313 : vector<16xf32>
        %select_n3A_2315 = arith.select %ne3A_2266, %add3A_2272, %add3A_2269 : vector<16xi1>, vector<16xf32>
        %select_n3A_2316 = arith.select %ne3A_2266, %add3A_2278, %add3A_2275 : vector<16xi1>, vector<16xf32>
        %select_n3A_2317 = arith.select %ne3A_2266, %add3A_2284, %add3A_2281 : vector<16xi1>, vector<16xf32>
        %select_n3A_2318 = arith.select %ne3A_2266, %add3A_2290, %add3A_2287 : vector<16xi1>, vector<16xf32>
        %select_n3A_2319 = arith.select %ne3A_2266, %add3A_2296, %add3A_2293 : vector<16xi1>, vector<16xf32>
        %select_n3A_2320 = arith.select %ne3A_2266, %add3A_2302, %add3A_2299 : vector<16xi1>, vector<16xf32>
        %select_n3A_2321 = arith.select %ne3A_2266, %add3A_2308, %add3A_2305 : vector<16xi1>, vector<16xf32>
        %select_n3A_2322 = arith.select %ne3A_2266, %add3A_2314, %add3A_2311 : vector<16xi1>, vector<16xf32>
        %xor3A_2323 = arith.constant 2 : i32
        %xor3A_2324 = vector.broadcast %xor3A_2323 : i32 to vector<16xi32>
        %xor3A_2325 = arith.xori %iota3A, %xor3A_2324 : vector<16xi32>
        %broadcast_in_dim3A_2326 = vector.shape_cast %xor3A_2325 : vector<16xi32> to vector<16x1xi32>
        %and3A_2327 = arith.constant 2 : i32
        %and3A_2328 = vector.broadcast %and3A_2327 : i32 to vector<16xi32>
        %and3A_2329 = arith.andi %iota3A, %and3A_2328 : vector<16xi32>
        %ne3A_2330 = arith.constant 0 : i32
        %ne3A_2331 = vector.broadcast %ne3A_2330 : i32 to vector<16xi32>
        %ne3A_2332 = arith.cmpi ne, %and3A_2329, %ne3A_2331 : vector<16xi32>
        %gather3A_2333 = vector.shape_cast %broadcast_in_dim3A_2326 : vector<16x1xi32> to vector<16xi32>
        %gather3A_2334 = tpu.dynamic_gather %select_n3A_2315[%gather3A_2333] in [0] : vector<16xf32>, vector<16xi32> -> vector<16xf32>
        %add3A_2335 = arith.addf %select_n3A_2315, %gather3A_2334 : vector<16xf32>
        %gather3A_2336 = vector.shape_cast %broadcast_in_dim3A_2326 : vector<16x1xi32> to vector<16xi32>
        %gather3A_2337 = tpu.dynamic_gather %select_n3A_2316[%gather3A_2336] in [0] : vector<16xf32>, vector<16xi32> -> vector<16xf32>
        %add3A_2338 = arith.addf %select_n3A_2316, %gather3A_2337 : vector<16xf32>
        %gather3A_2339 = vector.shape_cast %broadcast_in_dim3A_2326 : vector<16x1xi32> to vector<16xi32>
        %gather3A_2340 = tpu.dynamic_gather %select_n3A_2317[%gather3A_2339] in [0] : vector<16xf32>, vector<16xi32> -> vector<16xf32>
        %add3A_2341 = arith.addf %select_n3A_2317, %gather3A_2340 : vector<16xf32>
        %gather3A_2342 = vector.shape_cast %broadcast_in_dim3A_2326 : vector<16x1xi32> to vector<16xi32>
        %gather3A_2343 = tpu.dynamic_gather %select_n3A_2318[%gather3A_2342] in [0] : vector<16xf32>, vector<16xi32> -> vector<16xf32>
        %add3A_2344 = arith.addf %select_n3A_2318, %gather3A_2343 : vector<16xf32>
        %gather3A_2345 = vector.shape_cast %broadcast_in_dim3A_2326 : vector<16x1xi32> to vector<16xi32>
        %gather3A_2346 = tpu.dynamic_gather %select_n3A_2319[%gather3A_2345] in [0] : vector<16xf32>, vector<16xi32> -> vector<16xf32>
        %add3A_2347 = arith.addf %select_n3A_2319, %gather3A_2346 : vector<16xf32>
        %gather3A_2348 = vector.shape_cast %broadcast_in_dim3A_2326 : vector<16x1xi32> to vector<16xi32>
        %gather3A_2349 = tpu.dynamic_gather %select_n3A_2320[%gather3A_2348] in [0] : vector<16xf32>, vector<16xi32> -> vector<16xf32>
        %add3A_2350 = arith.addf %select_n3A_2320, %gather3A_2349 : vector<16xf32>
        %gather3A_2351 = vector.shape_cast %broadcast_in_dim3A_2326 : vector<16x1xi32> to vector<16xi32>
        %gather3A_2352 = tpu.dynamic_gather %select_n3A_2321[%gather3A_2351] in [0] : vector<16xf32>, vector<16xi32> -> vector<16xf32>
        %add3A_2353 = arith.addf %select_n3A_2321, %gather3A_2352 : vector<16xf32>
        %gather3A_2354 = vector.shape_cast %broadcast_in_dim3A_2326 : vector<16x1xi32> to vector<16xi32>
        %gather3A_2355 = tpu.dynamic_gather %select_n3A_2322[%gather3A_2354] in [0] : vector<16xf32>, vector<16xi32> -> vector<16xf32>
        %add3A_2356 = arith.addf %select_n3A_2322, %gather3A_2355 : vector<16xf32>
        %select_n3A_2357 = arith.select %ne3A_2332, %add3A_2338, %add3A_2335 : vector<16xi1>, vector<16xf32>
        %select_n3A_2358 = arith.select %ne3A_2332, %add3A_2344, %add3A_2341 : vector<16xi1>, vector<16xf32>
        %select_n3A_2359 = arith.select %ne3A_2332, %add3A_2350, %add3A_2347 : vector<16xi1>, vector<16xf32>
        %select_n3A_2360 = arith.select %ne3A_2332, %add3A_2356, %add3A_2353 : vector<16xi1>, vector<16xf32>
        %xor3A_2361 = arith.constant 4 : i32
        %xor3A_2362 = vector.broadcast %xor3A_2361 : i32 to vector<16xi32>
        %xor3A_2363 = arith.xori %iota3A, %xor3A_2362 : vector<16xi32>
        %broadcast_in_dim3A_2364 = vector.shape_cast %xor3A_2363 : vector<16xi32> to vector<16x1xi32>
        %and3A_2365 = arith.constant 4 : i32
        %and3A_2366 = vector.broadcast %and3A_2365 : i32 to vector<16xi32>
        %and3A_2367 = arith.andi %iota3A, %and3A_2366 : vector<16xi32>
        %ne3A_2368 = arith.constant 0 : i32
        %ne3A_2369 = vector.broadcast %ne3A_2368 : i32 to vector<16xi32>
        %ne3A_2370 = arith.cmpi ne, %and3A_2367, %ne3A_2369 : vector<16xi32>
        %gather3A_2371 = vector.shape_cast %broadcast_in_dim3A_2364 : vector<16x1xi32> to vector<16xi32>
        %gather3A_2372 = tpu.dynamic_gather %select_n3A_2357[%gather3A_2371] in [0] : vector<16xf32>, vector<16xi32> -> vector<16xf32>
        %add3A_2373 = arith.addf %select_n3A_2357, %gather3A_2372 : vector<16xf32>
        %gather3A_2374 = vector.shape_cast %broadcast_in_dim3A_2364 : vector<16x1xi32> to vector<16xi32>
        %gather3A_2375 = tpu.dynamic_gather %select_n3A_2358[%gather3A_2374] in [0] : vector<16xf32>, vector<16xi32> -> vector<16xf32>
        %add3A_2376 = arith.addf %select_n3A_2358, %gather3A_2375 : vector<16xf32>
        %gather3A_2377 = vector.shape_cast %broadcast_in_dim3A_2364 : vector<16x1xi32> to vector<16xi32>
        %gather3A_2378 = tpu.dynamic_gather %select_n3A_2359[%gather3A_2377] in [0] : vector<16xf32>, vector<16xi32> -> vector<16xf32>
        %add3A_2379 = arith.addf %select_n3A_2359, %gather3A_2378 : vector<16xf32>
        %gather3A_2380 = vector.shape_cast %broadcast_in_dim3A_2364 : vector<16x1xi32> to vector<16xi32>
        %gather3A_2381 = tpu.dynamic_gather %select_n3A_2360[%gather3A_2380] in [0] : vector<16xf32>, vector<16xi32> -> vector<16xf32>
        %add3A_2382 = arith.addf %select_n3A_2360, %gather3A_2381 : vector<16xf32>
        %select_n3A_2383 = arith.select %ne3A_2370, %add3A_2376, %add3A_2373 : vector<16xi1>, vector<16xf32>
        %select_n3A_2384 = arith.select %ne3A_2370, %add3A_2382, %add3A_2379 : vector<16xi1>, vector<16xf32>
        %xor3A_2385 = arith.constant 8 : i32
        %xor3A_2386 = vector.broadcast %xor3A_2385 : i32 to vector<16xi32>
        %xor3A_2387 = arith.xori %iota3A, %xor3A_2386 : vector<16xi32>
        %broadcast_in_dim3A_2388 = vector.shape_cast %xor3A_2387 : vector<16xi32> to vector<16x1xi32>
        %and3A_2389 = arith.constant 8 : i32
        %and3A_2390 = vector.broadcast %and3A_2389 : i32 to vector<16xi32>
        %and3A_2391 = arith.andi %iota3A, %and3A_2390 : vector<16xi32>
        %ne3A_2392 = arith.constant 0 : i32
        %ne3A_2393 = vector.broadcast %ne3A_2392 : i32 to vector<16xi32>
        %ne3A_2394 = arith.cmpi ne, %and3A_2391, %ne3A_2393 : vector<16xi32>
        %gather3A_2395 = vector.shape_cast %broadcast_in_dim3A_2388 : vector<16x1xi32> to vector<16xi32>
        %gather3A_2396 = tpu.dynamic_gather %select_n3A_2383[%gather3A_2395] in [0] : vector<16xf32>, vector<16xi32> -> vector<16xf32>
        %add3A_2397 = arith.addf %select_n3A_2383, %gather3A_2396 : vector<16xf32>
        %gather3A_2398 = vector.shape_cast %broadcast_in_dim3A_2388 : vector<16x1xi32> to vector<16xi32>
        %gather3A_2399 = tpu.dynamic_gather %select_n3A_2384[%gather3A_2398] in [0] : vector<16xf32>, vector<16xi32> -> vector<16xf32>
        %add3A_2400 = arith.addf %select_n3A_2384, %gather3A_2399 : vector<16xf32>
        %select_n3A_2401 = arith.select %ne3A_2394, %add3A_2400, %add3A_2397 : vector<16xi1>, vector<16xf32>
        %add3A_2402 = arith.constant 48 : i32
        %add3A_2403 = arith.addi %mul3A_311, %add3A_2402 : i32
        %broadcast_in_dim3A_2404 = vector.broadcast %add3A_2403 : i32 to vector<16xi32>
        %add3A_2405 = arith.addi %broadcast_in_dim3A_2404, %iota3A : vector<16xi32>
        %add3A_2406 = arith.constant 48 : i32
        %add3A_2407 = vector.broadcast %add3A_2406 : i32 to vector<16xi32>
        %add3A_2408 = arith.addi %add3A_2407, %iota3A : vector<16xi32>
        %lt3A_2409 = arith.constant 50 : i32
        %lt3A_2410 = vector.broadcast %lt3A_2409 : i32 to vector<16xi32>
        %lt3A_2411 = arith.cmpi slt, %add3A_2408, %lt3A_2410 : vector<16xi32>
        tpu.vector_store_idx %arg11[%add3A_2405], %select_n3A_2401 masked %lt3A_2411 : memref<400xf32, #tpu.memory_space<vmem>>[vector<16xi32>], vector<16xf32>, vector<16xi1>
      }
      %scan3A_225 = arith.constant 8 : i32
      %mul3A_226 = arith.constant 25600 : i32
      %mul3A_227 = arith.muli %add3A, %mul3A_226 : i32
      %mul3A_228 = arith.constant 400 : i32
      %mul3A_229 = arith.muli %mul3A_164, %mul3A_228 : i32
      %add3A_230 = arith.addi %mul3A_227, %mul3A_229 : i32
      %dma_start3A_231 = tpu.memref_slice %arg6[%add3A_230] : memref<819200xf32, #tpu.memory_space<hbm>> -> memref<400xf32, #tpu.memory_space<hbm>>
      %dma_start3A_232 = tpu.memref_slice %arg6[%add3A_230] : memref<819200xf32, #tpu.memory_space<hbm>> -> memref<400xf32, #tpu.memory_space<hbm>>
      tpu.enqueue_dma source(%arg11 : memref<400xf32, #tpu.memory_space<vmem>>) target(%dma_start3A_232 : memref<400xf32, #tpu.memory_space<hbm>>) target_semaphore(%arg20 : memref<!tpu.dma_semaphore, #tpu.memory_space<semaphore_mem>>)
      %mul3A_233 = arith.constant 2 : i32
      %mul3A_234 = arith.muli %mul3A_233, %scan3A_162 : i32
      %add3A_235 = arith.constant 1 : i32
      %add3A_236 = arith.addi %mul3A_234, %add3A_235 : i32
      %add3A_237 = arith.constant 1 : i32
      %add3A_238 = arith.addi %add3A_236, %add3A_237 : i32
      %lt3A_239 = arith.constant 64 : i32
      %lt3A_240 = arith.cmpi slt, %add3A_238, %lt3A_239 : i32
      %convert_element_type3A_241 = arith.extui %lt3A_240 : i1 to i32
      %cond3A_242 = arith.constant 0 : i32
      %cond3A_243 = arith.cmpi ne, %convert_element_type3A_241, %cond3A_242 : i32
      scf.if %cond3A_243 {
        %add3A_309 = arith.constant 1 : i32
        %add3A_310 = arith.addi %add3A_236, %add3A_309 : i32
        %mul3A_311 = arith.constant 256 : i32
        %mul3A_312 = arith.muli %add3A, %mul3A_311 : i32
        %mul3A_313 = arith.constant 4 : i32
        %mul3A_314 = arith.muli %add3A_310, %mul3A_313 : i32
        %add3A_315 = arith.addi %mul3A_312, %mul3A_314 : i32
        %dma_wait3A_316 = arith.constant 0 : i32
        %dma_wait3A_317 = tpu.memref_slice %arg3[%add3A_315, %dma_wait3A_316] : memref<8192x100xi32, #tpu.memory_space<hbm>> -> memref<4x100xi32, #tpu.memory_space<hbm>>
        %dma_wait3A_318 = arith.constant 0 : i32
        %dma_wait3A_319 = tpu.memref_slice %arg3[%add3A_315, %dma_wait3A_318] : memref<8192x100xi32, #tpu.memory_space<hbm>> -> memref<4x100xi32, #tpu.memory_space<hbm>>
        tpu.wait_dma2 semaphore(%arg18 : memref<!tpu.dma_semaphore, #tpu.memory_space<semaphore_mem>>) src(%dma_wait3A_319 : memref<4x100xi32, #tpu.memory_space<hbm>>) dst(%arg9 : memref<4x100xi32, #tpu.memory_space<vmem>>)
        %dma_start3A_320 = arith.constant 0 : i32
        %dma_start3A_321 = arith.constant 0 : i32
        %dma_start3A_322 = arith.constant 0 : i32
        %dma_start3A_323 = tpu.memref_slice %arg10[%dma_start3A_321, %dma_start3A_322] : memref<416x64xf32, #tpu.memory_space<vmem>> -> memref<100x64xf32, #tpu.memory_space<vmem>>
        %dma_start3A_324 = arith.constant 0 : i32
        %dma_start3A_325 = tpu.memref_slice %arg9[%dma_start3A_320, %dma_start3A_324] : memref<4x100xi32, #tpu.memory_space<vmem>> -> memref<1x100xi32, #tpu.memory_space<vmem>>
        %dma_start3A_326 = tpu.memref_squeeze %dma_start3A_325 : memref<1x100xi32, #tpu.memory_space<vmem>> -> memref<100xi32, #tpu.memory_space<vmem>>
        %dma_start3A_327 = arith.constant 0 : i32
        %dma_start3A_328 = arith.constant 0 : i32
        %dma_start3A_329 = tpu.memref_slice %arg5[%dma_start3A_327, %dma_start3A_328] : memref<1000000x64xf32, #tpu.memory_space<hbm>> -> memref<1000000x64xf32, #tpu.memory_space<hbm>>
        tpu.enqueue_indirect_dma source(%dma_start3A_329 : memref<1000000x64xf32, #tpu.memory_space<hbm>>) target(%dma_start3A_323 : memref<100x64xf32, #tpu.memory_space<vmem>>) offsets(%dma_start3A_326 : memref<100xi32, #tpu.memory_space<vmem>>) semaphore(%arg16 : memref<!tpu.dma_semaphore, #tpu.memory_space<semaphore_mem>>)
        %dma_start3A_330 = arith.constant 1 : i32
        %dma_start3A_331 = arith.constant 100 : i32
        %dma_start3A_332 = arith.constant 0 : i32
        %dma_start3A_333 = tpu.memref_slice %arg10[%dma_start3A_331, %dma_start3A_332] : memref<416x64xf32, #tpu.memory_space<vmem>> -> memref<100x64xf32, #tpu.memory_space<vmem>>
        %dma_start3A_334 = arith.constant 0 : i32
        %dma_start3A_335 = tpu.memref_slice %arg9[%dma_start3A_330, %dma_start3A_334] : memref<4x100xi32, #tpu.memory_space<vmem>> -> memref<1x100xi32, #tpu.memory_space<vmem>>
        %dma_start3A_336 = tpu.memref_squeeze %dma_start3A_335 : memref<1x100xi32, #tpu.memory_space<vmem>> -> memref<100xi32, #tpu.memory_space<vmem>>
        %dma_start3A_337 = arith.constant 0 : i32
        %dma_start3A_338 = arith.constant 0 : i32
        %dma_start3A_339 = tpu.memref_slice %arg5[%dma_start3A_337, %dma_start3A_338] : memref<1000000x64xf32, #tpu.memory_space<hbm>> -> memref<1000000x64xf32, #tpu.memory_space<hbm>>
        tpu.enqueue_indirect_dma source(%dma_start3A_339 : memref<1000000x64xf32, #tpu.memory_space<hbm>>) target(%dma_start3A_333 : memref<100x64xf32, #tpu.memory_space<vmem>>) offsets(%dma_start3A_336 : memref<100xi32, #tpu.memory_space<vmem>>) semaphore(%arg16 : memref<!tpu.dma_semaphore, #tpu.memory_space<semaphore_mem>>)
        %dma_start3A_340 = arith.constant 2 : i32
        %dma_start3A_341 = arith.constant 200 : i32
        %dma_start3A_342 = arith.constant 0 : i32
        %dma_start3A_343 = tpu.memref_slice %arg10[%dma_start3A_341, %dma_start3A_342] : memref<416x64xf32, #tpu.memory_space<vmem>> -> memref<100x64xf32, #tpu.memory_space<vmem>>
        %dma_start3A_344 = arith.constant 0 : i32
        %dma_start3A_345 = tpu.memref_slice %arg9[%dma_start3A_340, %dma_start3A_344] : memref<4x100xi32, #tpu.memory_space<vmem>> -> memref<1x100xi32, #tpu.memory_space<vmem>>
        %dma_start3A_346 = tpu.memref_squeeze %dma_start3A_345 : memref<1x100xi32, #tpu.memory_space<vmem>> -> memref<100xi32, #tpu.memory_space<vmem>>
        %dma_start3A_347 = arith.constant 0 : i32
        %dma_start3A_348 = arith.constant 0 : i32
        %dma_start3A_349 = tpu.memref_slice %arg5[%dma_start3A_347, %dma_start3A_348] : memref<1000000x64xf32, #tpu.memory_space<hbm>> -> memref<1000000x64xf32, #tpu.memory_space<hbm>>
        tpu.enqueue_indirect_dma source(%dma_start3A_349 : memref<1000000x64xf32, #tpu.memory_space<hbm>>) target(%dma_start3A_343 : memref<100x64xf32, #tpu.memory_space<vmem>>) offsets(%dma_start3A_346 : memref<100xi32, #tpu.memory_space<vmem>>) semaphore(%arg16 : memref<!tpu.dma_semaphore, #tpu.memory_space<semaphore_mem>>)
        %dma_start3A_350 = arith.constant 3 : i32
        %dma_start3A_351 = arith.constant 300 : i32
        %dma_start3A_352 = arith.constant 0 : i32
        %dma_start3A_353 = tpu.memref_slice %arg10[%dma_start3A_351, %dma_start3A_352] : memref<416x64xf32, #tpu.memory_space<vmem>> -> memref<100x64xf32, #tpu.memory_space<vmem>>
        %dma_start3A_354 = arith.constant 0 : i32
        %dma_start3A_355 = tpu.memref_slice %arg9[%dma_start3A_350, %dma_start3A_354] : memref<4x100xi32, #tpu.memory_space<vmem>> -> memref<1x100xi32, #tpu.memory_space<vmem>>
        %dma_start3A_356 = tpu.memref_squeeze %dma_start3A_355 : memref<1x100xi32, #tpu.memory_space<vmem>> -> memref<100xi32, #tpu.memory_space<vmem>>
        %dma_start3A_357 = arith.constant 0 : i32
        %dma_start3A_358 = arith.constant 0 : i32
        %dma_start3A_359 = tpu.memref_slice %arg5[%dma_start3A_357, %dma_start3A_358] : memref<1000000x64xf32, #tpu.memory_space<hbm>> -> memref<1000000x64xf32, #tpu.memory_space<hbm>>
        tpu.enqueue_indirect_dma source(%dma_start3A_359 : memref<1000000x64xf32, #tpu.memory_space<hbm>>) target(%dma_start3A_353 : memref<100x64xf32, #tpu.memory_space<vmem>>) offsets(%dma_start3A_356 : memref<100xi32, #tpu.memory_space<vmem>>) semaphore(%arg16 : memref<!tpu.dma_semaphore, #tpu.memory_space<semaphore_mem>>)
      } else {
      }
      %dma_wait3A_244 = arith.constant 0 : i32
      %dma_wait3A_245 = arith.constant 0 : i32
      %dma_wait3A_246 = arith.constant 0 : i32
      %dma_wait3A_247 = tpu.memref_slice %arg13[%dma_wait3A_245, %dma_wait3A_246] : memref<416x64xf32, #tpu.memory_space<vmem>> -> memref<100x64xf32, #tpu.memory_space<vmem>>
      %dma_wait3A_248 = arith.constant 0 : i32
      %dma_wait3A_249 = tpu.memref_slice %arg12[%dma_wait3A_244, %dma_wait3A_248] : memref<4x100xi32, #tpu.memory_space<vmem>> -> memref<1x100xi32, #tpu.memory_space<vmem>>
      %dma_wait3A_250 = tpu.memref_squeeze %dma_wait3A_249 : memref<1x100xi32, #tpu.memory_space<vmem>> -> memref<100xi32, #tpu.memory_space<vmem>>
      %dma_wait3A_251 = arith.constant 0 : i32
      %dma_wait3A_252 = arith.constant 0 : i32
      %dma_wait3A_253 = tpu.memref_slice %arg5[%dma_wait3A_251, %dma_wait3A_252] : memref<1000000x64xf32, #tpu.memory_space<hbm>> -> memref<1000000x64xf32, #tpu.memory_space<hbm>>
      tpu.wait_indirect_dma semaphore(%arg17 : memref<!tpu.dma_semaphore, #tpu.memory_space<semaphore_mem>>) src(%dma_wait3A_253 : memref<1000000x64xf32, #tpu.memory_space<hbm>>) dst(%dma_wait3A_247 : memref<100x64xf32, #tpu.memory_space<vmem>>)
      %dma_wait3A_254 = arith.constant 1 : i32
      %dma_wait3A_255 = arith.constant 100 : i32
      %dma_wait3A_256 = arith.constant 0 : i32
      %dma_wait3A_257 = tpu.memref_slice %arg13[%dma_wait3A_255, %dma_wait3A_256] : memref<416x64xf32, #tpu.memory_space<vmem>> -> memref<100x64xf32, #tpu.memory_space<vmem>>
      %dma_wait3A_258 = arith.constant 0 : i32
      %dma_wait3A_259 = tpu.memref_slice %arg12[%dma_wait3A_254, %dma_wait3A_258] : memref<4x100xi32, #tpu.memory_space<vmem>> -> memref<1x100xi32, #tpu.memory_space<vmem>>
      %dma_wait3A_260 = tpu.memref_squeeze %dma_wait3A_259 : memref<1x100xi32, #tpu.memory_space<vmem>> -> memref<100xi32, #tpu.memory_space<vmem>>
      %dma_wait3A_261 = arith.constant 0 : i32
      %dma_wait3A_262 = arith.constant 0 : i32
      %dma_wait3A_263 = tpu.memref_slice %arg5[%dma_wait3A_261, %dma_wait3A_262] : memref<1000000x64xf32, #tpu.memory_space<hbm>> -> memref<1000000x64xf32, #tpu.memory_space<hbm>>
      tpu.wait_indirect_dma semaphore(%arg17 : memref<!tpu.dma_semaphore, #tpu.memory_space<semaphore_mem>>) src(%dma_wait3A_263 : memref<1000000x64xf32, #tpu.memory_space<hbm>>) dst(%dma_wait3A_257 : memref<100x64xf32, #tpu.memory_space<vmem>>)
      %dma_wait3A_264 = arith.constant 2 : i32
      %dma_wait3A_265 = arith.constant 200 : i32
      %dma_wait3A_266 = arith.constant 0 : i32
      %dma_wait3A_267 = tpu.memref_slice %arg13[%dma_wait3A_265, %dma_wait3A_266] : memref<416x64xf32, #tpu.memory_space<vmem>> -> memref<100x64xf32, #tpu.memory_space<vmem>>
      %dma_wait3A_268 = arith.constant 0 : i32
      %dma_wait3A_269 = tpu.memref_slice %arg12[%dma_wait3A_264, %dma_wait3A_268] : memref<4x100xi32, #tpu.memory_space<vmem>> -> memref<1x100xi32, #tpu.memory_space<vmem>>
      %dma_wait3A_270 = tpu.memref_squeeze %dma_wait3A_269 : memref<1x100xi32, #tpu.memory_space<vmem>> -> memref<100xi32, #tpu.memory_space<vmem>>
      %dma_wait3A_271 = arith.constant 0 : i32
      %dma_wait3A_272 = arith.constant 0 : i32
      %dma_wait3A_273 = tpu.memref_slice %arg5[%dma_wait3A_271, %dma_wait3A_272] : memref<1000000x64xf32, #tpu.memory_space<hbm>> -> memref<1000000x64xf32, #tpu.memory_space<hbm>>
      tpu.wait_indirect_dma semaphore(%arg17 : memref<!tpu.dma_semaphore, #tpu.memory_space<semaphore_mem>>) src(%dma_wait3A_273 : memref<1000000x64xf32, #tpu.memory_space<hbm>>) dst(%dma_wait3A_267 : memref<100x64xf32, #tpu.memory_space<vmem>>)
      %dma_wait3A_274 = arith.constant 3 : i32
      %dma_wait3A_275 = arith.constant 300 : i32
      %dma_wait3A_276 = arith.constant 0 : i32
      %dma_wait3A_277 = tpu.memref_slice %arg13[%dma_wait3A_275, %dma_wait3A_276] : memref<416x64xf32, #tpu.memory_space<vmem>> -> memref<100x64xf32, #tpu.memory_space<vmem>>
      %dma_wait3A_278 = arith.constant 0 : i32
      %dma_wait3A_279 = tpu.memref_slice %arg12[%dma_wait3A_274, %dma_wait3A_278] : memref<4x100xi32, #tpu.memory_space<vmem>> -> memref<1x100xi32, #tpu.memory_space<vmem>>
      %dma_wait3A_280 = tpu.memref_squeeze %dma_wait3A_279 : memref<1x100xi32, #tpu.memory_space<vmem>> -> memref<100xi32, #tpu.memory_space<vmem>>
      %dma_wait3A_281 = arith.constant 0 : i32
      %dma_wait3A_282 = arith.constant 0 : i32
      %dma_wait3A_283 = tpu.memref_slice %arg5[%dma_wait3A_281, %dma_wait3A_282] : memref<1000000x64xf32, #tpu.memory_space<hbm>> -> memref<1000000x64xf32, #tpu.memory_space<hbm>>
      tpu.wait_indirect_dma semaphore(%arg17 : memref<!tpu.dma_semaphore, #tpu.memory_space<semaphore_mem>>) src(%dma_wait3A_283 : memref<1000000x64xf32, #tpu.memory_space<hbm>>) dst(%dma_wait3A_277 : memref<100x64xf32, #tpu.memory_space<vmem>>)
      %add3A_284 = arith.constant 2 : i32
      %add3A_285 = arith.addi %add3A_236, %add3A_284 : i32
      %lt3A_286 = arith.constant 64 : i32
      %lt3A_287 = arith.cmpi slt, %add3A_285, %lt3A_286 : i32
      %convert_element_type3A_288 = arith.extui %lt3A_287 : i1 to i32
      %cond3A_289 = arith.constant 0 : i32
      %cond3A_290 = arith.cmpi ne, %convert_element_type3A_288, %cond3A_289 : i32
      scf.if %cond3A_290 {
        %add3A_309 = arith.constant 2 : i32
        %add3A_310 = arith.addi %add3A_236, %add3A_309 : i32
        %mul3A_311 = arith.constant 256 : i32
        %mul3A_312 = arith.muli %add3A, %mul3A_311 : i32
        %mul3A_313 = arith.constant 4 : i32
        %mul3A_314 = arith.muli %add3A_310, %mul3A_313 : i32
        %add3A_315 = arith.addi %mul3A_312, %mul3A_314 : i32
        %dma_start3A_316 = arith.constant 0 : i32
        %dma_start3A_317 = tpu.memref_slice %arg3[%add3A_315, %dma_start3A_316] : memref<8192x100xi32, #tpu.memory_space<hbm>> -> memref<4x100xi32, #tpu.memory_space<hbm>>
        %dma_start3A_318 = arith.constant 0 : i32
        %dma_start3A_319 = tpu.memref_slice %arg3[%add3A_315, %dma_start3A_318] : memref<8192x100xi32, #tpu.memory_space<hbm>> -> memref<4x100xi32, #tpu.memory_space<hbm>>
        tpu.enqueue_dma source(%dma_start3A_319 : memref<4x100xi32, #tpu.memory_space<hbm>>) target(%arg12 : memref<4x100xi32, #tpu.memory_space<vmem>>) target_semaphore(%arg19 : memref<!tpu.dma_semaphore, #tpu.memory_space<semaphore_mem>>)
      } else {
      }
      %ge3A_291 = arith.constant 2 : i32
      %ge3A_292 = arith.cmpi sge, %add3A_236, %ge3A_291 : i32
      %convert_element_type3A_293 = arith.extui %ge3A_292 : i1 to i32
      %cond3A_294 = arith.constant 0 : i32
      %cond3A_295 = arith.cmpi ne, %convert_element_type3A_293, %cond3A_294 : i32
      scf.if %cond3A_295 {
        %sub3A = arith.constant 2 : i32
        %sub3A_309 = arith.subi %add3A_236, %sub3A : i32
        %mul3A_310 = arith.constant 25600 : i32
        %mul3A_311 = arith.muli %add3A, %mul3A_310 : i32
        %mul3A_312 = arith.constant 400 : i32
        %mul3A_313 = arith.muli %sub3A_309, %mul3A_312 : i32
        %add3A_314 = arith.addi %mul3A_311, %mul3A_313 : i32
        %dma_wait3A_315 = tpu.memref_slice %arg6[%add3A_314] : memref<819200xf32, #tpu.memory_space<hbm>> -> memref<400xf32, #tpu.memory_space<hbm>>
        %dma_wait3A_316 = tpu.memref_slice %arg6[%add3A_314] : memref<819200xf32, #tpu.memory_space<hbm>> -> memref<400xf32, #tpu.memory_space<hbm>>
        tpu.wait_dma2 semaphore(%arg21 : memref<!tpu.dma_semaphore, #tpu.memory_space<semaphore_mem>>) src(%arg14 : memref<400xf32, #tpu.memory_space<vmem>>) dst(%dma_wait3A_316 : memref<400xf32, #tpu.memory_space<hbm>>)
      } else {
      }
      %scan3A_296 = arith.constant 0 : i32
      %scan3A_297 = arith.constant 0 : i32
      %scan3A_298 = arith.constant 8 : i32
      %scan3A_299 = arith.addi %scan3A_297, %scan3A_298 : i32
      %scan3A_300 = arith.constant 1 : i32
      scf.for %scan3A_309 = %scan3A_297 to %scan3A_299 step %scan3A_300  : i32 {
        %mul3A_310 = arith.constant 50 : i32
        %mul3A_311 = arith.muli %scan3A_309, %mul3A_310 : i32
        %mul3A_312 = arith.constant 8 : i32
        %mul3A_313 = arith.muli %add3A_236, %mul3A_312 : i32
        %add3A_314 = arith.addi %mul3A_313, %scan3A_309 : i32
        %get3A = arith.index_cast %add3A_314 : i32 to index
        %get3A_315 = arith.constant 0 : index
        %get3A_316 = tpu.vector_load %arg8[%get3A, %get3A_315] {strides = array<i32>} : memref<512x64xf32, #tpu.memory_space<vmem>>, vector<16xf32>,
        %get3A_317 = arith.index_cast %add3A_314 : i32 to index
        %get3A_318 = arith.constant 16 : index
        %get3A_319 = tpu.vector_load %arg8[%get3A_317, %get3A_318] {strides = array<i32>} : memref<512x64xf32, #tpu.memory_space<vmem>>, vector<16xf32>,
        %get3A_320 = arith.index_cast %add3A_314 : i32 to index
        %get3A_321 = arith.constant 32 : index
        %get3A_322 = tpu.vector_load %arg8[%get3A_320, %get3A_321] {strides = array<i32>} : memref<512x64xf32, #tpu.memory_space<vmem>>, vector<16xf32>,
        %get3A_323 = arith.index_cast %add3A_314 : i32 to index
        %get3A_324 = arith.constant 48 : index
        %get3A_325 = tpu.vector_load %arg8[%get3A_323, %get3A_324] {strides = array<i32>} : memref<512x64xf32, #tpu.memory_space<vmem>>, vector<16xf32>,
        %add3A_326 = arith.constant 0 : i32
        %add3A_327 = arith.addi %mul3A_311, %add3A_326 : i32
        %add3A_328 = arith.constant 0 : i32
        %add3A_329 = arith.addi %add3A_327, %add3A_328 : i32
        %get3A_330 = arith.index_cast %add3A_329 : i32 to index
        %get3A_331 = arith.constant 0 : index
        %get3A_332 = tpu.vector_load %arg13[%get3A_330, %get3A_331] {strides = array<i32>} : memref<416x64xf32, #tpu.memory_space<vmem>>, vector<16xf32>,
        %mul3A_333 = arith.mulf %get3A_332, %get3A_316 : vector<16xf32>
        %get3A_334 = arith.index_cast %add3A_329 : i32 to index
        %get3A_335 = arith.constant 16 : index
        %get3A_336 = tpu.vector_load %arg13[%get3A_334, %get3A_335] {strides = array<i32>} : memref<416x64xf32, #tpu.memory_space<vmem>>, vector<16xf32>,
        %mul3A_337 = arith.mulf %get3A_336, %get3A_319 : vector<16xf32>
        %add3A_338 = arith.addf %mul3A_333, %mul3A_337 : vector<16xf32>
        %get3A_339 = arith.index_cast %add3A_329 : i32 to index
        %get3A_340 = arith.constant 32 : index
        %get3A_341 = tpu.vector_load %arg13[%get3A_339, %get3A_340] {strides = array<i32>} : memref<416x64xf32, #tpu.memory_space<vmem>>, vector<16xf32>,
        %mul3A_342 = arith.mulf %get3A_341, %get3A_322 : vector<16xf32>
        %add3A_343 = arith.addf %add3A_338, %mul3A_342 : vector<16xf32>
        %get3A_344 = arith.index_cast %add3A_329 : i32 to index
        %get3A_345 = arith.constant 48 : index
        %get3A_346 = tpu.vector_load %arg13[%get3A_344, %get3A_345] {strides = array<i32>} : memref<416x64xf32, #tpu.memory_space<vmem>>, vector<16xf32>,
        %mul3A_347 = arith.mulf %get3A_346, %get3A_325 : vector<16xf32>
        %add3A_348 = arith.addf %add3A_343, %mul3A_347 : vector<16xf32>
        %add3A_349 = arith.constant 0 : i32
        %add3A_350 = arith.addi %mul3A_311, %add3A_349 : i32
        %add3A_351 = arith.constant 1 : i32
        %add3A_352 = arith.addi %add3A_350, %add3A_351 : i32
        %get3A_353 = arith.index_cast %add3A_352 : i32 to index
        %get3A_354 = arith.constant 0 : index
        %get3A_355 = tpu.vector_load %arg13[%get3A_353, %get3A_354] {strides = array<i32>} : memref<416x64xf32, #tpu.memory_space<vmem>>, vector<16xf32>,
        %mul3A_356 = arith.mulf %get3A_355, %get3A_316 : vector<16xf32>
        %get3A_357 = arith.index_cast %add3A_352 : i32 to index
        %get3A_358 = arith.constant 16 : index
        %get3A_359 = tpu.vector_load %arg13[%get3A_357, %get3A_358] {strides = array<i32>} : memref<416x64xf32, #tpu.memory_space<vmem>>, vector<16xf32>,
        %mul3A_360 = arith.mulf %get3A_359, %get3A_319 : vector<16xf32>
        %add3A_361 = arith.addf %mul3A_356, %mul3A_360 : vector<16xf32>
        %get3A_362 = arith.index_cast %add3A_352 : i32 to index
        %get3A_363 = arith.constant 32 : index
        %get3A_364 = tpu.vector_load %arg13[%get3A_362, %get3A_363] {strides = array<i32>} : memref<416x64xf32, #tpu.memory_space<vmem>>, vector<16xf32>,
        %mul3A_365 = arith.mulf %get3A_364, %get3A_322 : vector<16xf32>
        %add3A_366 = arith.addf %add3A_361, %mul3A_365 : vector<16xf32>
        %get3A_367 = arith.index_cast %add3A_352 : i32 to index
        %get3A_368 = arith.constant 48 : index
        %get3A_369 = tpu.vector_load %arg13[%get3A_367, %get3A_368] {strides = array<i32>} : memref<416x64xf32, #tpu.memory_space<vmem>>, vector<16xf32>,
        %mul3A_370 = arith.mulf %get3A_369, %get3A_325 : vector<16xf32>
        %add3A_371 = arith.addf %add3A_366, %mul3A_370 : vector<16xf32>
        %add3A_372 = arith.constant 0 : i32
        %add3A_373 = arith.addi %mul3A_311, %add3A_372 : i32
        %add3A_374 = arith.constant 2 : i32
        %add3A_375 = arith.addi %add3A_373, %add3A_374 : i32
        %get3A_376 = arith.index_cast %add3A_375 : i32 to index
        %get3A_377 = arith.constant 0 : index
        %get3A_378 = tpu.vector_load %arg13[%get3A_376, %get3A_377] {strides = array<i32>} : memref<416x64xf32, #tpu.memory_space<vmem>>, vector<16xf32>,
        %mul3A_379 = arith.mulf %get3A_378, %get3A_316 : vector<16xf32>
        %get3A_380 = arith.index_cast %add3A_375 : i32 to index
        %get3A_381 = arith.constant 16 : index
        %get3A_382 = tpu.vector_load %arg13[%get3A_380, %get3A_381] {strides = array<i32>} : memref<416x64xf32, #tpu.memory_space<vmem>>, vector<16xf32>,
        %mul3A_383 = arith.mulf %get3A_382, %get3A_319 : vector<16xf32>
        %add3A_384 = arith.addf %mul3A_379, %mul3A_383 : vector<16xf32>
        %get3A_385 = arith.index_cast %add3A_375 : i32 to index
        %get3A_386 = arith.constant 32 : index
        %get3A_387 = tpu.vector_load %arg13[%get3A_385, %get3A_386] {strides = array<i32>} : memref<416x64xf32, #tpu.memory_space<vmem>>, vector<16xf32>,
        %mul3A_388 = arith.mulf %get3A_387, %get3A_322 : vector<16xf32>
        %add3A_389 = arith.addf %add3A_384, %mul3A_388 : vector<16xf32>
        %get3A_390 = arith.index_cast %add3A_375 : i32 to index
        %get3A_391 = arith.constant 48 : index
        %get3A_392 = tpu.vector_load %arg13[%get3A_390, %get3A_391] {strides = array<i32>} : memref<416x64xf32, #tpu.memory_space<vmem>>, vector<16xf32>,
        %mul3A_393 = arith.mulf %get3A_392, %get3A_325 : vector<16xf32>
        %add3A_394 = arith.addf %add3A_389, %mul3A_393 : vector<16xf32>
        %add3A_395 = arith.constant 0 : i32
        %add3A_396 = arith.addi %mul3A_311, %add3A_395 : i32
        %add3A_397 = arith.constant 3 : i32
        %add3A_398 = arith.addi %add3A_396, %add3A_397 : i32
        %get3A_399 = arith.index_cast %add3A_398 : i32 to index
        %get3A_400 = arith.constant 0 : index
        %get3A_401 = tpu.vector_load %arg13[%get3A_399, %get3A_400] {strides = array<i32>} : memref<416x64xf32, #tpu.memory_space<vmem>>, vector<16xf32>,
        %mul3A_402 = arith.mulf %get3A_401, %get3A_316 : vector<16xf32>
        %get3A_403 = arith.index_cast %add3A_398 : i32 to index
        %get3A_404 = arith.constant 16 : index
        %get3A_405 = tpu.vector_load %arg13[%get3A_403, %get3A_404] {strides = array<i32>} : memref<416x64xf32, #tpu.memory_space<vmem>>, vector<16xf32>,
        %mul3A_406 = arith.mulf %get3A_405, %get3A_319 : vector<16xf32>
        %add3A_407 = arith.addf %mul3A_402, %mul3A_406 : vector<16xf32>
        %get3A_408 = arith.index_cast %add3A_398 : i32 to index
        %get3A_409 = arith.constant 32 : index
        %get3A_410 = tpu.vector_load %arg13[%get3A_408, %get3A_409] {strides = array<i32>} : memref<416x64xf32, #tpu.memory_space<vmem>>, vector<16xf32>,
        %mul3A_411 = arith.mulf %get3A_410, %get3A_322 : vector<16xf32>
        %add3A_412 = arith.addf %add3A_407, %mul3A_411 : vector<16xf32>
        %get3A_413 = arith.index_cast %add3A_398 : i32 to index
        %get3A_414 = arith.constant 48 : index
        %get3A_415 = tpu.vector_load %arg13[%get3A_413, %get3A_414] {strides = array<i32>} : memref<416x64xf32, #tpu.memory_space<vmem>>, vector<16xf32>,
        %mul3A_416 = arith.mulf %get3A_415, %get3A_325 : vector<16xf32>
        %add3A_417 = arith.addf %add3A_412, %mul3A_416 : vector<16xf32>
        %add3A_418 = arith.constant 0 : i32
        %add3A_419 = arith.addi %mul3A_311, %add3A_418 : i32
        %add3A_420 = arith.constant 4 : i32
        %add3A_421 = arith.addi %add3A_419, %add3A_420 : i32
        %get3A_422 = arith.index_cast %add3A_421 : i32 to index
        %get3A_423 = arith.constant 0 : index
        %get3A_424 = tpu.vector_load %arg13[%get3A_422, %get3A_423] {strides = array<i32>} : memref<416x64xf32, #tpu.memory_space<vmem>>, vector<16xf32>,
        %mul3A_425 = arith.mulf %get3A_424, %get3A_316 : vector<16xf32>
        %get3A_426 = arith.index_cast %add3A_421 : i32 to index
        %get3A_427 = arith.constant 16 : index
        %get3A_428 = tpu.vector_load %arg13[%get3A_426, %get3A_427] {strides = array<i32>} : memref<416x64xf32, #tpu.memory_space<vmem>>, vector<16xf32>,
        %mul3A_429 = arith.mulf %get3A_428, %get3A_319 : vector<16xf32>
        %add3A_430 = arith.addf %mul3A_425, %mul3A_429 : vector<16xf32>
        %get3A_431 = arith.index_cast %add3A_421 : i32 to index
        %get3A_432 = arith.constant 32 : index
        %get3A_433 = tpu.vector_load %arg13[%get3A_431, %get3A_432] {strides = array<i32>} : memref<416x64xf32, #tpu.memory_space<vmem>>, vector<16xf32>,
        %mul3A_434 = arith.mulf %get3A_433, %get3A_322 : vector<16xf32>
        %add3A_435 = arith.addf %add3A_430, %mul3A_434 : vector<16xf32>
        %get3A_436 = arith.index_cast %add3A_421 : i32 to index
        %get3A_437 = arith.constant 48 : index
        %get3A_438 = tpu.vector_load %arg13[%get3A_436, %get3A_437] {strides = array<i32>} : memref<416x64xf32, #tpu.memory_space<vmem>>, vector<16xf32>,
        %mul3A_439 = arith.mulf %get3A_438, %get3A_325 : vector<16xf32>
        %add3A_440 = arith.addf %add3A_435, %mul3A_439 : vector<16xf32>
        %add3A_441 = arith.constant 0 : i32
        %add3A_442 = arith.addi %mul3A_311, %add3A_441 : i32
        %add3A_443 = arith.constant 5 : i32
        %add3A_444 = arith.addi %add3A_442, %add3A_443 : i32
        %get3A_445 = arith.index_cast %add3A_444 : i32 to index
        %get3A_446 = arith.constant 0 : index
        %get3A_447 = tpu.vector_load %arg13[%get3A_445, %get3A_446] {strides = array<i32>} : memref<416x64xf32, #tpu.memory_space<vmem>>, vector<16xf32>,
        %mul3A_448 = arith.mulf %get3A_447, %get3A_316 : vector<16xf32>
        %get3A_449 = arith.index_cast %add3A_444 : i32 to index
        %get3A_450 = arith.constant 16 : index
        %get3A_451 = tpu.vector_load %arg13[%get3A_449, %get3A_450] {strides = array<i32>} : memref<416x64xf32, #tpu.memory_space<vmem>>, vector<16xf32>,
        %mul3A_452 = arith.mulf %get3A_451, %get3A_319 : vector<16xf32>
        %add3A_453 = arith.addf %mul3A_448, %mul3A_452 : vector<16xf32>
        %get3A_454 = arith.index_cast %add3A_444 : i32 to index
        %get3A_455 = arith.constant 32 : index
        %get3A_456 = tpu.vector_load %arg13[%get3A_454, %get3A_455] {strides = array<i32>} : memref<416x64xf32, #tpu.memory_space<vmem>>, vector<16xf32>,
        %mul3A_457 = arith.mulf %get3A_456, %get3A_322 : vector<16xf32>
        %add3A_458 = arith.addf %add3A_453, %mul3A_457 : vector<16xf32>
        %get3A_459 = arith.index_cast %add3A_444 : i32 to index
        %get3A_460 = arith.constant 48 : index
        %get3A_461 = tpu.vector_load %arg13[%get3A_459, %get3A_460] {strides = array<i32>} : memref<416x64xf32, #tpu.memory_space<vmem>>, vector<16xf32>,
        %mul3A_462 = arith.mulf %get3A_461, %get3A_325 : vector<16xf32>
        %add3A_463 = arith.addf %add3A_458, %mul3A_462 : vector<16xf32>
        %add3A_464 = arith.constant 0 : i32
        %add3A_465 = arith.addi %mul3A_311, %add3A_464 : i32
        %add3A_466 = arith.constant 6 : i32
        %add3A_467 = arith.addi %add3A_465, %add3A_466 : i32
        %get3A_468 = arith.index_cast %add3A_467 : i32 to index
        %get3A_469 = arith.constant 0 : index
        %get3A_470 = tpu.vector_load %arg13[%get3A_468, %get3A_469] {strides = array<i32>} : memref<416x64xf32, #tpu.memory_space<vmem>>, vector<16xf32>,
        %mul3A_471 = arith.mulf %get3A_470, %get3A_316 : vector<16xf32>
        %get3A_472 = arith.index_cast %add3A_467 : i32 to index
        %get3A_473 = arith.constant 16 : index
        %get3A_474 = tpu.vector_load %arg13[%get3A_472, %get3A_473] {strides = array<i32>} : memref<416x64xf32, #tpu.memory_space<vmem>>, vector<16xf32>,
        %mul3A_475 = arith.mulf %get3A_474, %get3A_319 : vector<16xf32>
        %add3A_476 = arith.addf %mul3A_471, %mul3A_475 : vector<16xf32>
        %get3A_477 = arith.index_cast %add3A_467 : i32 to index
        %get3A_478 = arith.constant 32 : index
        %get3A_479 = tpu.vector_load %arg13[%get3A_477, %get3A_478] {strides = array<i32>} : memref<416x64xf32, #tpu.memory_space<vmem>>, vector<16xf32>,
        %mul3A_480 = arith.mulf %get3A_479, %get3A_322 : vector<16xf32>
        %add3A_481 = arith.addf %add3A_476, %mul3A_480 : vector<16xf32>
        %get3A_482 = arith.index_cast %add3A_467 : i32 to index
        %get3A_483 = arith.constant 48 : index
        %get3A_484 = tpu.vector_load %arg13[%get3A_482, %get3A_483] {strides = array<i32>} : memref<416x64xf32, #tpu.memory_space<vmem>>, vector<16xf32>,
        %mul3A_485 = arith.mulf %get3A_484, %get3A_325 : vector<16xf32>
        %add3A_486 = arith.addf %add3A_481, %mul3A_485 : vector<16xf32>
        %add3A_487 = arith.constant 0 : i32
        %add3A_488 = arith.addi %mul3A_311, %add3A_487 : i32
        %add3A_489 = arith.constant 7 : i32
        %add3A_490 = arith.addi %add3A_488, %add3A_489 : i32
        %get3A_491 = arith.index_cast %add3A_490 : i32 to index
        %get3A_492 = arith.constant 0 : index
        %get3A_493 = tpu.vector_load %arg13[%get3A_491, %get3A_492] {strides = array<i32>} : memref<416x64xf32, #tpu.memory_space<vmem>>, vector<16xf32>,
        %mul3A_494 = arith.mulf %get3A_493, %get3A_316 : vector<16xf32>
        %get3A_495 = arith.index_cast %add3A_490 : i32 to index
        %get3A_496 = arith.constant 16 : index
        %get3A_497 = tpu.vector_load %arg13[%get3A_495, %get3A_496] {strides = array<i32>} : memref<416x64xf32, #tpu.memory_space<vmem>>, vector<16xf32>,
        %mul3A_498 = arith.mulf %get3A_497, %get3A_319 : vector<16xf32>
        %add3A_499 = arith.addf %mul3A_494, %mul3A_498 : vector<16xf32>
        %get3A_500 = arith.index_cast %add3A_490 : i32 to index
        %get3A_501 = arith.constant 32 : index
        %get3A_502 = tpu.vector_load %arg13[%get3A_500, %get3A_501] {strides = array<i32>} : memref<416x64xf32, #tpu.memory_space<vmem>>, vector<16xf32>,
        %mul3A_503 = arith.mulf %get3A_502, %get3A_322 : vector<16xf32>
        %add3A_504 = arith.addf %add3A_499, %mul3A_503 : vector<16xf32>
        %get3A_505 = arith.index_cast %add3A_490 : i32 to index
        %get3A_506 = arith.constant 48 : index
        %get3A_507 = tpu.vector_load %arg13[%get3A_505, %get3A_506] {strides = array<i32>} : memref<416x64xf32, #tpu.memory_space<vmem>>, vector<16xf32>,
        %mul3A_508 = arith.mulf %get3A_507, %get3A_325 : vector<16xf32>
        %add3A_509 = arith.addf %add3A_504, %mul3A_508 : vector<16xf32>
        %add3A_510 = arith.constant 0 : i32
        %add3A_511 = arith.addi %mul3A_311, %add3A_510 : i32
        %add3A_512 = arith.constant 8 : i32
        %add3A_513 = arith.addi %add3A_511, %add3A_512 : i32
        %get3A_514 = arith.index_cast %add3A_513 : i32 to index
        %get3A_515 = arith.constant 0 : index
        %get3A_516 = tpu.vector_load %arg13[%get3A_514, %get3A_515] {strides = array<i32>} : memref<416x64xf32, #tpu.memory_space<vmem>>, vector<16xf32>,
        %mul3A_517 = arith.mulf %get3A_516, %get3A_316 : vector<16xf32>
        %get3A_518 = arith.index_cast %add3A_513 : i32 to index
        %get3A_519 = arith.constant 16 : index
        %get3A_520 = tpu.vector_load %arg13[%get3A_518, %get3A_519] {strides = array<i32>} : memref<416x64xf32, #tpu.memory_space<vmem>>, vector<16xf32>,
        %mul3A_521 = arith.mulf %get3A_520, %get3A_319 : vector<16xf32>
        %add3A_522 = arith.addf %mul3A_517, %mul3A_521 : vector<16xf32>
        %get3A_523 = arith.index_cast %add3A_513 : i32 to index
        %get3A_524 = arith.constant 32 : index
        %get3A_525 = tpu.vector_load %arg13[%get3A_523, %get3A_524] {strides = array<i32>} : memref<416x64xf32, #tpu.memory_space<vmem>>, vector<16xf32>,
        %mul3A_526 = arith.mulf %get3A_525, %get3A_322 : vector<16xf32>
        %add3A_527 = arith.addf %add3A_522, %mul3A_526 : vector<16xf32>
        %get3A_528 = arith.index_cast %add3A_513 : i32 to index
        %get3A_529 = arith.constant 48 : index
        %get3A_530 = tpu.vector_load %arg13[%get3A_528, %get3A_529] {strides = array<i32>} : memref<416x64xf32, #tpu.memory_space<vmem>>, vector<16xf32>,
        %mul3A_531 = arith.mulf %get3A_530, %get3A_325 : vector<16xf32>
        %add3A_532 = arith.addf %add3A_527, %mul3A_531 : vector<16xf32>
        %add3A_533 = arith.constant 0 : i32
        %add3A_534 = arith.addi %mul3A_311, %add3A_533 : i32
        %add3A_535 = arith.constant 9 : i32
        %add3A_536 = arith.addi %add3A_534, %add3A_535 : i32
        %get3A_537 = arith.index_cast %add3A_536 : i32 to index
        %get3A_538 = arith.constant 0 : index
        %get3A_539 = tpu.vector_load %arg13[%get3A_537, %get3A_538] {strides = array<i32>} : memref<416x64xf32, #tpu.memory_space<vmem>>, vector<16xf32>,
        %mul3A_540 = arith.mulf %get3A_539, %get3A_316 : vector<16xf32>
        %get3A_541 = arith.index_cast %add3A_536 : i32 to index
        %get3A_542 = arith.constant 16 : index
        %get3A_543 = tpu.vector_load %arg13[%get3A_541, %get3A_542] {strides = array<i32>} : memref<416x64xf32, #tpu.memory_space<vmem>>, vector<16xf32>,
        %mul3A_544 = arith.mulf %get3A_543, %get3A_319 : vector<16xf32>
        %add3A_545 = arith.addf %mul3A_540, %mul3A_544 : vector<16xf32>
        %get3A_546 = arith.index_cast %add3A_536 : i32 to index
        %get3A_547 = arith.constant 32 : index
        %get3A_548 = tpu.vector_load %arg13[%get3A_546, %get3A_547] {strides = array<i32>} : memref<416x64xf32, #tpu.memory_space<vmem>>, vector<16xf32>,
        %mul3A_549 = arith.mulf %get3A_548, %get3A_322 : vector<16xf32>
        %add3A_550 = arith.addf %add3A_545, %mul3A_549 : vector<16xf32>
        %get3A_551 = arith.index_cast %add3A_536 : i32 to index
        %get3A_552 = arith.constant 48 : index
        %get3A_553 = tpu.vector_load %arg13[%get3A_551, %get3A_552] {strides = array<i32>} : memref<416x64xf32, #tpu.memory_space<vmem>>, vector<16xf32>,
        %mul3A_554 = arith.mulf %get3A_553, %get3A_325 : vector<16xf32>
        %add3A_555 = arith.addf %add3A_550, %mul3A_554 : vector<16xf32>
        %add3A_556 = arith.constant 0 : i32
        %add3A_557 = arith.addi %mul3A_311, %add3A_556 : i32
        %add3A_558 = arith.constant 10 : i32
        %add3A_559 = arith.addi %add3A_557, %add3A_558 : i32
        %get3A_560 = arith.index_cast %add3A_559 : i32 to index
        %get3A_561 = arith.constant 0 : index
        %get3A_562 = tpu.vector_load %arg13[%get3A_560, %get3A_561] {strides = array<i32>} : memref<416x64xf32, #tpu.memory_space<vmem>>, vector<16xf32>,
        %mul3A_563 = arith.mulf %get3A_562, %get3A_316 : vector<16xf32>
        %get3A_564 = arith.index_cast %add3A_559 : i32 to index
        %get3A_565 = arith.constant 16 : index
        %get3A_566 = tpu.vector_load %arg13[%get3A_564, %get3A_565] {strides = array<i32>} : memref<416x64xf32, #tpu.memory_space<vmem>>, vector<16xf32>,
        %mul3A_567 = arith.mulf %get3A_566, %get3A_319 : vector<16xf32>
        %add3A_568 = arith.addf %mul3A_563, %mul3A_567 : vector<16xf32>
        %get3A_569 = arith.index_cast %add3A_559 : i32 to index
        %get3A_570 = arith.constant 32 : index
        %get3A_571 = tpu.vector_load %arg13[%get3A_569, %get3A_570] {strides = array<i32>} : memref<416x64xf32, #tpu.memory_space<vmem>>, vector<16xf32>,
        %mul3A_572 = arith.mulf %get3A_571, %get3A_322 : vector<16xf32>
        %add3A_573 = arith.addf %add3A_568, %mul3A_572 : vector<16xf32>
        %get3A_574 = arith.index_cast %add3A_559 : i32 to index
        %get3A_575 = arith.constant 48 : index
        %get3A_576 = tpu.vector_load %arg13[%get3A_574, %get3A_575] {strides = array<i32>} : memref<416x64xf32, #tpu.memory_space<vmem>>, vector<16xf32>,
        %mul3A_577 = arith.mulf %get3A_576, %get3A_325 : vector<16xf32>
        %add3A_578 = arith.addf %add3A_573, %mul3A_577 : vector<16xf32>
        %add3A_579 = arith.constant 0 : i32
        %add3A_580 = arith.addi %mul3A_311, %add3A_579 : i32
        %add3A_581 = arith.constant 11 : i32
        %add3A_582 = arith.addi %add3A_580, %add3A_581 : i32
        %get3A_583 = arith.index_cast %add3A_582 : i32 to index
        %get3A_584 = arith.constant 0 : index
        %get3A_585 = tpu.vector_load %arg13[%get3A_583, %get3A_584] {strides = array<i32>} : memref<416x64xf32, #tpu.memory_space<vmem>>, vector<16xf32>,
        %mul3A_586 = arith.mulf %get3A_585, %get3A_316 : vector<16xf32>
        %get3A_587 = arith.index_cast %add3A_582 : i32 to index
        %get3A_588 = arith.constant 16 : index
        %get3A_589 = tpu.vector_load %arg13[%get3A_587, %get3A_588] {strides = array<i32>} : memref<416x64xf32, #tpu.memory_space<vmem>>, vector<16xf32>,
        %mul3A_590 = arith.mulf %get3A_589, %get3A_319 : vector<16xf32>
        %add3A_591 = arith.addf %mul3A_586, %mul3A_590 : vector<16xf32>
        %get3A_592 = arith.index_cast %add3A_582 : i32 to index
        %get3A_593 = arith.constant 32 : index
        %get3A_594 = tpu.vector_load %arg13[%get3A_592, %get3A_593] {strides = array<i32>} : memref<416x64xf32, #tpu.memory_space<vmem>>, vector<16xf32>,
        %mul3A_595 = arith.mulf %get3A_594, %get3A_322 : vector<16xf32>
        %add3A_596 = arith.addf %add3A_591, %mul3A_595 : vector<16xf32>
        %get3A_597 = arith.index_cast %add3A_582 : i32 to index
        %get3A_598 = arith.constant 48 : index
        %get3A_599 = tpu.vector_load %arg13[%get3A_597, %get3A_598] {strides = array<i32>} : memref<416x64xf32, #tpu.memory_space<vmem>>, vector<16xf32>,
        %mul3A_600 = arith.mulf %get3A_599, %get3A_325 : vector<16xf32>
        %add3A_601 = arith.addf %add3A_596, %mul3A_600 : vector<16xf32>
        %add3A_602 = arith.constant 0 : i32
        %add3A_603 = arith.addi %mul3A_311, %add3A_602 : i32
        %add3A_604 = arith.constant 12 : i32
        %add3A_605 = arith.addi %add3A_603, %add3A_604 : i32
        %get3A_606 = arith.index_cast %add3A_605 : i32 to index
        %get3A_607 = arith.constant 0 : index
        %get3A_608 = tpu.vector_load %arg13[%get3A_606, %get3A_607] {strides = array<i32>} : memref<416x64xf32, #tpu.memory_space<vmem>>, vector<16xf32>,
        %mul3A_609 = arith.mulf %get3A_608, %get3A_316 : vector<16xf32>
        %get3A_610 = arith.index_cast %add3A_605 : i32 to index
        %get3A_611 = arith.constant 16 : index
        %get3A_612 = tpu.vector_load %arg13[%get3A_610, %get3A_611] {strides = array<i32>} : memref<416x64xf32, #tpu.memory_space<vmem>>, vector<16xf32>,
        %mul3A_613 = arith.mulf %get3A_612, %get3A_319 : vector<16xf32>
        %add3A_614 = arith.addf %mul3A_609, %mul3A_613 : vector<16xf32>
        %get3A_615 = arith.index_cast %add3A_605 : i32 to index
        %get3A_616 = arith.constant 32 : index
        %get3A_617 = tpu.vector_load %arg13[%get3A_615, %get3A_616] {strides = array<i32>} : memref<416x64xf32, #tpu.memory_space<vmem>>, vector<16xf32>,
        %mul3A_618 = arith.mulf %get3A_617, %get3A_322 : vector<16xf32>
        %add3A_619 = arith.addf %add3A_614, %mul3A_618 : vector<16xf32>
        %get3A_620 = arith.index_cast %add3A_605 : i32 to index
        %get3A_621 = arith.constant 48 : index
        %get3A_622 = tpu.vector_load %arg13[%get3A_620, %get3A_621] {strides = array<i32>} : memref<416x64xf32, #tpu.memory_space<vmem>>, vector<16xf32>,
        %mul3A_623 = arith.mulf %get3A_622, %get3A_325 : vector<16xf32>
        %add3A_624 = arith.addf %add3A_619, %mul3A_623 : vector<16xf32>
        %add3A_625 = arith.constant 0 : i32
        %add3A_626 = arith.addi %mul3A_311, %add3A_625 : i32
        %add3A_627 = arith.constant 13 : i32
        %add3A_628 = arith.addi %add3A_626, %add3A_627 : i32
        %get3A_629 = arith.index_cast %add3A_628 : i32 to index
        %get3A_630 = arith.constant 0 : index
        %get3A_631 = tpu.vector_load %arg13[%get3A_629, %get3A_630] {strides = array<i32>} : memref<416x64xf32, #tpu.memory_space<vmem>>, vector<16xf32>,
        %mul3A_632 = arith.mulf %get3A_631, %get3A_316 : vector<16xf32>
        %get3A_633 = arith.index_cast %add3A_628 : i32 to index
        %get3A_634 = arith.constant 16 : index
        %get3A_635 = tpu.vector_load %arg13[%get3A_633, %get3A_634] {strides = array<i32>} : memref<416x64xf32, #tpu.memory_space<vmem>>, vector<16xf32>,
        %mul3A_636 = arith.mulf %get3A_635, %get3A_319 : vector<16xf32>
        %add3A_637 = arith.addf %mul3A_632, %mul3A_636 : vector<16xf32>
        %get3A_638 = arith.index_cast %add3A_628 : i32 to index
        %get3A_639 = arith.constant 32 : index
        %get3A_640 = tpu.vector_load %arg13[%get3A_638, %get3A_639] {strides = array<i32>} : memref<416x64xf32, #tpu.memory_space<vmem>>, vector<16xf32>,
        %mul3A_641 = arith.mulf %get3A_640, %get3A_322 : vector<16xf32>
        %add3A_642 = arith.addf %add3A_637, %mul3A_641 : vector<16xf32>
        %get3A_643 = arith.index_cast %add3A_628 : i32 to index
        %get3A_644 = arith.constant 48 : index
        %get3A_645 = tpu.vector_load %arg13[%get3A_643, %get3A_644] {strides = array<i32>} : memref<416x64xf32, #tpu.memory_space<vmem>>, vector<16xf32>,
        %mul3A_646 = arith.mulf %get3A_645, %get3A_325 : vector<16xf32>
        %add3A_647 = arith.addf %add3A_642, %mul3A_646 : vector<16xf32>
        %add3A_648 = arith.constant 0 : i32
        %add3A_649 = arith.addi %mul3A_311, %add3A_648 : i32
        %add3A_650 = arith.constant 14 : i32
        %add3A_651 = arith.addi %add3A_649, %add3A_650 : i32
        %get3A_652 = arith.index_cast %add3A_651 : i32 to index
        %get3A_653 = arith.constant 0 : index
        %get3A_654 = tpu.vector_load %arg13[%get3A_652, %get3A_653] {strides = array<i32>} : memref<416x64xf32, #tpu.memory_space<vmem>>, vector<16xf32>,
        %mul3A_655 = arith.mulf %get3A_654, %get3A_316 : vector<16xf32>
        %get3A_656 = arith.index_cast %add3A_651 : i32 to index
        %get3A_657 = arith.constant 16 : index
        %get3A_658 = tpu.vector_load %arg13[%get3A_656, %get3A_657] {strides = array<i32>} : memref<416x64xf32, #tpu.memory_space<vmem>>, vector<16xf32>,
        %mul3A_659 = arith.mulf %get3A_658, %get3A_319 : vector<16xf32>
        %add3A_660 = arith.addf %mul3A_655, %mul3A_659 : vector<16xf32>
        %get3A_661 = arith.index_cast %add3A_651 : i32 to index
        %get3A_662 = arith.constant 32 : index
        %get3A_663 = tpu.vector_load %arg13[%get3A_661, %get3A_662] {strides = array<i32>} : memref<416x64xf32, #tpu.memory_space<vmem>>, vector<16xf32>,
        %mul3A_664 = arith.mulf %get3A_663, %get3A_322 : vector<16xf32>
        %add3A_665 = arith.addf %add3A_660, %mul3A_664 : vector<16xf32>
        %get3A_666 = arith.index_cast %add3A_651 : i32 to index
        %get3A_667 = arith.constant 48 : index
        %get3A_668 = tpu.vector_load %arg13[%get3A_666, %get3A_667] {strides = array<i32>} : memref<416x64xf32, #tpu.memory_space<vmem>>, vector<16xf32>,
        %mul3A_669 = arith.mulf %get3A_668, %get3A_325 : vector<16xf32>
        %add3A_670 = arith.addf %add3A_665, %mul3A_669 : vector<16xf32>
        %add3A_671 = arith.constant 0 : i32
        %add3A_672 = arith.addi %mul3A_311, %add3A_671 : i32
        %add3A_673 = arith.constant 15 : i32
        %add3A_674 = arith.addi %add3A_672, %add3A_673 : i32
        %get3A_675 = arith.index_cast %add3A_674 : i32 to index
        %get3A_676 = arith.constant 0 : index
        %get3A_677 = tpu.vector_load %arg13[%get3A_675, %get3A_676] {strides = array<i32>} : memref<416x64xf32, #tpu.memory_space<vmem>>, vector<16xf32>,
        %mul3A_678 = arith.mulf %get3A_677, %get3A_316 : vector<16xf32>
        %get3A_679 = arith.index_cast %add3A_674 : i32 to index
        %get3A_680 = arith.constant 16 : index
        %get3A_681 = tpu.vector_load %arg13[%get3A_679, %get3A_680] {strides = array<i32>} : memref<416x64xf32, #tpu.memory_space<vmem>>, vector<16xf32>,
        %mul3A_682 = arith.mulf %get3A_681, %get3A_319 : vector<16xf32>
        %add3A_683 = arith.addf %mul3A_678, %mul3A_682 : vector<16xf32>
        %get3A_684 = arith.index_cast %add3A_674 : i32 to index
        %get3A_685 = arith.constant 32 : index
        %get3A_686 = tpu.vector_load %arg13[%get3A_684, %get3A_685] {strides = array<i32>} : memref<416x64xf32, #tpu.memory_space<vmem>>, vector<16xf32>,
        %mul3A_687 = arith.mulf %get3A_686, %get3A_322 : vector<16xf32>
        %add3A_688 = arith.addf %add3A_683, %mul3A_687 : vector<16xf32>
        %get3A_689 = arith.index_cast %add3A_674 : i32 to index
        %get3A_690 = arith.constant 48 : index
        %get3A_691 = tpu.vector_load %arg13[%get3A_689, %get3A_690] {strides = array<i32>} : memref<416x64xf32, #tpu.memory_space<vmem>>, vector<16xf32>,
        %mul3A_692 = arith.mulf %get3A_691, %get3A_325 : vector<16xf32>
        %add3A_693 = arith.addf %add3A_688, %mul3A_692 : vector<16xf32>
        %xor3A = arith.constant 1 : i32
        %xor3A_694 = vector.broadcast %xor3A : i32 to vector<16xi32>
        %xor3A_695 = arith.xori %iota3A, %xor3A_694 : vector<16xi32>
        %broadcast_in_dim3A = vector.shape_cast %xor3A_695 : vector<16xi32> to vector<16x1xi32>
        %and3A = arith.constant 1 : i32
        %and3A_696 = vector.broadcast %and3A : i32 to vector<16xi32>
        %and3A_697 = arith.andi %iota3A, %and3A_696 : vector<16xi32>
        %ne3A = arith.constant 0 : i32
        %ne3A_698 = vector.broadcast %ne3A : i32 to vector<16xi32>
        %ne3A_699 = arith.cmpi ne, %and3A_697, %ne3A_698 : vector<16xi32>
        %gather3A = vector.shape_cast %broadcast_in_dim3A : vector<16x1xi32> to vector<16xi32>
        %gather3A_700 = tpu.dynamic_gather %add3A_348[%gather3A] in [0] : vector<16xf32>, vector<16xi32> -> vector<16xf32>
        %add3A_701 = arith.addf %add3A_348, %gather3A_700 : vector<16xf32>
        %gather3A_702 = vector.shape_cast %broadcast_in_dim3A : vector<16x1xi32> to vector<16xi32>
        %gather3A_703 = tpu.dynamic_gather %add3A_371[%gather3A_702] in [0] : vector<16xf32>, vector<16xi32> -> vector<16xf32>
        %add3A_704 = arith.addf %add3A_371, %gather3A_703 : vector<16xf32>
        %gather3A_705 = vector.shape_cast %broadcast_in_dim3A : vector<16x1xi32> to vector<16xi32>
        %gather3A_706 = tpu.dynamic_gather %add3A_394[%gather3A_705] in [0] : vector<16xf32>, vector<16xi32> -> vector<16xf32>
        %add3A_707 = arith.addf %add3A_394, %gather3A_706 : vector<16xf32>
        %gather3A_708 = vector.shape_cast %broadcast_in_dim3A : vector<16x1xi32> to vector<16xi32>
        %gather3A_709 = tpu.dynamic_gather %add3A_417[%gather3A_708] in [0] : vector<16xf32>, vector<16xi32> -> vector<16xf32>
        %add3A_710 = arith.addf %add3A_417, %gather3A_709 : vector<16xf32>
        %gather3A_711 = vector.shape_cast %broadcast_in_dim3A : vector<16x1xi32> to vector<16xi32>
        %gather3A_712 = tpu.dynamic_gather %add3A_440[%gather3A_711] in [0] : vector<16xf32>, vector<16xi32> -> vector<16xf32>
        %add3A_713 = arith.addf %add3A_440, %gather3A_712 : vector<16xf32>
        %gather3A_714 = vector.shape_cast %broadcast_in_dim3A : vector<16x1xi32> to vector<16xi32>
        %gather3A_715 = tpu.dynamic_gather %add3A_463[%gather3A_714] in [0] : vector<16xf32>, vector<16xi32> -> vector<16xf32>
        %add3A_716 = arith.addf %add3A_463, %gather3A_715 : vector<16xf32>
        %gather3A_717 = vector.shape_cast %broadcast_in_dim3A : vector<16x1xi32> to vector<16xi32>
        %gather3A_718 = tpu.dynamic_gather %add3A_486[%gather3A_717] in [0] : vector<16xf32>, vector<16xi32> -> vector<16xf32>
        %add3A_719 = arith.addf %add3A_486, %gather3A_718 : vector<16xf32>
        %gather3A_720 = vector.shape_cast %broadcast_in_dim3A : vector<16x1xi32> to vector<16xi32>
        %gather3A_721 = tpu.dynamic_gather %add3A_509[%gather3A_720] in [0] : vector<16xf32>, vector<16xi32> -> vector<16xf32>
        %add3A_722 = arith.addf %add3A_509, %gather3A_721 : vector<16xf32>
        %gather3A_723 = vector.shape_cast %broadcast_in_dim3A : vector<16x1xi32> to vector<16xi32>
        %gather3A_724 = tpu.dynamic_gather %add3A_532[%gather3A_723] in [0] : vector<16xf32>, vector<16xi32> -> vector<16xf32>
        %add3A_725 = arith.addf %add3A_532, %gather3A_724 : vector<16xf32>
        %gather3A_726 = vector.shape_cast %broadcast_in_dim3A : vector<16x1xi32> to vector<16xi32>
        %gather3A_727 = tpu.dynamic_gather %add3A_555[%gather3A_726] in [0] : vector<16xf32>, vector<16xi32> -> vector<16xf32>
        %add3A_728 = arith.addf %add3A_555, %gather3A_727 : vector<16xf32>
        %gather3A_729 = vector.shape_cast %broadcast_in_dim3A : vector<16x1xi32> to vector<16xi32>
        %gather3A_730 = tpu.dynamic_gather %add3A_578[%gather3A_729] in [0] : vector<16xf32>, vector<16xi32> -> vector<16xf32>
        %add3A_731 = arith.addf %add3A_578, %gather3A_730 : vector<16xf32>
        %gather3A_732 = vector.shape_cast %broadcast_in_dim3A : vector<16x1xi32> to vector<16xi32>
        %gather3A_733 = tpu.dynamic_gather %add3A_601[%gather3A_732] in [0] : vector<16xf32>, vector<16xi32> -> vector<16xf32>
        %add3A_734 = arith.addf %add3A_601, %gather3A_733 : vector<16xf32>
        %gather3A_735 = vector.shape_cast %broadcast_in_dim3A : vector<16x1xi32> to vector<16xi32>
        %gather3A_736 = tpu.dynamic_gather %add3A_624[%gather3A_735] in [0] : vector<16xf32>, vector<16xi32> -> vector<16xf32>
        %add3A_737 = arith.addf %add3A_624, %gather3A_736 : vector<16xf32>
        %gather3A_738 = vector.shape_cast %broadcast_in_dim3A : vector<16x1xi32> to vector<16xi32>
        %gather3A_739 = tpu.dynamic_gather %add3A_647[%gather3A_738] in [0] : vector<16xf32>, vector<16xi32> -> vector<16xf32>
        %add3A_740 = arith.addf %add3A_647, %gather3A_739 : vector<16xf32>
        %gather3A_741 = vector.shape_cast %broadcast_in_dim3A : vector<16x1xi32> to vector<16xi32>
        %gather3A_742 = tpu.dynamic_gather %add3A_670[%gather3A_741] in [0] : vector<16xf32>, vector<16xi32> -> vector<16xf32>
        %add3A_743 = arith.addf %add3A_670, %gather3A_742 : vector<16xf32>
        %gather3A_744 = vector.shape_cast %broadcast_in_dim3A : vector<16x1xi32> to vector<16xi32>
        %gather3A_745 = tpu.dynamic_gather %add3A_693[%gather3A_744] in [0] : vector<16xf32>, vector<16xi32> -> vector<16xf32>
        %add3A_746 = arith.addf %add3A_693, %gather3A_745 : vector<16xf32>
        %select_n3A = arith.select %ne3A_699, %add3A_704, %add3A_701 : vector<16xi1>, vector<16xf32>
        %select_n3A_747 = arith.select %ne3A_699, %add3A_710, %add3A_707 : vector<16xi1>, vector<16xf32>
        %select_n3A_748 = arith.select %ne3A_699, %add3A_716, %add3A_713 : vector<16xi1>, vector<16xf32>
        %select_n3A_749 = arith.select %ne3A_699, %add3A_722, %add3A_719 : vector<16xi1>, vector<16xf32>
        %select_n3A_750 = arith.select %ne3A_699, %add3A_728, %add3A_725 : vector<16xi1>, vector<16xf32>
        %select_n3A_751 = arith.select %ne3A_699, %add3A_734, %add3A_731 : vector<16xi1>, vector<16xf32>
        %select_n3A_752 = arith.select %ne3A_699, %add3A_740, %add3A_737 : vector<16xi1>, vector<16xf32>
        %select_n3A_753 = arith.select %ne3A_699, %add3A_746, %add3A_743 : vector<16xi1>, vector<16xf32>
        %xor3A_754 = arith.constant 2 : i32
        %xor3A_755 = vector.broadcast %xor3A_754 : i32 to vector<16xi32>
        %xor3A_756 = arith.xori %iota3A, %xor3A_755 : vector<16xi32>
        %broadcast_in_dim3A_757 = vector.shape_cast %xor3A_756 : vector<16xi32> to vector<16x1xi32>
        %and3A_758 = arith.constant 2 : i32
        %and3A_759 = vector.broadcast %and3A_758 : i32 to vector<16xi32>
        %and3A_760 = arith.andi %iota3A, %and3A_759 : vector<16xi32>
        %ne3A_761 = arith.constant 0 : i32
        %ne3A_762 = vector.broadcast %ne3A_761 : i32 to vector<16xi32>
        %ne3A_763 = arith.cmpi ne, %and3A_760, %ne3A_762 : vector<16xi32>
        %gather3A_764 = vector.shape_cast %broadcast_in_dim3A_757 : vector<16x1xi32> to vector<16xi32>
        %gather3A_765 = tpu.dynamic_gather %select_n3A[%gather3A_764] in [0] : vector<16xf32>, vector<16xi32> -> vector<16xf32>
        %add3A_766 = arith.addf %select_n3A, %gather3A_765 : vector<16xf32>
        %gather3A_767 = vector.shape_cast %broadcast_in_dim3A_757 : vector<16x1xi32> to vector<16xi32>
        %gather3A_768 = tpu.dynamic_gather %select_n3A_747[%gather3A_767] in [0] : vector<16xf32>, vector<16xi32> -> vector<16xf32>
        %add3A_769 = arith.addf %select_n3A_747, %gather3A_768 : vector<16xf32>
        %gather3A_770 = vector.shape_cast %broadcast_in_dim3A_757 : vector<16x1xi32> to vector<16xi32>
        %gather3A_771 = tpu.dynamic_gather %select_n3A_748[%gather3A_770] in [0] : vector<16xf32>, vector<16xi32> -> vector<16xf32>
        %add3A_772 = arith.addf %select_n3A_748, %gather3A_771 : vector<16xf32>
        %gather3A_773 = vector.shape_cast %broadcast_in_dim3A_757 : vector<16x1xi32> to vector<16xi32>
        %gather3A_774 = tpu.dynamic_gather %select_n3A_749[%gather3A_773] in [0] : vector<16xf32>, vector<16xi32> -> vector<16xf32>
        %add3A_775 = arith.addf %select_n3A_749, %gather3A_774 : vector<16xf32>
        %gather3A_776 = vector.shape_cast %broadcast_in_dim3A_757 : vector<16x1xi32> to vector<16xi32>
        %gather3A_777 = tpu.dynamic_gather %select_n3A_750[%gather3A_776] in [0] : vector<16xf32>, vector<16xi32> -> vector<16xf32>
        %add3A_778 = arith.addf %select_n3A_750, %gather3A_777 : vector<16xf32>
        %gather3A_779 = vector.shape_cast %broadcast_in_dim3A_757 : vector<16x1xi32> to vector<16xi32>
        %gather3A_780 = tpu.dynamic_gather %select_n3A_751[%gather3A_779] in [0] : vector<16xf32>, vector<16xi32> -> vector<16xf32>
        %add3A_781 = arith.addf %select_n3A_751, %gather3A_780 : vector<16xf32>
        %gather3A_782 = vector.shape_cast %broadcast_in_dim3A_757 : vector<16x1xi32> to vector<16xi32>
        %gather3A_783 = tpu.dynamic_gather %select_n3A_752[%gather3A_782] in [0] : vector<16xf32>, vector<16xi32> -> vector<16xf32>
        %add3A_784 = arith.addf %select_n3A_752, %gather3A_783 : vector<16xf32>
        %gather3A_785 = vector.shape_cast %broadcast_in_dim3A_757 : vector<16x1xi32> to vector<16xi32>
        %gather3A_786 = tpu.dynamic_gather %select_n3A_753[%gather3A_785] in [0] : vector<16xf32>, vector<16xi32> -> vector<16xf32>
        %add3A_787 = arith.addf %select_n3A_753, %gather3A_786 : vector<16xf32>
        %select_n3A_788 = arith.select %ne3A_763, %add3A_769, %add3A_766 : vector<16xi1>, vector<16xf32>
        %select_n3A_789 = arith.select %ne3A_763, %add3A_775, %add3A_772 : vector<16xi1>, vector<16xf32>
        %select_n3A_790 = arith.select %ne3A_763, %add3A_781, %add3A_778 : vector<16xi1>, vector<16xf32>
        %select_n3A_791 = arith.select %ne3A_763, %add3A_787, %add3A_784 : vector<16xi1>, vector<16xf32>
        %xor3A_792 = arith.constant 4 : i32
        %xor3A_793 = vector.broadcast %xor3A_792 : i32 to vector<16xi32>
        %xor3A_794 = arith.xori %iota3A, %xor3A_793 : vector<16xi32>
        %broadcast_in_dim3A_795 = vector.shape_cast %xor3A_794 : vector<16xi32> to vector<16x1xi32>
        %and3A_796 = arith.constant 4 : i32
        %and3A_797 = vector.broadcast %and3A_796 : i32 to vector<16xi32>
        %and3A_798 = arith.andi %iota3A, %and3A_797 : vector<16xi32>
        %ne3A_799 = arith.constant 0 : i32
        %ne3A_800 = vector.broadcast %ne3A_799 : i32 to vector<16xi32>
        %ne3A_801 = arith.cmpi ne, %and3A_798, %ne3A_800 : vector<16xi32>
        %gather3A_802 = vector.shape_cast %broadcast_in_dim3A_795 : vector<16x1xi32> to vector<16xi32>
        %gather3A_803 = tpu.dynamic_gather %select_n3A_788[%gather3A_802] in [0] : vector<16xf32>, vector<16xi32> -> vector<16xf32>
        %add3A_804 = arith.addf %select_n3A_788, %gather3A_803 : vector<16xf32>
        %gather3A_805 = vector.shape_cast %broadcast_in_dim3A_795 : vector<16x1xi32> to vector<16xi32>
        %gather3A_806 = tpu.dynamic_gather %select_n3A_789[%gather3A_805] in [0] : vector<16xf32>, vector<16xi32> -> vector<16xf32>
        %add3A_807 = arith.addf %select_n3A_789, %gather3A_806 : vector<16xf32>
        %gather3A_808 = vector.shape_cast %broadcast_in_dim3A_795 : vector<16x1xi32> to vector<16xi32>
        %gather3A_809 = tpu.dynamic_gather %select_n3A_790[%gather3A_808] in [0] : vector<16xf32>, vector<16xi32> -> vector<16xf32>
        %add3A_810 = arith.addf %select_n3A_790, %gather3A_809 : vector<16xf32>
        %gather3A_811 = vector.shape_cast %broadcast_in_dim3A_795 : vector<16x1xi32> to vector<16xi32>
        %gather3A_812 = tpu.dynamic_gather %select_n3A_791[%gather3A_811] in [0] : vector<16xf32>, vector<16xi32> -> vector<16xf32>
        %add3A_813 = arith.addf %select_n3A_791, %gather3A_812 : vector<16xf32>
        %select_n3A_814 = arith.select %ne3A_801, %add3A_807, %add3A_804 : vector<16xi1>, vector<16xf32>
        %select_n3A_815 = arith.select %ne3A_801, %add3A_813, %add3A_810 : vector<16xi1>, vector<16xf32>
        %xor3A_816 = arith.constant 8 : i32
        %xor3A_817 = vector.broadcast %xor3A_816 : i32 to vector<16xi32>
        %xor3A_818 = arith.xori %iota3A, %xor3A_817 : vector<16xi32>
        %broadcast_in_dim3A_819 = vector.shape_cast %xor3A_818 : vector<16xi32> to vector<16x1xi32>
        %and3A_820 = arith.constant 8 : i32
        %and3A_821 = vector.broadcast %and3A_820 : i32 to vector<16xi32>
        %and3A_822 = arith.andi %iota3A, %and3A_821 : vector<16xi32>
        %ne3A_823 = arith.constant 0 : i32
        %ne3A_824 = vector.broadcast %ne3A_823 : i32 to vector<16xi32>
        %ne3A_825 = arith.cmpi ne, %and3A_822, %ne3A_824 : vector<16xi32>
        %gather3A_826 = vector.shape_cast %broadcast_in_dim3A_819 : vector<16x1xi32> to vector<16xi32>
        %gather3A_827 = tpu.dynamic_gather %select_n3A_814[%gather3A_826] in [0] : vector<16xf32>, vector<16xi32> -> vector<16xf32>
        %add3A_828 = arith.addf %select_n3A_814, %gather3A_827 : vector<16xf32>
        %gather3A_829 = vector.shape_cast %broadcast_in_dim3A_819 : vector<16x1xi32> to vector<16xi32>
        %gather3A_830 = tpu.dynamic_gather %select_n3A_815[%gather3A_829] in [0] : vector<16xf32>, vector<16xi32> -> vector<16xf32>
        %add3A_831 = arith.addf %select_n3A_815, %gather3A_830 : vector<16xf32>
        %select_n3A_832 = arith.select %ne3A_825, %add3A_831, %add3A_828 : vector<16xi1>, vector<16xf32>
        %add3A_833 = arith.constant 0 : i32
        %add3A_834 = arith.addi %mul3A_311, %add3A_833 : i32
        %broadcast_in_dim3A_835 = vector.broadcast %add3A_834 : i32 to vector<16xi32>
        %add3A_836 = arith.addi %broadcast_in_dim3A_835, %iota3A : vector<16xi32>
        %add3A_837 = arith.constant 0 : i32
        %add3A_838 = vector.broadcast %add3A_837 : i32 to vector<16xi32>
        %add3A_839 = arith.addi %add3A_838, %iota3A : vector<16xi32>
        %lt3A_840 = arith.constant 50 : i32
        %lt3A_841 = vector.broadcast %lt3A_840 : i32 to vector<16xi32>
        %lt3A_842 = arith.cmpi slt, %add3A_839, %lt3A_841 : vector<16xi32>
        tpu.vector_store_idx %arg14[%add3A_836], %select_n3A_832 masked %lt3A_842 : memref<400xf32, #tpu.memory_space<vmem>>[vector<16xi32>], vector<16xf32>, vector<16xi1>
        %add3A_843 = arith.constant 16 : i32
        %add3A_844 = arith.addi %mul3A_311, %add3A_843 : i32
        %add3A_845 = arith.constant 0 : i32
        %add3A_846 = arith.addi %add3A_844, %add3A_845 : i32
        %get3A_847 = arith.index_cast %add3A_846 : i32 to index
        %get3A_848 = arith.constant 0 : index
        %get3A_849 = tpu.vector_load %arg13[%get3A_847, %get3A_848] {strides = array<i32>} : memref<416x64xf32, #tpu.memory_space<vmem>>, vector<16xf32>,
        %mul3A_850 = arith.mulf %get3A_849, %get3A_316 : vector<16xf32>
        %get3A_851 = arith.index_cast %add3A_846 : i32 to index
        %get3A_852 = arith.constant 16 : index
        %get3A_853 = tpu.vector_load %arg13[%get3A_851, %get3A_852] {strides = array<i32>} : memref<416x64xf32, #tpu.memory_space<vmem>>, vector<16xf32>,
        %mul3A_854 = arith.mulf %get3A_853, %get3A_319 : vector<16xf32>
        %add3A_855 = arith.addf %mul3A_850, %mul3A_854 : vector<16xf32>
        %get3A_856 = arith.index_cast %add3A_846 : i32 to index
        %get3A_857 = arith.constant 32 : index
        %get3A_858 = tpu.vector_load %arg13[%get3A_856, %get3A_857] {strides = array<i32>} : memref<416x64xf32, #tpu.memory_space<vmem>>, vector<16xf32>,
        %mul3A_859 = arith.mulf %get3A_858, %get3A_322 : vector<16xf32>
        %add3A_860 = arith.addf %add3A_855, %mul3A_859 : vector<16xf32>
        %get3A_861 = arith.index_cast %add3A_846 : i32 to index
        %get3A_862 = arith.constant 48 : index
        %get3A_863 = tpu.vector_load %arg13[%get3A_861, %get3A_862] {strides = array<i32>} : memref<416x64xf32, #tpu.memory_space<vmem>>, vector<16xf32>,
        %mul3A_864 = arith.mulf %get3A_863, %get3A_325 : vector<16xf32>
        %add3A_865 = arith.addf %add3A_860, %mul3A_864 : vector<16xf32>
        %add3A_866 = arith.constant 16 : i32
        %add3A_867 = arith.addi %mul3A_311, %add3A_866 : i32
        %add3A_868 = arith.constant 1 : i32
        %add3A_869 = arith.addi %add3A_867, %add3A_868 : i32
        %get3A_870 = arith.index_cast %add3A_869 : i32 to index
        %get3A_871 = arith.constant 0 : index
        %get3A_872 = tpu.vector_load %arg13[%get3A_870, %get3A_871] {strides = array<i32>} : memref<416x64xf32, #tpu.memory_space<vmem>>, vector<16xf32>,
        %mul3A_873 = arith.mulf %get3A_872, %get3A_316 : vector<16xf32>
        %get3A_874 = arith.index_cast %add3A_869 : i32 to index
        %get3A_875 = arith.constant 16 : index
        %get3A_876 = tpu.vector_load %arg13[%get3A_874, %get3A_875] {strides = array<i32>} : memref<416x64xf32, #tpu.memory_space<vmem>>, vector<16xf32>,
        %mul3A_877 = arith.mulf %get3A_876, %get3A_319 : vector<16xf32>
        %add3A_878 = arith.addf %mul3A_873, %mul3A_877 : vector<16xf32>
        %get3A_879 = arith.index_cast %add3A_869 : i32 to index
        %get3A_880 = arith.constant 32 : index
        %get3A_881 = tpu.vector_load %arg13[%get3A_879, %get3A_880] {strides = array<i32>} : memref<416x64xf32, #tpu.memory_space<vmem>>, vector<16xf32>,
        %mul3A_882 = arith.mulf %get3A_881, %get3A_322 : vector<16xf32>
        %add3A_883 = arith.addf %add3A_878, %mul3A_882 : vector<16xf32>
        %get3A_884 = arith.index_cast %add3A_869 : i32 to index
        %get3A_885 = arith.constant 48 : index
        %get3A_886 = tpu.vector_load %arg13[%get3A_884, %get3A_885] {strides = array<i32>} : memref<416x64xf32, #tpu.memory_space<vmem>>, vector<16xf32>,
        %mul3A_887 = arith.mulf %get3A_886, %get3A_325 : vector<16xf32>
        %add3A_888 = arith.addf %add3A_883, %mul3A_887 : vector<16xf32>
        %add3A_889 = arith.constant 16 : i32
        %add3A_890 = arith.addi %mul3A_311, %add3A_889 : i32
        %add3A_891 = arith.constant 2 : i32
        %add3A_892 = arith.addi %add3A_890, %add3A_891 : i32
        %get3A_893 = arith.index_cast %add3A_892 : i32 to index
        %get3A_894 = arith.constant 0 : index
        %get3A_895 = tpu.vector_load %arg13[%get3A_893, %get3A_894] {strides = array<i32>} : memref<416x64xf32, #tpu.memory_space<vmem>>, vector<16xf32>,
        %mul3A_896 = arith.mulf %get3A_895, %get3A_316 : vector<16xf32>
        %get3A_897 = arith.index_cast %add3A_892 : i32 to index
        %get3A_898 = arith.constant 16 : index
        %get3A_899 = tpu.vector_load %arg13[%get3A_897, %get3A_898] {strides = array<i32>} : memref<416x64xf32, #tpu.memory_space<vmem>>, vector<16xf32>,
        %mul3A_900 = arith.mulf %get3A_899, %get3A_319 : vector<16xf32>
        %add3A_901 = arith.addf %mul3A_896, %mul3A_900 : vector<16xf32>
        %get3A_902 = arith.index_cast %add3A_892 : i32 to index
        %get3A_903 = arith.constant 32 : index
        %get3A_904 = tpu.vector_load %arg13[%get3A_902, %get3A_903] {strides = array<i32>} : memref<416x64xf32, #tpu.memory_space<vmem>>, vector<16xf32>,
        %mul3A_905 = arith.mulf %get3A_904, %get3A_322 : vector<16xf32>
        %add3A_906 = arith.addf %add3A_901, %mul3A_905 : vector<16xf32>
        %get3A_907 = arith.index_cast %add3A_892 : i32 to index
        %get3A_908 = arith.constant 48 : index
        %get3A_909 = tpu.vector_load %arg13[%get3A_907, %get3A_908] {strides = array<i32>} : memref<416x64xf32, #tpu.memory_space<vmem>>, vector<16xf32>,
        %mul3A_910 = arith.mulf %get3A_909, %get3A_325 : vector<16xf32>
        %add3A_911 = arith.addf %add3A_906, %mul3A_910 : vector<16xf32>
        %add3A_912 = arith.constant 16 : i32
        %add3A_913 = arith.addi %mul3A_311, %add3A_912 : i32
        %add3A_914 = arith.constant 3 : i32
        %add3A_915 = arith.addi %add3A_913, %add3A_914 : i32
        %get3A_916 = arith.index_cast %add3A_915 : i32 to index
        %get3A_917 = arith.constant 0 : index
        %get3A_918 = tpu.vector_load %arg13[%get3A_916, %get3A_917] {strides = array<i32>} : memref<416x64xf32, #tpu.memory_space<vmem>>, vector<16xf32>,
        %mul3A_919 = arith.mulf %get3A_918, %get3A_316 : vector<16xf32>
        %get3A_920 = arith.index_cast %add3A_915 : i32 to index
        %get3A_921 = arith.constant 16 : index
        %get3A_922 = tpu.vector_load %arg13[%get3A_920, %get3A_921] {strides = array<i32>} : memref<416x64xf32, #tpu.memory_space<vmem>>, vector<16xf32>,
        %mul3A_923 = arith.mulf %get3A_922, %get3A_319 : vector<16xf32>
        %add3A_924 = arith.addf %mul3A_919, %mul3A_923 : vector<16xf32>
        %get3A_925 = arith.index_cast %add3A_915 : i32 to index
        %get3A_926 = arith.constant 32 : index
        %get3A_927 = tpu.vector_load %arg13[%get3A_925, %get3A_926] {strides = array<i32>} : memref<416x64xf32, #tpu.memory_space<vmem>>, vector<16xf32>,
        %mul3A_928 = arith.mulf %get3A_927, %get3A_322 : vector<16xf32>
        %add3A_929 = arith.addf %add3A_924, %mul3A_928 : vector<16xf32>
        %get3A_930 = arith.index_cast %add3A_915 : i32 to index
        %get3A_931 = arith.constant 48 : index
        %get3A_932 = tpu.vector_load %arg13[%get3A_930, %get3A_931] {strides = array<i32>} : memref<416x64xf32, #tpu.memory_space<vmem>>, vector<16xf32>,
        %mul3A_933 = arith.mulf %get3A_932, %get3A_325 : vector<16xf32>
        %add3A_934 = arith.addf %add3A_929, %mul3A_933 : vector<16xf32>
        %add3A_935 = arith.constant 16 : i32
        %add3A_936 = arith.addi %mul3A_311, %add3A_935 : i32
        %add3A_937 = arith.constant 4 : i32
        %add3A_938 = arith.addi %add3A_936, %add3A_937 : i32
        %get3A_939 = arith.index_cast %add3A_938 : i32 to index
        %get3A_940 = arith.constant 0 : index
        %get3A_941 = tpu.vector_load %arg13[%get3A_939, %get3A_940] {strides = array<i32>} : memref<416x64xf32, #tpu.memory_space<vmem>>, vector<16xf32>,
        %mul3A_942 = arith.mulf %get3A_941, %get3A_316 : vector<16xf32>
        %get3A_943 = arith.index_cast %add3A_938 : i32 to index
        %get3A_944 = arith.constant 16 : index
        %get3A_945 = tpu.vector_load %arg13[%get3A_943, %get3A_944] {strides = array<i32>} : memref<416x64xf32, #tpu.memory_space<vmem>>, vector<16xf32>,
        %mul3A_946 = arith.mulf %get3A_945, %get3A_319 : vector<16xf32>
        %add3A_947 = arith.addf %mul3A_942, %mul3A_946 : vector<16xf32>
        %get3A_948 = arith.index_cast %add3A_938 : i32 to index
        %get3A_949 = arith.constant 32 : index
        %get3A_950 = tpu.vector_load %arg13[%get3A_948, %get3A_949] {strides = array<i32>} : memref<416x64xf32, #tpu.memory_space<vmem>>, vector<16xf32>,
        %mul3A_951 = arith.mulf %get3A_950, %get3A_322 : vector<16xf32>
        %add3A_952 = arith.addf %add3A_947, %mul3A_951 : vector<16xf32>
        %get3A_953 = arith.index_cast %add3A_938 : i32 to index
        %get3A_954 = arith.constant 48 : index
        %get3A_955 = tpu.vector_load %arg13[%get3A_953, %get3A_954] {strides = array<i32>} : memref<416x64xf32, #tpu.memory_space<vmem>>, vector<16xf32>,
        %mul3A_956 = arith.mulf %get3A_955, %get3A_325 : vector<16xf32>
        %add3A_957 = arith.addf %add3A_952, %mul3A_956 : vector<16xf32>
        %add3A_958 = arith.constant 16 : i32
        %add3A_959 = arith.addi %mul3A_311, %add3A_958 : i32
        %add3A_960 = arith.constant 5 : i32
        %add3A_961 = arith.addi %add3A_959, %add3A_960 : i32
        %get3A_962 = arith.index_cast %add3A_961 : i32 to index
        %get3A_963 = arith.constant 0 : index
        %get3A_964 = tpu.vector_load %arg13[%get3A_962, %get3A_963] {strides = array<i32>} : memref<416x64xf32, #tpu.memory_space<vmem>>, vector<16xf32>,
        %mul3A_965 = arith.mulf %get3A_964, %get3A_316 : vector<16xf32>
        %get3A_966 = arith.index_cast %add3A_961 : i32 to index
        %get3A_967 = arith.constant 16 : index
        %get3A_968 = tpu.vector_load %arg13[%get3A_966, %get3A_967] {strides = array<i32>} : memref<416x64xf32, #tpu.memory_space<vmem>>, vector<16xf32>,
        %mul3A_969 = arith.mulf %get3A_968, %get3A_319 : vector<16xf32>
        %add3A_970 = arith.addf %mul3A_965, %mul3A_969 : vector<16xf32>
        %get3A_971 = arith.index_cast %add3A_961 : i32 to index
        %get3A_972 = arith.constant 32 : index
        %get3A_973 = tpu.vector_load %arg13[%get3A_971, %get3A_972] {strides = array<i32>} : memref<416x64xf32, #tpu.memory_space<vmem>>, vector<16xf32>,
        %mul3A_974 = arith.mulf %get3A_973, %get3A_322 : vector<16xf32>
        %add3A_975 = arith.addf %add3A_970, %mul3A_974 : vector<16xf32>
        %get3A_976 = arith.index_cast %add3A_961 : i32 to index
        %get3A_977 = arith.constant 48 : index
        %get3A_978 = tpu.vector_load %arg13[%get3A_976, %get3A_977] {strides = array<i32>} : memref<416x64xf32, #tpu.memory_space<vmem>>, vector<16xf32>,
        %mul3A_979 = arith.mulf %get3A_978, %get3A_325 : vector<16xf32>
        %add3A_980 = arith.addf %add3A_975, %mul3A_979 : vector<16xf32>
        %add3A_981 = arith.constant 16 : i32
        %add3A_982 = arith.addi %mul3A_311, %add3A_981 : i32
        %add3A_983 = arith.constant 6 : i32
        %add3A_984 = arith.addi %add3A_982, %add3A_983 : i32
        %get3A_985 = arith.index_cast %add3A_984 : i32 to index
        %get3A_986 = arith.constant 0 : index
        %get3A_987 = tpu.vector_load %arg13[%get3A_985, %get3A_986] {strides = array<i32>} : memref<416x64xf32, #tpu.memory_space<vmem>>, vector<16xf32>,
        %mul3A_988 = arith.mulf %get3A_987, %get3A_316 : vector<16xf32>
        %get3A_989 = arith.index_cast %add3A_984 : i32 to index
        %get3A_990 = arith.constant 16 : index
        %get3A_991 = tpu.vector_load %arg13[%get3A_989, %get3A_990] {strides = array<i32>} : memref<416x64xf32, #tpu.memory_space<vmem>>, vector<16xf32>,
        %mul3A_992 = arith.mulf %get3A_991, %get3A_319 : vector<16xf32>
        %add3A_993 = arith.addf %mul3A_988, %mul3A_992 : vector<16xf32>
        %get3A_994 = arith.index_cast %add3A_984 : i32 to index
        %get3A_995 = arith.constant 32 : index
        %get3A_996 = tpu.vector_load %arg13[%get3A_994, %get3A_995] {strides = array<i32>} : memref<416x64xf32, #tpu.memory_space<vmem>>, vector<16xf32>,
        %mul3A_997 = arith.mulf %get3A_996, %get3A_322 : vector<16xf32>
        %add3A_998 = arith.addf %add3A_993, %mul3A_997 : vector<16xf32>
        %get3A_999 = arith.index_cast %add3A_984 : i32 to index
        %get3A_1000 = arith.constant 48 : index
        %get3A_1001 = tpu.vector_load %arg13[%get3A_999, %get3A_1000] {strides = array<i32>} : memref<416x64xf32, #tpu.memory_space<vmem>>, vector<16xf32>,
        %mul3A_1002 = arith.mulf %get3A_1001, %get3A_325 : vector<16xf32>
        %add3A_1003 = arith.addf %add3A_998, %mul3A_1002 : vector<16xf32>
        %add3A_1004 = arith.constant 16 : i32
        %add3A_1005 = arith.addi %mul3A_311, %add3A_1004 : i32
        %add3A_1006 = arith.constant 7 : i32
        %add3A_1007 = arith.addi %add3A_1005, %add3A_1006 : i32
        %get3A_1008 = arith.index_cast %add3A_1007 : i32 to index
        %get3A_1009 = arith.constant 0 : index
        %get3A_1010 = tpu.vector_load %arg13[%get3A_1008, %get3A_1009] {strides = array<i32>} : memref<416x64xf32, #tpu.memory_space<vmem>>, vector<16xf32>,
        %mul3A_1011 = arith.mulf %get3A_1010, %get3A_316 : vector<16xf32>
        %get3A_1012 = arith.index_cast %add3A_1007 : i32 to index
        %get3A_1013 = arith.constant 16 : index
        %get3A_1014 = tpu.vector_load %arg13[%get3A_1012, %get3A_1013] {strides = array<i32>} : memref<416x64xf32, #tpu.memory_space<vmem>>, vector<16xf32>,
        %mul3A_1015 = arith.mulf %get3A_1014, %get3A_319 : vector<16xf32>
        %add3A_1016 = arith.addf %mul3A_1011, %mul3A_1015 : vector<16xf32>
        %get3A_1017 = arith.index_cast %add3A_1007 : i32 to index
        %get3A_1018 = arith.constant 32 : index
        %get3A_1019 = tpu.vector_load %arg13[%get3A_1017, %get3A_1018] {strides = array<i32>} : memref<416x64xf32, #tpu.memory_space<vmem>>, vector<16xf32>,
        %mul3A_1020 = arith.mulf %get3A_1019, %get3A_322 : vector<16xf32>
        %add3A_1021 = arith.addf %add3A_1016, %mul3A_1020 : vector<16xf32>
        %get3A_1022 = arith.index_cast %add3A_1007 : i32 to index
        %get3A_1023 = arith.constant 48 : index
        %get3A_1024 = tpu.vector_load %arg13[%get3A_1022, %get3A_1023] {strides = array<i32>} : memref<416x64xf32, #tpu.memory_space<vmem>>, vector<16xf32>,
        %mul3A_1025 = arith.mulf %get3A_1024, %get3A_325 : vector<16xf32>
        %add3A_1026 = arith.addf %add3A_1021, %mul3A_1025 : vector<16xf32>
        %add3A_1027 = arith.constant 16 : i32
        %add3A_1028 = arith.addi %mul3A_311, %add3A_1027 : i32
        %add3A_1029 = arith.constant 8 : i32
        %add3A_1030 = arith.addi %add3A_1028, %add3A_1029 : i32
        %get3A_1031 = arith.index_cast %add3A_1030 : i32 to index
        %get3A_1032 = arith.constant 0 : index
        %get3A_1033 = tpu.vector_load %arg13[%get3A_1031, %get3A_1032] {strides = array<i32>} : memref<416x64xf32, #tpu.memory_space<vmem>>, vector<16xf32>,
        %mul3A_1034 = arith.mulf %get3A_1033, %get3A_316 : vector<16xf32>
        %get3A_1035 = arith.index_cast %add3A_1030 : i32 to index
        %get3A_1036 = arith.constant 16 : index
        %get3A_1037 = tpu.vector_load %arg13[%get3A_1035, %get3A_1036] {strides = array<i32>} : memref<416x64xf32, #tpu.memory_space<vmem>>, vector<16xf32>,
        %mul3A_1038 = arith.mulf %get3A_1037, %get3A_319 : vector<16xf32>
        %add3A_1039 = arith.addf %mul3A_1034, %mul3A_1038 : vector<16xf32>
        %get3A_1040 = arith.index_cast %add3A_1030 : i32 to index
        %get3A_1041 = arith.constant 32 : index
        %get3A_1042 = tpu.vector_load %arg13[%get3A_1040, %get3A_1041] {strides = array<i32>} : memref<416x64xf32, #tpu.memory_space<vmem>>, vector<16xf32>,
        %mul3A_1043 = arith.mulf %get3A_1042, %get3A_322 : vector<16xf32>
        %add3A_1044 = arith.addf %add3A_1039, %mul3A_1043 : vector<16xf32>
        %get3A_1045 = arith.index_cast %add3A_1030 : i32 to index
        %get3A_1046 = arith.constant 48 : index
        %get3A_1047 = tpu.vector_load %arg13[%get3A_1045, %get3A_1046] {strides = array<i32>} : memref<416x64xf32, #tpu.memory_space<vmem>>, vector<16xf32>,
        %mul3A_1048 = arith.mulf %get3A_1047, %get3A_325 : vector<16xf32>
        %add3A_1049 = arith.addf %add3A_1044, %mul3A_1048 : vector<16xf32>
        %add3A_1050 = arith.constant 16 : i32
        %add3A_1051 = arith.addi %mul3A_311, %add3A_1050 : i32
        %add3A_1052 = arith.constant 9 : i32
        %add3A_1053 = arith.addi %add3A_1051, %add3A_1052 : i32
        %get3A_1054 = arith.index_cast %add3A_1053 : i32 to index
        %get3A_1055 = arith.constant 0 : index
        %get3A_1056 = tpu.vector_load %arg13[%get3A_1054, %get3A_1055] {strides = array<i32>} : memref<416x64xf32, #tpu.memory_space<vmem>>, vector<16xf32>,
        %mul3A_1057 = arith.mulf %get3A_1056, %get3A_316 : vector<16xf32>
        %get3A_1058 = arith.index_cast %add3A_1053 : i32 to index
        %get3A_1059 = arith.constant 16 : index
        %get3A_1060 = tpu.vector_load %arg13[%get3A_1058, %get3A_1059] {strides = array<i32>} : memref<416x64xf32, #tpu.memory_space<vmem>>, vector<16xf32>,
        %mul3A_1061 = arith.mulf %get3A_1060, %get3A_319 : vector<16xf32>
        %add3A_1062 = arith.addf %mul3A_1057, %mul3A_1061 : vector<16xf32>
        %get3A_1063 = arith.index_cast %add3A_1053 : i32 to index
        %get3A_1064 = arith.constant 32 : index
        %get3A_1065 = tpu.vector_load %arg13[%get3A_1063, %get3A_1064] {strides = array<i32>} : memref<416x64xf32, #tpu.memory_space<vmem>>, vector<16xf32>,
        %mul3A_1066 = arith.mulf %get3A_1065, %get3A_322 : vector<16xf32>
        %add3A_1067 = arith.addf %add3A_1062, %mul3A_1066 : vector<16xf32>
        %get3A_1068 = arith.index_cast %add3A_1053 : i32 to index
        %get3A_1069 = arith.constant 48 : index
        %get3A_1070 = tpu.vector_load %arg13[%get3A_1068, %get3A_1069] {strides = array<i32>} : memref<416x64xf32, #tpu.memory_space<vmem>>, vector<16xf32>,
        %mul3A_1071 = arith.mulf %get3A_1070, %get3A_325 : vector<16xf32>
        %add3A_1072 = arith.addf %add3A_1067, %mul3A_1071 : vector<16xf32>
        %add3A_1073 = arith.constant 16 : i32
        %add3A_1074 = arith.addi %mul3A_311, %add3A_1073 : i32
        %add3A_1075 = arith.constant 10 : i32
        %add3A_1076 = arith.addi %add3A_1074, %add3A_1075 : i32
        %get3A_1077 = arith.index_cast %add3A_1076 : i32 to index
        %get3A_1078 = arith.constant 0 : index
        %get3A_1079 = tpu.vector_load %arg13[%get3A_1077, %get3A_1078] {strides = array<i32>} : memref<416x64xf32, #tpu.memory_space<vmem>>, vector<16xf32>,
        %mul3A_1080 = arith.mulf %get3A_1079, %get3A_316 : vector<16xf32>
        %get3A_1081 = arith.index_cast %add3A_1076 : i32 to index
        %get3A_1082 = arith.constant 16 : index
        %get3A_1083 = tpu.vector_load %arg13[%get3A_1081, %get3A_1082] {strides = array<i32>} : memref<416x64xf32, #tpu.memory_space<vmem>>, vector<16xf32>,
        %mul3A_1084 = arith.mulf %get3A_1083, %get3A_319 : vector<16xf32>
        %add3A_1085 = arith.addf %mul3A_1080, %mul3A_1084 : vector<16xf32>
        %get3A_1086 = arith.index_cast %add3A_1076 : i32 to index
        %get3A_1087 = arith.constant 32 : index
        %get3A_1088 = tpu.vector_load %arg13[%get3A_1086, %get3A_1087] {strides = array<i32>} : memref<416x64xf32, #tpu.memory_space<vmem>>, vector<16xf32>,
        %mul3A_1089 = arith.mulf %get3A_1088, %get3A_322 : vector<16xf32>
        %add3A_1090 = arith.addf %add3A_1085, %mul3A_1089 : vector<16xf32>
        %get3A_1091 = arith.index_cast %add3A_1076 : i32 to index
        %get3A_1092 = arith.constant 48 : index
        %get3A_1093 = tpu.vector_load %arg13[%get3A_1091, %get3A_1092] {strides = array<i32>} : memref<416x64xf32, #tpu.memory_space<vmem>>, vector<16xf32>,
        %mul3A_1094 = arith.mulf %get3A_1093, %get3A_325 : vector<16xf32>
        %add3A_1095 = arith.addf %add3A_1090, %mul3A_1094 : vector<16xf32>
        %add3A_1096 = arith.constant 16 : i32
        %add3A_1097 = arith.addi %mul3A_311, %add3A_1096 : i32
        %add3A_1098 = arith.constant 11 : i32
        %add3A_1099 = arith.addi %add3A_1097, %add3A_1098 : i32
        %get3A_1100 = arith.index_cast %add3A_1099 : i32 to index
        %get3A_1101 = arith.constant 0 : index
        %get3A_1102 = tpu.vector_load %arg13[%get3A_1100, %get3A_1101] {strides = array<i32>} : memref<416x64xf32, #tpu.memory_space<vmem>>, vector<16xf32>,
        %mul3A_1103 = arith.mulf %get3A_1102, %get3A_316 : vector<16xf32>
        %get3A_1104 = arith.index_cast %add3A_1099 : i32 to index
        %get3A_1105 = arith.constant 16 : index
        %get3A_1106 = tpu.vector_load %arg13[%get3A_1104, %get3A_1105] {strides = array<i32>} : memref<416x64xf32, #tpu.memory_space<vmem>>, vector<16xf32>,
        %mul3A_1107 = arith.mulf %get3A_1106, %get3A_319 : vector<16xf32>
        %add3A_1108 = arith.addf %mul3A_1103, %mul3A_1107 : vector<16xf32>
        %get3A_1109 = arith.index_cast %add3A_1099 : i32 to index
        %get3A_1110 = arith.constant 32 : index
        %get3A_1111 = tpu.vector_load %arg13[%get3A_1109, %get3A_1110] {strides = array<i32>} : memref<416x64xf32, #tpu.memory_space<vmem>>, vector<16xf32>,
        %mul3A_1112 = arith.mulf %get3A_1111, %get3A_322 : vector<16xf32>
        %add3A_1113 = arith.addf %add3A_1108, %mul3A_1112 : vector<16xf32>
        %get3A_1114 = arith.index_cast %add3A_1099 : i32 to index
        %get3A_1115 = arith.constant 48 : index
        %get3A_1116 = tpu.vector_load %arg13[%get3A_1114, %get3A_1115] {strides = array<i32>} : memref<416x64xf32, #tpu.memory_space<vmem>>, vector<16xf32>,
        %mul3A_1117 = arith.mulf %get3A_1116, %get3A_325 : vector<16xf32>
        %add3A_1118 = arith.addf %add3A_1113, %mul3A_1117 : vector<16xf32>
        %add3A_1119 = arith.constant 16 : i32
        %add3A_1120 = arith.addi %mul3A_311, %add3A_1119 : i32
        %add3A_1121 = arith.constant 12 : i32
        %add3A_1122 = arith.addi %add3A_1120, %add3A_1121 : i32
        %get3A_1123 = arith.index_cast %add3A_1122 : i32 to index
        %get3A_1124 = arith.constant 0 : index
        %get3A_1125 = tpu.vector_load %arg13[%get3A_1123, %get3A_1124] {strides = array<i32>} : memref<416x64xf32, #tpu.memory_space<vmem>>, vector<16xf32>,
        %mul3A_1126 = arith.mulf %get3A_1125, %get3A_316 : vector<16xf32>
        %get3A_1127 = arith.index_cast %add3A_1122 : i32 to index
        %get3A_1128 = arith.constant 16 : index
        %get3A_1129 = tpu.vector_load %arg13[%get3A_1127, %get3A_1128] {strides = array<i32>} : memref<416x64xf32, #tpu.memory_space<vmem>>, vector<16xf32>,
        %mul3A_1130 = arith.mulf %get3A_1129, %get3A_319 : vector<16xf32>
        %add3A_1131 = arith.addf %mul3A_1126, %mul3A_1130 : vector<16xf32>
        %get3A_1132 = arith.index_cast %add3A_1122 : i32 to index
        %get3A_1133 = arith.constant 32 : index
        %get3A_1134 = tpu.vector_load %arg13[%get3A_1132, %get3A_1133] {strides = array<i32>} : memref<416x64xf32, #tpu.memory_space<vmem>>, vector<16xf32>,
        %mul3A_1135 = arith.mulf %get3A_1134, %get3A_322 : vector<16xf32>
        %add3A_1136 = arith.addf %add3A_1131, %mul3A_1135 : vector<16xf32>
        %get3A_1137 = arith.index_cast %add3A_1122 : i32 to index
        %get3A_1138 = arith.constant 48 : index
        %get3A_1139 = tpu.vector_load %arg13[%get3A_1137, %get3A_1138] {strides = array<i32>} : memref<416x64xf32, #tpu.memory_space<vmem>>, vector<16xf32>,
        %mul3A_1140 = arith.mulf %get3A_1139, %get3A_325 : vector<16xf32>
        %add3A_1141 = arith.addf %add3A_1136, %mul3A_1140 : vector<16xf32>
        %add3A_1142 = arith.constant 16 : i32
        %add3A_1143 = arith.addi %mul3A_311, %add3A_1142 : i32
        %add3A_1144 = arith.constant 13 : i32
        %add3A_1145 = arith.addi %add3A_1143, %add3A_1144 : i32
        %get3A_1146 = arith.index_cast %add3A_1145 : i32 to index
        %get3A_1147 = arith.constant 0 : index
        %get3A_1148 = tpu.vector_load %arg13[%get3A_1146, %get3A_1147] {strides = array<i32>} : memref<416x64xf32, #tpu.memory_space<vmem>>, vector<16xf32>,
        %mul3A_1149 = arith.mulf %get3A_1148, %get3A_316 : vector<16xf32>
        %get3A_1150 = arith.index_cast %add3A_1145 : i32 to index
        %get3A_1151 = arith.constant 16 : index
        %get3A_1152 = tpu.vector_load %arg13[%get3A_1150, %get3A_1151] {strides = array<i32>} : memref<416x64xf32, #tpu.memory_space<vmem>>, vector<16xf32>,
        %mul3A_1153 = arith.mulf %get3A_1152, %get3A_319 : vector<16xf32>
        %add3A_1154 = arith.addf %mul3A_1149, %mul3A_1153 : vector<16xf32>
        %get3A_1155 = arith.index_cast %add3A_1145 : i32 to index
        %get3A_1156 = arith.constant 32 : index
        %get3A_1157 = tpu.vector_load %arg13[%get3A_1155, %get3A_1156] {strides = array<i32>} : memref<416x64xf32, #tpu.memory_space<vmem>>, vector<16xf32>,
        %mul3A_1158 = arith.mulf %get3A_1157, %get3A_322 : vector<16xf32>
        %add3A_1159 = arith.addf %add3A_1154, %mul3A_1158 : vector<16xf32>
        %get3A_1160 = arith.index_cast %add3A_1145 : i32 to index
        %get3A_1161 = arith.constant 48 : index
        %get3A_1162 = tpu.vector_load %arg13[%get3A_1160, %get3A_1161] {strides = array<i32>} : memref<416x64xf32, #tpu.memory_space<vmem>>, vector<16xf32>,
        %mul3A_1163 = arith.mulf %get3A_1162, %get3A_325 : vector<16xf32>
        %add3A_1164 = arith.addf %add3A_1159, %mul3A_1163 : vector<16xf32>
        %add3A_1165 = arith.constant 16 : i32
        %add3A_1166 = arith.addi %mul3A_311, %add3A_1165 : i32
        %add3A_1167 = arith.constant 14 : i32
        %add3A_1168 = arith.addi %add3A_1166, %add3A_1167 : i32
        %get3A_1169 = arith.index_cast %add3A_1168 : i32 to index
        %get3A_1170 = arith.constant 0 : index
        %get3A_1171 = tpu.vector_load %arg13[%get3A_1169, %get3A_1170] {strides = array<i32>} : memref<416x64xf32, #tpu.memory_space<vmem>>, vector<16xf32>,
        %mul3A_1172 = arith.mulf %get3A_1171, %get3A_316 : vector<16xf32>
        %get3A_1173 = arith.index_cast %add3A_1168 : i32 to index
        %get3A_1174 = arith.constant 16 : index
        %get3A_1175 = tpu.vector_load %arg13[%get3A_1173, %get3A_1174] {strides = array<i32>} : memref<416x64xf32, #tpu.memory_space<vmem>>, vector<16xf32>,
        %mul3A_1176 = arith.mulf %get3A_1175, %get3A_319 : vector<16xf32>
        %add3A_1177 = arith.addf %mul3A_1172, %mul3A_1176 : vector<16xf32>
        %get3A_1178 = arith.index_cast %add3A_1168 : i32 to index
        %get3A_1179 = arith.constant 32 : index
        %get3A_1180 = tpu.vector_load %arg13[%get3A_1178, %get3A_1179] {strides = array<i32>} : memref<416x64xf32, #tpu.memory_space<vmem>>, vector<16xf32>,
        %mul3A_1181 = arith.mulf %get3A_1180, %get3A_322 : vector<16xf32>
        %add3A_1182 = arith.addf %add3A_1177, %mul3A_1181 : vector<16xf32>
        %get3A_1183 = arith.index_cast %add3A_1168 : i32 to index
        %get3A_1184 = arith.constant 48 : index
        %get3A_1185 = tpu.vector_load %arg13[%get3A_1183, %get3A_1184] {strides = array<i32>} : memref<416x64xf32, #tpu.memory_space<vmem>>, vector<16xf32>,
        %mul3A_1186 = arith.mulf %get3A_1185, %get3A_325 : vector<16xf32>
        %add3A_1187 = arith.addf %add3A_1182, %mul3A_1186 : vector<16xf32>
        %add3A_1188 = arith.constant 16 : i32
        %add3A_1189 = arith.addi %mul3A_311, %add3A_1188 : i32
        %add3A_1190 = arith.constant 15 : i32
        %add3A_1191 = arith.addi %add3A_1189, %add3A_1190 : i32
        %get3A_1192 = arith.index_cast %add3A_1191 : i32 to index
        %get3A_1193 = arith.constant 0 : index
        %get3A_1194 = tpu.vector_load %arg13[%get3A_1192, %get3A_1193] {strides = array<i32>} : memref<416x64xf32, #tpu.memory_space<vmem>>, vector<16xf32>,
        %mul3A_1195 = arith.mulf %get3A_1194, %get3A_316 : vector<16xf32>
        %get3A_1196 = arith.index_cast %add3A_1191 : i32 to index
        %get3A_1197 = arith.constant 16 : index
        %get3A_1198 = tpu.vector_load %arg13[%get3A_1196, %get3A_1197] {strides = array<i32>} : memref<416x64xf32, #tpu.memory_space<vmem>>, vector<16xf32>,
        %mul3A_1199 = arith.mulf %get3A_1198, %get3A_319 : vector<16xf32>
        %add3A_1200 = arith.addf %mul3A_1195, %mul3A_1199 : vector<16xf32>
        %get3A_1201 = arith.index_cast %add3A_1191 : i32 to index
        %get3A_1202 = arith.constant 32 : index
        %get3A_1203 = tpu.vector_load %arg13[%get3A_1201, %get3A_1202] {strides = array<i32>} : memref<416x64xf32, #tpu.memory_space<vmem>>, vector<16xf32>,
        %mul3A_1204 = arith.mulf %get3A_1203, %get3A_322 : vector<16xf32>
        %add3A_1205 = arith.addf %add3A_1200, %mul3A_1204 : vector<16xf32>
        %get3A_1206 = arith.index_cast %add3A_1191 : i32 to index
        %get3A_1207 = arith.constant 48 : index
        %get3A_1208 = tpu.vector_load %arg13[%get3A_1206, %get3A_1207] {strides = array<i32>} : memref<416x64xf32, #tpu.memory_space<vmem>>, vector<16xf32>,
        %mul3A_1209 = arith.mulf %get3A_1208, %get3A_325 : vector<16xf32>
        %add3A_1210 = arith.addf %add3A_1205, %mul3A_1209 : vector<16xf32>
        %xor3A_1211 = arith.constant 1 : i32
        %xor3A_1212 = vector.broadcast %xor3A_1211 : i32 to vector<16xi32>
        %xor3A_1213 = arith.xori %iota3A, %xor3A_1212 : vector<16xi32>
        %broadcast_in_dim3A_1214 = vector.shape_cast %xor3A_1213 : vector<16xi32> to vector<16x1xi32>
        %and3A_1215 = arith.constant 1 : i32
        %and3A_1216 = vector.broadcast %and3A_1215 : i32 to vector<16xi32>
        %and3A_1217 = arith.andi %iota3A, %and3A_1216 : vector<16xi32>
        %ne3A_1218 = arith.constant 0 : i32
        %ne3A_1219 = vector.broadcast %ne3A_1218 : i32 to vector<16xi32>
        %ne3A_1220 = arith.cmpi ne, %and3A_1217, %ne3A_1219 : vector<16xi32>
        %gather3A_1221 = vector.shape_cast %broadcast_in_dim3A_1214 : vector<16x1xi32> to vector<16xi32>
        %gather3A_1222 = tpu.dynamic_gather %add3A_865[%gather3A_1221] in [0] : vector<16xf32>, vector<16xi32> -> vector<16xf32>
        %add3A_1223 = arith.addf %add3A_865, %gather3A_1222 : vector<16xf32>
        %gather3A_1224 = vector.shape_cast %broadcast_in_dim3A_1214 : vector<16x1xi32> to vector<16xi32>
        %gather3A_1225 = tpu.dynamic_gather %add3A_888[%gather3A_1224] in [0] : vector<16xf32>, vector<16xi32> -> vector<16xf32>
        %add3A_1226 = arith.addf %add3A_888, %gather3A_1225 : vector<16xf32>
        %gather3A_1227 = vector.shape_cast %broadcast_in_dim3A_1214 : vector<16x1xi32> to vector<16xi32>
        %gather3A_1228 = tpu.dynamic_gather %add3A_911[%gather3A_1227] in [0] : vector<16xf32>, vector<16xi32> -> vector<16xf32>
        %add3A_1229 = arith.addf %add3A_911, %gather3A_1228 : vector<16xf32>
        %gather3A_1230 = vector.shape_cast %broadcast_in_dim3A_1214 : vector<16x1xi32> to vector<16xi32>
        %gather3A_1231 = tpu.dynamic_gather %add3A_934[%gather3A_1230] in [0] : vector<16xf32>, vector<16xi32> -> vector<16xf32>
        %add3A_1232 = arith.addf %add3A_934, %gather3A_1231 : vector<16xf32>
        %gather3A_1233 = vector.shape_cast %broadcast_in_dim3A_1214 : vector<16x1xi32> to vector<16xi32>
        %gather3A_1234 = tpu.dynamic_gather %add3A_957[%gather3A_1233] in [0] : vector<16xf32>, vector<16xi32> -> vector<16xf32>
        %add3A_1235 = arith.addf %add3A_957, %gather3A_1234 : vector<16xf32>
        %gather3A_1236 = vector.shape_cast %broadcast_in_dim3A_1214 : vector<16x1xi32> to vector<16xi32>
        %gather3A_1237 = tpu.dynamic_gather %add3A_980[%gather3A_1236] in [0] : vector<16xf32>, vector<16xi32> -> vector<16xf32>
        %add3A_1238 = arith.addf %add3A_980, %gather3A_1237 : vector<16xf32>
        %gather3A_1239 = vector.shape_cast %broadcast_in_dim3A_1214 : vector<16x1xi32> to vector<16xi32>
        %gather3A_1240 = tpu.dynamic_gather %add3A_1003[%gather3A_1239] in [0] : vector<16xf32>, vector<16xi32> -> vector<16xf32>
        %add3A_1241 = arith.addf %add3A_1003, %gather3A_1240 : vector<16xf32>
        %gather3A_1242 = vector.shape_cast %broadcast_in_dim3A_1214 : vector<16x1xi32> to vector<16xi32>
        %gather3A_1243 = tpu.dynamic_gather %add3A_1026[%gather3A_1242] in [0] : vector<16xf32>, vector<16xi32> -> vector<16xf32>
        %add3A_1244 = arith.addf %add3A_1026, %gather3A_1243 : vector<16xf32>
        %gather3A_1245 = vector.shape_cast %broadcast_in_dim3A_1214 : vector<16x1xi32> to vector<16xi32>
        %gather3A_1246 = tpu.dynamic_gather %add3A_1049[%gather3A_1245] in [0] : vector<16xf32>, vector<16xi32> -> vector<16xf32>
        %add3A_1247 = arith.addf %add3A_1049, %gather3A_1246 : vector<16xf32>
        %gather3A_1248 = vector.shape_cast %broadcast_in_dim3A_1214 : vector<16x1xi32> to vector<16xi32>
        %gather3A_1249 = tpu.dynamic_gather %add3A_1072[%gather3A_1248] in [0] : vector<16xf32>, vector<16xi32> -> vector<16xf32>
        %add3A_1250 = arith.addf %add3A_1072, %gather3A_1249 : vector<16xf32>
        %gather3A_1251 = vector.shape_cast %broadcast_in_dim3A_1214 : vector<16x1xi32> to vector<16xi32>
        %gather3A_1252 = tpu.dynamic_gather %add3A_1095[%gather3A_1251] in [0] : vector<16xf32>, vector<16xi32> -> vector<16xf32>
        %add3A_1253 = arith.addf %add3A_1095, %gather3A_1252 : vector<16xf32>
        %gather3A_1254 = vector.shape_cast %broadcast_in_dim3A_1214 : vector<16x1xi32> to vector<16xi32>
        %gather3A_1255 = tpu.dynamic_gather %add3A_1118[%gather3A_1254] in [0] : vector<16xf32>, vector<16xi32> -> vector<16xf32>
        %add3A_1256 = arith.addf %add3A_1118, %gather3A_1255 : vector<16xf32>
        %gather3A_1257 = vector.shape_cast %broadcast_in_dim3A_1214 : vector<16x1xi32> to vector<16xi32>
        %gather3A_1258 = tpu.dynamic_gather %add3A_1141[%gather3A_1257] in [0] : vector<16xf32>, vector<16xi32> -> vector<16xf32>
        %add3A_1259 = arith.addf %add3A_1141, %gather3A_1258 : vector<16xf32>
        %gather3A_1260 = vector.shape_cast %broadcast_in_dim3A_1214 : vector<16x1xi32> to vector<16xi32>
        %gather3A_1261 = tpu.dynamic_gather %add3A_1164[%gather3A_1260] in [0] : vector<16xf32>, vector<16xi32> -> vector<16xf32>
        %add3A_1262 = arith.addf %add3A_1164, %gather3A_1261 : vector<16xf32>
        %gather3A_1263 = vector.shape_cast %broadcast_in_dim3A_1214 : vector<16x1xi32> to vector<16xi32>
        %gather3A_1264 = tpu.dynamic_gather %add3A_1187[%gather3A_1263] in [0] : vector<16xf32>, vector<16xi32> -> vector<16xf32>
        %add3A_1265 = arith.addf %add3A_1187, %gather3A_1264 : vector<16xf32>
        %gather3A_1266 = vector.shape_cast %broadcast_in_dim3A_1214 : vector<16x1xi32> to vector<16xi32>
        %gather3A_1267 = tpu.dynamic_gather %add3A_1210[%gather3A_1266] in [0] : vector<16xf32>, vector<16xi32> -> vector<16xf32>
        %add3A_1268 = arith.addf %add3A_1210, %gather3A_1267 : vector<16xf32>
        %select_n3A_1269 = arith.select %ne3A_1220, %add3A_1226, %add3A_1223 : vector<16xi1>, vector<16xf32>
        %select_n3A_1270 = arith.select %ne3A_1220, %add3A_1232, %add3A_1229 : vector<16xi1>, vector<16xf32>
        %select_n3A_1271 = arith.select %ne3A_1220, %add3A_1238, %add3A_1235 : vector<16xi1>, vector<16xf32>
        %select_n3A_1272 = arith.select %ne3A_1220, %add3A_1244, %add3A_1241 : vector<16xi1>, vector<16xf32>
        %select_n3A_1273 = arith.select %ne3A_1220, %add3A_1250, %add3A_1247 : vector<16xi1>, vector<16xf32>
        %select_n3A_1274 = arith.select %ne3A_1220, %add3A_1256, %add3A_1253 : vector<16xi1>, vector<16xf32>
        %select_n3A_1275 = arith.select %ne3A_1220, %add3A_1262, %add3A_1259 : vector<16xi1>, vector<16xf32>
        %select_n3A_1276 = arith.select %ne3A_1220, %add3A_1268, %add3A_1265 : vector<16xi1>, vector<16xf32>
        %xor3A_1277 = arith.constant 2 : i32
        %xor3A_1278 = vector.broadcast %xor3A_1277 : i32 to vector<16xi32>
        %xor3A_1279 = arith.xori %iota3A, %xor3A_1278 : vector<16xi32>
        %broadcast_in_dim3A_1280 = vector.shape_cast %xor3A_1279 : vector<16xi32> to vector<16x1xi32>
        %and3A_1281 = arith.constant 2 : i32
        %and3A_1282 = vector.broadcast %and3A_1281 : i32 to vector<16xi32>
        %and3A_1283 = arith.andi %iota3A, %and3A_1282 : vector<16xi32>
        %ne3A_1284 = arith.constant 0 : i32
        %ne3A_1285 = vector.broadcast %ne3A_1284 : i32 to vector<16xi32>
        %ne3A_1286 = arith.cmpi ne, %and3A_1283, %ne3A_1285 : vector<16xi32>
        %gather3A_1287 = vector.shape_cast %broadcast_in_dim3A_1280 : vector<16x1xi32> to vector<16xi32>
        %gather3A_1288 = tpu.dynamic_gather %select_n3A_1269[%gather3A_1287] in [0] : vector<16xf32>, vector<16xi32> -> vector<16xf32>
        %add3A_1289 = arith.addf %select_n3A_1269, %gather3A_1288 : vector<16xf32>
        %gather3A_1290 = vector.shape_cast %broadcast_in_dim3A_1280 : vector<16x1xi32> to vector<16xi32>
        %gather3A_1291 = tpu.dynamic_gather %select_n3A_1270[%gather3A_1290] in [0] : vector<16xf32>, vector<16xi32> -> vector<16xf32>
        %add3A_1292 = arith.addf %select_n3A_1270, %gather3A_1291 : vector<16xf32>
        %gather3A_1293 = vector.shape_cast %broadcast_in_dim3A_1280 : vector<16x1xi32> to vector<16xi32>
        %gather3A_1294 = tpu.dynamic_gather %select_n3A_1271[%gather3A_1293] in [0] : vector<16xf32>, vector<16xi32> -> vector<16xf32>
        %add3A_1295 = arith.addf %select_n3A_1271, %gather3A_1294 : vector<16xf32>
        %gather3A_1296 = vector.shape_cast %broadcast_in_dim3A_1280 : vector<16x1xi32> to vector<16xi32>
        %gather3A_1297 = tpu.dynamic_gather %select_n3A_1272[%gather3A_1296] in [0] : vector<16xf32>, vector<16xi32> -> vector<16xf32>
        %add3A_1298 = arith.addf %select_n3A_1272, %gather3A_1297 : vector<16xf32>
        %gather3A_1299 = vector.shape_cast %broadcast_in_dim3A_1280 : vector<16x1xi32> to vector<16xi32>
        %gather3A_1300 = tpu.dynamic_gather %select_n3A_1273[%gather3A_1299] in [0] : vector<16xf32>, vector<16xi32> -> vector<16xf32>
        %add3A_1301 = arith.addf %select_n3A_1273, %gather3A_1300 : vector<16xf32>
        %gather3A_1302 = vector.shape_cast %broadcast_in_dim3A_1280 : vector<16x1xi32> to vector<16xi32>
        %gather3A_1303 = tpu.dynamic_gather %select_n3A_1274[%gather3A_1302] in [0] : vector<16xf32>, vector<16xi32> -> vector<16xf32>
        %add3A_1304 = arith.addf %select_n3A_1274, %gather3A_1303 : vector<16xf32>
        %gather3A_1305 = vector.shape_cast %broadcast_in_dim3A_1280 : vector<16x1xi32> to vector<16xi32>
        %gather3A_1306 = tpu.dynamic_gather %select_n3A_1275[%gather3A_1305] in [0] : vector<16xf32>, vector<16xi32> -> vector<16xf32>
        %add3A_1307 = arith.addf %select_n3A_1275, %gather3A_1306 : vector<16xf32>
        %gather3A_1308 = vector.shape_cast %broadcast_in_dim3A_1280 : vector<16x1xi32> to vector<16xi32>
        %gather3A_1309 = tpu.dynamic_gather %select_n3A_1276[%gather3A_1308] in [0] : vector<16xf32>, vector<16xi32> -> vector<16xf32>
        %add3A_1310 = arith.addf %select_n3A_1276, %gather3A_1309 : vector<16xf32>
        %select_n3A_1311 = arith.select %ne3A_1286, %add3A_1292, %add3A_1289 : vector<16xi1>, vector<16xf32>
        %select_n3A_1312 = arith.select %ne3A_1286, %add3A_1298, %add3A_1295 : vector<16xi1>, vector<16xf32>
        %select_n3A_1313 = arith.select %ne3A_1286, %add3A_1304, %add3A_1301 : vector<16xi1>, vector<16xf32>
        %select_n3A_1314 = arith.select %ne3A_1286, %add3A_1310, %add3A_1307 : vector<16xi1>, vector<16xf32>
        %xor3A_1315 = arith.constant 4 : i32
        %xor3A_1316 = vector.broadcast %xor3A_1315 : i32 to vector<16xi32>
        %xor3A_1317 = arith.xori %iota3A, %xor3A_1316 : vector<16xi32>
        %broadcast_in_dim3A_1318 = vector.shape_cast %xor3A_1317 : vector<16xi32> to vector<16x1xi32>
        %and3A_1319 = arith.constant 4 : i32
        %and3A_1320 = vector.broadcast %and3A_1319 : i32 to vector<16xi32>
        %and3A_1321 = arith.andi %iota3A, %and3A_1320 : vector<16xi32>
        %ne3A_1322 = arith.constant 0 : i32
        %ne3A_1323 = vector.broadcast %ne3A_1322 : i32 to vector<16xi32>
        %ne3A_1324 = arith.cmpi ne, %and3A_1321, %ne3A_1323 : vector<16xi32>
        %gather3A_1325 = vector.shape_cast %broadcast_in_dim3A_1318 : vector<16x1xi32> to vector<16xi32>
        %gather3A_1326 = tpu.dynamic_gather %select_n3A_1311[%gather3A_1325] in [0] : vector<16xf32>, vector<16xi32> -> vector<16xf32>
        %add3A_1327 = arith.addf %select_n3A_1311, %gather3A_1326 : vector<16xf32>
        %gather3A_1328 = vector.shape_cast %broadcast_in_dim3A_1318 : vector<16x1xi32> to vector<16xi32>
        %gather3A_1329 = tpu.dynamic_gather %select_n3A_1312[%gather3A_1328] in [0] : vector<16xf32>, vector<16xi32> -> vector<16xf32>
        %add3A_1330 = arith.addf %select_n3A_1312, %gather3A_1329 : vector<16xf32>
        %gather3A_1331 = vector.shape_cast %broadcast_in_dim3A_1318 : vector<16x1xi32> to vector<16xi32>
        %gather3A_1332 = tpu.dynamic_gather %select_n3A_1313[%gather3A_1331] in [0] : vector<16xf32>, vector<16xi32> -> vector<16xf32>
        %add3A_1333 = arith.addf %select_n3A_1313, %gather3A_1332 : vector<16xf32>
        %gather3A_1334 = vector.shape_cast %broadcast_in_dim3A_1318 : vector<16x1xi32> to vector<16xi32>
        %gather3A_1335 = tpu.dynamic_gather %select_n3A_1314[%gather3A_1334] in [0] : vector<16xf32>, vector<16xi32> -> vector<16xf32>
        %add3A_1336 = arith.addf %select_n3A_1314, %gather3A_1335 : vector<16xf32>
        %select_n3A_1337 = arith.select %ne3A_1324, %add3A_1330, %add3A_1327 : vector<16xi1>, vector<16xf32>
        %select_n3A_1338 = arith.select %ne3A_1324, %add3A_1336, %add3A_1333 : vector<16xi1>, vector<16xf32>
        %xor3A_1339 = arith.constant 8 : i32
        %xor3A_1340 = vector.broadcast %xor3A_1339 : i32 to vector<16xi32>
        %xor3A_1341 = arith.xori %iota3A, %xor3A_1340 : vector<16xi32>
        %broadcast_in_dim3A_1342 = vector.shape_cast %xor3A_1341 : vector<16xi32> to vector<16x1xi32>
        %and3A_1343 = arith.constant 8 : i32
        %and3A_1344 = vector.broadcast %and3A_1343 : i32 to vector<16xi32>
        %and3A_1345 = arith.andi %iota3A, %and3A_1344 : vector<16xi32>
        %ne3A_1346 = arith.constant 0 : i32
        %ne3A_1347 = vector.broadcast %ne3A_1346 : i32 to vector<16xi32>
        %ne3A_1348 = arith.cmpi ne, %and3A_1345, %ne3A_1347 : vector<16xi32>
        %gather3A_1349 = vector.shape_cast %broadcast_in_dim3A_1342 : vector<16x1xi32> to vector<16xi32>
        %gather3A_1350 = tpu.dynamic_gather %select_n3A_1337[%gather3A_1349] in [0] : vector<16xf32>, vector<16xi32> -> vector<16xf32>
        %add3A_1351 = arith.addf %select_n3A_1337, %gather3A_1350 : vector<16xf32>
        %gather3A_1352 = vector.shape_cast %broadcast_in_dim3A_1342 : vector<16x1xi32> to vector<16xi32>
        %gather3A_1353 = tpu.dynamic_gather %select_n3A_1338[%gather3A_1352] in [0] : vector<16xf32>, vector<16xi32> -> vector<16xf32>
        %add3A_1354 = arith.addf %select_n3A_1338, %gather3A_1353 : vector<16xf32>
        %select_n3A_1355 = arith.select %ne3A_1348, %add3A_1354, %add3A_1351 : vector<16xi1>, vector<16xf32>
        %add3A_1356 = arith.constant 16 : i32
        %add3A_1357 = arith.addi %mul3A_311, %add3A_1356 : i32
        %broadcast_in_dim3A_1358 = vector.broadcast %add3A_1357 : i32 to vector<16xi32>
        %add3A_1359 = arith.addi %broadcast_in_dim3A_1358, %iota3A : vector<16xi32>
        %add3A_1360 = arith.constant 16 : i32
        %add3A_1361 = vector.broadcast %add3A_1360 : i32 to vector<16xi32>
        %add3A_1362 = arith.addi %add3A_1361, %iota3A : vector<16xi32>
        %lt3A_1363 = arith.constant 50 : i32
        %lt3A_1364 = vector.broadcast %lt3A_1363 : i32 to vector<16xi32>
        %lt3A_1365 = arith.cmpi slt, %add3A_1362, %lt3A_1364 : vector<16xi32>
        tpu.vector_store_idx %arg14[%add3A_1359], %select_n3A_1355 masked %lt3A_1365 : memref<400xf32, #tpu.memory_space<vmem>>[vector<16xi32>], vector<16xf32>, vector<16xi1>
        %add3A_1366 = arith.constant 32 : i32
        %add3A_1367 = arith.addi %mul3A_311, %add3A_1366 : i32
        %add3A_1368 = arith.constant 0 : i32
        %add3A_1369 = arith.addi %add3A_1367, %add3A_1368 : i32
        %get3A_1370 = arith.index_cast %add3A_1369 : i32 to index
        %get3A_1371 = arith.constant 0 : index
        %get3A_1372 = tpu.vector_load %arg13[%get3A_1370, %get3A_1371] {strides = array<i32>} : memref<416x64xf32, #tpu.memory_space<vmem>>, vector<16xf32>,
        %mul3A_1373 = arith.mulf %get3A_1372, %get3A_316 : vector<16xf32>
        %get3A_1374 = arith.index_cast %add3A_1369 : i32 to index
        %get3A_1375 = arith.constant 16 : index
        %get3A_1376 = tpu.vector_load %arg13[%get3A_1374, %get3A_1375] {strides = array<i32>} : memref<416x64xf32, #tpu.memory_space<vmem>>, vector<16xf32>,
        %mul3A_1377 = arith.mulf %get3A_1376, %get3A_319 : vector<16xf32>
        %add3A_1378 = arith.addf %mul3A_1373, %mul3A_1377 : vector<16xf32>
        %get3A_1379 = arith.index_cast %add3A_1369 : i32 to index
        %get3A_1380 = arith.constant 32 : index
        %get3A_1381 = tpu.vector_load %arg13[%get3A_1379, %get3A_1380] {strides = array<i32>} : memref<416x64xf32, #tpu.memory_space<vmem>>, vector<16xf32>,
        %mul3A_1382 = arith.mulf %get3A_1381, %get3A_322 : vector<16xf32>
        %add3A_1383 = arith.addf %add3A_1378, %mul3A_1382 : vector<16xf32>
        %get3A_1384 = arith.index_cast %add3A_1369 : i32 to index
        %get3A_1385 = arith.constant 48 : index
        %get3A_1386 = tpu.vector_load %arg13[%get3A_1384, %get3A_1385] {strides = array<i32>} : memref<416x64xf32, #tpu.memory_space<vmem>>, vector<16xf32>,
        %mul3A_1387 = arith.mulf %get3A_1386, %get3A_325 : vector<16xf32>
        %add3A_1388 = arith.addf %add3A_1383, %mul3A_1387 : vector<16xf32>
        %add3A_1389 = arith.constant 32 : i32
        %add3A_1390 = arith.addi %mul3A_311, %add3A_1389 : i32
        %add3A_1391 = arith.constant 1 : i32
        %add3A_1392 = arith.addi %add3A_1390, %add3A_1391 : i32
        %get3A_1393 = arith.index_cast %add3A_1392 : i32 to index
        %get3A_1394 = arith.constant 0 : index
        %get3A_1395 = tpu.vector_load %arg13[%get3A_1393, %get3A_1394] {strides = array<i32>} : memref<416x64xf32, #tpu.memory_space<vmem>>, vector<16xf32>,
        %mul3A_1396 = arith.mulf %get3A_1395, %get3A_316 : vector<16xf32>
        %get3A_1397 = arith.index_cast %add3A_1392 : i32 to index
        %get3A_1398 = arith.constant 16 : index
        %get3A_1399 = tpu.vector_load %arg13[%get3A_1397, %get3A_1398] {strides = array<i32>} : memref<416x64xf32, #tpu.memory_space<vmem>>, vector<16xf32>,
        %mul3A_1400 = arith.mulf %get3A_1399, %get3A_319 : vector<16xf32>
        %add3A_1401 = arith.addf %mul3A_1396, %mul3A_1400 : vector<16xf32>
        %get3A_1402 = arith.index_cast %add3A_1392 : i32 to index
        %get3A_1403 = arith.constant 32 : index
        %get3A_1404 = tpu.vector_load %arg13[%get3A_1402, %get3A_1403] {strides = array<i32>} : memref<416x64xf32, #tpu.memory_space<vmem>>, vector<16xf32>,
        %mul3A_1405 = arith.mulf %get3A_1404, %get3A_322 : vector<16xf32>
        %add3A_1406 = arith.addf %add3A_1401, %mul3A_1405 : vector<16xf32>
        %get3A_1407 = arith.index_cast %add3A_1392 : i32 to index
        %get3A_1408 = arith.constant 48 : index
        %get3A_1409 = tpu.vector_load %arg13[%get3A_1407, %get3A_1408] {strides = array<i32>} : memref<416x64xf32, #tpu.memory_space<vmem>>, vector<16xf32>,
        %mul3A_1410 = arith.mulf %get3A_1409, %get3A_325 : vector<16xf32>
        %add3A_1411 = arith.addf %add3A_1406, %mul3A_1410 : vector<16xf32>
        %add3A_1412 = arith.constant 32 : i32
        %add3A_1413 = arith.addi %mul3A_311, %add3A_1412 : i32
        %add3A_1414 = arith.constant 2 : i32
        %add3A_1415 = arith.addi %add3A_1413, %add3A_1414 : i32
        %get3A_1416 = arith.index_cast %add3A_1415 : i32 to index
        %get3A_1417 = arith.constant 0 : index
        %get3A_1418 = tpu.vector_load %arg13[%get3A_1416, %get3A_1417] {strides = array<i32>} : memref<416x64xf32, #tpu.memory_space<vmem>>, vector<16xf32>,
        %mul3A_1419 = arith.mulf %get3A_1418, %get3A_316 : vector<16xf32>
        %get3A_1420 = arith.index_cast %add3A_1415 : i32 to index
        %get3A_1421 = arith.constant 16 : index
        %get3A_1422 = tpu.vector_load %arg13[%get3A_1420, %get3A_1421] {strides = array<i32>} : memref<416x64xf32, #tpu.memory_space<vmem>>, vector<16xf32>,
        %mul3A_1423 = arith.mulf %get3A_1422, %get3A_319 : vector<16xf32>
        %add3A_1424 = arith.addf %mul3A_1419, %mul3A_1423 : vector<16xf32>
        %get3A_1425 = arith.index_cast %add3A_1415 : i32 to index
        %get3A_1426 = arith.constant 32 : index
        %get3A_1427 = tpu.vector_load %arg13[%get3A_1425, %get3A_1426] {strides = array<i32>} : memref<416x64xf32, #tpu.memory_space<vmem>>, vector<16xf32>,
        %mul3A_1428 = arith.mulf %get3A_1427, %get3A_322 : vector<16xf32>
        %add3A_1429 = arith.addf %add3A_1424, %mul3A_1428 : vector<16xf32>
        %get3A_1430 = arith.index_cast %add3A_1415 : i32 to index
        %get3A_1431 = arith.constant 48 : index
        %get3A_1432 = tpu.vector_load %arg13[%get3A_1430, %get3A_1431] {strides = array<i32>} : memref<416x64xf32, #tpu.memory_space<vmem>>, vector<16xf32>,
        %mul3A_1433 = arith.mulf %get3A_1432, %get3A_325 : vector<16xf32>
        %add3A_1434 = arith.addf %add3A_1429, %mul3A_1433 : vector<16xf32>
        %add3A_1435 = arith.constant 32 : i32
        %add3A_1436 = arith.addi %mul3A_311, %add3A_1435 : i32
        %add3A_1437 = arith.constant 3 : i32
        %add3A_1438 = arith.addi %add3A_1436, %add3A_1437 : i32
        %get3A_1439 = arith.index_cast %add3A_1438 : i32 to index
        %get3A_1440 = arith.constant 0 : index
        %get3A_1441 = tpu.vector_load %arg13[%get3A_1439, %get3A_1440] {strides = array<i32>} : memref<416x64xf32, #tpu.memory_space<vmem>>, vector<16xf32>,
        %mul3A_1442 = arith.mulf %get3A_1441, %get3A_316 : vector<16xf32>
        %get3A_1443 = arith.index_cast %add3A_1438 : i32 to index
        %get3A_1444 = arith.constant 16 : index
        %get3A_1445 = tpu.vector_load %arg13[%get3A_1443, %get3A_1444] {strides = array<i32>} : memref<416x64xf32, #tpu.memory_space<vmem>>, vector<16xf32>,
        %mul3A_1446 = arith.mulf %get3A_1445, %get3A_319 : vector<16xf32>
        %add3A_1447 = arith.addf %mul3A_1442, %mul3A_1446 : vector<16xf32>
        %get3A_1448 = arith.index_cast %add3A_1438 : i32 to index
        %get3A_1449 = arith.constant 32 : index
        %get3A_1450 = tpu.vector_load %arg13[%get3A_1448, %get3A_1449] {strides = array<i32>} : memref<416x64xf32, #tpu.memory_space<vmem>>, vector<16xf32>,
        %mul3A_1451 = arith.mulf %get3A_1450, %get3A_322 : vector<16xf32>
        %add3A_1452 = arith.addf %add3A_1447, %mul3A_1451 : vector<16xf32>
        %get3A_1453 = arith.index_cast %add3A_1438 : i32 to index
        %get3A_1454 = arith.constant 48 : index
        %get3A_1455 = tpu.vector_load %arg13[%get3A_1453, %get3A_1454] {strides = array<i32>} : memref<416x64xf32, #tpu.memory_space<vmem>>, vector<16xf32>,
        %mul3A_1456 = arith.mulf %get3A_1455, %get3A_325 : vector<16xf32>
        %add3A_1457 = arith.addf %add3A_1452, %mul3A_1456 : vector<16xf32>
        %add3A_1458 = arith.constant 32 : i32
        %add3A_1459 = arith.addi %mul3A_311, %add3A_1458 : i32
        %add3A_1460 = arith.constant 4 : i32
        %add3A_1461 = arith.addi %add3A_1459, %add3A_1460 : i32
        %get3A_1462 = arith.index_cast %add3A_1461 : i32 to index
        %get3A_1463 = arith.constant 0 : index
        %get3A_1464 = tpu.vector_load %arg13[%get3A_1462, %get3A_1463] {strides = array<i32>} : memref<416x64xf32, #tpu.memory_space<vmem>>, vector<16xf32>,
        %mul3A_1465 = arith.mulf %get3A_1464, %get3A_316 : vector<16xf32>
        %get3A_1466 = arith.index_cast %add3A_1461 : i32 to index
        %get3A_1467 = arith.constant 16 : index
        %get3A_1468 = tpu.vector_load %arg13[%get3A_1466, %get3A_1467] {strides = array<i32>} : memref<416x64xf32, #tpu.memory_space<vmem>>, vector<16xf32>,
        %mul3A_1469 = arith.mulf %get3A_1468, %get3A_319 : vector<16xf32>
        %add3A_1470 = arith.addf %mul3A_1465, %mul3A_1469 : vector<16xf32>
        %get3A_1471 = arith.index_cast %add3A_1461 : i32 to index
        %get3A_1472 = arith.constant 32 : index
        %get3A_1473 = tpu.vector_load %arg13[%get3A_1471, %get3A_1472] {strides = array<i32>} : memref<416x64xf32, #tpu.memory_space<vmem>>, vector<16xf32>,
        %mul3A_1474 = arith.mulf %get3A_1473, %get3A_322 : vector<16xf32>
        %add3A_1475 = arith.addf %add3A_1470, %mul3A_1474 : vector<16xf32>
        %get3A_1476 = arith.index_cast %add3A_1461 : i32 to index
        %get3A_1477 = arith.constant 48 : index
        %get3A_1478 = tpu.vector_load %arg13[%get3A_1476, %get3A_1477] {strides = array<i32>} : memref<416x64xf32, #tpu.memory_space<vmem>>, vector<16xf32>,
        %mul3A_1479 = arith.mulf %get3A_1478, %get3A_325 : vector<16xf32>
        %add3A_1480 = arith.addf %add3A_1475, %mul3A_1479 : vector<16xf32>
        %add3A_1481 = arith.constant 32 : i32
        %add3A_1482 = arith.addi %mul3A_311, %add3A_1481 : i32
        %add3A_1483 = arith.constant 5 : i32
        %add3A_1484 = arith.addi %add3A_1482, %add3A_1483 : i32
        %get3A_1485 = arith.index_cast %add3A_1484 : i32 to index
        %get3A_1486 = arith.constant 0 : index
        %get3A_1487 = tpu.vector_load %arg13[%get3A_1485, %get3A_1486] {strides = array<i32>} : memref<416x64xf32, #tpu.memory_space<vmem>>, vector<16xf32>,
        %mul3A_1488 = arith.mulf %get3A_1487, %get3A_316 : vector<16xf32>
        %get3A_1489 = arith.index_cast %add3A_1484 : i32 to index
        %get3A_1490 = arith.constant 16 : index
        %get3A_1491 = tpu.vector_load %arg13[%get3A_1489, %get3A_1490] {strides = array<i32>} : memref<416x64xf32, #tpu.memory_space<vmem>>, vector<16xf32>,
        %mul3A_1492 = arith.mulf %get3A_1491, %get3A_319 : vector<16xf32>
        %add3A_1493 = arith.addf %mul3A_1488, %mul3A_1492 : vector<16xf32>
        %get3A_1494 = arith.index_cast %add3A_1484 : i32 to index
        %get3A_1495 = arith.constant 32 : index
        %get3A_1496 = tpu.vector_load %arg13[%get3A_1494, %get3A_1495] {strides = array<i32>} : memref<416x64xf32, #tpu.memory_space<vmem>>, vector<16xf32>,
        %mul3A_1497 = arith.mulf %get3A_1496, %get3A_322 : vector<16xf32>
        %add3A_1498 = arith.addf %add3A_1493, %mul3A_1497 : vector<16xf32>
        %get3A_1499 = arith.index_cast %add3A_1484 : i32 to index
        %get3A_1500 = arith.constant 48 : index
        %get3A_1501 = tpu.vector_load %arg13[%get3A_1499, %get3A_1500] {strides = array<i32>} : memref<416x64xf32, #tpu.memory_space<vmem>>, vector<16xf32>,
        %mul3A_1502 = arith.mulf %get3A_1501, %get3A_325 : vector<16xf32>
        %add3A_1503 = arith.addf %add3A_1498, %mul3A_1502 : vector<16xf32>
        %add3A_1504 = arith.constant 32 : i32
        %add3A_1505 = arith.addi %mul3A_311, %add3A_1504 : i32
        %add3A_1506 = arith.constant 6 : i32
        %add3A_1507 = arith.addi %add3A_1505, %add3A_1506 : i32
        %get3A_1508 = arith.index_cast %add3A_1507 : i32 to index
        %get3A_1509 = arith.constant 0 : index
        %get3A_1510 = tpu.vector_load %arg13[%get3A_1508, %get3A_1509] {strides = array<i32>} : memref<416x64xf32, #tpu.memory_space<vmem>>, vector<16xf32>,
        %mul3A_1511 = arith.mulf %get3A_1510, %get3A_316 : vector<16xf32>
        %get3A_1512 = arith.index_cast %add3A_1507 : i32 to index
        %get3A_1513 = arith.constant 16 : index
        %get3A_1514 = tpu.vector_load %arg13[%get3A_1512, %get3A_1513] {strides = array<i32>} : memref<416x64xf32, #tpu.memory_space<vmem>>, vector<16xf32>,
        %mul3A_1515 = arith.mulf %get3A_1514, %get3A_319 : vector<16xf32>
        %add3A_1516 = arith.addf %mul3A_1511, %mul3A_1515 : vector<16xf32>
        %get3A_1517 = arith.index_cast %add3A_1507 : i32 to index
        %get3A_1518 = arith.constant 32 : index
        %get3A_1519 = tpu.vector_load %arg13[%get3A_1517, %get3A_1518] {strides = array<i32>} : memref<416x64xf32, #tpu.memory_space<vmem>>, vector<16xf32>,
        %mul3A_1520 = arith.mulf %get3A_1519, %get3A_322 : vector<16xf32>
        %add3A_1521 = arith.addf %add3A_1516, %mul3A_1520 : vector<16xf32>
        %get3A_1522 = arith.index_cast %add3A_1507 : i32 to index
        %get3A_1523 = arith.constant 48 : index
        %get3A_1524 = tpu.vector_load %arg13[%get3A_1522, %get3A_1523] {strides = array<i32>} : memref<416x64xf32, #tpu.memory_space<vmem>>, vector<16xf32>,
        %mul3A_1525 = arith.mulf %get3A_1524, %get3A_325 : vector<16xf32>
        %add3A_1526 = arith.addf %add3A_1521, %mul3A_1525 : vector<16xf32>
        %add3A_1527 = arith.constant 32 : i32
        %add3A_1528 = arith.addi %mul3A_311, %add3A_1527 : i32
        %add3A_1529 = arith.constant 7 : i32
        %add3A_1530 = arith.addi %add3A_1528, %add3A_1529 : i32
        %get3A_1531 = arith.index_cast %add3A_1530 : i32 to index
        %get3A_1532 = arith.constant 0 : index
        %get3A_1533 = tpu.vector_load %arg13[%get3A_1531, %get3A_1532] {strides = array<i32>} : memref<416x64xf32, #tpu.memory_space<vmem>>, vector<16xf32>,
        %mul3A_1534 = arith.mulf %get3A_1533, %get3A_316 : vector<16xf32>
        %get3A_1535 = arith.index_cast %add3A_1530 : i32 to index
        %get3A_1536 = arith.constant 16 : index
        %get3A_1537 = tpu.vector_load %arg13[%get3A_1535, %get3A_1536] {strides = array<i32>} : memref<416x64xf32, #tpu.memory_space<vmem>>, vector<16xf32>,
        %mul3A_1538 = arith.mulf %get3A_1537, %get3A_319 : vector<16xf32>
        %add3A_1539 = arith.addf %mul3A_1534, %mul3A_1538 : vector<16xf32>
        %get3A_1540 = arith.index_cast %add3A_1530 : i32 to index
        %get3A_1541 = arith.constant 32 : index
        %get3A_1542 = tpu.vector_load %arg13[%get3A_1540, %get3A_1541] {strides = array<i32>} : memref<416x64xf32, #tpu.memory_space<vmem>>, vector<16xf32>,
        %mul3A_1543 = arith.mulf %get3A_1542, %get3A_322 : vector<16xf32>
        %add3A_1544 = arith.addf %add3A_1539, %mul3A_1543 : vector<16xf32>
        %get3A_1545 = arith.index_cast %add3A_1530 : i32 to index
        %get3A_1546 = arith.constant 48 : index
        %get3A_1547 = tpu.vector_load %arg13[%get3A_1545, %get3A_1546] {strides = array<i32>} : memref<416x64xf32, #tpu.memory_space<vmem>>, vector<16xf32>,
        %mul3A_1548 = arith.mulf %get3A_1547, %get3A_325 : vector<16xf32>
        %add3A_1549 = arith.addf %add3A_1544, %mul3A_1548 : vector<16xf32>
        %add3A_1550 = arith.constant 32 : i32
        %add3A_1551 = arith.addi %mul3A_311, %add3A_1550 : i32
        %add3A_1552 = arith.constant 8 : i32
        %add3A_1553 = arith.addi %add3A_1551, %add3A_1552 : i32
        %get3A_1554 = arith.index_cast %add3A_1553 : i32 to index
        %get3A_1555 = arith.constant 0 : index
        %get3A_1556 = tpu.vector_load %arg13[%get3A_1554, %get3A_1555] {strides = array<i32>} : memref<416x64xf32, #tpu.memory_space<vmem>>, vector<16xf32>,
        %mul3A_1557 = arith.mulf %get3A_1556, %get3A_316 : vector<16xf32>
        %get3A_1558 = arith.index_cast %add3A_1553 : i32 to index
        %get3A_1559 = arith.constant 16 : index
        %get3A_1560 = tpu.vector_load %arg13[%get3A_1558, %get3A_1559] {strides = array<i32>} : memref<416x64xf32, #tpu.memory_space<vmem>>, vector<16xf32>,
        %mul3A_1561 = arith.mulf %get3A_1560, %get3A_319 : vector<16xf32>
        %add3A_1562 = arith.addf %mul3A_1557, %mul3A_1561 : vector<16xf32>
        %get3A_1563 = arith.index_cast %add3A_1553 : i32 to index
        %get3A_1564 = arith.constant 32 : index
        %get3A_1565 = tpu.vector_load %arg13[%get3A_1563, %get3A_1564] {strides = array<i32>} : memref<416x64xf32, #tpu.memory_space<vmem>>, vector<16xf32>,
        %mul3A_1566 = arith.mulf %get3A_1565, %get3A_322 : vector<16xf32>
        %add3A_1567 = arith.addf %add3A_1562, %mul3A_1566 : vector<16xf32>
        %get3A_1568 = arith.index_cast %add3A_1553 : i32 to index
        %get3A_1569 = arith.constant 48 : index
        %get3A_1570 = tpu.vector_load %arg13[%get3A_1568, %get3A_1569] {strides = array<i32>} : memref<416x64xf32, #tpu.memory_space<vmem>>, vector<16xf32>,
        %mul3A_1571 = arith.mulf %get3A_1570, %get3A_325 : vector<16xf32>
        %add3A_1572 = arith.addf %add3A_1567, %mul3A_1571 : vector<16xf32>
        %add3A_1573 = arith.constant 32 : i32
        %add3A_1574 = arith.addi %mul3A_311, %add3A_1573 : i32
        %add3A_1575 = arith.constant 9 : i32
        %add3A_1576 = arith.addi %add3A_1574, %add3A_1575 : i32
        %get3A_1577 = arith.index_cast %add3A_1576 : i32 to index
        %get3A_1578 = arith.constant 0 : index
        %get3A_1579 = tpu.vector_load %arg13[%get3A_1577, %get3A_1578] {strides = array<i32>} : memref<416x64xf32, #tpu.memory_space<vmem>>, vector<16xf32>,
        %mul3A_1580 = arith.mulf %get3A_1579, %get3A_316 : vector<16xf32>
        %get3A_1581 = arith.index_cast %add3A_1576 : i32 to index
        %get3A_1582 = arith.constant 16 : index
        %get3A_1583 = tpu.vector_load %arg13[%get3A_1581, %get3A_1582] {strides = array<i32>} : memref<416x64xf32, #tpu.memory_space<vmem>>, vector<16xf32>,
        %mul3A_1584 = arith.mulf %get3A_1583, %get3A_319 : vector<16xf32>
        %add3A_1585 = arith.addf %mul3A_1580, %mul3A_1584 : vector<16xf32>
        %get3A_1586 = arith.index_cast %add3A_1576 : i32 to index
        %get3A_1587 = arith.constant 32 : index
        %get3A_1588 = tpu.vector_load %arg13[%get3A_1586, %get3A_1587] {strides = array<i32>} : memref<416x64xf32, #tpu.memory_space<vmem>>, vector<16xf32>,
        %mul3A_1589 = arith.mulf %get3A_1588, %get3A_322 : vector<16xf32>
        %add3A_1590 = arith.addf %add3A_1585, %mul3A_1589 : vector<16xf32>
        %get3A_1591 = arith.index_cast %add3A_1576 : i32 to index
        %get3A_1592 = arith.constant 48 : index
        %get3A_1593 = tpu.vector_load %arg13[%get3A_1591, %get3A_1592] {strides = array<i32>} : memref<416x64xf32, #tpu.memory_space<vmem>>, vector<16xf32>,
        %mul3A_1594 = arith.mulf %get3A_1593, %get3A_325 : vector<16xf32>
        %add3A_1595 = arith.addf %add3A_1590, %mul3A_1594 : vector<16xf32>
        %add3A_1596 = arith.constant 32 : i32
        %add3A_1597 = arith.addi %mul3A_311, %add3A_1596 : i32
        %add3A_1598 = arith.constant 10 : i32
        %add3A_1599 = arith.addi %add3A_1597, %add3A_1598 : i32
        %get3A_1600 = arith.index_cast %add3A_1599 : i32 to index
        %get3A_1601 = arith.constant 0 : index
        %get3A_1602 = tpu.vector_load %arg13[%get3A_1600, %get3A_1601] {strides = array<i32>} : memref<416x64xf32, #tpu.memory_space<vmem>>, vector<16xf32>,
        %mul3A_1603 = arith.mulf %get3A_1602, %get3A_316 : vector<16xf32>
        %get3A_1604 = arith.index_cast %add3A_1599 : i32 to index
        %get3A_1605 = arith.constant 16 : index
        %get3A_1606 = tpu.vector_load %arg13[%get3A_1604, %get3A_1605] {strides = array<i32>} : memref<416x64xf32, #tpu.memory_space<vmem>>, vector<16xf32>,
        %mul3A_1607 = arith.mulf %get3A_1606, %get3A_319 : vector<16xf32>
        %add3A_1608 = arith.addf %mul3A_1603, %mul3A_1607 : vector<16xf32>
        %get3A_1609 = arith.index_cast %add3A_1599 : i32 to index
        %get3A_1610 = arith.constant 32 : index
        %get3A_1611 = tpu.vector_load %arg13[%get3A_1609, %get3A_1610] {strides = array<i32>} : memref<416x64xf32, #tpu.memory_space<vmem>>, vector<16xf32>,
        %mul3A_1612 = arith.mulf %get3A_1611, %get3A_322 : vector<16xf32>
        %add3A_1613 = arith.addf %add3A_1608, %mul3A_1612 : vector<16xf32>
        %get3A_1614 = arith.index_cast %add3A_1599 : i32 to index
        %get3A_1615 = arith.constant 48 : index
        %get3A_1616 = tpu.vector_load %arg13[%get3A_1614, %get3A_1615] {strides = array<i32>} : memref<416x64xf32, #tpu.memory_space<vmem>>, vector<16xf32>,
        %mul3A_1617 = arith.mulf %get3A_1616, %get3A_325 : vector<16xf32>
        %add3A_1618 = arith.addf %add3A_1613, %mul3A_1617 : vector<16xf32>
        %add3A_1619 = arith.constant 32 : i32
        %add3A_1620 = arith.addi %mul3A_311, %add3A_1619 : i32
        %add3A_1621 = arith.constant 11 : i32
        %add3A_1622 = arith.addi %add3A_1620, %add3A_1621 : i32
        %get3A_1623 = arith.index_cast %add3A_1622 : i32 to index
        %get3A_1624 = arith.constant 0 : index
        %get3A_1625 = tpu.vector_load %arg13[%get3A_1623, %get3A_1624] {strides = array<i32>} : memref<416x64xf32, #tpu.memory_space<vmem>>, vector<16xf32>,
        %mul3A_1626 = arith.mulf %get3A_1625, %get3A_316 : vector<16xf32>
        %get3A_1627 = arith.index_cast %add3A_1622 : i32 to index
        %get3A_1628 = arith.constant 16 : index
        %get3A_1629 = tpu.vector_load %arg13[%get3A_1627, %get3A_1628] {strides = array<i32>} : memref<416x64xf32, #tpu.memory_space<vmem>>, vector<16xf32>,
        %mul3A_1630 = arith.mulf %get3A_1629, %get3A_319 : vector<16xf32>
        %add3A_1631 = arith.addf %mul3A_1626, %mul3A_1630 : vector<16xf32>
        %get3A_1632 = arith.index_cast %add3A_1622 : i32 to index
        %get3A_1633 = arith.constant 32 : index
        %get3A_1634 = tpu.vector_load %arg13[%get3A_1632, %get3A_1633] {strides = array<i32>} : memref<416x64xf32, #tpu.memory_space<vmem>>, vector<16xf32>,
        %mul3A_1635 = arith.mulf %get3A_1634, %get3A_322 : vector<16xf32>
        %add3A_1636 = arith.addf %add3A_1631, %mul3A_1635 : vector<16xf32>
        %get3A_1637 = arith.index_cast %add3A_1622 : i32 to index
        %get3A_1638 = arith.constant 48 : index
        %get3A_1639 = tpu.vector_load %arg13[%get3A_1637, %get3A_1638] {strides = array<i32>} : memref<416x64xf32, #tpu.memory_space<vmem>>, vector<16xf32>,
        %mul3A_1640 = arith.mulf %get3A_1639, %get3A_325 : vector<16xf32>
        %add3A_1641 = arith.addf %add3A_1636, %mul3A_1640 : vector<16xf32>
        %add3A_1642 = arith.constant 32 : i32
        %add3A_1643 = arith.addi %mul3A_311, %add3A_1642 : i32
        %add3A_1644 = arith.constant 12 : i32
        %add3A_1645 = arith.addi %add3A_1643, %add3A_1644 : i32
        %get3A_1646 = arith.index_cast %add3A_1645 : i32 to index
        %get3A_1647 = arith.constant 0 : index
        %get3A_1648 = tpu.vector_load %arg13[%get3A_1646, %get3A_1647] {strides = array<i32>} : memref<416x64xf32, #tpu.memory_space<vmem>>, vector<16xf32>,
        %mul3A_1649 = arith.mulf %get3A_1648, %get3A_316 : vector<16xf32>
        %get3A_1650 = arith.index_cast %add3A_1645 : i32 to index
        %get3A_1651 = arith.constant 16 : index
        %get3A_1652 = tpu.vector_load %arg13[%get3A_1650, %get3A_1651] {strides = array<i32>} : memref<416x64xf32, #tpu.memory_space<vmem>>, vector<16xf32>,
        %mul3A_1653 = arith.mulf %get3A_1652, %get3A_319 : vector<16xf32>
        %add3A_1654 = arith.addf %mul3A_1649, %mul3A_1653 : vector<16xf32>
        %get3A_1655 = arith.index_cast %add3A_1645 : i32 to index
        %get3A_1656 = arith.constant 32 : index
        %get3A_1657 = tpu.vector_load %arg13[%get3A_1655, %get3A_1656] {strides = array<i32>} : memref<416x64xf32, #tpu.memory_space<vmem>>, vector<16xf32>,
        %mul3A_1658 = arith.mulf %get3A_1657, %get3A_322 : vector<16xf32>
        %add3A_1659 = arith.addf %add3A_1654, %mul3A_1658 : vector<16xf32>
        %get3A_1660 = arith.index_cast %add3A_1645 : i32 to index
        %get3A_1661 = arith.constant 48 : index
        %get3A_1662 = tpu.vector_load %arg13[%get3A_1660, %get3A_1661] {strides = array<i32>} : memref<416x64xf32, #tpu.memory_space<vmem>>, vector<16xf32>,
        %mul3A_1663 = arith.mulf %get3A_1662, %get3A_325 : vector<16xf32>
        %add3A_1664 = arith.addf %add3A_1659, %mul3A_1663 : vector<16xf32>
        %add3A_1665 = arith.constant 32 : i32
        %add3A_1666 = arith.addi %mul3A_311, %add3A_1665 : i32
        %add3A_1667 = arith.constant 13 : i32
        %add3A_1668 = arith.addi %add3A_1666, %add3A_1667 : i32
        %get3A_1669 = arith.index_cast %add3A_1668 : i32 to index
        %get3A_1670 = arith.constant 0 : index
        %get3A_1671 = tpu.vector_load %arg13[%get3A_1669, %get3A_1670] {strides = array<i32>} : memref<416x64xf32, #tpu.memory_space<vmem>>, vector<16xf32>,
        %mul3A_1672 = arith.mulf %get3A_1671, %get3A_316 : vector<16xf32>
        %get3A_1673 = arith.index_cast %add3A_1668 : i32 to index
        %get3A_1674 = arith.constant 16 : index
        %get3A_1675 = tpu.vector_load %arg13[%get3A_1673, %get3A_1674] {strides = array<i32>} : memref<416x64xf32, #tpu.memory_space<vmem>>, vector<16xf32>,
        %mul3A_1676 = arith.mulf %get3A_1675, %get3A_319 : vector<16xf32>
        %add3A_1677 = arith.addf %mul3A_1672, %mul3A_1676 : vector<16xf32>
        %get3A_1678 = arith.index_cast %add3A_1668 : i32 to index
        %get3A_1679 = arith.constant 32 : index
        %get3A_1680 = tpu.vector_load %arg13[%get3A_1678, %get3A_1679] {strides = array<i32>} : memref<416x64xf32, #tpu.memory_space<vmem>>, vector<16xf32>,
        %mul3A_1681 = arith.mulf %get3A_1680, %get3A_322 : vector<16xf32>
        %add3A_1682 = arith.addf %add3A_1677, %mul3A_1681 : vector<16xf32>
        %get3A_1683 = arith.index_cast %add3A_1668 : i32 to index
        %get3A_1684 = arith.constant 48 : index
        %get3A_1685 = tpu.vector_load %arg13[%get3A_1683, %get3A_1684] {strides = array<i32>} : memref<416x64xf32, #tpu.memory_space<vmem>>, vector<16xf32>,
        %mul3A_1686 = arith.mulf %get3A_1685, %get3A_325 : vector<16xf32>
        %add3A_1687 = arith.addf %add3A_1682, %mul3A_1686 : vector<16xf32>
        %add3A_1688 = arith.constant 32 : i32
        %add3A_1689 = arith.addi %mul3A_311, %add3A_1688 : i32
        %add3A_1690 = arith.constant 14 : i32
        %add3A_1691 = arith.addi %add3A_1689, %add3A_1690 : i32
        %get3A_1692 = arith.index_cast %add3A_1691 : i32 to index
        %get3A_1693 = arith.constant 0 : index
        %get3A_1694 = tpu.vector_load %arg13[%get3A_1692, %get3A_1693] {strides = array<i32>} : memref<416x64xf32, #tpu.memory_space<vmem>>, vector<16xf32>,
        %mul3A_1695 = arith.mulf %get3A_1694, %get3A_316 : vector<16xf32>
        %get3A_1696 = arith.index_cast %add3A_1691 : i32 to index
        %get3A_1697 = arith.constant 16 : index
        %get3A_1698 = tpu.vector_load %arg13[%get3A_1696, %get3A_1697] {strides = array<i32>} : memref<416x64xf32, #tpu.memory_space<vmem>>, vector<16xf32>,
        %mul3A_1699 = arith.mulf %get3A_1698, %get3A_319 : vector<16xf32>
        %add3A_1700 = arith.addf %mul3A_1695, %mul3A_1699 : vector<16xf32>
        %get3A_1701 = arith.index_cast %add3A_1691 : i32 to index
        %get3A_1702 = arith.constant 32 : index
        %get3A_1703 = tpu.vector_load %arg13[%get3A_1701, %get3A_1702] {strides = array<i32>} : memref<416x64xf32, #tpu.memory_space<vmem>>, vector<16xf32>,
        %mul3A_1704 = arith.mulf %get3A_1703, %get3A_322 : vector<16xf32>
        %add3A_1705 = arith.addf %add3A_1700, %mul3A_1704 : vector<16xf32>
        %get3A_1706 = arith.index_cast %add3A_1691 : i32 to index
        %get3A_1707 = arith.constant 48 : index
        %get3A_1708 = tpu.vector_load %arg13[%get3A_1706, %get3A_1707] {strides = array<i32>} : memref<416x64xf32, #tpu.memory_space<vmem>>, vector<16xf32>,
        %mul3A_1709 = arith.mulf %get3A_1708, %get3A_325 : vector<16xf32>
        %add3A_1710 = arith.addf %add3A_1705, %mul3A_1709 : vector<16xf32>
        %add3A_1711 = arith.constant 32 : i32
        %add3A_1712 = arith.addi %mul3A_311, %add3A_1711 : i32
        %add3A_1713 = arith.constant 15 : i32
        %add3A_1714 = arith.addi %add3A_1712, %add3A_1713 : i32
        %get3A_1715 = arith.index_cast %add3A_1714 : i32 to index
        %get3A_1716 = arith.constant 0 : index
        %get3A_1717 = tpu.vector_load %arg13[%get3A_1715, %get3A_1716] {strides = array<i32>} : memref<416x64xf32, #tpu.memory_space<vmem>>, vector<16xf32>,
        %mul3A_1718 = arith.mulf %get3A_1717, %get3A_316 : vector<16xf32>
        %get3A_1719 = arith.index_cast %add3A_1714 : i32 to index
        %get3A_1720 = arith.constant 16 : index
        %get3A_1721 = tpu.vector_load %arg13[%get3A_1719, %get3A_1720] {strides = array<i32>} : memref<416x64xf32, #tpu.memory_space<vmem>>, vector<16xf32>,
        %mul3A_1722 = arith.mulf %get3A_1721, %get3A_319 : vector<16xf32>
        %add3A_1723 = arith.addf %mul3A_1718, %mul3A_1722 : vector<16xf32>
        %get3A_1724 = arith.index_cast %add3A_1714 : i32 to index
        %get3A_1725 = arith.constant 32 : index
        %get3A_1726 = tpu.vector_load %arg13[%get3A_1724, %get3A_1725] {strides = array<i32>} : memref<416x64xf32, #tpu.memory_space<vmem>>, vector<16xf32>,
        %mul3A_1727 = arith.mulf %get3A_1726, %get3A_322 : vector<16xf32>
        %add3A_1728 = arith.addf %add3A_1723, %mul3A_1727 : vector<16xf32>
        %get3A_1729 = arith.index_cast %add3A_1714 : i32 to index
        %get3A_1730 = arith.constant 48 : index
        %get3A_1731 = tpu.vector_load %arg13[%get3A_1729, %get3A_1730] {strides = array<i32>} : memref<416x64xf32, #tpu.memory_space<vmem>>, vector<16xf32>,
        %mul3A_1732 = arith.mulf %get3A_1731, %get3A_325 : vector<16xf32>
        %add3A_1733 = arith.addf %add3A_1728, %mul3A_1732 : vector<16xf32>
        %xor3A_1734 = arith.constant 1 : i32
        %xor3A_1735 = vector.broadcast %xor3A_1734 : i32 to vector<16xi32>
        %xor3A_1736 = arith.xori %iota3A, %xor3A_1735 : vector<16xi32>
        %broadcast_in_dim3A_1737 = vector.shape_cast %xor3A_1736 : vector<16xi32> to vector<16x1xi32>
        %and3A_1738 = arith.constant 1 : i32
        %and3A_1739 = vector.broadcast %and3A_1738 : i32 to vector<16xi32>
        %and3A_1740 = arith.andi %iota3A, %and3A_1739 : vector<16xi32>
        %ne3A_1741 = arith.constant 0 : i32
        %ne3A_1742 = vector.broadcast %ne3A_1741 : i32 to vector<16xi32>
        %ne3A_1743 = arith.cmpi ne, %and3A_1740, %ne3A_1742 : vector<16xi32>
        %gather3A_1744 = vector.shape_cast %broadcast_in_dim3A_1737 : vector<16x1xi32> to vector<16xi32>
        %gather3A_1745 = tpu.dynamic_gather %add3A_1388[%gather3A_1744] in [0] : vector<16xf32>, vector<16xi32> -> vector<16xf32>
        %add3A_1746 = arith.addf %add3A_1388, %gather3A_1745 : vector<16xf32>
        %gather3A_1747 = vector.shape_cast %broadcast_in_dim3A_1737 : vector<16x1xi32> to vector<16xi32>
        %gather3A_1748 = tpu.dynamic_gather %add3A_1411[%gather3A_1747] in [0] : vector<16xf32>, vector<16xi32> -> vector<16xf32>
        %add3A_1749 = arith.addf %add3A_1411, %gather3A_1748 : vector<16xf32>
        %gather3A_1750 = vector.shape_cast %broadcast_in_dim3A_1737 : vector<16x1xi32> to vector<16xi32>
        %gather3A_1751 = tpu.dynamic_gather %add3A_1434[%gather3A_1750] in [0] : vector<16xf32>, vector<16xi32> -> vector<16xf32>
        %add3A_1752 = arith.addf %add3A_1434, %gather3A_1751 : vector<16xf32>
        %gather3A_1753 = vector.shape_cast %broadcast_in_dim3A_1737 : vector<16x1xi32> to vector<16xi32>
        %gather3A_1754 = tpu.dynamic_gather %add3A_1457[%gather3A_1753] in [0] : vector<16xf32>, vector<16xi32> -> vector<16xf32>
        %add3A_1755 = arith.addf %add3A_1457, %gather3A_1754 : vector<16xf32>
        %gather3A_1756 = vector.shape_cast %broadcast_in_dim3A_1737 : vector<16x1xi32> to vector<16xi32>
        %gather3A_1757 = tpu.dynamic_gather %add3A_1480[%gather3A_1756] in [0] : vector<16xf32>, vector<16xi32> -> vector<16xf32>
        %add3A_1758 = arith.addf %add3A_1480, %gather3A_1757 : vector<16xf32>
        %gather3A_1759 = vector.shape_cast %broadcast_in_dim3A_1737 : vector<16x1xi32> to vector<16xi32>
        %gather3A_1760 = tpu.dynamic_gather %add3A_1503[%gather3A_1759] in [0] : vector<16xf32>, vector<16xi32> -> vector<16xf32>
        %add3A_1761 = arith.addf %add3A_1503, %gather3A_1760 : vector<16xf32>
        %gather3A_1762 = vector.shape_cast %broadcast_in_dim3A_1737 : vector<16x1xi32> to vector<16xi32>
        %gather3A_1763 = tpu.dynamic_gather %add3A_1526[%gather3A_1762] in [0] : vector<16xf32>, vector<16xi32> -> vector<16xf32>
        %add3A_1764 = arith.addf %add3A_1526, %gather3A_1763 : vector<16xf32>
        %gather3A_1765 = vector.shape_cast %broadcast_in_dim3A_1737 : vector<16x1xi32> to vector<16xi32>
        %gather3A_1766 = tpu.dynamic_gather %add3A_1549[%gather3A_1765] in [0] : vector<16xf32>, vector<16xi32> -> vector<16xf32>
        %add3A_1767 = arith.addf %add3A_1549, %gather3A_1766 : vector<16xf32>
        %gather3A_1768 = vector.shape_cast %broadcast_in_dim3A_1737 : vector<16x1xi32> to vector<16xi32>
        %gather3A_1769 = tpu.dynamic_gather %add3A_1572[%gather3A_1768] in [0] : vector<16xf32>, vector<16xi32> -> vector<16xf32>
        %add3A_1770 = arith.addf %add3A_1572, %gather3A_1769 : vector<16xf32>
        %gather3A_1771 = vector.shape_cast %broadcast_in_dim3A_1737 : vector<16x1xi32> to vector<16xi32>
        %gather3A_1772 = tpu.dynamic_gather %add3A_1595[%gather3A_1771] in [0] : vector<16xf32>, vector<16xi32> -> vector<16xf32>
        %add3A_1773 = arith.addf %add3A_1595, %gather3A_1772 : vector<16xf32>
        %gather3A_1774 = vector.shape_cast %broadcast_in_dim3A_1737 : vector<16x1xi32> to vector<16xi32>
        %gather3A_1775 = tpu.dynamic_gather %add3A_1618[%gather3A_1774] in [0] : vector<16xf32>, vector<16xi32> -> vector<16xf32>
        %add3A_1776 = arith.addf %add3A_1618, %gather3A_1775 : vector<16xf32>
        %gather3A_1777 = vector.shape_cast %broadcast_in_dim3A_1737 : vector<16x1xi32> to vector<16xi32>
        %gather3A_1778 = tpu.dynamic_gather %add3A_1641[%gather3A_1777] in [0] : vector<16xf32>, vector<16xi32> -> vector<16xf32>
        %add3A_1779 = arith.addf %add3A_1641, %gather3A_1778 : vector<16xf32>
        %gather3A_1780 = vector.shape_cast %broadcast_in_dim3A_1737 : vector<16x1xi32> to vector<16xi32>
        %gather3A_1781 = tpu.dynamic_gather %add3A_1664[%gather3A_1780] in [0] : vector<16xf32>, vector<16xi32> -> vector<16xf32>
        %add3A_1782 = arith.addf %add3A_1664, %gather3A_1781 : vector<16xf32>
        %gather3A_1783 = vector.shape_cast %broadcast_in_dim3A_1737 : vector<16x1xi32> to vector<16xi32>
        %gather3A_1784 = tpu.dynamic_gather %add3A_1687[%gather3A_1783] in [0] : vector<16xf32>, vector<16xi32> -> vector<16xf32>
        %add3A_1785 = arith.addf %add3A_1687, %gather3A_1784 : vector<16xf32>
        %gather3A_1786 = vector.shape_cast %broadcast_in_dim3A_1737 : vector<16x1xi32> to vector<16xi32>
        %gather3A_1787 = tpu.dynamic_gather %add3A_1710[%gather3A_1786] in [0] : vector<16xf32>, vector<16xi32> -> vector<16xf32>
        %add3A_1788 = arith.addf %add3A_1710, %gather3A_1787 : vector<16xf32>
        %gather3A_1789 = vector.shape_cast %broadcast_in_dim3A_1737 : vector<16x1xi32> to vector<16xi32>
        %gather3A_1790 = tpu.dynamic_gather %add3A_1733[%gather3A_1789] in [0] : vector<16xf32>, vector<16xi32> -> vector<16xf32>
        %add3A_1791 = arith.addf %add3A_1733, %gather3A_1790 : vector<16xf32>
        %select_n3A_1792 = arith.select %ne3A_1743, %add3A_1749, %add3A_1746 : vector<16xi1>, vector<16xf32>
        %select_n3A_1793 = arith.select %ne3A_1743, %add3A_1755, %add3A_1752 : vector<16xi1>, vector<16xf32>
        %select_n3A_1794 = arith.select %ne3A_1743, %add3A_1761, %add3A_1758 : vector<16xi1>, vector<16xf32>
        %select_n3A_1795 = arith.select %ne3A_1743, %add3A_1767, %add3A_1764 : vector<16xi1>, vector<16xf32>
        %select_n3A_1796 = arith.select %ne3A_1743, %add3A_1773, %add3A_1770 : vector<16xi1>, vector<16xf32>
        %select_n3A_1797 = arith.select %ne3A_1743, %add3A_1779, %add3A_1776 : vector<16xi1>, vector<16xf32>
        %select_n3A_1798 = arith.select %ne3A_1743, %add3A_1785, %add3A_1782 : vector<16xi1>, vector<16xf32>
        %select_n3A_1799 = arith.select %ne3A_1743, %add3A_1791, %add3A_1788 : vector<16xi1>, vector<16xf32>
        %xor3A_1800 = arith.constant 2 : i32
        %xor3A_1801 = vector.broadcast %xor3A_1800 : i32 to vector<16xi32>
        %xor3A_1802 = arith.xori %iota3A, %xor3A_1801 : vector<16xi32>
        %broadcast_in_dim3A_1803 = vector.shape_cast %xor3A_1802 : vector<16xi32> to vector<16x1xi32>
        %and3A_1804 = arith.constant 2 : i32
        %and3A_1805 = vector.broadcast %and3A_1804 : i32 to vector<16xi32>
        %and3A_1806 = arith.andi %iota3A, %and3A_1805 : vector<16xi32>
        %ne3A_1807 = arith.constant 0 : i32
        %ne3A_1808 = vector.broadcast %ne3A_1807 : i32 to vector<16xi32>
        %ne3A_1809 = arith.cmpi ne, %and3A_1806, %ne3A_1808 : vector<16xi32>
        %gather3A_1810 = vector.shape_cast %broadcast_in_dim3A_1803 : vector<16x1xi32> to vector<16xi32>
        %gather3A_1811 = tpu.dynamic_gather %select_n3A_1792[%gather3A_1810] in [0] : vector<16xf32>, vector<16xi32> -> vector<16xf32>
        %add3A_1812 = arith.addf %select_n3A_1792, %gather3A_1811 : vector<16xf32>
        %gather3A_1813 = vector.shape_cast %broadcast_in_dim3A_1803 : vector<16x1xi32> to vector<16xi32>
        %gather3A_1814 = tpu.dynamic_gather %select_n3A_1793[%gather3A_1813] in [0] : vector<16xf32>, vector<16xi32> -> vector<16xf32>
        %add3A_1815 = arith.addf %select_n3A_1793, %gather3A_1814 : vector<16xf32>
        %gather3A_1816 = vector.shape_cast %broadcast_in_dim3A_1803 : vector<16x1xi32> to vector<16xi32>
        %gather3A_1817 = tpu.dynamic_gather %select_n3A_1794[%gather3A_1816] in [0] : vector<16xf32>, vector<16xi32> -> vector<16xf32>
        %add3A_1818 = arith.addf %select_n3A_1794, %gather3A_1817 : vector<16xf32>
        %gather3A_1819 = vector.shape_cast %broadcast_in_dim3A_1803 : vector<16x1xi32> to vector<16xi32>
        %gather3A_1820 = tpu.dynamic_gather %select_n3A_1795[%gather3A_1819] in [0] : vector<16xf32>, vector<16xi32> -> vector<16xf32>
        %add3A_1821 = arith.addf %select_n3A_1795, %gather3A_1820 : vector<16xf32>
        %gather3A_1822 = vector.shape_cast %broadcast_in_dim3A_1803 : vector<16x1xi32> to vector<16xi32>
        %gather3A_1823 = tpu.dynamic_gather %select_n3A_1796[%gather3A_1822] in [0] : vector<16xf32>, vector<16xi32> -> vector<16xf32>
        %add3A_1824 = arith.addf %select_n3A_1796, %gather3A_1823 : vector<16xf32>
        %gather3A_1825 = vector.shape_cast %broadcast_in_dim3A_1803 : vector<16x1xi32> to vector<16xi32>
        %gather3A_1826 = tpu.dynamic_gather %select_n3A_1797[%gather3A_1825] in [0] : vector<16xf32>, vector<16xi32> -> vector<16xf32>
        %add3A_1827 = arith.addf %select_n3A_1797, %gather3A_1826 : vector<16xf32>
        %gather3A_1828 = vector.shape_cast %broadcast_in_dim3A_1803 : vector<16x1xi32> to vector<16xi32>
        %gather3A_1829 = tpu.dynamic_gather %select_n3A_1798[%gather3A_1828] in [0] : vector<16xf32>, vector<16xi32> -> vector<16xf32>
        %add3A_1830 = arith.addf %select_n3A_1798, %gather3A_1829 : vector<16xf32>
        %gather3A_1831 = vector.shape_cast %broadcast_in_dim3A_1803 : vector<16x1xi32> to vector<16xi32>
        %gather3A_1832 = tpu.dynamic_gather %select_n3A_1799[%gather3A_1831] in [0] : vector<16xf32>, vector<16xi32> -> vector<16xf32>
        %add3A_1833 = arith.addf %select_n3A_1799, %gather3A_1832 : vector<16xf32>
        %select_n3A_1834 = arith.select %ne3A_1809, %add3A_1815, %add3A_1812 : vector<16xi1>, vector<16xf32>
        %select_n3A_1835 = arith.select %ne3A_1809, %add3A_1821, %add3A_1818 : vector<16xi1>, vector<16xf32>
        %select_n3A_1836 = arith.select %ne3A_1809, %add3A_1827, %add3A_1824 : vector<16xi1>, vector<16xf32>
        %select_n3A_1837 = arith.select %ne3A_1809, %add3A_1833, %add3A_1830 : vector<16xi1>, vector<16xf32>
        %xor3A_1838 = arith.constant 4 : i32
        %xor3A_1839 = vector.broadcast %xor3A_1838 : i32 to vector<16xi32>
        %xor3A_1840 = arith.xori %iota3A, %xor3A_1839 : vector<16xi32>
        %broadcast_in_dim3A_1841 = vector.shape_cast %xor3A_1840 : vector<16xi32> to vector<16x1xi32>
        %and3A_1842 = arith.constant 4 : i32
        %and3A_1843 = vector.broadcast %and3A_1842 : i32 to vector<16xi32>
        %and3A_1844 = arith.andi %iota3A, %and3A_1843 : vector<16xi32>
        %ne3A_1845 = arith.constant 0 : i32
        %ne3A_1846 = vector.broadcast %ne3A_1845 : i32 to vector<16xi32>
        %ne3A_1847 = arith.cmpi ne, %and3A_1844, %ne3A_1846 : vector<16xi32>
        %gather3A_1848 = vector.shape_cast %broadcast_in_dim3A_1841 : vector<16x1xi32> to vector<16xi32>
        %gather3A_1849 = tpu.dynamic_gather %select_n3A_1834[%gather3A_1848] in [0] : vector<16xf32>, vector<16xi32> -> vector<16xf32>
        %add3A_1850 = arith.addf %select_n3A_1834, %gather3A_1849 : vector<16xf32>
        %gather3A_1851 = vector.shape_cast %broadcast_in_dim3A_1841 : vector<16x1xi32> to vector<16xi32>
        %gather3A_1852 = tpu.dynamic_gather %select_n3A_1835[%gather3A_1851] in [0] : vector<16xf32>, vector<16xi32> -> vector<16xf32>
        %add3A_1853 = arith.addf %select_n3A_1835, %gather3A_1852 : vector<16xf32>
        %gather3A_1854 = vector.shape_cast %broadcast_in_dim3A_1841 : vector<16x1xi32> to vector<16xi32>
        %gather3A_1855 = tpu.dynamic_gather %select_n3A_1836[%gather3A_1854] in [0] : vector<16xf32>, vector<16xi32> -> vector<16xf32>
        %add3A_1856 = arith.addf %select_n3A_1836, %gather3A_1855 : vector<16xf32>
        %gather3A_1857 = vector.shape_cast %broadcast_in_dim3A_1841 : vector<16x1xi32> to vector<16xi32>
        %gather3A_1858 = tpu.dynamic_gather %select_n3A_1837[%gather3A_1857] in [0] : vector<16xf32>, vector<16xi32> -> vector<16xf32>
        %add3A_1859 = arith.addf %select_n3A_1837, %gather3A_1858 : vector<16xf32>
        %select_n3A_1860 = arith.select %ne3A_1847, %add3A_1853, %add3A_1850 : vector<16xi1>, vector<16xf32>
        %select_n3A_1861 = arith.select %ne3A_1847, %add3A_1859, %add3A_1856 : vector<16xi1>, vector<16xf32>
        %xor3A_1862 = arith.constant 8 : i32
        %xor3A_1863 = vector.broadcast %xor3A_1862 : i32 to vector<16xi32>
        %xor3A_1864 = arith.xori %iota3A, %xor3A_1863 : vector<16xi32>
        %broadcast_in_dim3A_1865 = vector.shape_cast %xor3A_1864 : vector<16xi32> to vector<16x1xi32>
        %and3A_1866 = arith.constant 8 : i32
        %and3A_1867 = vector.broadcast %and3A_1866 : i32 to vector<16xi32>
        %and3A_1868 = arith.andi %iota3A, %and3A_1867 : vector<16xi32>
        %ne3A_1869 = arith.constant 0 : i32
        %ne3A_1870 = vector.broadcast %ne3A_1869 : i32 to vector<16xi32>
        %ne3A_1871 = arith.cmpi ne, %and3A_1868, %ne3A_1870 : vector<16xi32>
        %gather3A_1872 = vector.shape_cast %broadcast_in_dim3A_1865 : vector<16x1xi32> to vector<16xi32>
        %gather3A_1873 = tpu.dynamic_gather %select_n3A_1860[%gather3A_1872] in [0] : vector<16xf32>, vector<16xi32> -> vector<16xf32>
        %add3A_1874 = arith.addf %select_n3A_1860, %gather3A_1873 : vector<16xf32>
        %gather3A_1875 = vector.shape_cast %broadcast_in_dim3A_1865 : vector<16x1xi32> to vector<16xi32>
        %gather3A_1876 = tpu.dynamic_gather %select_n3A_1861[%gather3A_1875] in [0] : vector<16xf32>, vector<16xi32> -> vector<16xf32>
        %add3A_1877 = arith.addf %select_n3A_1861, %gather3A_1876 : vector<16xf32>
        %select_n3A_1878 = arith.select %ne3A_1871, %add3A_1877, %add3A_1874 : vector<16xi1>, vector<16xf32>
        %add3A_1879 = arith.constant 32 : i32
        %add3A_1880 = arith.addi %mul3A_311, %add3A_1879 : i32
        %broadcast_in_dim3A_1881 = vector.broadcast %add3A_1880 : i32 to vector<16xi32>
        %add3A_1882 = arith.addi %broadcast_in_dim3A_1881, %iota3A : vector<16xi32>
        %add3A_1883 = arith.constant 32 : i32
        %add3A_1884 = vector.broadcast %add3A_1883 : i32 to vector<16xi32>
        %add3A_1885 = arith.addi %add3A_1884, %iota3A : vector<16xi32>
        %lt3A_1886 = arith.constant 50 : i32
        %lt3A_1887 = vector.broadcast %lt3A_1886 : i32 to vector<16xi32>
        %lt3A_1888 = arith.cmpi slt, %add3A_1885, %lt3A_1887 : vector<16xi32>
        tpu.vector_store_idx %arg14[%add3A_1882], %select_n3A_1878 masked %lt3A_1888 : memref<400xf32, #tpu.memory_space<vmem>>[vector<16xi32>], vector<16xf32>, vector<16xi1>
        %add3A_1889 = arith.constant 48 : i32
        %add3A_1890 = arith.addi %mul3A_311, %add3A_1889 : i32
        %add3A_1891 = arith.constant 0 : i32
        %add3A_1892 = arith.addi %add3A_1890, %add3A_1891 : i32
        %get3A_1893 = arith.index_cast %add3A_1892 : i32 to index
        %get3A_1894 = arith.constant 0 : index
        %get3A_1895 = tpu.vector_load %arg13[%get3A_1893, %get3A_1894] {strides = array<i32>} : memref<416x64xf32, #tpu.memory_space<vmem>>, vector<16xf32>,
        %mul3A_1896 = arith.mulf %get3A_1895, %get3A_316 : vector<16xf32>
        %get3A_1897 = arith.index_cast %add3A_1892 : i32 to index
        %get3A_1898 = arith.constant 16 : index
        %get3A_1899 = tpu.vector_load %arg13[%get3A_1897, %get3A_1898] {strides = array<i32>} : memref<416x64xf32, #tpu.memory_space<vmem>>, vector<16xf32>,
        %mul3A_1900 = arith.mulf %get3A_1899, %get3A_319 : vector<16xf32>
        %add3A_1901 = arith.addf %mul3A_1896, %mul3A_1900 : vector<16xf32>
        %get3A_1902 = arith.index_cast %add3A_1892 : i32 to index
        %get3A_1903 = arith.constant 32 : index
        %get3A_1904 = tpu.vector_load %arg13[%get3A_1902, %get3A_1903] {strides = array<i32>} : memref<416x64xf32, #tpu.memory_space<vmem>>, vector<16xf32>,
        %mul3A_1905 = arith.mulf %get3A_1904, %get3A_322 : vector<16xf32>
        %add3A_1906 = arith.addf %add3A_1901, %mul3A_1905 : vector<16xf32>
        %get3A_1907 = arith.index_cast %add3A_1892 : i32 to index
        %get3A_1908 = arith.constant 48 : index
        %get3A_1909 = tpu.vector_load %arg13[%get3A_1907, %get3A_1908] {strides = array<i32>} : memref<416x64xf32, #tpu.memory_space<vmem>>, vector<16xf32>,
        %mul3A_1910 = arith.mulf %get3A_1909, %get3A_325 : vector<16xf32>
        %add3A_1911 = arith.addf %add3A_1906, %mul3A_1910 : vector<16xf32>
        %add3A_1912 = arith.constant 48 : i32
        %add3A_1913 = arith.addi %mul3A_311, %add3A_1912 : i32
        %add3A_1914 = arith.constant 1 : i32
        %add3A_1915 = arith.addi %add3A_1913, %add3A_1914 : i32
        %get3A_1916 = arith.index_cast %add3A_1915 : i32 to index
        %get3A_1917 = arith.constant 0 : index
        %get3A_1918 = tpu.vector_load %arg13[%get3A_1916, %get3A_1917] {strides = array<i32>} : memref<416x64xf32, #tpu.memory_space<vmem>>, vector<16xf32>,
        %mul3A_1919 = arith.mulf %get3A_1918, %get3A_316 : vector<16xf32>
        %get3A_1920 = arith.index_cast %add3A_1915 : i32 to index
        %get3A_1921 = arith.constant 16 : index
        %get3A_1922 = tpu.vector_load %arg13[%get3A_1920, %get3A_1921] {strides = array<i32>} : memref<416x64xf32, #tpu.memory_space<vmem>>, vector<16xf32>,
        %mul3A_1923 = arith.mulf %get3A_1922, %get3A_319 : vector<16xf32>
        %add3A_1924 = arith.addf %mul3A_1919, %mul3A_1923 : vector<16xf32>
        %get3A_1925 = arith.index_cast %add3A_1915 : i32 to index
        %get3A_1926 = arith.constant 32 : index
        %get3A_1927 = tpu.vector_load %arg13[%get3A_1925, %get3A_1926] {strides = array<i32>} : memref<416x64xf32, #tpu.memory_space<vmem>>, vector<16xf32>,
        %mul3A_1928 = arith.mulf %get3A_1927, %get3A_322 : vector<16xf32>
        %add3A_1929 = arith.addf %add3A_1924, %mul3A_1928 : vector<16xf32>
        %get3A_1930 = arith.index_cast %add3A_1915 : i32 to index
        %get3A_1931 = arith.constant 48 : index
        %get3A_1932 = tpu.vector_load %arg13[%get3A_1930, %get3A_1931] {strides = array<i32>} : memref<416x64xf32, #tpu.memory_space<vmem>>, vector<16xf32>,
        %mul3A_1933 = arith.mulf %get3A_1932, %get3A_325 : vector<16xf32>
        %add3A_1934 = arith.addf %add3A_1929, %mul3A_1933 : vector<16xf32>
        %add3A_1935 = arith.constant 48 : i32
        %add3A_1936 = arith.addi %mul3A_311, %add3A_1935 : i32
        %add3A_1937 = arith.constant 2 : i32
        %add3A_1938 = arith.addi %add3A_1936, %add3A_1937 : i32
        %get3A_1939 = arith.index_cast %add3A_1938 : i32 to index
        %get3A_1940 = arith.constant 0 : index
        %get3A_1941 = tpu.vector_load %arg13[%get3A_1939, %get3A_1940] {strides = array<i32>} : memref<416x64xf32, #tpu.memory_space<vmem>>, vector<16xf32>,
        %mul3A_1942 = arith.mulf %get3A_1941, %get3A_316 : vector<16xf32>
        %get3A_1943 = arith.index_cast %add3A_1938 : i32 to index
        %get3A_1944 = arith.constant 16 : index
        %get3A_1945 = tpu.vector_load %arg13[%get3A_1943, %get3A_1944] {strides = array<i32>} : memref<416x64xf32, #tpu.memory_space<vmem>>, vector<16xf32>,
        %mul3A_1946 = arith.mulf %get3A_1945, %get3A_319 : vector<16xf32>
        %add3A_1947 = arith.addf %mul3A_1942, %mul3A_1946 : vector<16xf32>
        %get3A_1948 = arith.index_cast %add3A_1938 : i32 to index
        %get3A_1949 = arith.constant 32 : index
        %get3A_1950 = tpu.vector_load %arg13[%get3A_1948, %get3A_1949] {strides = array<i32>} : memref<416x64xf32, #tpu.memory_space<vmem>>, vector<16xf32>,
        %mul3A_1951 = arith.mulf %get3A_1950, %get3A_322 : vector<16xf32>
        %add3A_1952 = arith.addf %add3A_1947, %mul3A_1951 : vector<16xf32>
        %get3A_1953 = arith.index_cast %add3A_1938 : i32 to index
        %get3A_1954 = arith.constant 48 : index
        %get3A_1955 = tpu.vector_load %arg13[%get3A_1953, %get3A_1954] {strides = array<i32>} : memref<416x64xf32, #tpu.memory_space<vmem>>, vector<16xf32>,
        %mul3A_1956 = arith.mulf %get3A_1955, %get3A_325 : vector<16xf32>
        %add3A_1957 = arith.addf %add3A_1952, %mul3A_1956 : vector<16xf32>
        %add3A_1958 = arith.constant 48 : i32
        %add3A_1959 = arith.addi %mul3A_311, %add3A_1958 : i32
        %add3A_1960 = arith.constant 3 : i32
        %add3A_1961 = arith.addi %add3A_1959, %add3A_1960 : i32
        %get3A_1962 = arith.index_cast %add3A_1961 : i32 to index
        %get3A_1963 = arith.constant 0 : index
        %get3A_1964 = tpu.vector_load %arg13[%get3A_1962, %get3A_1963] {strides = array<i32>} : memref<416x64xf32, #tpu.memory_space<vmem>>, vector<16xf32>,
        %mul3A_1965 = arith.mulf %get3A_1964, %get3A_316 : vector<16xf32>
        %get3A_1966 = arith.index_cast %add3A_1961 : i32 to index
        %get3A_1967 = arith.constant 16 : index
        %get3A_1968 = tpu.vector_load %arg13[%get3A_1966, %get3A_1967] {strides = array<i32>} : memref<416x64xf32, #tpu.memory_space<vmem>>, vector<16xf32>,
        %mul3A_1969 = arith.mulf %get3A_1968, %get3A_319 : vector<16xf32>
        %add3A_1970 = arith.addf %mul3A_1965, %mul3A_1969 : vector<16xf32>
        %get3A_1971 = arith.index_cast %add3A_1961 : i32 to index
        %get3A_1972 = arith.constant 32 : index
        %get3A_1973 = tpu.vector_load %arg13[%get3A_1971, %get3A_1972] {strides = array<i32>} : memref<416x64xf32, #tpu.memory_space<vmem>>, vector<16xf32>,
        %mul3A_1974 = arith.mulf %get3A_1973, %get3A_322 : vector<16xf32>
        %add3A_1975 = arith.addf %add3A_1970, %mul3A_1974 : vector<16xf32>
        %get3A_1976 = arith.index_cast %add3A_1961 : i32 to index
        %get3A_1977 = arith.constant 48 : index
        %get3A_1978 = tpu.vector_load %arg13[%get3A_1976, %get3A_1977] {strides = array<i32>} : memref<416x64xf32, #tpu.memory_space<vmem>>, vector<16xf32>,
        %mul3A_1979 = arith.mulf %get3A_1978, %get3A_325 : vector<16xf32>
        %add3A_1980 = arith.addf %add3A_1975, %mul3A_1979 : vector<16xf32>
        %add3A_1981 = arith.constant 48 : i32
        %add3A_1982 = arith.addi %mul3A_311, %add3A_1981 : i32
        %add3A_1983 = arith.constant 4 : i32
        %add3A_1984 = arith.addi %add3A_1982, %add3A_1983 : i32
        %get3A_1985 = arith.index_cast %add3A_1984 : i32 to index
        %get3A_1986 = arith.constant 0 : index
        %get3A_1987 = tpu.vector_load %arg13[%get3A_1985, %get3A_1986] {strides = array<i32>} : memref<416x64xf32, #tpu.memory_space<vmem>>, vector<16xf32>,
        %mul3A_1988 = arith.mulf %get3A_1987, %get3A_316 : vector<16xf32>
        %get3A_1989 = arith.index_cast %add3A_1984 : i32 to index
        %get3A_1990 = arith.constant 16 : index
        %get3A_1991 = tpu.vector_load %arg13[%get3A_1989, %get3A_1990] {strides = array<i32>} : memref<416x64xf32, #tpu.memory_space<vmem>>, vector<16xf32>,
        %mul3A_1992 = arith.mulf %get3A_1991, %get3A_319 : vector<16xf32>
        %add3A_1993 = arith.addf %mul3A_1988, %mul3A_1992 : vector<16xf32>
        %get3A_1994 = arith.index_cast %add3A_1984 : i32 to index
        %get3A_1995 = arith.constant 32 : index
        %get3A_1996 = tpu.vector_load %arg13[%get3A_1994, %get3A_1995] {strides = array<i32>} : memref<416x64xf32, #tpu.memory_space<vmem>>, vector<16xf32>,
        %mul3A_1997 = arith.mulf %get3A_1996, %get3A_322 : vector<16xf32>
        %add3A_1998 = arith.addf %add3A_1993, %mul3A_1997 : vector<16xf32>
        %get3A_1999 = arith.index_cast %add3A_1984 : i32 to index
        %get3A_2000 = arith.constant 48 : index
        %get3A_2001 = tpu.vector_load %arg13[%get3A_1999, %get3A_2000] {strides = array<i32>} : memref<416x64xf32, #tpu.memory_space<vmem>>, vector<16xf32>,
        %mul3A_2002 = arith.mulf %get3A_2001, %get3A_325 : vector<16xf32>
        %add3A_2003 = arith.addf %add3A_1998, %mul3A_2002 : vector<16xf32>
        %add3A_2004 = arith.constant 48 : i32
        %add3A_2005 = arith.addi %mul3A_311, %add3A_2004 : i32
        %add3A_2006 = arith.constant 5 : i32
        %add3A_2007 = arith.addi %add3A_2005, %add3A_2006 : i32
        %get3A_2008 = arith.index_cast %add3A_2007 : i32 to index
        %get3A_2009 = arith.constant 0 : index
        %get3A_2010 = tpu.vector_load %arg13[%get3A_2008, %get3A_2009] {strides = array<i32>} : memref<416x64xf32, #tpu.memory_space<vmem>>, vector<16xf32>,
        %mul3A_2011 = arith.mulf %get3A_2010, %get3A_316 : vector<16xf32>
        %get3A_2012 = arith.index_cast %add3A_2007 : i32 to index
        %get3A_2013 = arith.constant 16 : index
        %get3A_2014 = tpu.vector_load %arg13[%get3A_2012, %get3A_2013] {strides = array<i32>} : memref<416x64xf32, #tpu.memory_space<vmem>>, vector<16xf32>,
        %mul3A_2015 = arith.mulf %get3A_2014, %get3A_319 : vector<16xf32>
        %add3A_2016 = arith.addf %mul3A_2011, %mul3A_2015 : vector<16xf32>
        %get3A_2017 = arith.index_cast %add3A_2007 : i32 to index
        %get3A_2018 = arith.constant 32 : index
        %get3A_2019 = tpu.vector_load %arg13[%get3A_2017, %get3A_2018] {strides = array<i32>} : memref<416x64xf32, #tpu.memory_space<vmem>>, vector<16xf32>,
        %mul3A_2020 = arith.mulf %get3A_2019, %get3A_322 : vector<16xf32>
        %add3A_2021 = arith.addf %add3A_2016, %mul3A_2020 : vector<16xf32>
        %get3A_2022 = arith.index_cast %add3A_2007 : i32 to index
        %get3A_2023 = arith.constant 48 : index
        %get3A_2024 = tpu.vector_load %arg13[%get3A_2022, %get3A_2023] {strides = array<i32>} : memref<416x64xf32, #tpu.memory_space<vmem>>, vector<16xf32>,
        %mul3A_2025 = arith.mulf %get3A_2024, %get3A_325 : vector<16xf32>
        %add3A_2026 = arith.addf %add3A_2021, %mul3A_2025 : vector<16xf32>
        %add3A_2027 = arith.constant 48 : i32
        %add3A_2028 = arith.addi %mul3A_311, %add3A_2027 : i32
        %add3A_2029 = arith.constant 6 : i32
        %add3A_2030 = arith.addi %add3A_2028, %add3A_2029 : i32
        %get3A_2031 = arith.index_cast %add3A_2030 : i32 to index
        %get3A_2032 = arith.constant 0 : index
        %get3A_2033 = tpu.vector_load %arg13[%get3A_2031, %get3A_2032] {strides = array<i32>} : memref<416x64xf32, #tpu.memory_space<vmem>>, vector<16xf32>,
        %mul3A_2034 = arith.mulf %get3A_2033, %get3A_316 : vector<16xf32>
        %get3A_2035 = arith.index_cast %add3A_2030 : i32 to index
        %get3A_2036 = arith.constant 16 : index
        %get3A_2037 = tpu.vector_load %arg13[%get3A_2035, %get3A_2036] {strides = array<i32>} : memref<416x64xf32, #tpu.memory_space<vmem>>, vector<16xf32>,
        %mul3A_2038 = arith.mulf %get3A_2037, %get3A_319 : vector<16xf32>
        %add3A_2039 = arith.addf %mul3A_2034, %mul3A_2038 : vector<16xf32>
        %get3A_2040 = arith.index_cast %add3A_2030 : i32 to index
        %get3A_2041 = arith.constant 32 : index
        %get3A_2042 = tpu.vector_load %arg13[%get3A_2040, %get3A_2041] {strides = array<i32>} : memref<416x64xf32, #tpu.memory_space<vmem>>, vector<16xf32>,
        %mul3A_2043 = arith.mulf %get3A_2042, %get3A_322 : vector<16xf32>
        %add3A_2044 = arith.addf %add3A_2039, %mul3A_2043 : vector<16xf32>
        %get3A_2045 = arith.index_cast %add3A_2030 : i32 to index
        %get3A_2046 = arith.constant 48 : index
        %get3A_2047 = tpu.vector_load %arg13[%get3A_2045, %get3A_2046] {strides = array<i32>} : memref<416x64xf32, #tpu.memory_space<vmem>>, vector<16xf32>,
        %mul3A_2048 = arith.mulf %get3A_2047, %get3A_325 : vector<16xf32>
        %add3A_2049 = arith.addf %add3A_2044, %mul3A_2048 : vector<16xf32>
        %add3A_2050 = arith.constant 48 : i32
        %add3A_2051 = arith.addi %mul3A_311, %add3A_2050 : i32
        %add3A_2052 = arith.constant 7 : i32
        %add3A_2053 = arith.addi %add3A_2051, %add3A_2052 : i32
        %get3A_2054 = arith.index_cast %add3A_2053 : i32 to index
        %get3A_2055 = arith.constant 0 : index
        %get3A_2056 = tpu.vector_load %arg13[%get3A_2054, %get3A_2055] {strides = array<i32>} : memref<416x64xf32, #tpu.memory_space<vmem>>, vector<16xf32>,
        %mul3A_2057 = arith.mulf %get3A_2056, %get3A_316 : vector<16xf32>
        %get3A_2058 = arith.index_cast %add3A_2053 : i32 to index
        %get3A_2059 = arith.constant 16 : index
        %get3A_2060 = tpu.vector_load %arg13[%get3A_2058, %get3A_2059] {strides = array<i32>} : memref<416x64xf32, #tpu.memory_space<vmem>>, vector<16xf32>,
        %mul3A_2061 = arith.mulf %get3A_2060, %get3A_319 : vector<16xf32>
        %add3A_2062 = arith.addf %mul3A_2057, %mul3A_2061 : vector<16xf32>
        %get3A_2063 = arith.index_cast %add3A_2053 : i32 to index
        %get3A_2064 = arith.constant 32 : index
        %get3A_2065 = tpu.vector_load %arg13[%get3A_2063, %get3A_2064] {strides = array<i32>} : memref<416x64xf32, #tpu.memory_space<vmem>>, vector<16xf32>,
        %mul3A_2066 = arith.mulf %get3A_2065, %get3A_322 : vector<16xf32>
        %add3A_2067 = arith.addf %add3A_2062, %mul3A_2066 : vector<16xf32>
        %get3A_2068 = arith.index_cast %add3A_2053 : i32 to index
        %get3A_2069 = arith.constant 48 : index
        %get3A_2070 = tpu.vector_load %arg13[%get3A_2068, %get3A_2069] {strides = array<i32>} : memref<416x64xf32, #tpu.memory_space<vmem>>, vector<16xf32>,
        %mul3A_2071 = arith.mulf %get3A_2070, %get3A_325 : vector<16xf32>
        %add3A_2072 = arith.addf %add3A_2067, %mul3A_2071 : vector<16xf32>
        %add3A_2073 = arith.constant 48 : i32
        %add3A_2074 = arith.addi %mul3A_311, %add3A_2073 : i32
        %add3A_2075 = arith.constant 8 : i32
        %add3A_2076 = arith.addi %add3A_2074, %add3A_2075 : i32
        %get3A_2077 = arith.index_cast %add3A_2076 : i32 to index
        %get3A_2078 = arith.constant 0 : index
        %get3A_2079 = tpu.vector_load %arg13[%get3A_2077, %get3A_2078] {strides = array<i32>} : memref<416x64xf32, #tpu.memory_space<vmem>>, vector<16xf32>,
        %mul3A_2080 = arith.mulf %get3A_2079, %get3A_316 : vector<16xf32>
        %get3A_2081 = arith.index_cast %add3A_2076 : i32 to index
        %get3A_2082 = arith.constant 16 : index
        %get3A_2083 = tpu.vector_load %arg13[%get3A_2081, %get3A_2082] {strides = array<i32>} : memref<416x64xf32, #tpu.memory_space<vmem>>, vector<16xf32>,
        %mul3A_2084 = arith.mulf %get3A_2083, %get3A_319 : vector<16xf32>
        %add3A_2085 = arith.addf %mul3A_2080, %mul3A_2084 : vector<16xf32>
        %get3A_2086 = arith.index_cast %add3A_2076 : i32 to index
        %get3A_2087 = arith.constant 32 : index
        %get3A_2088 = tpu.vector_load %arg13[%get3A_2086, %get3A_2087] {strides = array<i32>} : memref<416x64xf32, #tpu.memory_space<vmem>>, vector<16xf32>,
        %mul3A_2089 = arith.mulf %get3A_2088, %get3A_322 : vector<16xf32>
        %add3A_2090 = arith.addf %add3A_2085, %mul3A_2089 : vector<16xf32>
        %get3A_2091 = arith.index_cast %add3A_2076 : i32 to index
        %get3A_2092 = arith.constant 48 : index
        %get3A_2093 = tpu.vector_load %arg13[%get3A_2091, %get3A_2092] {strides = array<i32>} : memref<416x64xf32, #tpu.memory_space<vmem>>, vector<16xf32>,
        %mul3A_2094 = arith.mulf %get3A_2093, %get3A_325 : vector<16xf32>
        %add3A_2095 = arith.addf %add3A_2090, %mul3A_2094 : vector<16xf32>
        %add3A_2096 = arith.constant 48 : i32
        %add3A_2097 = arith.addi %mul3A_311, %add3A_2096 : i32
        %add3A_2098 = arith.constant 9 : i32
        %add3A_2099 = arith.addi %add3A_2097, %add3A_2098 : i32
        %get3A_2100 = arith.index_cast %add3A_2099 : i32 to index
        %get3A_2101 = arith.constant 0 : index
        %get3A_2102 = tpu.vector_load %arg13[%get3A_2100, %get3A_2101] {strides = array<i32>} : memref<416x64xf32, #tpu.memory_space<vmem>>, vector<16xf32>,
        %mul3A_2103 = arith.mulf %get3A_2102, %get3A_316 : vector<16xf32>
        %get3A_2104 = arith.index_cast %add3A_2099 : i32 to index
        %get3A_2105 = arith.constant 16 : index
        %get3A_2106 = tpu.vector_load %arg13[%get3A_2104, %get3A_2105] {strides = array<i32>} : memref<416x64xf32, #tpu.memory_space<vmem>>, vector<16xf32>,
        %mul3A_2107 = arith.mulf %get3A_2106, %get3A_319 : vector<16xf32>
        %add3A_2108 = arith.addf %mul3A_2103, %mul3A_2107 : vector<16xf32>
        %get3A_2109 = arith.index_cast %add3A_2099 : i32 to index
        %get3A_2110 = arith.constant 32 : index
        %get3A_2111 = tpu.vector_load %arg13[%get3A_2109, %get3A_2110] {strides = array<i32>} : memref<416x64xf32, #tpu.memory_space<vmem>>, vector<16xf32>,
        %mul3A_2112 = arith.mulf %get3A_2111, %get3A_322 : vector<16xf32>
        %add3A_2113 = arith.addf %add3A_2108, %mul3A_2112 : vector<16xf32>
        %get3A_2114 = arith.index_cast %add3A_2099 : i32 to index
        %get3A_2115 = arith.constant 48 : index
        %get3A_2116 = tpu.vector_load %arg13[%get3A_2114, %get3A_2115] {strides = array<i32>} : memref<416x64xf32, #tpu.memory_space<vmem>>, vector<16xf32>,
        %mul3A_2117 = arith.mulf %get3A_2116, %get3A_325 : vector<16xf32>
        %add3A_2118 = arith.addf %add3A_2113, %mul3A_2117 : vector<16xf32>
        %add3A_2119 = arith.constant 48 : i32
        %add3A_2120 = arith.addi %mul3A_311, %add3A_2119 : i32
        %add3A_2121 = arith.constant 10 : i32
        %add3A_2122 = arith.addi %add3A_2120, %add3A_2121 : i32
        %get3A_2123 = arith.index_cast %add3A_2122 : i32 to index
        %get3A_2124 = arith.constant 0 : index
        %get3A_2125 = tpu.vector_load %arg13[%get3A_2123, %get3A_2124] {strides = array<i32>} : memref<416x64xf32, #tpu.memory_space<vmem>>, vector<16xf32>,
        %mul3A_2126 = arith.mulf %get3A_2125, %get3A_316 : vector<16xf32>
        %get3A_2127 = arith.index_cast %add3A_2122 : i32 to index
        %get3A_2128 = arith.constant 16 : index
        %get3A_2129 = tpu.vector_load %arg13[%get3A_2127, %get3A_2128] {strides = array<i32>} : memref<416x64xf32, #tpu.memory_space<vmem>>, vector<16xf32>,
        %mul3A_2130 = arith.mulf %get3A_2129, %get3A_319 : vector<16xf32>
        %add3A_2131 = arith.addf %mul3A_2126, %mul3A_2130 : vector<16xf32>
        %get3A_2132 = arith.index_cast %add3A_2122 : i32 to index
        %get3A_2133 = arith.constant 32 : index
        %get3A_2134 = tpu.vector_load %arg13[%get3A_2132, %get3A_2133] {strides = array<i32>} : memref<416x64xf32, #tpu.memory_space<vmem>>, vector<16xf32>,
        %mul3A_2135 = arith.mulf %get3A_2134, %get3A_322 : vector<16xf32>
        %add3A_2136 = arith.addf %add3A_2131, %mul3A_2135 : vector<16xf32>
        %get3A_2137 = arith.index_cast %add3A_2122 : i32 to index
        %get3A_2138 = arith.constant 48 : index
        %get3A_2139 = tpu.vector_load %arg13[%get3A_2137, %get3A_2138] {strides = array<i32>} : memref<416x64xf32, #tpu.memory_space<vmem>>, vector<16xf32>,
        %mul3A_2140 = arith.mulf %get3A_2139, %get3A_325 : vector<16xf32>
        %add3A_2141 = arith.addf %add3A_2136, %mul3A_2140 : vector<16xf32>
        %add3A_2142 = arith.constant 48 : i32
        %add3A_2143 = arith.addi %mul3A_311, %add3A_2142 : i32
        %add3A_2144 = arith.constant 11 : i32
        %add3A_2145 = arith.addi %add3A_2143, %add3A_2144 : i32
        %get3A_2146 = arith.index_cast %add3A_2145 : i32 to index
        %get3A_2147 = arith.constant 0 : index
        %get3A_2148 = tpu.vector_load %arg13[%get3A_2146, %get3A_2147] {strides = array<i32>} : memref<416x64xf32, #tpu.memory_space<vmem>>, vector<16xf32>,
        %mul3A_2149 = arith.mulf %get3A_2148, %get3A_316 : vector<16xf32>
        %get3A_2150 = arith.index_cast %add3A_2145 : i32 to index
        %get3A_2151 = arith.constant 16 : index
        %get3A_2152 = tpu.vector_load %arg13[%get3A_2150, %get3A_2151] {strides = array<i32>} : memref<416x64xf32, #tpu.memory_space<vmem>>, vector<16xf32>,
        %mul3A_2153 = arith.mulf %get3A_2152, %get3A_319 : vector<16xf32>
        %add3A_2154 = arith.addf %mul3A_2149, %mul3A_2153 : vector<16xf32>
        %get3A_2155 = arith.index_cast %add3A_2145 : i32 to index
        %get3A_2156 = arith.constant 32 : index
        %get3A_2157 = tpu.vector_load %arg13[%get3A_2155, %get3A_2156] {strides = array<i32>} : memref<416x64xf32, #tpu.memory_space<vmem>>, vector<16xf32>,
        %mul3A_2158 = arith.mulf %get3A_2157, %get3A_322 : vector<16xf32>
        %add3A_2159 = arith.addf %add3A_2154, %mul3A_2158 : vector<16xf32>
        %get3A_2160 = arith.index_cast %add3A_2145 : i32 to index
        %get3A_2161 = arith.constant 48 : index
        %get3A_2162 = tpu.vector_load %arg13[%get3A_2160, %get3A_2161] {strides = array<i32>} : memref<416x64xf32, #tpu.memory_space<vmem>>, vector<16xf32>,
        %mul3A_2163 = arith.mulf %get3A_2162, %get3A_325 : vector<16xf32>
        %add3A_2164 = arith.addf %add3A_2159, %mul3A_2163 : vector<16xf32>
        %add3A_2165 = arith.constant 48 : i32
        %add3A_2166 = arith.addi %mul3A_311, %add3A_2165 : i32
        %add3A_2167 = arith.constant 12 : i32
        %add3A_2168 = arith.addi %add3A_2166, %add3A_2167 : i32
        %get3A_2169 = arith.index_cast %add3A_2168 : i32 to index
        %get3A_2170 = arith.constant 0 : index
        %get3A_2171 = tpu.vector_load %arg13[%get3A_2169, %get3A_2170] {strides = array<i32>} : memref<416x64xf32, #tpu.memory_space<vmem>>, vector<16xf32>,
        %mul3A_2172 = arith.mulf %get3A_2171, %get3A_316 : vector<16xf32>
        %get3A_2173 = arith.index_cast %add3A_2168 : i32 to index
        %get3A_2174 = arith.constant 16 : index
        %get3A_2175 = tpu.vector_load %arg13[%get3A_2173, %get3A_2174] {strides = array<i32>} : memref<416x64xf32, #tpu.memory_space<vmem>>, vector<16xf32>,
        %mul3A_2176 = arith.mulf %get3A_2175, %get3A_319 : vector<16xf32>
        %add3A_2177 = arith.addf %mul3A_2172, %mul3A_2176 : vector<16xf32>
        %get3A_2178 = arith.index_cast %add3A_2168 : i32 to index
        %get3A_2179 = arith.constant 32 : index
        %get3A_2180 = tpu.vector_load %arg13[%get3A_2178, %get3A_2179] {strides = array<i32>} : memref<416x64xf32, #tpu.memory_space<vmem>>, vector<16xf32>,
        %mul3A_2181 = arith.mulf %get3A_2180, %get3A_322 : vector<16xf32>
        %add3A_2182 = arith.addf %add3A_2177, %mul3A_2181 : vector<16xf32>
        %get3A_2183 = arith.index_cast %add3A_2168 : i32 to index
        %get3A_2184 = arith.constant 48 : index
        %get3A_2185 = tpu.vector_load %arg13[%get3A_2183, %get3A_2184] {strides = array<i32>} : memref<416x64xf32, #tpu.memory_space<vmem>>, vector<16xf32>,
        %mul3A_2186 = arith.mulf %get3A_2185, %get3A_325 : vector<16xf32>
        %add3A_2187 = arith.addf %add3A_2182, %mul3A_2186 : vector<16xf32>
        %add3A_2188 = arith.constant 48 : i32
        %add3A_2189 = arith.addi %mul3A_311, %add3A_2188 : i32
        %add3A_2190 = arith.constant 13 : i32
        %add3A_2191 = arith.addi %add3A_2189, %add3A_2190 : i32
        %get3A_2192 = arith.index_cast %add3A_2191 : i32 to index
        %get3A_2193 = arith.constant 0 : index
        %get3A_2194 = tpu.vector_load %arg13[%get3A_2192, %get3A_2193] {strides = array<i32>} : memref<416x64xf32, #tpu.memory_space<vmem>>, vector<16xf32>,
        %mul3A_2195 = arith.mulf %get3A_2194, %get3A_316 : vector<16xf32>
        %get3A_2196 = arith.index_cast %add3A_2191 : i32 to index
        %get3A_2197 = arith.constant 16 : index
        %get3A_2198 = tpu.vector_load %arg13[%get3A_2196, %get3A_2197] {strides = array<i32>} : memref<416x64xf32, #tpu.memory_space<vmem>>, vector<16xf32>,
        %mul3A_2199 = arith.mulf %get3A_2198, %get3A_319 : vector<16xf32>
        %add3A_2200 = arith.addf %mul3A_2195, %mul3A_2199 : vector<16xf32>
        %get3A_2201 = arith.index_cast %add3A_2191 : i32 to index
        %get3A_2202 = arith.constant 32 : index
        %get3A_2203 = tpu.vector_load %arg13[%get3A_2201, %get3A_2202] {strides = array<i32>} : memref<416x64xf32, #tpu.memory_space<vmem>>, vector<16xf32>,
        %mul3A_2204 = arith.mulf %get3A_2203, %get3A_322 : vector<16xf32>
        %add3A_2205 = arith.addf %add3A_2200, %mul3A_2204 : vector<16xf32>
        %get3A_2206 = arith.index_cast %add3A_2191 : i32 to index
        %get3A_2207 = arith.constant 48 : index
        %get3A_2208 = tpu.vector_load %arg13[%get3A_2206, %get3A_2207] {strides = array<i32>} : memref<416x64xf32, #tpu.memory_space<vmem>>, vector<16xf32>,
        %mul3A_2209 = arith.mulf %get3A_2208, %get3A_325 : vector<16xf32>
        %add3A_2210 = arith.addf %add3A_2205, %mul3A_2209 : vector<16xf32>
        %add3A_2211 = arith.constant 48 : i32
        %add3A_2212 = arith.addi %mul3A_311, %add3A_2211 : i32
        %add3A_2213 = arith.constant 14 : i32
        %add3A_2214 = arith.addi %add3A_2212, %add3A_2213 : i32
        %get3A_2215 = arith.index_cast %add3A_2214 : i32 to index
        %get3A_2216 = arith.constant 0 : index
        %get3A_2217 = tpu.vector_load %arg13[%get3A_2215, %get3A_2216] {strides = array<i32>} : memref<416x64xf32, #tpu.memory_space<vmem>>, vector<16xf32>,
        %mul3A_2218 = arith.mulf %get3A_2217, %get3A_316 : vector<16xf32>
        %get3A_2219 = arith.index_cast %add3A_2214 : i32 to index
        %get3A_2220 = arith.constant 16 : index
        %get3A_2221 = tpu.vector_load %arg13[%get3A_2219, %get3A_2220] {strides = array<i32>} : memref<416x64xf32, #tpu.memory_space<vmem>>, vector<16xf32>,
        %mul3A_2222 = arith.mulf %get3A_2221, %get3A_319 : vector<16xf32>
        %add3A_2223 = arith.addf %mul3A_2218, %mul3A_2222 : vector<16xf32>
        %get3A_2224 = arith.index_cast %add3A_2214 : i32 to index
        %get3A_2225 = arith.constant 32 : index
        %get3A_2226 = tpu.vector_load %arg13[%get3A_2224, %get3A_2225] {strides = array<i32>} : memref<416x64xf32, #tpu.memory_space<vmem>>, vector<16xf32>,
        %mul3A_2227 = arith.mulf %get3A_2226, %get3A_322 : vector<16xf32>
        %add3A_2228 = arith.addf %add3A_2223, %mul3A_2227 : vector<16xf32>
        %get3A_2229 = arith.index_cast %add3A_2214 : i32 to index
        %get3A_2230 = arith.constant 48 : index
        %get3A_2231 = tpu.vector_load %arg13[%get3A_2229, %get3A_2230] {strides = array<i32>} : memref<416x64xf32, #tpu.memory_space<vmem>>, vector<16xf32>,
        %mul3A_2232 = arith.mulf %get3A_2231, %get3A_325 : vector<16xf32>
        %add3A_2233 = arith.addf %add3A_2228, %mul3A_2232 : vector<16xf32>
        %add3A_2234 = arith.constant 48 : i32
        %add3A_2235 = arith.addi %mul3A_311, %add3A_2234 : i32
        %add3A_2236 = arith.constant 15 : i32
        %add3A_2237 = arith.addi %add3A_2235, %add3A_2236 : i32
        %get3A_2238 = arith.index_cast %add3A_2237 : i32 to index
        %get3A_2239 = arith.constant 0 : index
        %get3A_2240 = tpu.vector_load %arg13[%get3A_2238, %get3A_2239] {strides = array<i32>} : memref<416x64xf32, #tpu.memory_space<vmem>>, vector<16xf32>,
        %mul3A_2241 = arith.mulf %get3A_2240, %get3A_316 : vector<16xf32>
        %get3A_2242 = arith.index_cast %add3A_2237 : i32 to index
        %get3A_2243 = arith.constant 16 : index
        %get3A_2244 = tpu.vector_load %arg13[%get3A_2242, %get3A_2243] {strides = array<i32>} : memref<416x64xf32, #tpu.memory_space<vmem>>, vector<16xf32>,
        %mul3A_2245 = arith.mulf %get3A_2244, %get3A_319 : vector<16xf32>
        %add3A_2246 = arith.addf %mul3A_2241, %mul3A_2245 : vector<16xf32>
        %get3A_2247 = arith.index_cast %add3A_2237 : i32 to index
        %get3A_2248 = arith.constant 32 : index
        %get3A_2249 = tpu.vector_load %arg13[%get3A_2247, %get3A_2248] {strides = array<i32>} : memref<416x64xf32, #tpu.memory_space<vmem>>, vector<16xf32>,
        %mul3A_2250 = arith.mulf %get3A_2249, %get3A_322 : vector<16xf32>
        %add3A_2251 = arith.addf %add3A_2246, %mul3A_2250 : vector<16xf32>
        %get3A_2252 = arith.index_cast %add3A_2237 : i32 to index
        %get3A_2253 = arith.constant 48 : index
        %get3A_2254 = tpu.vector_load %arg13[%get3A_2252, %get3A_2253] {strides = array<i32>} : memref<416x64xf32, #tpu.memory_space<vmem>>, vector<16xf32>,
        %mul3A_2255 = arith.mulf %get3A_2254, %get3A_325 : vector<16xf32>
        %add3A_2256 = arith.addf %add3A_2251, %mul3A_2255 : vector<16xf32>
        %xor3A_2257 = arith.constant 1 : i32
        %xor3A_2258 = vector.broadcast %xor3A_2257 : i32 to vector<16xi32>
        %xor3A_2259 = arith.xori %iota3A, %xor3A_2258 : vector<16xi32>
        %broadcast_in_dim3A_2260 = vector.shape_cast %xor3A_2259 : vector<16xi32> to vector<16x1xi32>
        %and3A_2261 = arith.constant 1 : i32
        %and3A_2262 = vector.broadcast %and3A_2261 : i32 to vector<16xi32>
        %and3A_2263 = arith.andi %iota3A, %and3A_2262 : vector<16xi32>
        %ne3A_2264 = arith.constant 0 : i32
        %ne3A_2265 = vector.broadcast %ne3A_2264 : i32 to vector<16xi32>
        %ne3A_2266 = arith.cmpi ne, %and3A_2263, %ne3A_2265 : vector<16xi32>
        %gather3A_2267 = vector.shape_cast %broadcast_in_dim3A_2260 : vector<16x1xi32> to vector<16xi32>
        %gather3A_2268 = tpu.dynamic_gather %add3A_1911[%gather3A_2267] in [0] : vector<16xf32>, vector<16xi32> -> vector<16xf32>
        %add3A_2269 = arith.addf %add3A_1911, %gather3A_2268 : vector<16xf32>
        %gather3A_2270 = vector.shape_cast %broadcast_in_dim3A_2260 : vector<16x1xi32> to vector<16xi32>
        %gather3A_2271 = tpu.dynamic_gather %add3A_1934[%gather3A_2270] in [0] : vector<16xf32>, vector<16xi32> -> vector<16xf32>
        %add3A_2272 = arith.addf %add3A_1934, %gather3A_2271 : vector<16xf32>
        %gather3A_2273 = vector.shape_cast %broadcast_in_dim3A_2260 : vector<16x1xi32> to vector<16xi32>
        %gather3A_2274 = tpu.dynamic_gather %add3A_1957[%gather3A_2273] in [0] : vector<16xf32>, vector<16xi32> -> vector<16xf32>
        %add3A_2275 = arith.addf %add3A_1957, %gather3A_2274 : vector<16xf32>
        %gather3A_2276 = vector.shape_cast %broadcast_in_dim3A_2260 : vector<16x1xi32> to vector<16xi32>
        %gather3A_2277 = tpu.dynamic_gather %add3A_1980[%gather3A_2276] in [0] : vector<16xf32>, vector<16xi32> -> vector<16xf32>
        %add3A_2278 = arith.addf %add3A_1980, %gather3A_2277 : vector<16xf32>
        %gather3A_2279 = vector.shape_cast %broadcast_in_dim3A_2260 : vector<16x1xi32> to vector<16xi32>
        %gather3A_2280 = tpu.dynamic_gather %add3A_2003[%gather3A_2279] in [0] : vector<16xf32>, vector<16xi32> -> vector<16xf32>
        %add3A_2281 = arith.addf %add3A_2003, %gather3A_2280 : vector<16xf32>
        %gather3A_2282 = vector.shape_cast %broadcast_in_dim3A_2260 : vector<16x1xi32> to vector<16xi32>
        %gather3A_2283 = tpu.dynamic_gather %add3A_2026[%gather3A_2282] in [0] : vector<16xf32>, vector<16xi32> -> vector<16xf32>
        %add3A_2284 = arith.addf %add3A_2026, %gather3A_2283 : vector<16xf32>
        %gather3A_2285 = vector.shape_cast %broadcast_in_dim3A_2260 : vector<16x1xi32> to vector<16xi32>
        %gather3A_2286 = tpu.dynamic_gather %add3A_2049[%gather3A_2285] in [0] : vector<16xf32>, vector<16xi32> -> vector<16xf32>
        %add3A_2287 = arith.addf %add3A_2049, %gather3A_2286 : vector<16xf32>
        %gather3A_2288 = vector.shape_cast %broadcast_in_dim3A_2260 : vector<16x1xi32> to vector<16xi32>
        %gather3A_2289 = tpu.dynamic_gather %add3A_2072[%gather3A_2288] in [0] : vector<16xf32>, vector<16xi32> -> vector<16xf32>
        %add3A_2290 = arith.addf %add3A_2072, %gather3A_2289 : vector<16xf32>
        %gather3A_2291 = vector.shape_cast %broadcast_in_dim3A_2260 : vector<16x1xi32> to vector<16xi32>
        %gather3A_2292 = tpu.dynamic_gather %add3A_2095[%gather3A_2291] in [0] : vector<16xf32>, vector<16xi32> -> vector<16xf32>
        %add3A_2293 = arith.addf %add3A_2095, %gather3A_2292 : vector<16xf32>
        %gather3A_2294 = vector.shape_cast %broadcast_in_dim3A_2260 : vector<16x1xi32> to vector<16xi32>
        %gather3A_2295 = tpu.dynamic_gather %add3A_2118[%gather3A_2294] in [0] : vector<16xf32>, vector<16xi32> -> vector<16xf32>
        %add3A_2296 = arith.addf %add3A_2118, %gather3A_2295 : vector<16xf32>
        %gather3A_2297 = vector.shape_cast %broadcast_in_dim3A_2260 : vector<16x1xi32> to vector<16xi32>
        %gather3A_2298 = tpu.dynamic_gather %add3A_2141[%gather3A_2297] in [0] : vector<16xf32>, vector<16xi32> -> vector<16xf32>
        %add3A_2299 = arith.addf %add3A_2141, %gather3A_2298 : vector<16xf32>
        %gather3A_2300 = vector.shape_cast %broadcast_in_dim3A_2260 : vector<16x1xi32> to vector<16xi32>
        %gather3A_2301 = tpu.dynamic_gather %add3A_2164[%gather3A_2300] in [0] : vector<16xf32>, vector<16xi32> -> vector<16xf32>
        %add3A_2302 = arith.addf %add3A_2164, %gather3A_2301 : vector<16xf32>
        %gather3A_2303 = vector.shape_cast %broadcast_in_dim3A_2260 : vector<16x1xi32> to vector<16xi32>
        %gather3A_2304 = tpu.dynamic_gather %add3A_2187[%gather3A_2303] in [0] : vector<16xf32>, vector<16xi32> -> vector<16xf32>
        %add3A_2305 = arith.addf %add3A_2187, %gather3A_2304 : vector<16xf32>
        %gather3A_2306 = vector.shape_cast %broadcast_in_dim3A_2260 : vector<16x1xi32> to vector<16xi32>
        %gather3A_2307 = tpu.dynamic_gather %add3A_2210[%gather3A_2306] in [0] : vector<16xf32>, vector<16xi32> -> vector<16xf32>
        %add3A_2308 = arith.addf %add3A_2210, %gather3A_2307 : vector<16xf32>
        %gather3A_2309 = vector.shape_cast %broadcast_in_dim3A_2260 : vector<16x1xi32> to vector<16xi32>
        %gather3A_2310 = tpu.dynamic_gather %add3A_2233[%gather3A_2309] in [0] : vector<16xf32>, vector<16xi32> -> vector<16xf32>
        %add3A_2311 = arith.addf %add3A_2233, %gather3A_2310 : vector<16xf32>
        %gather3A_2312 = vector.shape_cast %broadcast_in_dim3A_2260 : vector<16x1xi32> to vector<16xi32>
        %gather3A_2313 = tpu.dynamic_gather %add3A_2256[%gather3A_2312] in [0] : vector<16xf32>, vector<16xi32> -> vector<16xf32>
        %add3A_2314 = arith.addf %add3A_2256, %gather3A_2313 : vector<16xf32>
        %select_n3A_2315 = arith.select %ne3A_2266, %add3A_2272, %add3A_2269 : vector<16xi1>, vector<16xf32>
        %select_n3A_2316 = arith.select %ne3A_2266, %add3A_2278, %add3A_2275 : vector<16xi1>, vector<16xf32>
        %select_n3A_2317 = arith.select %ne3A_2266, %add3A_2284, %add3A_2281 : vector<16xi1>, vector<16xf32>
        %select_n3A_2318 = arith.select %ne3A_2266, %add3A_2290, %add3A_2287 : vector<16xi1>, vector<16xf32>
        %select_n3A_2319 = arith.select %ne3A_2266, %add3A_2296, %add3A_2293 : vector<16xi1>, vector<16xf32>
        %select_n3A_2320 = arith.select %ne3A_2266, %add3A_2302, %add3A_2299 : vector<16xi1>, vector<16xf32>
        %select_n3A_2321 = arith.select %ne3A_2266, %add3A_2308, %add3A_2305 : vector<16xi1>, vector<16xf32>
        %select_n3A_2322 = arith.select %ne3A_2266, %add3A_2314, %add3A_2311 : vector<16xi1>, vector<16xf32>
        %xor3A_2323 = arith.constant 2 : i32
        %xor3A_2324 = vector.broadcast %xor3A_2323 : i32 to vector<16xi32>
        %xor3A_2325 = arith.xori %iota3A, %xor3A_2324 : vector<16xi32>
        %broadcast_in_dim3A_2326 = vector.shape_cast %xor3A_2325 : vector<16xi32> to vector<16x1xi32>
        %and3A_2327 = arith.constant 2 : i32
        %and3A_2328 = vector.broadcast %and3A_2327 : i32 to vector<16xi32>
        %and3A_2329 = arith.andi %iota3A, %and3A_2328 : vector<16xi32>
        %ne3A_2330 = arith.constant 0 : i32
        %ne3A_2331 = vector.broadcast %ne3A_2330 : i32 to vector<16xi32>
        %ne3A_2332 = arith.cmpi ne, %and3A_2329, %ne3A_2331 : vector<16xi32>
        %gather3A_2333 = vector.shape_cast %broadcast_in_dim3A_2326 : vector<16x1xi32> to vector<16xi32>
        %gather3A_2334 = tpu.dynamic_gather %select_n3A_2315[%gather3A_2333] in [0] : vector<16xf32>, vector<16xi32> -> vector<16xf32>
        %add3A_2335 = arith.addf %select_n3A_2315, %gather3A_2334 : vector<16xf32>
        %gather3A_2336 = vector.shape_cast %broadcast_in_dim3A_2326 : vector<16x1xi32> to vector<16xi32>
        %gather3A_2337 = tpu.dynamic_gather %select_n3A_2316[%gather3A_2336] in [0] : vector<16xf32>, vector<16xi32> -> vector<16xf32>
        %add3A_2338 = arith.addf %select_n3A_2316, %gather3A_2337 : vector<16xf32>
        %gather3A_2339 = vector.shape_cast %broadcast_in_dim3A_2326 : vector<16x1xi32> to vector<16xi32>
        %gather3A_2340 = tpu.dynamic_gather %select_n3A_2317[%gather3A_2339] in [0] : vector<16xf32>, vector<16xi32> -> vector<16xf32>
        %add3A_2341 = arith.addf %select_n3A_2317, %gather3A_2340 : vector<16xf32>
        %gather3A_2342 = vector.shape_cast %broadcast_in_dim3A_2326 : vector<16x1xi32> to vector<16xi32>
        %gather3A_2343 = tpu.dynamic_gather %select_n3A_2318[%gather3A_2342] in [0] : vector<16xf32>, vector<16xi32> -> vector<16xf32>
        %add3A_2344 = arith.addf %select_n3A_2318, %gather3A_2343 : vector<16xf32>
        %gather3A_2345 = vector.shape_cast %broadcast_in_dim3A_2326 : vector<16x1xi32> to vector<16xi32>
        %gather3A_2346 = tpu.dynamic_gather %select_n3A_2319[%gather3A_2345] in [0] : vector<16xf32>, vector<16xi32> -> vector<16xf32>
        %add3A_2347 = arith.addf %select_n3A_2319, %gather3A_2346 : vector<16xf32>
        %gather3A_2348 = vector.shape_cast %broadcast_in_dim3A_2326 : vector<16x1xi32> to vector<16xi32>
        %gather3A_2349 = tpu.dynamic_gather %select_n3A_2320[%gather3A_2348] in [0] : vector<16xf32>, vector<16xi32> -> vector<16xf32>
        %add3A_2350 = arith.addf %select_n3A_2320, %gather3A_2349 : vector<16xf32>
        %gather3A_2351 = vector.shape_cast %broadcast_in_dim3A_2326 : vector<16x1xi32> to vector<16xi32>
        %gather3A_2352 = tpu.dynamic_gather %select_n3A_2321[%gather3A_2351] in [0] : vector<16xf32>, vector<16xi32> -> vector<16xf32>
        %add3A_2353 = arith.addf %select_n3A_2321, %gather3A_2352 : vector<16xf32>
        %gather3A_2354 = vector.shape_cast %broadcast_in_dim3A_2326 : vector<16x1xi32> to vector<16xi32>
        %gather3A_2355 = tpu.dynamic_gather %select_n3A_2322[%gather3A_2354] in [0] : vector<16xf32>, vector<16xi32> -> vector<16xf32>
        %add3A_2356 = arith.addf %select_n3A_2322, %gather3A_2355 : vector<16xf32>
        %select_n3A_2357 = arith.select %ne3A_2332, %add3A_2338, %add3A_2335 : vector<16xi1>, vector<16xf32>
        %select_n3A_2358 = arith.select %ne3A_2332, %add3A_2344, %add3A_2341 : vector<16xi1>, vector<16xf32>
        %select_n3A_2359 = arith.select %ne3A_2332, %add3A_2350, %add3A_2347 : vector<16xi1>, vector<16xf32>
        %select_n3A_2360 = arith.select %ne3A_2332, %add3A_2356, %add3A_2353 : vector<16xi1>, vector<16xf32>
        %xor3A_2361 = arith.constant 4 : i32
        %xor3A_2362 = vector.broadcast %xor3A_2361 : i32 to vector<16xi32>
        %xor3A_2363 = arith.xori %iota3A, %xor3A_2362 : vector<16xi32>
        %broadcast_in_dim3A_2364 = vector.shape_cast %xor3A_2363 : vector<16xi32> to vector<16x1xi32>
        %and3A_2365 = arith.constant 4 : i32
        %and3A_2366 = vector.broadcast %and3A_2365 : i32 to vector<16xi32>
        %and3A_2367 = arith.andi %iota3A, %and3A_2366 : vector<16xi32>
        %ne3A_2368 = arith.constant 0 : i32
        %ne3A_2369 = vector.broadcast %ne3A_2368 : i32 to vector<16xi32>
        %ne3A_2370 = arith.cmpi ne, %and3A_2367, %ne3A_2369 : vector<16xi32>
        %gather3A_2371 = vector.shape_cast %broadcast_in_dim3A_2364 : vector<16x1xi32> to vector<16xi32>
        %gather3A_2372 = tpu.dynamic_gather %select_n3A_2357[%gather3A_2371] in [0] : vector<16xf32>, vector<16xi32> -> vector<16xf32>
        %add3A_2373 = arith.addf %select_n3A_2357, %gather3A_2372 : vector<16xf32>
        %gather3A_2374 = vector.shape_cast %broadcast_in_dim3A_2364 : vector<16x1xi32> to vector<16xi32>
        %gather3A_2375 = tpu.dynamic_gather %select_n3A_2358[%gather3A_2374] in [0] : vector<16xf32>, vector<16xi32> -> vector<16xf32>
        %add3A_2376 = arith.addf %select_n3A_2358, %gather3A_2375 : vector<16xf32>
        %gather3A_2377 = vector.shape_cast %broadcast_in_dim3A_2364 : vector<16x1xi32> to vector<16xi32>
        %gather3A_2378 = tpu.dynamic_gather %select_n3A_2359[%gather3A_2377] in [0] : vector<16xf32>, vector<16xi32> -> vector<16xf32>
        %add3A_2379 = arith.addf %select_n3A_2359, %gather3A_2378 : vector<16xf32>
        %gather3A_2380 = vector.shape_cast %broadcast_in_dim3A_2364 : vector<16x1xi32> to vector<16xi32>
        %gather3A_2381 = tpu.dynamic_gather %select_n3A_2360[%gather3A_2380] in [0] : vector<16xf32>, vector<16xi32> -> vector<16xf32>
        %add3A_2382 = arith.addf %select_n3A_2360, %gather3A_2381 : vector<16xf32>
        %select_n3A_2383 = arith.select %ne3A_2370, %add3A_2376, %add3A_2373 : vector<16xi1>, vector<16xf32>
        %select_n3A_2384 = arith.select %ne3A_2370, %add3A_2382, %add3A_2379 : vector<16xi1>, vector<16xf32>
        %xor3A_2385 = arith.constant 8 : i32
        %xor3A_2386 = vector.broadcast %xor3A_2385 : i32 to vector<16xi32>
        %xor3A_2387 = arith.xori %iota3A, %xor3A_2386 : vector<16xi32>
        %broadcast_in_dim3A_2388 = vector.shape_cast %xor3A_2387 : vector<16xi32> to vector<16x1xi32>
        %and3A_2389 = arith.constant 8 : i32
        %and3A_2390 = vector.broadcast %and3A_2389 : i32 to vector<16xi32>
        %and3A_2391 = arith.andi %iota3A, %and3A_2390 : vector<16xi32>
        %ne3A_2392 = arith.constant 0 : i32
        %ne3A_2393 = vector.broadcast %ne3A_2392 : i32 to vector<16xi32>
        %ne3A_2394 = arith.cmpi ne, %and3A_2391, %ne3A_2393 : vector<16xi32>
        %gather3A_2395 = vector.shape_cast %broadcast_in_dim3A_2388 : vector<16x1xi32> to vector<16xi32>
        %gather3A_2396 = tpu.dynamic_gather %select_n3A_2383[%gather3A_2395] in [0] : vector<16xf32>, vector<16xi32> -> vector<16xf32>
        %add3A_2397 = arith.addf %select_n3A_2383, %gather3A_2396 : vector<16xf32>
        %gather3A_2398 = vector.shape_cast %broadcast_in_dim3A_2388 : vector<16x1xi32> to vector<16xi32>
        %gather3A_2399 = tpu.dynamic_gather %select_n3A_2384[%gather3A_2398] in [0] : vector<16xf32>, vector<16xi32> -> vector<16xf32>
        %add3A_2400 = arith.addf %select_n3A_2384, %gather3A_2399 : vector<16xf32>
        %select_n3A_2401 = arith.select %ne3A_2394, %add3A_2400, %add3A_2397 : vector<16xi1>, vector<16xf32>
        %add3A_2402 = arith.constant 48 : i32
        %add3A_2403 = arith.addi %mul3A_311, %add3A_2402 : i32
        %broadcast_in_dim3A_2404 = vector.broadcast %add3A_2403 : i32 to vector<16xi32>
        %add3A_2405 = arith.addi %broadcast_in_dim3A_2404, %iota3A : vector<16xi32>
        %add3A_2406 = arith.constant 48 : i32
        %add3A_2407 = vector.broadcast %add3A_2406 : i32 to vector<16xi32>
        %add3A_2408 = arith.addi %add3A_2407, %iota3A : vector<16xi32>
        %lt3A_2409 = arith.constant 50 : i32
        %lt3A_2410 = vector.broadcast %lt3A_2409 : i32 to vector<16xi32>
        %lt3A_2411 = arith.cmpi slt, %add3A_2408, %lt3A_2410 : vector<16xi32>
        tpu.vector_store_idx %arg14[%add3A_2405], %select_n3A_2401 masked %lt3A_2411 : memref<400xf32, #tpu.memory_space<vmem>>[vector<16xi32>], vector<16xf32>, vector<16xi1>
      }
      %scan3A_301 = arith.constant 8 : i32
      %mul3A_302 = arith.constant 25600 : i32
      %mul3A_303 = arith.muli %add3A, %mul3A_302 : i32
      %mul3A_304 = arith.constant 400 : i32
      %mul3A_305 = arith.muli %add3A_236, %mul3A_304 : i32
      %add3A_306 = arith.addi %mul3A_303, %mul3A_305 : i32
      %dma_start3A_307 = tpu.memref_slice %arg6[%add3A_306] : memref<819200xf32, #tpu.memory_space<hbm>> -> memref<400xf32, #tpu.memory_space<hbm>>
      %dma_start3A_308 = tpu.memref_slice %arg6[%add3A_306] : memref<819200xf32, #tpu.memory_space<hbm>> -> memref<400xf32, #tpu.memory_space<hbm>>
      tpu.enqueue_dma source(%arg14 : memref<400xf32, #tpu.memory_space<vmem>>) target(%dma_start3A_308 : memref<400xf32, #tpu.memory_space<hbm>>) target_semaphore(%arg21 : memref<!tpu.dma_semaphore, #tpu.memory_space<semaphore_mem>>)
    }
    %scan3A_149 = arith.constant 32 : i32
    %mul3A_150 = arith.constant 25600 : i32
    %mul3A_151 = arith.muli %add3A, %mul3A_150 : i32
    %add3A_152 = arith.constant 24800 : i32
    %add3A_153 = arith.addi %mul3A_151, %add3A_152 : i32
    %dma_wait3A_154 = tpu.memref_slice %arg6[%add3A_153] : memref<819200xf32, #tpu.memory_space<hbm>> -> memref<400xf32, #tpu.memory_space<hbm>>
    %dma_wait3A_155 = tpu.memref_slice %arg6[%add3A_153] : memref<819200xf32, #tpu.memory_space<hbm>> -> memref<400xf32, #tpu.memory_space<hbm>>
    tpu.wait_dma2 semaphore(%arg20 : memref<!tpu.dma_semaphore, #tpu.memory_space<semaphore_mem>>) src(%arg11 : memref<400xf32, #tpu.memory_space<vmem>>) dst(%dma_wait3A_155 : memref<400xf32, #tpu.memory_space<hbm>>)
    %mul3A_156 = arith.constant 25600 : i32
    %mul3A_157 = arith.muli %add3A, %mul3A_156 : i32
    %add3A_158 = arith.constant 25200 : i32
    %add3A_159 = arith.addi %mul3A_157, %add3A_158 : i32
    %dma_wait3A_160 = tpu.memref_slice %arg6[%add3A_159] : memref<819200xf32, #tpu.memory_space<hbm>> -> memref<400xf32, #tpu.memory_space<hbm>>
    %dma_wait3A_161 = tpu.memref_slice %arg6[%add3A_159] : memref<819200xf32, #tpu.memory_space<hbm>> -> memref<400xf32, #tpu.memory_space<hbm>>
    tpu.wait_dma2 semaphore(%arg21 : memref<!tpu.dma_semaphore, #tpu.memory_space<semaphore_mem>>) src(%arg14 : memref<400xf32, #tpu.memory_space<vmem>>) dst(%dma_wait3A_161 : memref<400xf32, #tpu.memory_space<hbm>>)
    return
  }
}

</mosaic_0001>

<sc_bundles>
// kernel: kernel.3.cloned.1.call-start
scs
__scs_entry_jumppad:
0x0: {  	(pc) =	sbr.rel $0x88, $3  }
0x1: {  	(tag) =	ssettag $0x0;
	lr =	simm.s32 $0x1  }
0x2: {  	[smem:$0x3F9D] =	sst lr;
	_ =	strace $0xD0000000  }
0x3: {  	_ = 	snop  }
0x4: {  	_ = 	snop  }
0x5: {  	_ = 	snop  }
0x6: {  	_ = 	snop  }
0x7: {  	_ = 	snop  }
__scs_overlays_trampoline_lowered:
0x8: {  	[smem:$0x3FAC] =	sst s0  }
0x9: {  	[smem:$0x3FAD] =	sst s1  }
0xa: {  	[smem:$0x3FAE] =	sst s2  }
0xb: {  	[smem:$0x3FAF] =	sst s3  }
0xc: {  	[smem:$0x3FB0] =	sst s4  }
0xd: {  	[smem:$0x3FB1] =	sst s5  }
0xe: {  	[smem:$0x3FB2] =	sst s6  }
0xf: {  	[smem:$0x3FB3] =	sst s7  }
0x10: {  	[smem:$0x3FB4] =	sst s8  }
0x11: {  	[smem:$0x3FB5] =	sst s9;
	s0 =	simm.s32 @!p0 $0x0  }
0x12: {  	s1 =	sld [smem:$0x3F9B];
	s0 =	simm.s32 @p0 $0x1  }
0x13: {  	[smem:$0x3FB6] =	sst s0;
	s0 =	simm.s32 @!p1 $0x0  }
0x14: {  	s2 =	sld [smem:$0x3F9A];
	s0 =	simm.s32 @p1 $0x1  }
0x15: {  	[smem:$0x3FB7] =	sst s0;
	s0 =	simm.s32 @!p2 $0x0  }
0x16: {  	s3 =	sld [smem:$0x3FDB];
	s0 =	simm.s32 @p2 $0x1  }
0x17: {  	s4 =	simm.s32 $0x1BF5;
	[smem:$0x3FB9] =	sst s0  }
0x18: {  	s0 =	sld [smem:$0x3F9C];
	_ =	swait.ge [sflag:s4], $0x0  }
0x19: {  	s7 =	sld [smem:$0x3F9D]  }
0x1a: {  	s8 =	sadd.s32 $0xFFFFE003, lr  }
0x1b: {  	s9 =	sadd.s32 $0xFFFFFEF7, lr;
	s5 =	simm.s32 $0xFFFFFFFF;
	p2 =	slt.u32 s8, $0xFFFFF086  }
0x1c: {  	p1 =	slt.u32 s9, $0xF7A;
	s5 =	simm.s32 @!p2 $0x0  }
0x1d: {  	s5 =	simm.s32 @p1 $0x1;
	p0 =	seq.s32 s7, s2  }
0x1e: {  	s7 =	smul.u32 @!p0 $0xF7A, s2;
	p2 =	seq.s32 @!p0 s5, $0x0  }
0x1f: {  	s9 =	smul.u32 $0xF7A, s1;
	s8 =	simm.s32 @!p0 $0x1BF5;
	p2 =	por !p2, p0  }
0x20: {  	[sflag:s8] =	ssyncset.s32 @!p0 $0xFFFFF086;
	s6 =	sadd.s32 @!p0 s3, s7;
	s7 =	simm.s32 @!p0 $0x108  }
0x21: {  	s3 =	sadd.s32 s3, s9;
	s6 =	sadd.s32 @!p0 $0x88, s6;
	s7 =	simm.s32 @p2 $0x1082  }
0x22: {  	[simem:s7], [sflag:s8] =	dma.local @!p0 [hbm:s6], $0xF7A  }
0x23: {  	s9 =	sor.u32 $0xD0000000, s2;
	s6 =	simm.s32 $0x108;
	_ =	swait.ge @!p0 [sflag:s8], $0x0  }
0x24: {  	s3 =	sadd.s32 $0x88, s3;
	s6 =	simm.s32 @!p1 $0x1082;
	[sflag:s4] =	ssyncset.s32 $0xFFFFF086  }
0x25: {  	[simem:s6], [sflag:s4] =	dma.local [hbm:s3], $0xF7A  }
0x26: {  	[smem:$0x3F9D] =	sst s1;
	(tag) =	ssettag s2;
	_ =	strace s9  }
0x27: {  	s1 =	sld [smem:$0x3FAD]  }
0x28: {  	s2 =	sld [smem:$0x3FAE]  }
0x29: {  	s4 =	sld [smem:$0x3FB0]  }
0x2a: {  	p0 =	seq.s32 s5, $0x0;
	s5 =	sld [smem:$0x3FB1]  }
0x2b: {  	s6 =	sld [smem:$0x3FB2]  }
0x2c: {  	s7 =	sld [smem:$0x3FB3]  }
0x2d: {  	s3 =	simm.s32 $0x108;
	s8 =	sld [smem:$0x3FB4]  }
0x2e: {  	s3 =	simm.s32 @!p0 $0x1082;
	s9 =	sld [smem:$0x3FB5]  }
0x2f: {  	lr =	sadd.s32 s0, s3;
	s0 =	sld [smem:$0x3FAC]  }
0x30: {  	s3 =	sld [smem:$0x3FAF]  }
0x31: {  	[smem:$0x3FB8] =	sst s10  }
0x32: {  	s10 =	sld [smem:$0x3FB6];
	_ =	sdelay $0x3  }
0x33: {  	p0 =	seq.s32 s10, $0x1;
	s10 =	sld [smem:$0x3FB8];
	_ =	sdelay $0x3  }
0x34: {  	[smem:$0x3FB8] =	sst s10  }
0x35: {  	s10 =	sld [smem:$0x3FB7];
	_ =	sdelay $0x3  }
0x36: {  	p1 =	seq.s32 s10, $0x1;
	s10 =	sld [smem:$0x3FB8];
	_ =	sdelay $0x3  }
0x37: {  	[smem:$0x3FB8] =	sst s10  }
0x38: {  	s10 =	sld [smem:$0x3FB9]  }
0x39: {  	_ = 	snop;
	(pc) =	sbr.ind lr, $3  }
0x3a: {  	_ = 	snop  }
0x3b: {  	_ = 	snop  }
0x3c: {  	p2 =	seq.s32 s10, $0x1;
	s10 =	sld [smem:$0x3FB8]  }
0x3d: {  	_ =	shalt  }
0x3e: {  	_ =	shalt  }
0x3f: {  	_ =	shalt  }
0x40: {  	_ =	shalt  }
0x41: {  	_ =	shalt  }
0x42: {  	_ =	shalt  }
0x43: {  	_ =	shalt  }
0x44: {  	_ =	shalt  }
0x45: {  	_ =	shalt  }
0x46: {  	_ =	shalt  }
0x47: {  	_ =	shalt  }
0x48: {  	_ =	shalt  }
0x49: {  	_ =	shalt  }
0x4a: {  	_ =	shalt  }
0x4b: {  	_ =	shalt  }
0x4c: {  	_ =	shalt  }
0x4d: {  	_ =	shalt  }
0x4e: {  	_ =	shalt  }
0x4f: {  	_ =	shalt  }
0x50: {  	_ =	shalt  }
0x51: {  	_ =	shalt  }
0x52: {  	_ =	shalt  }
0x53: {  	_ =	shalt  }
0x54: {  	_ =	shalt  }
0x55: {  	_ =	shalt  }
0x56: {  	_ =	shalt  }
0x57: {  	_ =	shalt  }
0x58: {  	_ =	shalt  }
0x59: {  	_ =	shalt  }
0x5a: {  	_ =	shalt  }
0x5b: {  	_ =	shalt  }
0x5c: {  	_ =	shalt  }
0x5d: {  	_ =	shalt  }
0x5e: {  	_ =	shalt  }
0x5f: {  	_ =	shalt  }
0x60: {  	_ =	shalt  }
0x61: {  	_ =	shalt  }
0x62: {  	_ =	shalt  }
0x63: {  	_ =	shalt  }
0x64: {  	_ =	shalt  }
0x65: {  	_ =	shalt  }
0x66: {  	_ =	shalt  }
0x67: {  	_ =	shalt  }
0x68: {  	_ =	shalt  }
0x69: {  	_ =	shalt  }
0x6a: {  	_ =	shalt  }
0x6b: {  	_ =	shalt  }
0x6c: {  	_ =	shalt  }
0x6d: {  	_ =	shalt  }
0x6e: {  	_ =	shalt  }
0x6f: {  	_ =	shalt  }
0x70: {  	_ =	shalt  }
0x71: {  	_ =	shalt  }
0x72: {  	_ =	shalt  }
0x73: {  	_ =	shalt  }
0x74: {  	_ =	shalt  }
0x75: {  	_ =	shalt  }
0x76: {  	_ =	shalt  }
0x77: {  	_ =	shalt  }
0x78: {  	_ =	shalt  }
0x79: {  	_ =	shalt  }
0x7a: {  	_ =	shalt  }
0x7b: {  	_ =	shalt  }
0x7c: {  	_ =	shalt  }
0x7d: {  	_ =	shalt  }
0x7e: {  	_ =	shalt  }
0x7f: {  	_ =	shalt  }
0x80: {  	_ =	shalt  }
0x81: {  	_ =	shalt  }
0x82: {  	_ =	shalt  }
0x83: {  	_ =	shalt  }
0x84: {  	_ =	shalt  }
0x85: {  	_ =	shalt  }
0x86: {  	_ =	shalt  }
0x87: {  	_ =	shalt  }
.Lfunc_end0:
.L_simem_size_0:
called_computation_lowered:
.L_overlay_start_0:
0x88: {  	s2 =	sld [smem:$0x3FD9]  }
0x89: {  	s3 =	sld [smem:$0x3FFE];
	_ =	sdelay $0x1  }
0x8a: {  	s1 =	srdreg.scid  }
0x8b: {  	s0 =	sand.u32 $0x1, s1  }
0x8c: {  	s17 =	sshll.u32 s0, $0xA;
	s2 =	sadd.s32 s3, s2  }
0x8d: {  	s2 =	sadd.s32 s2, s17  }
0x8e: {  	[smem:$0x3FC4] =	sst s2  }
0x8f: {  	_ = 	snop  }
0x90: {  	s2 =	sld [smem:$0x3FC9]  }
0x91: {  	s18 =	sld [smem:$0x3FD0];
	(tm) =	ssettm $0x1  }
0x92: {  	s4 =	sld [smem:$0x3FFB];
	_ =	sdelay $0x3  }
0x93: {  	_ =	strace s4  }
0x94: {  	s4 =	sld [smem:$0x3FFC];
	_ =	sdelay $0x3  }
0x95: {  	_ =	strace s4  }
0x96: {  	s4 =	sld [smem:$0x3FFD];
	_ =	sdelay $0x3  }
0x97: {  	_ =	strace s4  }
0x98: {  	_ =	strace $0x8FFFFFFF  }
0x99: {  	s19 =	sld [smem:$0x3FDB];
	_ =	sdelay $0x1  }
0x9a: {  	s5 =	simm.s32 $_scs_section_size  }
0x9b: {  	s6 =	simm.s32 $_size__tile_overlayer_lowered;
	s7 =	simm.s32 $_tile_overlayer_lowered  }
0x9c: {  	s22 =	simm.s32 $0x1BFF;
	s21 =	sshll.u32 s7, $0x1;
	s4 =	sadd.s32 s5, s19  }
0x9d: {  	s8 =	simm.s32 $0x0;
	s20 =	sshll.u32 s6, $0x1;
	s6 =	sadd.s32 s21, s4  }
0x9e: {  	[timem:s8], [sflag:s22] =	dma.local [hbm:s6], s20  }
0x9f: {  	_ =	swait.ge [sflag:s22], s20  }
0xa0: {  	s5 =	ssub.s32 $0x0, s20;
	[sflag:s22] =	ssyncset.done $0x0  }
0xa1: {  	[sflag:s22] =	ssyncadd.s32 s5;
	_ =	sdelay $0x1  }
0xa2: {  	s23 =	simm.s32 $0x1B8B  }
0xa3: {  	_ =	swait.ge [sflag:s23], $0x1  }
0xa4: {  	[sflag:s23] =	ssyncset.done $0x0  }
0xa5: {  	s25 =	simm.s32 $0x1B8E;
	s24 =	sld [smem:$0x3FFE];
	[sflag:s23] =	ssyncadd.s32 $0xFFFFFFFF  }
0xa6: {  	s26 =	simm.s32 $execute0_lowered;
	[smem:$0x3FD2] =	sst s25  }
0xa7: {  	s6 =	sshll.u32 s26, $0x1;
	_ =	strace $0x80000046;
	[dreg:$0x1] =	wrdreg $0xFFFFFFFF  }
0xa8: {  	s28 =	simm.s32 $_size_execute0_lowered;
	s4 =	sadd.s32 s4, s6;
	[dreg:$0x0] =	wrdreg $0x0  }
0xa9: {  	s6 =	sshll.u32 s28, $0x1;
	[dreg:$0x2] =	wrdreg s4  }
0xaa: {  	[dreg:$0x3] =	wrdreg s6  }
0xab: {  	[dreg:$0x4] =	wrdreg $0xC0  }
0xac: {  	_ =	task [dreg:s8], $0x5FFFF  }
0xad: {  	[dreg:$0x1] =	wrdreg $0xFFFFFFFF  }
0xae: {  	[dreg:$0x0] =	wrdreg $0x60  }
0xaf: {  	[dreg:$0x2] =	wrdreg s2  }
0xb0: {  	[dreg:$0x3] =	wrdreg s18  }
0xb1: {  	[dreg:$0x4] =	wrdreg s24  }
0xb2: {  	[dreg:$0x5] =	wrdreg $0x9  }
0xb3: {  	_ =	task.clear_ibuf [dreg:s8], $0x6FFFF;
	_ =	strace $0x90000046  }
0xb4: {  	s29 =	simm.s32 $0x9;
	_ =	strace $0x80000048  }
0xb5: {  	_ =	swait.ge [sflag:s29], $0x1  }
0xb6: {  	[sflag:s29] =	ssyncadd.s32 $0xFFFFFFFF  }
0xb7: {  	_ =	strace $0x90000048  }
0xb8: {  	_ =	sfence  }
0xb9: {  	s30 =	sld [smem:$0x0];
	_ =	sdelay $0x2  }
0xba: {  	s31 =	sshll.u32 s1, $0xD;
	s1 =	sshrl.u32 s1, $0x2  }
0xbb: {  	s3 =	sand.u32 $0x4000, s31;
	s1 =	sadd.s32 s1, s30  }
0xbc: {  	s0 =	sor.u32 s3, s0;
	s1 =	sshll.u32 s1, $0x11  }
0xbd: {  	s0 =	sor.u32 s1, s0  }
0xbe: {  	s0 =	sadd.s32 $0x8F2B, s0  }
0xbf: {  	[sflag:s0] =	ssyncadd.remote.s32 $0x1  }
0xc0: {  	_ =	sfence.sel $0xFFFF  }
0xc1: {  	[dreg:$0x0] =	wrdreg $0xFFFFFFFF;
	(pc) =	sbr.abs _section_cstart, $3  }
0xc2: {  	[dreg:$0x1] =	wrdreg $0xFFFFFFFF  }
0xc3: {  	_ =	task.clear_ibuf [dreg:s8], $0x2FFFF;
	_ =	strace $0x9FFFFFFF  }
0xc4: {  	(tm) =	ssettm $0x7FFFFFFF  }
0xc5: {  	_ =	shalt  }
tec
execute0_lowered:
.L_overlay_start_1:
0x0: {  	(tag) =	ssettag $0x1  }
0x1: {  	v0 =	vimm.s32 $0xEFCDAB89;
	v1 =	vimm.s32 $0x67452301  }
0x2: {  	vm0 =	vcmask $0xB08;
	vm1 =	vcmask $0x300;
	v2 =	vimm.s32 $0x54761032  }
0x3: {  	s0 =	rddreg [dreg:$0x0];
	v3 =	vimm.s32 $0xBA98FEDC;
	v4 =	vimm.s32 $0x32107654;
	v0 =	vunpack.c.l.s4.s8 v0  }
0x4: {  	s1 =	rddreg [dreg:$0x1];
	v1 =	vunpack.c.l.s4.s8 v1;
	vm0 =	vmor vm1, vm0;
	vm1 =	vcmask $0x1310  }
0x5: {  	s2 =	rddreg [dreg:$0x2];
	s3 =	simm.s32 $0x0;
	vm2 =	vcmask $0x700;
	v2 =	vunpack.c.l.s4.s8 v2;
	vm0 =	vmor vm0, vm1  }
0x6: {  	s4 =	srdreg.scid;
	s5 =	stileid.u32;
	s17 =	simm.s32 $0x5;
	vm1 =	vcmask $0x1B18;
	v0 =	vunpack.c.0.s8.s32 v0;
	v1 =	vunpack.c.0.s8.s32 v1  }
0x7: {  	s18 =	simm.s32 $0xEED0;
	s19 =	simm.s32 $0xED98;
	s20 =	simm.s32 $0x107D0;
	v3 =	vunpack.c.l.s4.s8 v3;
	v4 =	vunpack.c.l.s4.s8 v4;
	vm0 =	vmor vm0, vm1  }
0x8: {  	s28 =	simm.s32 $0xEE68;
	s29 =	simm.s32 $0x139D0;
	s30 =	simm.s32 $0x2;
	vm1 =	vcmask $0x2320;
	v0 =	vcombine.low v1, v0;
	v1 =	vimm.s32 $0xDCFE98BA  }
0x9: {  	s31 =	simm.s32 $0xEBA0;
	[smem:$0x7FF] =	sst s3;
	s4 =	sand.u32 $0x1, s4;
	vm0 =	vmor vm0, vm1;
	vm1 =	vcmask $0x2B28;
	v1 =	vunpack.c.l.s4.s8 v1  }
0xa: {  	s5 =	sshll.u32 s5, $0x1;
	s21 =	sadd.s32 $0x16E3C00, s2;
	s6 =	sadd.s32 $0x600, s2;
	v2 =	vunpack.c.0.s8.s32 v2;
	vm0 =	vmor vm0, vm1;
	vm1 =	vcmask $0x3330  }
0xb: {  	_ =	strace $0x80000047;
	s7 =	sor.u32 s4, s5;
	[dreg:$0x4] =	wrdreg s21;
	vm0 =	vmor vm0, vm1;
	vm1 =	vcmask $0x3B38;
	v1 =	vunpack.c.0.s8.s32 v1  }
0xc: {  	vm3 =	vcmask $0xF00;
	s4 =	ssub.s32 $0x2, s4;
	s5 =	sadd.s32 $0xF42A00, s2;
	s21 =	simm.s32 $0xEE00;
	vm0 =	vmor vm0, vm1;
	vm1 =	vcmask $0x1710  }
0xd: {  	s8 =	smul.u32 $0xD00, s7;
	s22 =	sshrl.u32 s4, $0x1;
	s23 =	sshll.u32 s7, $0x6;
	v1 =	vcombine.low v2, v1;
	v2 =	vunpack.c.0.s8.s32 v3;
	v3 =	vunpack.c.0.s8.s32 v4  }
0xe: {  	s24 =	sshll.u32 s7, $0x8;
	s11 =	smul.u32 $0x6400, s7;
	s7 =	simm.s32 $0x0;
	vm1 =	vmor vm2, vm1;
	vm2 =	vcmask $0x2720;
	v4 =	vimm.s32 $0xFEDCBA98  }
0xf: {  	s2 =	ssub.s32 s4, s22;
	s0 =	sadd.s32 s0, s23;
	s10 =	sor.u32 $0x8, s24;
	v4 =	vunpack.c.l.s4.s8 v4;
	v2 =	vcombine.low v3, v2;
	v3 =	vimm.s32 $0x76543210  }
0x10: {  	s12 =	sor.u32 $0xC, s24;
	s23 =	simm.s32 $0xED30;
	s22 =	simm.s32 $0x6;
	vm1 =	vmor vm1, vm2;
	vm2 =	vcmask $0x3730;
	v3 =	vunpack.c.l.s4.s8 v3  }
0x11: {  	s8 =	sadd.s32 s1, s8;
	[dreg:$0x6] =	wrdreg s0;
	s26 =	smax.u32 s2, $0x1;
	vm1 =	vmor vm1, vm2;
	vm2 =	vcmask $0x2F20;
	v4 =	vunpack.c.0.s8.s32 v4  }
0x12: {  	s0 =	simm.s32 $0x3;
	s2 =	simm.s32 $0x156D0;
	[dreg:$0x5] =	wrdreg s8;
	v0 =	vand.u32 $0xF, v0;
	vm2 =	vmor vm3, vm2;
	v3 =	vunpack.c.0.s8.s32 v3  }
0x13: {  	s25 =	sadd.s32 $0x34, s8;
	[dreg:$0x8] =	wrdreg s26;
	s26 =	simm.s32 $0x120D0;
	vm3 =	vmmov $0xff;
	v1 =	vand.u32 $0xF, v1;
	v4 =	vand.u32 $0xF, v4  }
0x14: {  	s8 =	simm.s32 $0x7;
	[dreg:$0x7] =	wrdreg s25;
	s25 =	simm.s32 $0x64;
	v2 =	vand.u32 $0xF, v2;
	v3 =	vcombine.low v4, v3;
	v4 =	vlaneseq.u32  }
.LBB2_1:
0x15: {  	[dreg:$0x9] =	wrdreg s7  }
0x16: {  	s4 =	rddreg [dreg:$0x6];
	s13 =	simm.s32 $0x8  }
0x17: {  	[tilespmem:s3], [sflag:$0x8] =	stream.linear.gather [hbm4b:s4+s3], $0x200, $0x38;
	[tilespmem:$0x15860] =	vst v63  }
0x18: {  	_ =	swait.ge [sflag:s13], $0x200  }
0x19: {  	s7 =	simm.s32 $0x80;
	[sflag:s13] =	ssyncset.done $0x0  }
0x1a: {  	s9 =	simm.s32 $0x200;
	s4 =	rddreg [dreg:$0x4];
	[sflag:s13] =	ssyncadd.s32 $0xFFFFFE00  }
0x1b: {  	[tilespmem:s9], [sflag:$0x1] =	stream.indirect.gather [hbm4b:s4+s7], $0x40, s3, s7, $0xb8;
	[tilespmem:$0x15860] =	vst v63  }
0x1c: {  	s14 =	simm.s32 $0x2200  }
0x1d: {  	[tilespmem:s14], [sflag:$0x1] =	stream.indirect.gather [hbm4b:s4+s7], $0x40, s7, s7, $0xb8;
	[tilespmem:$0x15860] =	vst v63  }
0x1e: {  	s15 =	simm.s32 $0x100;
	s13 =	simm.s32 $0x4200  }
0x1f: {  	[tilespmem:s13], [sflag:$0x1] =	stream.indirect.gather [hbm4b:s4+s7], $0x40, s15, s7, $0xb8;
	[tilespmem:$0x15860] =	vst v63  }
0x20: {  	s16 =	simm.s32 $0x180;
	s24 =	simm.s32 $0x6200  }
0x21: {  	[tilespmem:s24], [sflag:$0x1] =	stream.indirect.gather [hbm4b:s4+s7], $0x40, s16, s7, $0xb8;
	[tilespmem:$0x15860] =	vst v63  }
0x22: {  	s14 =	simm.s32 $0x8200;
	s13 =	rddreg [dreg:$0x5]  }
0x23: {  	[tilespmem:s14], [sflag:$0x4] =	stream.linear.gather [hbm4b:s13+s3], $0x1A0, $0x38;
	[tilespmem:$0x15860] =	vst v63  }
0x24: {  	s15 =	rddreg [dreg:$0x7];
	s16 =	simm.s32 $0x4  }
0x25: {  	[tilespmem:s23], [sflag:$0x5] =	stream.linear.gather [hbm4b:s15+s3], $0x1A0, $0x38;
	[tilespmem:$0x15860] =	vst v63  }
0x26: {  	_ =	swait.ge [sflag:s16], $0x1A0  }
0x27: {  	[sflag:s16] =	ssyncset.done $0x0  }
0x28: {  	s24 =	simm.s32 $0x83A0;
	[sflag:s16] =	ssyncadd.s32 $0xFFFFFE60  }
0x29: {  	[tilespmem:s24], [sflag:$0x2] =	stream.indirect.gather [hbm4b:s5+s25], $0x40, s14, s25, $0xb8;
	[tilespmem:$0x15860] =	vst v63  }
0x2a: {  	s9 =	simm.s32 $0x9CA0;
	s7 =	simm.s32 $0x8268  }
0x2b: {  	[tilespmem:s9], [sflag:$0x2] =	stream.indirect.gather [hbm4b:s5+s25], $0x40, s7, s25, $0xb8;
	[tilespmem:$0x15860] =	vst v63  }
0x2c: {  	s13 =	simm.s32 $0x82D0;
	s14 =	simm.s32 $0xB5A0  }
0x2d: {  	[tilespmem:s14], [sflag:$0x2] =	stream.indirect.gather [hbm4b:s5+s25], $0x40, s13, s25, $0xb8;
	[tilespmem:$0x15860] =	vst v63  }
0x2e: {  	s15 =	simm.s32 $0x8338;
	s16 =	simm.s32 $0xCEA0;
	s24 =	simm.s32 $0x1  }
0x2f: {  	[tilespmem:s16], [sflag:$0x2] =	stream.indirect.gather [hbm4b:s5+s25], $0x40, s15, s25, $0xb8;
	[tilespmem:$0x15860] =	vst v63  }
0x30: {  	_ =	swait.ge [sflag:s24], $0x2000  }
0x31: {  	[sflag:s24] =	ssyncset.done $0x0  }
0x32: {  	[sflag:s24] =	ssyncadd.s32 $0xFFFFE000  }
0x33: {  	_ =	swait.ge [sflag:s24], $0x2000  }
0x34: {  	[sflag:s24] =	ssyncset.done $0x0  }
0x35: {  	[sflag:s24] =	ssyncadd.s32 $0xFFFFE000  }
0x36: {  	_ =	swait.ge [sflag:s24], $0x2000  }
0x37: {  	[sflag:s24] =	ssyncset.done $0x0  }
0x38: {  	[sflag:s24] =	ssyncadd.s32 $0xFFFFE000  }
0x39: {  	_ =	swait.ge [sflag:s24], $0x2000  }
0x3a: {  	[sflag:s24] =	ssyncset.done $0x0  }
0x3b: {  	s13 =	simm.s32 $0x0;
	[sflag:s24] =	ssyncadd.s32 $0xFFFFE000  }
.LBB2_2:
0x3c: {  	_ =	swait.ge [sflag:s17], $0x1A0  }
0x3d: {  	[sflag:s17] =	ssyncset.done $0x0  }
0x3e: {  	[sflag:s17] =	ssyncadd.s32 $0xFFFFFE60  }
0x3f: {  	[tilespmem:s18], [sflag:$0x3] =	stream.indirect.gather [hbm4b:s5+s25], $0x40, s23, s25, $0xb8;
	[tilespmem:$0x15860] =	vst v63  }
0x40: {  	_ = 	snop  }
0x41: {  	[tilespmem:s20], [sflag:$0x3] =	stream.indirect.gather [hbm4b:s5+s25], $0x40, s19, s25, $0xb8;
	[tilespmem:$0x15860] =	vst v63  }
0x42: {  	_ = 	snop  }
0x43: {  	[tilespmem:s26], [sflag:$0x3] =	stream.indirect.gather [hbm4b:s5+s25], $0x40, s21, s25, $0xb8;
	[tilespmem:$0x15860] =	vst v63  }
0x44: {  	_ = 	snop  }
0x45: {  	[tilespmem:s29], [sflag:$0x3] =	stream.indirect.gather [hbm4b:s5+s25], $0x40, s28, s25, $0xb8;
	[tilespmem:$0x15860] =	vst v63  }
0x46: {  	_ =	swait.ge [sflag:s30], $0x1900  }
0x47: {  	[sflag:s30] =	ssyncset.done $0x0  }
0x48: {  	[sflag:s30] =	ssyncadd.s32 $0xFFFFE700  }
0x49: {  	_ =	swait.ge [sflag:s30], $0x1900  }
0x4a: {  	[sflag:s30] =	ssyncset.done $0x0  }
0x4b: {  	p0 =	seq.s32 s13, $0x1F;
	[sflag:s30] =	ssyncadd.s32 $0xFFFFE700  }
0x4c: {  	p1 =	seq.s32 @!p0 s13, $0x0;
	_ =	swait.ge [sflag:s30], $0x1900  }
0x4d: {  	s14 =	sshll.u32 @!p0 s13, $0x3;
	p1 =	por p0, !p1;
	[sflag:s30] =	ssyncset.done $0x0  }
.Ltmp0:
0x4e: {  	s4 =	sadd.s32 @!p0 s14, s10;
	[sflag:s30] =	ssyncadd.s32 $0xFFFFE700;
	(pc) =	sbr.rel @!p1 .LBB2_3-.Ltmp0, $4  }
0x4f: {  	s4 =	smul.u32 @!p0 $0xD, s4;
	_ =	swait.ge [sflag:s30], $0x1900  }
0x50: {  	s7 =	simm.s32 @!p0 $0x0;
	[sflag:s30] =	ssyncset.done $0x0  }
0x51: {  	s15 =	simm.s32 @!p0 $0x8200;
	s4 =	sadd.s32 @!p0 s1, s4;
	[sflag:s30] =	ssyncadd.s32 $0xFFFFE700  }
0x52: {  	[tilespmem:s15], [sflag:$0x4] =	stream.linear.gather @!p0 [hbm4b:s4+s7], $0x1A0, $0x38;
	[tilespmem:$0x15860] =	vst v63  }
.Ltmp1:
0x53: {  	(pc) =	sbr.rel .LBB2_5-.Ltmp1, $4  }
0x54: {  	_ = 	snop  }
0x55: {  	_ =	swait.ge [sflag:s22], $0x190  }
0x56: {  	[sflag:s22] =	ssyncset.done $0x0  }
0x57: {  	p1 =	por $0x0, $0x0;
	[sflag:s22] =	ssyncadd.s32 $0xFFFFFE70  }
.LBB2_3:
0x58: {  	p1 =	por @!p0 $0x1, $0x1  }
.LBB2_5:
0x59: {  	s4 =	sshll.u32 s13, $0xA  }
0x5a: {  	s4 =	sand.u32 $0x3FFFFC00, s4  }
0x5b: {  	s4 =	sor.u32 $0x200, s4  }
0x5c: {  	v5 =	vmov s4;
	_ =	sdelay $0x1  }
0x5d: {  	s7 =	sshllo.u32 s13, $0x1;
	s24 =	simm.s32 $0x0  }
.LBB2_6:
0x5e: {  	s4 =	sshll.u32 s24, $0x6  }
0x5f: {  	s4 =	sand.u32 $0x3FFFFFC0, s4  }
0x60: {  	v9 =	vld.idx.msk [tilespmem:v5+s4+$0x0 ss:$0x1], $0xffff  }
0x61: {  	s15 =	smul.u32 $0x3200, s24;
	v8 =	vld.idx.msk [tilespmem:v5+s4+$0x10 ss:$0x1], $0xffff  }
0x62: {  	v7 =	vld.idx.msk [tilespmem:v5+s4+$0x20 ss:$0x1], $0xffff  }
0x63: {  	v6 =	vld.idx.msk [tilespmem:v5+s4+$0x30 ss:$0x1], $0xffff;
	s15 =	sshra.s32 s15, $0x2  }
0x64: {  	v10 =	vld [tilespmem:s15+$0x83A0]  }
0x65: {  	v11 =	vld [tilespmem:s15+$0x83B0]  }
0x66: {  	v12 =	vld [tilespmem:s15+$0x83C0]  }
0x67: {  	v13 =	vld [tilespmem:s15+$0x83D0]  }
0x68: {  	v14 =	vld [tilespmem:s15+$0x83E0]  }
0x69: {  	v15 =	vld [tilespmem:s15+$0x83F0]  }
0x6a: {  	v16 =	vld [tilespmem:s15+$0x8400]  }
0x6b: {  	v17 =	vld [tilespmem:s15+$0x8410]  }
0x6c: {  	v18 =	vld [tilespmem:s15+$0x8420]  }
0x6d: {  	v19 =	vld [tilespmem:s15+$0x8430]  }
0x6e: {  	v20 =	vld [tilespmem:s15+$0x8440]  }
0x6f: {  	v21 =	vld [tilespmem:s15+$0x8450]  }
0x70: {  	v22 =	vld [tilespmem:s15+$0x8460]  }
0x71: {  	v23 =	vld [tilespmem:s15+$0x8470]  }
0x72: {  	v24 =	vld [tilespmem:s15+$0x8480]  }
0x73: {  	v25 =	vld [tilespmem:s15+$0x8490]  }
0x74: {  	v26 =	vld [tilespmem:s15+$0x84A0]  }
0x75: {  	v27 =	vld [tilespmem:s15+$0x84B0]  }
0x76: {  	v28 =	vld [tilespmem:s15+$0x84C0]  }
0x77: {  	v29 =	vld [tilespmem:s15+$0x84D0]  }
0x78: {  	v30 =	vld [tilespmem:s15+$0x84E0]  }
0x79: {  	v31 =	vld [tilespmem:s15+$0x84F0]  }
0x7a: {  	v32 =	vld [tilespmem:s15+$0x8500]  }
0x7b: {  	v33 =	vld [tilespmem:s15+$0x8510]  }
0x7c: {  	v34 =	vld [tilespmem:s15+$0x8520]  }
0x7d: {  	v35 =	vld [tilespmem:s15+$0x8530]  }
0x7e: {  	v36 =	vld [tilespmem:s15+$0x8540]  }
0x7f: {  	v37 =	vld [tilespmem:s15+$0x8550];
	v10 =	vmul.f32 v10, v9;
	v11 =	vmul.f32 v11, v8  }
0x80: {  	v38 =	vld [tilespmem:s15+$0x8560];
	v14 =	vmul.f32 v14, v9;
	v15 =	vmul.f32 v15, v8  }
0x81: {  	v39 =	vld [tilespmem:s15+$0x8570];
	v51 =	vmul.f32 v12, v7;
	v13 =	vmul.f32 v13, v6  }
0x82: {  	v40 =	vld [tilespmem:s15+$0x8580];
	v52 =	vmul.f32 v16, v7;
	v53 =	vmul.f32 v18, v9  }
0x83: {  	v41 =	vld [tilespmem:s15+$0x8590];
	v54 =	vmul.f32 v19, v8;
	v55 =	vmul.f32 v22, v9  }
0x84: {  	v42 =	vld [tilespmem:s15+$0x85A0];
	v56 =	vmul.f32 v23, v8;
	v17 =	vmul.f32 v17, v6  }
0x85: {  	v50 =	vld [tilespmem:s15+$0x8660];
	v57 =	vmul.f32 v20, v7;
	v59 =	vmul.f32 v24, v7  }
0x86: {  	v12 =	vld [tilespmem:s15+$0x85B0];
	v60 =	vmul.f32 v21, v6;
	v61 =	vmul.f32 v25, v6  }
0x87: {  	v16 =	vld [tilespmem:s15+$0x85C0];
	v62 =	vmul.f32 v26, v9;
	v63 =	vmul.f32 v27, v8  }
0x88: {  	v19 =	vld [tilespmem:s15+$0x85D0];
	v43 =	vmul.f32 v28, v7;
	v44 =	vmul.f32 v30, v9  }
0x89: {  	v23 =	vld [tilespmem:s15+$0x85E0];
	v45 =	vmul.f32 v31, v8;
	v46 =	vmul.f32 v29, v6  }
0x8a: {  	v20 =	vld [tilespmem:s15+$0x85F0];
	v47 =	vmul.f32 v32, v7;
	v48 =	vmul.f32 v34, v9  }
0x8b: {  	v22 =	vld [tilespmem:s15+$0x8600];
	v49 =	vmul.f32 v35, v8;
	v10 =	vadd.f32 v11, v10;
	v14 =	vadd.f32 v15, v14  }
0x8c: {  	v18 =	vld [tilespmem:s15+$0x8610];
	v33 =	vmul.f32 v33, v6;
	v11 =	vadd.f32 v54, v53;
	v58 =	vadd.f32 v56, v55  }
0x8d: {  	v24 =	vld [tilespmem:s15+$0x8620];
	v15 =	vadd.f32 v45, v44;
	v54 =	vmul.f32 v36, v7;
	v56 =	vmul.f32 v40, v7  }
0x8e: {  	v26 =	vld [tilespmem:s15+$0x8630];
	v10 =	vadd.f32 v51, v10;
	v14 =	vadd.f32 v52, v14;
	v51 =	vmul.f32 v38, v9  }
0x8f: {  	v28 =	vld [tilespmem:s15+$0x8640];
	v52 =	vmul.f32 v39, v8;
	v15 =	vadd.f32 v47, v15;
	v47 =	vmul.f32 v50, v9  }
0x90: {  	v30 =	vld [tilespmem:s15+$0x8650];
	v12 =	vmul.f32 v12, v8;
	v23 =	vmul.f32 v23, v9  }
0x91: {  	v53 =	vld [tilespmem:s15+$0x8670];
	v27 =	vadd.f32 v49, v48;
	v20 =	vmul.f32 v20, v8;
	v16 =	vmul.f32 v16, v7  }
0x92: {  	v55 =	vld [tilespmem:s15+$0x8680];
	v11 =	vadd.f32 v57, v11;
	v19 =	vmul.f32 v19, v6;
	v22 =	vmul.f32 v22, v7  }
0x93: {  	v40 =	vld [tilespmem:s15+$0x86C0];
	v18 =	vmul.f32 v18, v6;
	v44 =	vmul.f32 v24, v9;
	v10 =	vadd.f32 v13, v10  }
0x94: {  	v49 =	vld [tilespmem:s15+$0x8710];
	v45 =	vmul.f32 v26, v8;
	v14 =	vadd.f32 v17, v14;
	v13 =	vadd.f32 v59, v58  }
0x95: {  	v57 =	vld [tilespmem:s15+$0x8690];
	v50 =	vmul.f32 v28, v7;
	v11 =	vadd.f32 v60, v11;
	v17 =	vadd.f32 v63, v62  }
0x96: {  	v38 =	vld [tilespmem:s15+$0x8750];
	v25 =	vadd.f32 v52, v51;
	v58 =	vadd.f32 v54, v27;
	v59 =	vmul.f32 v37, v6  }
0x97: {  	v39 =	vld [tilespmem:s15+$0x8790];
	v15 =	vadd.f32 v33, v15;
	v63 =	vmul.f32 v42, v9;
	v20 =	vadd.f32 v20, v23  }
0x98: {  	v60 =	vld [tilespmem:s15+$0x86A0];
	v48 =	vmul.f32 v53, v8;
	v53 =	vmul.f32 v55, v7;
	v13 =	vadd.f32 v61, v13  }
0x99: {  	v62 =	vld [tilespmem:s15+$0x86B0];
	v55 =	vmul.f32 v30, v6;
	v17 =	vadd.f32 v43, v17;
	v25 =	vadd.f32 v56, v25  }
0x9a: {  	v42 =	vld [tilespmem:s15+$0x86E0];
	v61 =	vmul.f32 v41, v6;
	v21 =	vadd.f32 v59, v58;
	v12 =	vadd.f32 v12, v63  }
0x9b: {  	v51 =	vld [tilespmem:s15+$0x8720];
	v63 =	vmul.f32 v40, v7;
	v20 =	vadd.f32 v22, v20;
	v56 =	vmul.f32 v57, v6  }
0x9c: {  	v54 =	vld [tilespmem:s15+$0x8730];
	v52 =	vadd.f32 v48, v47;
	v26 =	vmul.f32 v38, v6;
	v47 =	vperm.xlane v11, v0  }
0x9d: {  	v12 =	vadd.f32 v16, v12;
	v16 =	vadd.f32 v45, v44;
	v44 =	vmul.f32 v39, v6  }
0x9e: {  	v17 =	vadd.f32 v46, v17;
	v45 =	vperm.xlane v10, v0;
	v48 =	vperm.xlane v13, v0  }
0x9f: {  	v36 =	vld [tilespmem:s15+$0x8780];
	v25 =	vadd.f32 v61, v25;
	v58 =	vmul.f32 v60, v9;
	v59 =	vmul.f32 v62, v8  }
0xa0: {  	v43 =	vld [tilespmem:s15+$0x86F0];
	v18 =	vadd.f32 v18, v20;
	v61 =	vmul.f32 v42, v9;
	v24 =	vmul.f32 v51, v9  }
0xa1: {  	v41 =	vld [tilespmem:s15+$0x86D0];
	v20 =	vadd.f32 v53, v52;
	v28 =	vmul.f32 v54, v8;
	v42 =	vmul.f32 v49, v6  }
0xa2: {  	v11 =	vadd.f32 v47, v11;
	v51 =	vperm.xlane v21, v0;
	v12 =	vadd.f32 v19, v12  }
0xa3: {  	v57 =	vld [tilespmem:s15+$0x8760];
	v16 =	vadd.f32 v50, v16;
	v10 =	vadd.f32 v45, v10;
	v49 =	vperm.xlane v17, v0  }
0xa4: {  	v13 =	vadd.f32 v48, v13;
	v50 =	vperm.xlane v15, v0;
	v52 =	vperm.xlane v25, v0  }
0xa5: {  	v46 =	vld [tilespmem:s15+$0x8700];
	v23 =	vmul.f32 v43, v8;
	v20 =	vadd.f32 v56, v20;
	v22 =	vadd.f32 v59, v58  }
0xa6: {  	v60 =	vld [tilespmem:s15+$0x8770];
	v33 =	vmul.f32 v41, v6;
	v24 =	vadd.f32 v28, v24;
	v43 =	vmul.f32 v36, v7  }
0xa7: {  	v62 =	vld [tilespmem:s15+$0x8740];
	v21 =	vadd.f32 v51, v21;
	v54 =	vperm.xlane v18, v0;
	v16 =	vadd.f32 v55, v16  }
0xa8: {  	v40 =	vmul.f32 v57, v9;
	v17 =	vadd.f32 v49, v17;
	v53 =	vperm.xlane v12, v0  }
0xa9: {  	v15 =	vadd.f32 v50, v15;
	v25 =	vadd.f32 v52, v25;
	v11 =	vsel vm0, v11, v13  }
0xaa: {  	v19 =	vadd.f32 v23, v61;
	v37 =	vmul.f32 v46, v7;
	v22 =	vadd.f32 v63, v22  }
0xab: {  	v46 =	vperm.xlane v14, v0;
	v18 =	vadd.f32 v54, v18;
	v56 =	vperm.xlane v20, v0  }
0xac: {  	v41 =	vmul.f32 v60, v8;
	v27 =	vmul.f32 v62, v7;
	v12 =	vadd.f32 v53, v12  }
0xad: {  	v55 =	vperm.xlane v16, v0;
	v61 =	vsel vm0, v17, v15;
	v19 =	vadd.f32 v37, v19  }
0xae: {  	v62 =	vsel vm0, v21, v25;
	v22 =	vadd.f32 v33, v22;
	v23 =	vadd.f32 v41, v40  }
0xaf: {  	v14 =	vadd.f32 v46, v14;
	v20 =	vadd.f32 v56, v20;
	v29 =	vperm.xlane v61, v1  }
0xb0: {  	v30 =	vperm.xlane v62, v1;
	v24 =	vadd.f32 v27, v24;
	v23 =	vadd.f32 v43, v23  }
0xb1: {  	v16 =	vadd.f32 v55, v16;
	v12 =	vsel vm0, v12, v18;
	v19 =	vadd.f32 v42, v19  }
0xb2: {  	v57 =	vperm.xlane v22, v0;
	v24 =	vadd.f32 v26, v24;
	v23 =	vadd.f32 v44, v23  }
0xb3: {  	v10 =	vsel vm0, v10, v14;
	v31 =	vperm.xlane v12, v1;
	v58 =	vperm.xlane v19, v0  }
0xb4: {  	v13 =	vadd.f32 v29, v61;
	v59 =	vperm.xlane v24, v0;
	v60 =	vperm.xlane v23, v0  }
0xb5: {  	v63 =	vsel vm0, v16, v20;
	v22 =	vadd.f32 v57, v22;
	v19 =	vadd.f32 v58, v19  }
0xb6: {  	v25 =	vperm.xlane v10, v1;
	v24 =	vadd.f32 v59, v24;
	v23 =	vadd.f32 v60, v23  }
0xb7: {  	v14 =	vadd.f32 v30, v62;
	v26 =	vperm.xlane v11, v1;
	v32 =	vperm.xlane v63, v1  }
0xb8: {  	v12 =	vadd.f32 v31, v12;
	v27 =	vsel vm0, v22, v19;
	v28 =	vsel vm0, v24, v23  }
0xb9: {  	v10 =	vadd.f32 v25, v10;
	v33 =	vperm.xlane v27, v1;
	v34 =	vperm.xlane v28, v1  }
0xba: {  	v11 =	vadd.f32 v26, v11;
	v15 =	vadd.f32 v32, v63  }
0xbb: {  	v36 =	vsel vm1, v13, v14;
	v16 =	vadd.f32 v33, v27;
	v35 =	vadd.f32 v34, v28  }
0xbc: {  	v39 =	vperm.xlane v36, v2;
	v10 =	vsel vm1, v10, v11  }
0xbd: {  	v12 =	vsel vm1, v12, v15;
	v38 =	vperm.xlane v10, v2;
	v37 =	vsel vm1, v16, v35  }
0xbe: {  	v40 =	vperm.xlane v12, v2;
	v17 =	vperm.xlane v37, v2  }
0xbf: {  	v11 =	vadd.f32 v39, v36;
	v10 =	vadd.f32 v38, v10  }
0xc0: {  	v12 =	vadd.f32 v40, v12;
	v13 =	vadd.f32 v17, v37  }
0xc1: {  	s4 =	smul.u32 $0x32, s24  }
0xc2: {  	v10 =	vsel vm2, v10, v11;
	v41 =	vsel vm2, v12, v13  }
0xc3: {  	v43 =	vadd.s32 s4, v4;
	v42 =	vperm.xlane v10, v3;
	v13 =	vperm.xlane v41, v3;
	_ =	sdelay $0x1  }
0xc4: {  	v10 =	vadd.f32 v42, v10;
	v11 =	vadd.f32 v13, v41  }
0xc5: {  	s16 =	sadd.s32 $0x10, s4  }
0xc6: {  	s9 =	sshll.u32 s16, $0x6;
	v10 =	vsel vm3, v10, v11  }
0xc7: {  	s9 =	sand.u32 $0x3FFFFF80, s9;
	[tilespmem:v43+s31+$0x0] =	vst.idx.msk $0xffff, v10  }
0xc8: {  	v10 =	vld [tilespmem:s9+$0x83A0]  }
0xc9: {  	v44 =	vld [tilespmem:s9+$0x83B0]  }
0xca: {  	v51 =	vld [tilespmem:s9+$0x83C0]  }
0xcb: {  	v52 =	vld [tilespmem:s9+$0x83D0]  }
0xcc: {  	v14 =	vld [tilespmem:s15+$0x87E0]  }
0xcd: {  	v53 =	vld [tilespmem:s15+$0x87F0]  }
0xce: {  	v54 =	vld [tilespmem:s15+$0x8800]  }
0xcf: {  	v17 =	vld [tilespmem:s15+$0x8810]  }
0xd0: {  	v55 =	vld [tilespmem:s15+$0x8820]  }
0xd1: {  	v56 =	vld [tilespmem:s15+$0x8830]  }
0xd2: {  	v57 =	vld [tilespmem:s15+$0x8840]  }
0xd3: {  	v21 =	vld [tilespmem:s15+$0x8850]  }
0xd4: {  	v58 =	vld [tilespmem:s15+$0x8860]  }
0xd5: {  	v59 =	vld [tilespmem:s15+$0x8870]  }
0xd6: {  	v60 =	vld [tilespmem:s15+$0x8880]  }
0xd7: {  	v61 =	vld [tilespmem:s15+$0x8890]  }
0xd8: {  	v62 =	vld [tilespmem:s15+$0x88A0]  }
0xd9: {  	v63 =	vld [tilespmem:s15+$0x88B0]  }
0xda: {  	v45 =	vld [tilespmem:s15+$0x88C0]  }
0xdb: {  	v29 =	vld [tilespmem:s15+$0x88D0]  }
0xdc: {  	v46 =	vld [tilespmem:s15+$0x88E0]  }
0xdd: {  	v47 =	vld [tilespmem:s15+$0x88F0]  }
0xde: {  	v48 =	vld [tilespmem:s15+$0x8900]  }
0xdf: {  	v33 =	vld [tilespmem:s15+$0x8910]  }
0xe0: {  	v49 =	vld [tilespmem:s15+$0x8920]  }
0xe1: {  	v50 =	vld [tilespmem:s15+$0x8930]  }
0xe2: {  	v36 =	vld [tilespmem:s15+$0x8940];
	v10 =	vmul.f32 v10, v9  }
0xe3: {  	v37 =	vld [tilespmem:s15+$0x8950];
	v11 =	vmul.f32 v44, v8;
	v14 =	vmul.f32 v14, v9  }
0xe4: {  	v38 =	vld [tilespmem:s15+$0x8960];
	v15 =	vmul.f32 v53, v8;
	v51 =	vmul.f32 v51, v7  }
0xe5: {  	v39 =	vld [tilespmem:s15+$0x8970];
	v13 =	vmul.f32 v52, v6;
	v52 =	vmul.f32 v54, v7  }
0xe6: {  	v40 =	vld [tilespmem:s15+$0x8980];
	v53 =	vmul.f32 v55, v9;
	v54 =	vmul.f32 v56, v8  }
0xe7: {  	v41 =	vld [tilespmem:s15+$0x8990];
	v55 =	vmul.f32 v58, v9;
	v56 =	vmul.f32 v59, v8  }
0xe8: {  	v12 =	vld [tilespmem:s15+$0x89B0];
	v17 =	vmul.f32 v17, v6;
	v57 =	vmul.f32 v57, v7  }
0xe9: {  	v16 =	vld [tilespmem:s15+$0x89C0];
	v59 =	vmul.f32 v60, v7;
	v60 =	vmul.f32 v21, v6  }
0xea: {  	v23 =	vld [tilespmem:s15+$0x89E0];
	v61 =	vmul.f32 v61, v6;
	v62 =	vmul.f32 v62, v9  }
0xeb: {  	v20 =	vld [tilespmem:s15+$0x89F0];
	v63 =	vmul.f32 v63, v8;
	v43 =	vmul.f32 v45, v7  }
0xec: {  	v19 =	vld [tilespmem:s15+$0x89D0];
	v44 =	vmul.f32 v46, v9;
	v45 =	vmul.f32 v47, v8  }
0xed: {  	v22 =	vld [tilespmem:s15+$0x8A00];
	v46 =	vmul.f32 v29, v6;
	v47 =	vmul.f32 v48, v7  }
0xee: {  	v18 =	vld [tilespmem:s15+$0x8A10];
	v48 =	vmul.f32 v49, v9;
	v49 =	vmul.f32 v50, v8  }
0xef: {  	v42 =	vld [tilespmem:s15+$0x89A0];
	v33 =	vmul.f32 v33, v6;
	v12 =	vmul.f32 v12, v8  }
0xf0: {  	v24 =	vld [tilespmem:s15+$0x8A20];
	v23 =	vmul.f32 v23, v9;
	v20 =	vmul.f32 v20, v8  }
0xf1: {  	v26 =	vld [tilespmem:s15+$0x8A30];
	v16 =	vmul.f32 v16, v7;
	v19 =	vmul.f32 v19, v6;
	v10 =	vadd.f32 v11, v10  }
0xf2: {  	v28 =	vld [tilespmem:s15+$0x8A40];
	v22 =	vmul.f32 v22, v7;
	v14 =	vadd.f32 v15, v14;
	v11 =	vadd.f32 v54, v53  }
0xf3: {  	v30 =	vld [tilespmem:s15+$0x8A50];
	v18 =	vmul.f32 v18, v6;
	v58 =	vadd.f32 v56, v55;
	v15 =	vadd.f32 v45, v44  }
0xf4: {  	v50 =	vld [tilespmem:s15+$0x8A60];
	v27 =	vadd.f32 v49, v48;
	v54 =	vmul.f32 v36, v7;
	v56 =	vmul.f32 v40, v7  }
0xf5: {  	v53 =	vld [tilespmem:s15+$0x8A70];
	v20 =	vadd.f32 v20, v23;
	v44 =	vmul.f32 v24, v9;
	v10 =	vadd.f32 v51, v10  }
0xf6: {  	v55 =	vld [tilespmem:s15+$0x8A80];
	v45 =	vmul.f32 v26, v8;
	v14 =	vadd.f32 v52, v14;
	v11 =	vadd.f32 v57, v11  }
0xf7: {  	v40 =	vld [tilespmem:s15+$0x8AC0];
	v51 =	vmul.f32 v38, v9;
	v15 =	vadd.f32 v47, v15;
	v20 =	vadd.f32 v22, v20  }
0xf8: {  	v49 =	vld [tilespmem:s15+$0x8B10];
	v52 =	vmul.f32 v39, v8;
	v10 =	vadd.f32 v13, v10;
	v14 =	vadd.f32 v17, v14  }
0xf9: {  	v57 =	vld [tilespmem:s15+$0x8A90];
	v47 =	vmul.f32 v50, v9;
	v13 =	vadd.f32 v59, v58;
	v11 =	vadd.f32 v60, v11  }
0xfa: {  	v38 =	vld [tilespmem:s15+$0x8B50];
	v50 =	vmul.f32 v28, v7;
	v17 =	vadd.f32 v63, v62;
	v25 =	vadd.f32 v52, v51  }
0xfb: {  	v39 =	vld [tilespmem:s15+$0x8B90];
	v58 =	vadd.f32 v54, v27;
	v59 =	vmul.f32 v37, v6;
	v15 =	vadd.f32 v33, v15  }
0xfc: {  	v60 =	vld [tilespmem:s15+$0x8AA0];
	v63 =	vmul.f32 v42, v9;
	v18 =	vadd.f32 v18, v20;
	v48 =	vmul.f32 v53, v8  }
0xfd: {  	v62 =	vld [tilespmem:s15+$0x8AB0];
	v53 =	vmul.f32 v55, v7;
	v55 =	vmul.f32 v30, v6;
	v13 =	vadd.f32 v61, v13  }
0xfe: {  	v42 =	vld [tilespmem:s15+$0x8AE0];
	v17 =	vadd.f32 v43, v17;
	v25 =	vadd.f32 v56, v25;
	v61 =	vmul.f32 v41, v6  }
0xff: {  	v51 =	vld [tilespmem:s15+$0x8B20];
	v12 =	vadd.f32 v12, v63;
	v63 =	vmul.f32 v40, v7;
	v56 =	vmul.f32 v57, v6  }
0x100: {  	v54 =	vld [tilespmem:s15+$0x8B30];
	v52 =	vadd.f32 v48, v47;
	v26 =	vmul.f32 v38, v6;
	v47 =	vperm.xlane v11, v0  }
0x101: {  	v12 =	vadd.f32 v16, v12;
	v16 =	vadd.f32 v45, v44;
	v44 =	vmul.f32 v39, v6  }
0x102: {  	v21 =	vadd.f32 v59, v58;
	v45 =	vperm.xlane v10, v0;
	v48 =	vperm.xlane v13, v0  }
0x103: {  	v17 =	vadd.f32 v46, v17;
	v58 =	vmul.f32 v60, v9;
	v59 =	vmul.f32 v62, v8  }
0x104: {  	v43 =	vld [tilespmem:s15+$0x8AF0];
	v25 =	vadd.f32 v61, v25;
	v61 =	vmul.f32 v42, v9;
	v24 =	vmul.f32 v51, v9  }
0x105: {  	v41 =	vld [tilespmem:s15+$0x8AD0];
	v20 =	vadd.f32 v53, v52;
	v28 =	vmul.f32 v54, v8;
	v42 =	vmul.f32 v49, v6  }
0x106: {  	v36 =	vld [tilespmem:s15+$0x8B80];
	v11 =	vadd.f32 v47, v11;
	v51 =	vperm.xlane v21, v0;
	v12 =	vadd.f32 v19, v12  }
0x107: {  	v57 =	vld [tilespmem:s15+$0x8B60];
	v54 =	vperm.xlane v18, v0;
	v16 =	vadd.f32 v50, v16;
	v10 =	vadd.f32 v45, v10  }
0x108: {  	v49 =	vperm.xlane v17, v0;
	v13 =	vadd.f32 v48, v13;
	v50 =	vperm.xlane v15, v0  }
0x109: {  	v46 =	vld [tilespmem:s15+$0x8B00];
	v52 =	vperm.xlane v25, v0;
	v23 =	vmul.f32 v43, v8;
	v20 =	vadd.f32 v56, v20  }
0x10a: {  	v60 =	vld [tilespmem:s15+$0x8B70];
	v22 =	vadd.f32 v59, v58;
	v33 =	vmul.f32 v41, v6;
	v24 =	vadd.f32 v28, v24  }
0x10b: {  	v62 =	vld [tilespmem:s15+$0x8B40];
	v43 =	vmul.f32 v36, v7;
	v21 =	vadd.f32 v51, v21;
	v18 =	vadd.f32 v54, v18  }
0x10c: {  	v16 =	vadd.f32 v55, v16;
	v40 =	vmul.f32 v57, v9;
	v17 =	vadd.f32 v49, v17  }
0x10d: {  	v53 =	vperm.xlane v12, v0;
	v15 =	vadd.f32 v50, v15;
	v25 =	vadd.f32 v52, v25  }
0x10e: {  	v11 =	vsel vm0, v11, v13;
	v19 =	vadd.f32 v23, v61;
	v37 =	vmul.f32 v46, v7  }
0x10f: {  	v22 =	vadd.f32 v63, v22;
	v46 =	vperm.xlane v14, v0;
	v56 =	vperm.xlane v20, v0  }
0x110: {  	v41 =	vmul.f32 v60, v8;
	v27 =	vmul.f32 v62, v7;
	v12 =	vadd.f32 v53, v12  }
0x111: {  	v55 =	vperm.xlane v16, v0;
	v61 =	vsel vm0, v17, v15;
	v19 =	vadd.f32 v37, v19  }
0x112: {  	v62 =	vsel vm0, v21, v25;
	v22 =	vadd.f32 v33, v22;
	v23 =	vadd.f32 v41, v40  }
0x113: {  	v14 =	vadd.f32 v46, v14;
	v20 =	vadd.f32 v56, v20;
	v29 =	vperm.xlane v61, v1  }
0x114: {  	v30 =	vperm.xlane v62, v1;
	v24 =	vadd.f32 v27, v24;
	v23 =	vadd.f32 v43, v23  }
0x115: {  	v16 =	vadd.f32 v55, v16;
	v12 =	vsel vm0, v12, v18;
	v19 =	vadd.f32 v42, v19  }
0x116: {  	v57 =	vperm.xlane v22, v0;
	v24 =	vadd.f32 v26, v24;
	v23 =	vadd.f32 v44, v23  }
0x117: {  	v10 =	vsel vm0, v10, v14;
	v31 =	vperm.xlane v12, v1;
	v58 =	vperm.xlane v19, v0  }
0x118: {  	v13 =	vadd.f32 v29, v61;
	v59 =	vperm.xlane v24, v0;
	v60 =	vperm.xlane v23, v0  }
0x119: {  	v63 =	vsel vm0, v16, v20;
	v22 =	vadd.f32 v57, v22;
	v19 =	vadd.f32 v58, v19  }
0x11a: {  	v25 =	vperm.xlane v10, v1;
	v24 =	vadd.f32 v59, v24;
	v23 =	vadd.f32 v60, v23  }
0x11b: {  	v14 =	vadd.f32 v30, v62;
	v26 =	vperm.xlane v11, v1;
	v32 =	vperm.xlane v63, v1  }
0x11c: {  	v12 =	vadd.f32 v31, v12;
	v27 =	vsel vm0, v22, v19;
	v28 =	vsel vm0, v24, v23  }
0x11d: {  	v10 =	vadd.f32 v25, v10;
	v33 =	vperm.xlane v27, v1;
	v34 =	vperm.xlane v28, v1  }
0x11e: {  	v11 =	vadd.f32 v26, v11;
	v15 =	vadd.f32 v32, v63  }
0x11f: {  	v36 =	vsel vm1, v13, v14;
	v16 =	vadd.f32 v33, v27;
	v35 =	vadd.f32 v34, v28  }
0x120: {  	v39 =	vperm.xlane v36, v2;
	v10 =	vsel vm1, v10, v11  }
0x121: {  	v12 =	vsel vm1, v12, v15;
	v38 =	vperm.xlane v10, v2;
	v37 =	vsel vm1, v16, v35  }
0x122: {  	v40 =	vperm.xlane v12, v2;
	v17 =	vperm.xlane v37, v2  }
0x123: {  	v11 =	vadd.f32 v39, v36;
	v10 =	vadd.f32 v38, v10  }
0x124: {  	v12 =	vadd.f32 v40, v12;
	v13 =	vadd.f32 v17, v37;
	_ =	sdelay $0x1  }
0x125: {  	v10 =	vsel vm2, v10, v11;
	v41 =	vsel vm2, v12, v13  }
0x126: {  	v43 =	vadd.s32 s16, v4;
	v42 =	vperm.xlane v10, v3;
	v13 =	vperm.xlane v41, v3;
	_ =	sdelay $0x1  }
0x127: {  	v10 =	vadd.f32 v42, v10;
	v11 =	vadd.f32 v13, v41  }
0x128: {  	s16 =	sadd.s32 $0x20, s4  }
0x129: {  	s9 =	sshll.u32 s16, $0x6;
	v10 =	vsel vm3, v10, v11  }
0x12a: {  	s9 =	sand.u32 $0x3FFFFF80, s9;
	[tilespmem:v43+s31+$0x0] =	vst.idx.msk $0xffff, v10  }
0x12b: {  	v10 =	vld [tilespmem:s9+$0x83A0]  }
0x12c: {  	v44 =	vld [tilespmem:s9+$0x83B0]  }
0x12d: {  	v50 =	vld [tilespmem:s9+$0x83C0]  }
0x12e: {  	v51 =	vld [tilespmem:s9+$0x83D0]  }
0x12f: {  	v14 =	vld [tilespmem:s15+$0x8BE0]  }
0x130: {  	v52 =	vld [tilespmem:s15+$0x8BF0]  }
0x131: {  	v53 =	vld [tilespmem:s15+$0x8C00]  }
0x132: {  	v17 =	vld [tilespmem:s15+$0x8C10]  }
0x133: {  	v54 =	vld [tilespmem:s15+$0x8C20]  }
0x134: {  	v55 =	vld [tilespmem:s15+$0x8C30]  }
0x135: {  	v56 =	vld [tilespmem:s15+$0x8C40]  }
0x136: {  	v21 =	vld [tilespmem:s15+$0x8C50]  }
0x137: {  	v57 =	vld [tilespmem:s15+$0x8C60]  }
0x138: {  	v58 =	vld [tilespmem:s15+$0x8C70]  }
0x139: {  	v59 =	vld [tilespmem:s15+$0x8C80]  }
0x13a: {  	v60 =	vld [tilespmem:s15+$0x8C90]  }
0x13b: {  	v61 =	vld [tilespmem:s15+$0x8CA0]  }
0x13c: {  	v62 =	vld [tilespmem:s15+$0x8CB0]  }
0x13d: {  	v63 =	vld [tilespmem:s15+$0x8CC0]  }
0x13e: {  	v29 =	vld [tilespmem:s15+$0x8CD0]  }
0x13f: {  	v45 =	vld [tilespmem:s15+$0x8CE0]  }
0x140: {  	v46 =	vld [tilespmem:s15+$0x8CF0]  }
0x141: {  	v47 =	vld [tilespmem:s15+$0x8D00]  }
0x142: {  	v33 =	vld [tilespmem:s15+$0x8D10]  }
0x143: {  	v48 =	vld [tilespmem:s15+$0x8D20]  }
0x144: {  	v49 =	vld [tilespmem:s15+$0x8D30];
	v10 =	vmul.f32 v10, v9  }
0x145: {  	v36 =	vld [tilespmem:s15+$0x8D40];
	v11 =	vmul.f32 v44, v8;
	v14 =	vmul.f32 v14, v9  }
0x146: {  	v37 =	vld [tilespmem:s15+$0x8D50];
	v15 =	vmul.f32 v52, v8;
	v50 =	vmul.f32 v50, v7  }
0x147: {  	v38 =	vld [tilespmem:s15+$0x8D60];
	v13 =	vmul.f32 v51, v6;
	v51 =	vmul.f32 v53, v7  }
0x148: {  	v39 =	vld [tilespmem:s15+$0x8D70];
	v52 =	vmul.f32 v54, v9;
	v53 =	vmul.f32 v55, v8  }
0x149: {  	v40 =	vld [tilespmem:s15+$0x8D80];
	v54 =	vmul.f32 v57, v9;
	v55 =	vmul.f32 v58, v8  }
0x14a: {  	v12 =	vld [tilespmem:s15+$0x8DB0];
	v17 =	vmul.f32 v17, v6;
	v56 =	vmul.f32 v56, v7  }
0x14b: {  	v16 =	vld [tilespmem:s15+$0x8DC0];
	v58 =	vmul.f32 v59, v7;
	v59 =	vmul.f32 v21, v6  }
0x14c: {  	v23 =	vld [tilespmem:s15+$0x8DE0];
	v60 =	vmul.f32 v60, v6;
	v61 =	vmul.f32 v61, v9  }
0x14d: {  	v20 =	vld [tilespmem:s15+$0x8DF0];
	v62 =	vmul.f32 v62, v8;
	v63 =	vmul.f32 v63, v7  }
0x14e: {  	v19 =	vld [tilespmem:s15+$0x8DD0];
	v43 =	vmul.f32 v45, v9;
	v44 =	vmul.f32 v46, v8  }
0x14f: {  	v22 =	vld [tilespmem:s15+$0x8E00];
	v45 =	vmul.f32 v29, v6;
	v46 =	vmul.f32 v47, v7  }
0x150: {  	v18 =	vld [tilespmem:s15+$0x8E10];
	v47 =	vmul.f32 v48, v9;
	v48 =	vmul.f32 v49, v8  }
0x151: {  	v41 =	vld [tilespmem:s15+$0x8D90];
	v33 =	vmul.f32 v33, v6;
	v12 =	vmul.f32 v12, v8  }
0x152: {  	v24 =	vld [tilespmem:s15+$0x8E20];
	v23 =	vmul.f32 v23, v9;
	v20 =	vmul.f32 v20, v8  }
0x153: {  	v26 =	vld [tilespmem:s15+$0x8E30];
	v16 =	vmul.f32 v16, v7;
	v19 =	vmul.f32 v19, v6;
	v10 =	vadd.f32 v11, v10  }
0x154: {  	v42 =	vld [tilespmem:s15+$0x8DA0];
	v22 =	vmul.f32 v22, v7;
	v14 =	vadd.f32 v15, v14;
	v11 =	vadd.f32 v53, v52  }
0x155: {  	v28 =	vld [tilespmem:s15+$0x8E40];
	v18 =	vmul.f32 v18, v6;
	v57 =	vadd.f32 v55, v54;
	v15 =	vadd.f32 v44, v43  }
0x156: {  	v49 =	vld [tilespmem:s15+$0x8E60];
	v27 =	vadd.f32 v48, v47;
	v53 =	vmul.f32 v36, v7;
	v55 =	vmul.f32 v40, v7  }
0x157: {  	v30 =	vld [tilespmem:s15+$0x8E50];
	v20 =	vadd.f32 v20, v23;
	v43 =	vmul.f32 v24, v9;
	v10 =	vadd.f32 v50, v10  }
0x158: {  	v52 =	vld [tilespmem:s15+$0x8E70];
	v44 =	vmul.f32 v26, v8;
	v14 =	vadd.f32 v51, v14;
	v11 =	vadd.f32 v56, v11  }
0x159: {  	v54 =	vld [tilespmem:s15+$0x8E80];
	v50 =	vmul.f32 v38, v9;
	v15 =	vadd.f32 v46, v15;
	v20 =	vadd.f32 v22, v20  }
0x15a: {  	v40 =	vld [tilespmem:s15+$0x8ED0];
	v51 =	vmul.f32 v39, v8;
	v10 =	vadd.f32 v13, v10;
	v14 =	vadd.f32 v17, v14  }
0x15b: {  	v56 =	vld [tilespmem:s15+$0x8E90];
	v46 =	vmul.f32 v49, v9;
	v13 =	vadd.f32 v58, v57;
	v11 =	vadd.f32 v59, v11  }
0x15c: {  	v38 =	vld [tilespmem:s15+$0x8F90];
	v49 =	vmul.f32 v28, v7;
	v17 =	vadd.f32 v62, v61;
	v25 =	vadd.f32 v51, v50  }
0x15d: {  	v57 =	vadd.f32 v53, v27;
	v58 =	vmul.f32 v37, v6;
	v59 =	vld [tilespmem:s15+$0x8EA0];
	v15 =	vadd.f32 v33, v15  }
0x15e: {  	v61 =	vld [tilespmem:s15+$0x8EB0];
	v62 =	vmul.f32 v42, v9;
	v18 =	vadd.f32 v18, v20;
	v47 =	vmul.f32 v52, v8  }
0x15f: {  	v42 =	vld [tilespmem:s15+$0x8EF0];
	v52 =	vmul.f32 v54, v7;
	v54 =	vmul.f32 v30, v6;
	v13 =	vadd.f32 v60, v13  }
0x160: {  	v50 =	vld [tilespmem:s15+$0x8F20];
	v33 =	vmul.f32 v40, v6;
	v17 =	vadd.f32 v63, v17;
	v25 =	vadd.f32 v55, v25  }
0x161: {  	v53 =	vld [tilespmem:s15+$0x8F30];
	v60 =	vmul.f32 v41, v6;
	v21 =	vadd.f32 v58, v57;
	v12 =	vadd.f32 v12, v62  }
0x162: {  	v37 =	vld [tilespmem:s15+$0x8F50];
	v51 =	vadd.f32 v47, v46;
	v55 =	vmul.f32 v56, v6;
	v46 =	vperm.xlane v11, v0  }
0x163: {  	v12 =	vadd.f32 v16, v12;
	v16 =	vadd.f32 v44, v43;
	v43 =	vmul.f32 v38, v6  }
0x164: {  	v17 =	vadd.f32 v45, v17;
	v44 =	vperm.xlane v10, v0;
	v47 =	vperm.xlane v13, v0  }
0x165: {  	v41 =	vld [tilespmem:s15+$0x8EE0];
	v25 =	vadd.f32 v60, v25;
	v57 =	vmul.f32 v59, v9;
	v58 =	vmul.f32 v61, v8  }
0x166: {  	v63 =	vld [tilespmem:s15+$0x8EC0];
	v20 =	vadd.f32 v52, v51;
	v23 =	vmul.f32 v42, v8;
	v24 =	vmul.f32 v50, v9  }
0x167: {  	v48 =	vld [tilespmem:s15+$0x8F10];
	v28 =	vmul.f32 v53, v8;
	v26 =	vmul.f32 v37, v6;
	v11 =	vadd.f32 v46, v11  }
0x168: {  	v50 =	vperm.xlane v21, v0;
	v53 =	vperm.xlane v18, v0;
	v12 =	vadd.f32 v19, v12  }
0x169: {  	v56 =	vld [tilespmem:s15+$0x8F60];
	v16 =	vadd.f32 v49, v16;
	v10 =	vadd.f32 v44, v10;
	v49 =	vperm.xlane v15, v0  }
0x16a: {  	v13 =	vadd.f32 v47, v13;
	v51 =	vperm.xlane v25, v0;
	v60 =	vmul.f32 v41, v9  }
0x16b: {  	v45 =	vld [tilespmem:s15+$0x8F00];
	v20 =	vadd.f32 v55, v20;
	v22 =	vadd.f32 v58, v57;
	v62 =	vmul.f32 v63, v7  }
0x16c: {  	v59 =	vld [tilespmem:s15+$0x8F70];
	v41 =	vmul.f32 v48, v6;
	v24 =	vadd.f32 v28, v24;
	v21 =	vadd.f32 v50, v21  }
0x16d: {  	v61 =	vld [tilespmem:s15+$0x8F40];
	v48 =	vperm.xlane v17, v0;
	v18 =	vadd.f32 v53, v18;
	v16 =	vadd.f32 v54, v16  }
0x16e: {  	v39 =	vmul.f32 v56, v9;
	v52 =	vperm.xlane v12, v0;
	v15 =	vadd.f32 v49, v15  }
0x16f: {  	v63 =	vld [tilespmem:s15+$0x8F80];
	v25 =	vadd.f32 v51, v25;
	v11 =	vsel vm0, v11, v13;
	v19 =	vadd.f32 v23, v60  }
0x170: {  	v36 =	vmul.f32 v45, v7;
	v22 =	vadd.f32 v62, v22;
	v45 =	vperm.xlane v14, v0  }
0x171: {  	v17 =	vadd.f32 v48, v17;
	v55 =	vperm.xlane v20, v0;
	v40 =	vmul.f32 v59, v8  }
0x172: {  	v27 =	vmul.f32 v61, v7;
	v12 =	vadd.f32 v52, v12;
	v54 =	vperm.xlane v16, v0  }
0x173: {  	v61 =	vsel vm0, v21, v25;
	v19 =	vadd.f32 v36, v19;
	v22 =	vadd.f32 v33, v22  }
0x174: {  	v14 =	vadd.f32 v45, v14;
	v23 =	vadd.f32 v40, v39;
	v42 =	vmul.f32 v63, v7  }
0x175: {  	v25 =	vperm.xlane v11, v1;
	v20 =	vadd.f32 v55, v20;
	v24 =	vadd.f32 v27, v24  }
0x176: {  	v60 =	vsel vm0, v17, v15;
	v16 =	vadd.f32 v54, v16;
	v23 =	vadd.f32 v42, v23  }
0x177: {  	v29 =	vperm.xlane v61, v1;
	v11 =	vadd.f32 v25, v11;
	v19 =	vadd.f32 v41, v19  }
0x178: {  	v12 =	vsel vm0, v12, v18;
	v24 =	vadd.f32 v26, v24;
	v23 =	vadd.f32 v43, v23  }
0x179: {  	v56 =	vperm.xlane v22, v0;
	v10 =	vsel vm0, v10, v14;
	v57 =	vperm.xlane v19, v0  }
0x17a: {  	v14 =	vadd.f32 v29, v61;
	v58 =	vperm.xlane v24, v0;
	v59 =	vperm.xlane v23, v0  }
0x17b: {  	v28 =	vperm.xlane v60, v1;
	v22 =	vadd.f32 v56, v22;
	v19 =	vadd.f32 v57, v19  }
0x17c: {  	v30 =	vperm.xlane v12, v1;
	v24 =	vadd.f32 v58, v24;
	v23 =	vadd.f32 v59, v23  }
0x17d: {  	v62 =	vsel vm0, v16, v20;
	v63 =	vperm.xlane v10, v1;
	v13 =	vadd.f32 v28, v60  }
0x17e: {  	v31 =	vperm.xlane v62, v1;
	v26 =	vsel vm0, v22, v19;
	v27 =	vsel vm0, v24, v23  }
0x17f: {  	v12 =	vadd.f32 v30, v12;
	v32 =	vperm.xlane v26, v1;
	v33 =	vperm.xlane v27, v1  }
0x180: {  	v10 =	vadd.f32 v63, v10;
	v15 =	vadd.f32 v31, v62  }
0x181: {  	v35 =	vsel vm1, v13, v14;
	v16 =	vadd.f32 v32, v26;
	v34 =	vadd.f32 v33, v27  }
0x182: {  	v38 =	vperm.xlane v35, v2;
	v10 =	vsel vm1, v10, v11  }
0x183: {  	v12 =	vsel vm1, v12, v15;
	v37 =	vperm.xlane v10, v2;
	v36 =	vsel vm1, v16, v34  }
0x184: {  	v39 =	vperm.xlane v12, v2;
	v17 =	vperm.xlane v36, v2  }
0x185: {  	v11 =	vadd.f32 v38, v35;
	v10 =	vadd.f32 v37, v10  }
0x186: {  	v12 =	vadd.f32 v39, v12;
	v13 =	vadd.f32 v17, v36;
	_ =	sdelay $0x1  }
0x187: {  	v10 =	vsel vm2, v10, v11;
	v40 =	vsel vm2, v12, v13  }
0x188: {  	v42 =	vadd.s32 s16, v4;
	v41 =	vperm.xlane v10, v3;
	v13 =	vperm.xlane v40, v3;
	_ =	sdelay $0x1  }
0x189: {  	v10 =	vadd.f32 v41, v10;
	v11 =	vadd.f32 v13, v40  }
0x18a: {  	s4 =	sadd.s32 $0x30, s4  }
0x18b: {  	s16 =	sshll.u32 s4, $0x6;
	v10 =	vsel vm3, v10, v11  }
0x18c: {  	s9 =	sand.u32 $0x3FFFFF80, s16;
	[tilespmem:v42+s31+$0x0] =	vst.idx.msk $0xffff, v10  }
0x18d: {  	v10 =	vld [tilespmem:s9+$0x83A0]  }
0x18e: {  	v43 =	vld [tilespmem:s9+$0x83B0]  }
0x18f: {  	v47 =	vld [tilespmem:s9+$0x83C0]  }
0x190: {  	v44 =	vld [tilespmem:s9+$0x83D0]  }
0x191: {  	v14 =	vld [tilespmem:s15+$0x8FE0]  }
0x192: {  	v48 =	vld [tilespmem:s15+$0x8FF0]  }
0x193: {  	v49 =	vld [tilespmem:s15+$0x9000]  }
0x194: {  	v50 =	vld [tilespmem:s15+$0x9010]  }
0x195: {  	v51 =	vld [tilespmem:s15+$0x9020]  }
0x196: {  	v52 =	vld [tilespmem:s15+$0x9030]  }
0x197: {  	v53 =	vld [tilespmem:s15+$0x9040]  }
0x198: {  	v21 =	vld [tilespmem:s15+$0x9050]  }
0x199: {  	v54 =	vld [tilespmem:s15+$0x9060]  }
0x19a: {  	v55 =	vld [tilespmem:s15+$0x9070]  }
0x19b: {  	v56 =	vld [tilespmem:s15+$0x9080]  }
0x19c: {  	v57 =	vld [tilespmem:s15+$0x9090]  }
0x19d: {  	v58 =	vld [tilespmem:s15+$0x90A0]  }
0x19e: {  	v59 =	vld [tilespmem:s15+$0x90B0]  }
0x19f: {  	v28 =	vld [tilespmem:s15+$0x90C0]  }
0x1a0: {  	v29 =	vld [tilespmem:s15+$0x90D0]  }
0x1a1: {  	v60 =	vld [tilespmem:s15+$0x90E0]  }
0x1a2: {  	v61 =	vld [tilespmem:s15+$0x90F0]  }
0x1a3: {  	v62 =	vld [tilespmem:s15+$0x9100]  }
0x1a4: {  	v33 =	vld [tilespmem:s15+$0x9110];
	v10 =	vmul.f32 v10, v9  }
0x1a5: {  	v63 =	vld [tilespmem:s15+$0x9120];
	v11 =	vmul.f32 v43, v8;
	v14 =	vmul.f32 v14, v9  }
0x1a6: {  	v35 =	vld [tilespmem:s15+$0x9130];
	v15 =	vmul.f32 v48, v8;
	v47 =	vmul.f32 v47, v7  }
0x1a7: {  	v36 =	vld [tilespmem:s15+$0x9140];
	v48 =	vmul.f32 v49, v7;
	v49 =	vmul.f32 v44, v6  }
0x1a8: {  	v37 =	vld [tilespmem:s15+$0x9150];
	v50 =	vmul.f32 v50, v6;
	v18 =	vmul.f32 v51, v9  }
0x1a9: {  	v45 =	vld [tilespmem:s15+$0x9160];
	v19 =	vmul.f32 v52, v8;
	v51 =	vmul.f32 v54, v9  }
0x1aa: {  	v46 =	vld [tilespmem:s15+$0x9170];
	v52 =	vmul.f32 v55, v8;
	v53 =	vmul.f32 v53, v7  }
0x1ab: {  	v40 =	vld [tilespmem:s15+$0x9180];
	v54 =	vmul.f32 v21, v6;
	v55 =	vmul.f32 v56, v7  }
0x1ac: {  	v12 =	vld [tilespmem:s15+$0x91A0];
	v56 =	vmul.f32 v57, v6;
	v57 =	vmul.f32 v58, v9  }
0x1ad: {  	v16 =	vld [tilespmem:s15+$0x91B0];
	v58 =	vmul.f32 v59, v8;
	v59 =	vmul.f32 v60, v9  }
0x1ae: {  	v22 =	vld [tilespmem:s15+$0x91F0];
	v60 =	vmul.f32 v61, v8;
	v61 =	vmul.f32 v28, v7  }
0x1af: {  	v13 =	vld [tilespmem:s15+$0x91C0];
	v62 =	vmul.f32 v62, v7;
	v63 =	vmul.f32 v63, v9  }
0x1b0: {  	v24 =	vld [tilespmem:s15+$0x9210];
	v43 =	vmul.f32 v35, v8;
	v45 =	vmul.f32 v45, v9  }
0x1b1: {  	v42 =	vld [tilespmem:s15+$0x91E0];
	v46 =	vmul.f32 v46, v8;
	v29 =	vmul.f32 v29, v6  }
0x1b2: {  	v17 =	vld [tilespmem:s15+$0x91D0];
	v33 =	vmul.f32 v33, v6;
	v12 =	vmul.f32 v12, v9  }
0x1b3: {  	v27 =	vld [tilespmem:s15+$0x9250];
	v16 =	vmul.f32 v16, v8;
	v22 =	vmul.f32 v22, v8;
	v10 =	vadd.f32 v11, v10  }
0x1b4: {  	v26 =	vld [tilespmem:s15+$0x9220];
	v13 =	vmul.f32 v13, v7;
	v14 =	vadd.f32 v15, v14;
	v18 =	vadd.f32 v19, v18  }
0x1b5: {  	v30 =	vld [tilespmem:s15+$0x9230];
	v24 =	vmul.f32 v24, v6;
	v19 =	vadd.f32 v58, v57;
	v15 =	vadd.f32 v60, v59  }
0x1b6: {  	v21 =	vld [tilespmem:s15+$0x9200];
	v20 =	vadd.f32 v43, v63;
	v23 =	vadd.f32 v46, v45;
	v57 =	vmul.f32 v42, v9  }
0x1b7: {  	v44 =	vld [tilespmem:s15+$0x9260];
	v12 =	vadd.f32 v16, v12;
	v58 =	vmul.f32 v17, v6;
	v10 =	vadd.f32 v47, v10  }
0x1b8: {  	v41 =	vld [tilespmem:s15+$0x9190];
	v45 =	vmul.f32 v27, v6;
	v14 =	vadd.f32 v48, v14;
	v18 =	vadd.f32 v53, v18  }
0x1b9: {  	v25 =	vld [tilespmem:s15+$0x9240];
	v19 =	vadd.f32 v61, v19;
	v15 =	vadd.f32 v62, v15;
	v48 =	vmul.f32 v36, v7  }
0x1ba: {  	v59 =	vld [tilespmem:s15+$0x92E0];
	v22 =	vadd.f32 v22, v57;
	v12 =	vadd.f32 v13, v12;
	v61 =	vmul.f32 v26, v9  }
0x1bb: {  	v42 =	vld [tilespmem:s15+$0x9320];
	v62 =	vmul.f32 v30, v8;
	v21 =	vmul.f32 v21, v7;
	v10 =	vadd.f32 v49, v10  }
0x1bc: {  	v60 =	vld [tilespmem:s15+$0x92F0];
	v38 =	vmul.f32 v44, v9;
	v11 =	vadd.f32 v50, v14;
	v14 =	vadd.f32 v52, v51  }
0x1bd: {  	v47 =	vld [tilespmem:s15+$0x9270];
	v18 =	vadd.f32 v54, v18;
	v50 =	vmul.f32 v40, v7;
	v19 =	vadd.f32 v29, v19  }
0x1be: {  	v53 =	vld [tilespmem:s15+$0x92A0];
	v20 =	vadd.f32 v48, v20;
	v52 =	vmul.f32 v37, v6;
	v15 =	vadd.f32 v33, v15  }
0x1bf: {  	v57 =	vld [tilespmem:s15+$0x9350];
	v54 =	vmul.f32 v41, v6;
	v12 =	vadd.f32 v58, v12;
	v13 =	vadd.f32 v62, v61  }
0x1c0: {  	v44 =	vld [tilespmem:s15+$0x9330];
	v41 =	vmul.f32 v25, v7;
	v21 =	vadd.f32 v21, v22;
	v25 =	vmul.f32 v42, v9  }
0x1c1: {  	v49 =	vld [tilespmem:s15+$0x9280];
	v14 =	vadd.f32 v55, v14;
	v20 =	vadd.f32 v52, v20;
	v52 =	vmul.f32 v60, v8  }
0x1c2: {  	v51 =	vld [tilespmem:s15+$0x9290];
	v23 =	vadd.f32 v50, v23;
	v30 =	vperm.xlane v11, v0;
	v31 =	vperm.xlane v18, v0  }
0x1c3: {  	v37 =	vld [tilespmem:s15+$0x92D0];
	v13 =	vadd.f32 v41, v13;
	v35 =	vperm.xlane v19, v0;
	v36 =	vperm.xlane v15, v0  }
0x1c4: {  	v40 =	vld [tilespmem:s15+$0x9310];
	v39 =	vmul.f32 v47, v8;
	v21 =	vadd.f32 v24, v21;
	v48 =	vmul.f32 v53, v9  }
0x1c5: {  	v28 =	vmul.f32 v57, v6;
	v14 =	vadd.f32 v56, v14;
	v23 =	vadd.f32 v54, v23  }
0x1c6: {  	v55 =	vld [tilespmem:s15+$0x92B0];
	v13 =	vadd.f32 v45, v13;
	v26 =	vmul.f32 v44, v8;
	v33 =	vadd.f32 v30, v11  }
0x1c7: {  	v50 =	vld [tilespmem:s15+$0x9370];
	v34 =	vadd.f32 v31, v18;
	v43 =	vmul.f32 v49, v7;
	v46 =	vmul.f32 v51, v6  }
0x1c8: {  	v47 =	vld [tilespmem:s15+$0x9360];
	v18 =	vadd.f32 v35, v19;
	v51 =	vmul.f32 v59, v9;
	v59 =	vmul.f32 v37, v6  }
0x1c9: {  	v53 =	vld [tilespmem:s15+$0x9340];
	v22 =	vadd.f32 v39, v38;
	v60 =	vmul.f32 v40, v6;
	v37 =	vperm.xlane v20, v0  }
0x1ca: {  	v56 =	vld [tilespmem:s15+$0x92C0];
	v39 =	vperm.xlane v12, v0;
	v41 =	vperm.xlane v21, v0;
	v25 =	vadd.f32 v26, v25  }
0x1cb: {  	v63 =	vld [tilespmem:s15+$0x9300];
	v38 =	vperm.xlane v23, v0;
	v42 =	vperm.xlane v13, v0;
	v22 =	vadd.f32 v43, v22  }
0x1cc: {  	v49 =	vmul.f32 v55, v8;
	v16 =	vadd.f32 v52, v51;
	v40 =	vadd.f32 v37, v20  }
0x1cd: {  	v8 =	vmul.f32 v50, v8;
	v12 =	vadd.f32 v39, v12;
	v20 =	vadd.f32 v41, v21  }
0x1ce: {  	v9 =	vmul.f32 v47, v9;
	v61 =	vmul.f32 v53, v7;
	v19 =	vadd.f32 v38, v23  }
0x1cf: {  	v55 =	vld [tilespmem:s15+$0x9380];
	v13 =	vadd.f32 v42, v13;
	v24 =	vadd.f32 v49, v48;
	v54 =	vmul.f32 v56, v7  }
0x1d0: {  	v22 =	vadd.f32 v46, v22;
	v56 =	vmul.f32 v63, v7;
	v8 =	vadd.f32 v8, v9  }
0x1d1: {  	v58 =	vld [tilespmem:s15+$0x9390];
	v12 =	vsel vm0, v12, v20;
	v63 =	vadd.f32 v61, v25;
	v24 =	vadd.f32 v54, v24  }
0x1d2: {  	v49 =	vsel vm0, v40, v19;
	v16 =	vadd.f32 v56, v16;
	v43 =	vperm.xlane v22, v0  }
0x1d3: {  	v53 =	vperm.xlane v49, v1;
	v54 =	vperm.xlane v12, v1;
	v17 =	vadd.f32 v59, v24  }
0x1d4: {  	v7 =	vmul.f32 v55, v7;
	v62 =	vadd.f32 v60, v16;
	v16 =	vadd.f32 v28, v63  }
0x1d5: {  	v32 =	vperm.xlane v14, v0;
	v21 =	vadd.f32 v43, v22;
	v11 =	vadd.f32 v53, v49  }
0x1d6: {  	v6 =	vmul.f32 v58, v6;
	v12 =	vadd.f32 v54, v12;
	v7 =	vadd.f32 v7, v8  }
0x1d7: {  	v29 =	vperm.xlane v10, v0;
	v8 =	vadd.f32 v32, v14;
	v14 =	vadd.f32 v36, v15  }
0x1d8: {  	v44 =	vperm.xlane v17, v0;
	v45 =	vperm.xlane v62, v0;
	v6 =	vadd.f32 v6, v7  }
0x1d9: {  	v46 =	vperm.xlane v16, v0;
	v13 =	vsel vm0, v13, v21;
	v7 =	vadd.f32 v29, v10  }
0x1da: {  	v8 =	vsel vm0, v34, v8;
	v48 =	vsel vm0, v18, v14;
	v47 =	vperm.xlane v6, v0  }
0x1db: {  	v55 =	vperm.xlane v13, v1;
	v17 =	vadd.f32 v44, v17;
	v9 =	vadd.f32 v45, v62  }
0x1dc: {  	v16 =	vadd.f32 v46, v16;
	v51 =	vperm.xlane v8, v1;
	v6 =	vadd.f32 v47, v6  }
0x1dd: {  	v52 =	vperm.xlane v48, v1;
	v7 =	vsel vm0, v7, v33;
	v13 =	vadd.f32 v55, v13  }
0x1de: {  	v50 =	vperm.xlane v7, v1;
	v9 =	vsel vm0, v17, v9;
	v6 =	vsel vm0, v16, v6  }
0x1df: {  	v8 =	vadd.f32 v51, v8;
	v56 =	vperm.xlane v9, v1;
	v57 =	vperm.xlane v6, v1  }
0x1e0: {  	v10 =	vadd.f32 v52, v48;
	v7 =	vadd.f32 v50, v7  }
0x1e1: {  	v59 =	vsel vm1, v12, v13;
	v9 =	vadd.f32 v56, v9;
	v6 =	vadd.f32 v57, v6  }
0x1e2: {  	v58 =	vsel vm1, v10, v11;
	v12 =	vperm.xlane v59, v2  }
0x1e3: {  	v11 =	vperm.xlane v58, v2;
	v7 =	vsel vm1, v7, v8;
	v6 =	vsel vm1, v9, v6  }
0x1e4: {  	v60 =	vperm.xlane v7, v2;
	v61 =	vperm.xlane v6, v2  }
0x1e5: {  	v62 =	vadd.f32 v12, v59;
	v8 =	vadd.f32 v11, v58  }
0x1e6: {  	v7 =	vadd.f32 v60, v7;
	v6 =	vadd.f32 v61, v6;
	_ =	sdelay $0x1  }
0x1e7: {  	v7 =	vsel vm2, v7, v8;
	v6 =	vsel vm2, v62, v6  }
0x1e8: {  	p2 =	sne.s32 s24, $0x7;
	v63 =	vadd.s32 s4, v4;
	v8 =	vperm.xlane v7, v3;
	v9 =	vperm.xlane v6, v3  }
.Ltmp2:
0x1e9: {  	_ = 	snop;
	(pc) =	sbr.rel @p2 .LBB2_6-.Ltmp2, $3  }
0x1ea: {  	v7 =	vadd.f32 v8, v7;
	v6 =	vadd.f32 v9, v6;
	_ =	sdelay $0x1  }
0x1eb: {  	v6 =	vsel vm3, v7, v6  }
0x1ec: {  	s24 =	sadd.s32 $0x1, s24;
	[tilespmem:v63+s31+$0x0] =	vst.idx.msk $0x3, v6  }
0x1ed: {  	s4 =	smul.u32 $0x320, s13;
	_ =	sdelay $0x1  }
0x1ee: {  	s4 =	sadd.s32 s11, s4  }
0x1ef: {  	s4 =	sshrl.u32 s4, $0x3  }
0x1f0: {  	s4 =	sadd.s32 s6, s4  }
0x1f1: {  	[hbm4b:s4+s3] =	stream.linear.scatter [tilespmem:s31], [sflag:$0x6], $0x190, $0x38;
	[tilespmem:$0x15860] =	vst v63  }
0x1f2: {  	s4 =	simm.s32 @!p0 $0x4  }
0x1f3: {  	_ =	swait.ge @!p0 [sflag:s4], $0x1A0  }
0x1f4: {  	s9 =	simm.s32 @!p0 $0x8200;
	[sflag:s4] =	ssyncset.done @!p0 $0x0  }
0x1f5: {  	s15 =	simm.s32 @!p0 $0x83A0;
	[sflag:s4] =	ssyncadd.s32 @!p0 $0xFFFFFE60;
	s4 =	simm.s32 @!p0 $0x64  }
0x1f6: {  	[tilespmem:s15], [sflag:$0x2] =	stream.indirect.gather @!p0 [hbm4b:s5+s4], $0x40, s9, s4, $0xb8;
	[tilespmem:$0x15860] =	vst v63  }
0x1f7: {  	s9 =	simm.s32 @!p0 $0x8268;
	s15 =	simm.s32 @!p0 $0x9CA0  }
0x1f8: {  	[tilespmem:s15], [sflag:$0x2] =	stream.indirect.gather @!p0 [hbm4b:s5+s4], $0x40, s9, s4, $0xb8;
	[tilespmem:$0x15860] =	vst v63  }
0x1f9: {  	s9 =	simm.s32 @!p0 $0x82D0;
	s15 =	simm.s32 @!p0 $0xB5A0  }
0x1fa: {  	[tilespmem:s15], [sflag:$0x2] =	stream.indirect.gather @!p0 [hbm4b:s5+s4], $0x40, s9, s4, $0xb8;
	[tilespmem:$0x15860] =	vst v63  }
0x1fb: {  	s9 =	simm.s32 @!p0 $0x8338;
	s15 =	simm.s32 @!p0 $0xCEA0  }
0x1fc: {  	[tilespmem:s15], [sflag:$0x2] =	stream.indirect.gather @!p0 [hbm4b:s5+s4], $0x40, s9, s4, $0xb8;
	[tilespmem:$0x15860] =	vst v63  }
0x1fd: {  	_ =	swait.ge [sflag:s0], $0x1900  }
0x1fe: {  	[sflag:s0] =	ssyncset.done $0x0  }
0x1ff: {  	[sflag:s0] =	ssyncadd.s32 $0xFFFFE700  }
0x200: {  	_ =	swait.ge [sflag:s0], $0x1900  }
0x201: {  	[sflag:s0] =	ssyncset.done $0x0  }
0x202: {  	[sflag:s0] =	ssyncadd.s32 $0xFFFFE700  }
0x203: {  	_ =	swait.ge [sflag:s0], $0x1900  }
0x204: {  	[sflag:s0] =	ssyncset.done $0x0  }
0x205: {  	s4 =	sadd.s32 @!p0 s14, s12;
	[sflag:s0] =	ssyncadd.s32 $0xFFFFE700  }
0x206: {  	s4 =	smul.u32 @!p0 $0xD, s4;
	_ =	swait.ge [sflag:s0], $0x1900  }
0x207: {  	s24 =	sshll.u32 s7, $0x9;
	s9 =	simm.s32 @!p0 $0x0;
	[sflag:s0] =	ssyncset.done $0x0  }
0x208: {  	s14 =	simm.s32 @!p0 $0xED30;
	s4 =	sadd.s32 @!p0 s1, s4;
	[sflag:s0] =	ssyncadd.s32 $0xFFFFE700  }
0x209: {  	[tilespmem:s14], [sflag:$0x5] =	stream.linear.gather @!p0 [hbm4b:s4+s9], $0x1A0, $0x38;
	[tilespmem:$0x15860] =	vst v63  }
0x20a: {  	s4 =	sand.u32 $0x3FFFFE00, s24  }
0x20b: {  	p0 =	por p0, !p1;
	s4 =	sadd.s32 $0x200, s4  }
0x20c: {  	_ =	swait.ge @p0 [sflag:s8], $0x190;
	v5 =	vmov s4  }
0x20d: {  	[sflag:s8] =	ssyncset.done @p0 $0x0  }
0x20e: {  	s14 =	simm.s32 $0x0;
	[sflag:s8] =	ssyncadd.s32 @p0 $0xFFFFFE70  }
.LBB2_8:
0x20f: {  	s4 =	sshll.u32 s14, $0x6  }
0x210: {  	s4 =	sand.u32 $0x3FFFFFC0, s4  }
0x211: {  	v9 =	vld.idx.msk [tilespmem:v5+s4+$0x0 ss:$0x1], $0xffff  }
0x212: {  	s9 =	smul.u32 $0x3200, s14;
	v8 =	vld.idx.msk [tilespmem:v5+s4+$0x10 ss:$0x1], $0xffff  }
0x213: {  	v7 =	vld.idx.msk [tilespmem:v5+s4+$0x20 ss:$0x1], $0xffff  }
0x214: {  	v6 =	vld.idx.msk [tilespmem:v5+s4+$0x30 ss:$0x1], $0xffff;
	s15 =	sshra.s32 s9, $0x2  }
0x215: {  	v10 =	vld [tilespmem:s15+$0xEED0]  }
0x216: {  	v11 =	vld [tilespmem:s15+$0xEEE0]  }
0x217: {  	v12 =	vld [tilespmem:s15+$0xEEF0]  }
0x218: {  	v13 =	vld [tilespmem:s15+$0xEF00]  }
0x219: {  	v14 =	vld [tilespmem:s15+$0xEF10]  }
0x21a: {  	v15 =	vld [tilespmem:s15+$0xEF20]  }
0x21b: {  	v16 =	vld [tilespmem:s15+$0xEF30]  }
0x21c: {  	v17 =	vld [tilespmem:s15+$0xEF40]  }
0x21d: {  	v18 =	vld [tilespmem:s15+$0xEF50]  }
0x21e: {  	v19 =	vld [tilespmem:s15+$0xEF60]  }
0x21f: {  	v20 =	vld [tilespmem:s15+$0xEF70]  }
0x220: {  	v21 =	vld [tilespmem:s15+$0xEF80]  }
0x221: {  	v22 =	vld [tilespmem:s15+$0xEF90]  }
0x222: {  	v23 =	vld [tilespmem:s15+$0xEFA0]  }
0x223: {  	v24 =	vld [tilespmem:s15+$0xEFB0]  }
0x224: {  	v25 =	vld [tilespmem:s15+$0xEFC0]  }
0x225: {  	v26 =	vld [tilespmem:s15+$0xEFD0]  }
0x226: {  	v27 =	vld [tilespmem:s15+$0xEFE0]  }
0x227: {  	v28 =	vld [tilespmem:s15+$0xEFF0]  }
0x228: {  	v29 =	vld [tilespmem:s15+$0xF000]  }
0x229: {  	v30 =	vld [tilespmem:s15+$0xF010]  }
0x22a: {  	v31 =	vld [tilespmem:s15+$0xF020]  }
0x22b: {  	v32 =	vld [tilespmem:s15+$0xF030]  }
0x22c: {  	v33 =	vld [tilespmem:s15+$0xF040]  }
0x22d: {  	v34 =	vld [tilespmem:s15+$0xF050]  }
0x22e: {  	v35 =	vld [tilespmem:s15+$0xF060]  }
0x22f: {  	v36 =	vld [tilespmem:s15+$0xF070]  }
0x230: {  	v37 =	vld [tilespmem:s15+$0xF080];
	v10 =	vmul.f32 v10, v9;
	v11 =	vmul.f32 v11, v8  }
0x231: {  	v38 =	vld [tilespmem:s15+$0xF090];
	v14 =	vmul.f32 v14, v9;
	v15 =	vmul.f32 v15, v8  }
0x232: {  	v39 =	vld [tilespmem:s15+$0xF0A0];
	v51 =	vmul.f32 v12, v7;
	v13 =	vmul.f32 v13, v6  }
0x233: {  	v40 =	vld [tilespmem:s15+$0xF0B0];
	v52 =	vmul.f32 v16, v7;
	v53 =	vmul.f32 v18, v9  }
0x234: {  	v41 =	vld [tilespmem:s15+$0xF0C0];
	v54 =	vmul.f32 v19, v8;
	v55 =	vmul.f32 v22, v9  }
0x235: {  	v42 =	vld [tilespmem:s15+$0xF0D0];
	v56 =	vmul.f32 v23, v8;
	v17 =	vmul.f32 v17, v6  }
0x236: {  	v50 =	vld [tilespmem:s15+$0xF190];
	v57 =	vmul.f32 v20, v7;
	v59 =	vmul.f32 v24, v7  }
0x237: {  	v12 =	vld [tilespmem:s15+$0xF0E0];
	v60 =	vmul.f32 v21, v6;
	v61 =	vmul.f32 v25, v6  }
0x238: {  	v16 =	vld [tilespmem:s15+$0xF0F0];
	v62 =	vmul.f32 v26, v9;
	v63 =	vmul.f32 v27, v8  }
0x239: {  	v19 =	vld [tilespmem:s15+$0xF100];
	v43 =	vmul.f32 v28, v7;
	v44 =	vmul.f32 v30, v9  }
0x23a: {  	v23 =	vld [tilespmem:s15+$0xF110];
	v45 =	vmul.f32 v31, v8;
	v46 =	vmul.f32 v29, v6  }
0x23b: {  	v20 =	vld [tilespmem:s15+$0xF120];
	v47 =	vmul.f32 v32, v7;
	v48 =	vmul.f32 v34, v9  }
0x23c: {  	v22 =	vld [tilespmem:s15+$0xF130];
	v49 =	vmul.f32 v35, v8;
	v10 =	vadd.f32 v11, v10;
	v14 =	vadd.f32 v15, v14  }
0x23d: {  	v18 =	vld [tilespmem:s15+$0xF140];
	v33 =	vmul.f32 v33, v6;
	v11 =	vadd.f32 v54, v53;
	v58 =	vadd.f32 v56, v55  }
0x23e: {  	v24 =	vld [tilespmem:s15+$0xF150];
	v15 =	vadd.f32 v45, v44;
	v54 =	vmul.f32 v36, v7;
	v56 =	vmul.f32 v40, v7  }
0x23f: {  	v26 =	vld [tilespmem:s15+$0xF160];
	v10 =	vadd.f32 v51, v10;
	v14 =	vadd.f32 v52, v14;
	v51 =	vmul.f32 v38, v9  }
0x240: {  	v28 =	vld [tilespmem:s15+$0xF170];
	v52 =	vmul.f32 v39, v8;
	v15 =	vadd.f32 v47, v15;
	v47 =	vmul.f32 v50, v9  }
0x241: {  	v30 =	vld [tilespmem:s15+$0xF180];
	v12 =	vmul.f32 v12, v8;
	v23 =	vmul.f32 v23, v9  }
0x242: {  	v53 =	vld [tilespmem:s15+$0xF1A0];
	v27 =	vadd.f32 v49, v48;
	v20 =	vmul.f32 v20, v8;
	v16 =	vmul.f32 v16, v7  }
0x243: {  	v55 =	vld [tilespmem:s15+$0xF1B0];
	v11 =	vadd.f32 v57, v11;
	v19 =	vmul.f32 v19, v6;
	v22 =	vmul.f32 v22, v7  }
0x244: {  	v40 =	vld [tilespmem:s15+$0xF1F0];
	v18 =	vmul.f32 v18, v6;
	v44 =	vmul.f32 v24, v9;
	v10 =	vadd.f32 v13, v10  }
0x245: {  	v49 =	vld [tilespmem:s15+$0xF240];
	v45 =	vmul.f32 v26, v8;
	v14 =	vadd.f32 v17, v14;
	v13 =	vadd.f32 v59, v58  }
0x246: {  	v57 =	vld [tilespmem:s15+$0xF1C0];
	v50 =	vmul.f32 v28, v7;
	v11 =	vadd.f32 v60, v11;
	v17 =	vadd.f32 v63, v62  }
0x247: {  	v38 =	vld [tilespmem:s15+$0xF280];
	v25 =	vadd.f32 v52, v51;
	v58 =	vadd.f32 v54, v27;
	v59 =	vmul.f32 v37, v6  }
0x248: {  	v39 =	vld [tilespmem:s15+$0xF2C0];
	v15 =	vadd.f32 v33, v15;
	v63 =	vmul.f32 v42, v9;
	v20 =	vadd.f32 v20, v23  }
0x249: {  	v60 =	vld [tilespmem:s15+$0xF1D0];
	v48 =	vmul.f32 v53, v8;
	v53 =	vmul.f32 v55, v7;
	v13 =	vadd.f32 v61, v13  }
0x24a: {  	v62 =	vld [tilespmem:s15+$0xF1E0];
	v55 =	vmul.f32 v30, v6;
	v17 =	vadd.f32 v43, v17;
	v25 =	vadd.f32 v56, v25  }
0x24b: {  	v42 =	vld [tilespmem:s15+$0xF210];
	v61 =	vmul.f32 v41, v6;
	v21 =	vadd.f32 v59, v58;
	v12 =	vadd.f32 v12, v63  }
0x24c: {  	v51 =	vld [tilespmem:s15+$0xF250];
	v63 =	vmul.f32 v40, v7;
	v20 =	vadd.f32 v22, v20;
	v56 =	vmul.f32 v57, v6  }
0x24d: {  	v54 =	vld [tilespmem:s15+$0xF260];
	v52 =	vadd.f32 v48, v47;
	v26 =	vmul.f32 v38, v6;
	v47 =	vperm.xlane v11, v0  }
0x24e: {  	v12 =	vadd.f32 v16, v12;
	v16 =	vadd.f32 v45, v44;
	v44 =	vmul.f32 v39, v6  }
0x24f: {  	v17 =	vadd.f32 v46, v17;
	v45 =	vperm.xlane v10, v0;
	v48 =	vperm.xlane v13, v0  }
0x250: {  	v36 =	vld [tilespmem:s15+$0xF2B0];
	v25 =	vadd.f32 v61, v25;
	v58 =	vmul.f32 v60, v9;
	v59 =	vmul.f32 v62, v8  }
0x251: {  	v43 =	vld [tilespmem:s15+$0xF220];
	v18 =	vadd.f32 v18, v20;
	v61 =	vmul.f32 v42, v9;
	v24 =	vmul.f32 v51, v9  }
0x252: {  	v41 =	vld [tilespmem:s15+$0xF200];
	v20 =	vadd.f32 v53, v52;
	v28 =	vmul.f32 v54, v8;
	v42 =	vmul.f32 v49, v6  }
0x253: {  	v11 =	vadd.f32 v47, v11;
	v51 =	vperm.xlane v21, v0;
	v12 =	vadd.f32 v19, v12  }
0x254: {  	v57 =	vld [tilespmem:s15+$0xF290];
	v16 =	vadd.f32 v50, v16;
	v10 =	vadd.f32 v45, v10;
	v49 =	vperm.xlane v17, v0  }
0x255: {  	v13 =	vadd.f32 v48, v13;
	v50 =	vperm.xlane v15, v0;
	v52 =	vperm.xlane v25, v0  }
0x256: {  	v46 =	vld [tilespmem:s15+$0xF230];
	v23 =	vmul.f32 v43, v8;
	v20 =	vadd.f32 v56, v20;
	v22 =	vadd.f32 v59, v58  }
0x257: {  	v60 =	vld [tilespmem:s15+$0xF2A0];
	v33 =	vmul.f32 v41, v6;
	v24 =	vadd.f32 v28, v24;
	v43 =	vmul.f32 v36, v7  }
0x258: {  	v62 =	vld [tilespmem:s15+$0xF270];
	v21 =	vadd.f32 v51, v21;
	v54 =	vperm.xlane v18, v0;
	v16 =	vadd.f32 v55, v16  }
0x259: {  	v40 =	vmul.f32 v57, v9;
	v17 =	vadd.f32 v49, v17;
	v53 =	vperm.xlane v12, v0  }
0x25a: {  	v15 =	vadd.f32 v50, v15;
	v25 =	vadd.f32 v52, v25;
	v11 =	vsel vm0, v11, v13  }
0x25b: {  	v19 =	vadd.f32 v23, v61;
	v37 =	vmul.f32 v46, v7;
	v22 =	vadd.f32 v63, v22  }
0x25c: {  	v46 =	vperm.xlane v14, v0;
	v18 =	vadd.f32 v54, v18;
	v56 =	vperm.xlane v20, v0  }
0x25d: {  	v41 =	vmul.f32 v60, v8;
	v27 =	vmul.f32 v62, v7;
	v12 =	vadd.f32 v53, v12  }
0x25e: {  	v55 =	vperm.xlane v16, v0;
	v61 =	vsel vm0, v17, v15;
	v19 =	vadd.f32 v37, v19  }
0x25f: {  	v62 =	vsel vm0, v21, v25;
	v22 =	vadd.f32 v33, v22;
	v23 =	vadd.f32 v41, v40  }
0x260: {  	v14 =	vadd.f32 v46, v14;
	v20 =	vadd.f32 v56, v20;
	v29 =	vperm.xlane v61, v1  }
0x261: {  	v30 =	vperm.xlane v62, v1;
	v24 =	vadd.f32 v27, v24;
	v23 =	vadd.f32 v43, v23  }
0x262: {  	v16 =	vadd.f32 v55, v16;
	v12 =	vsel vm0, v12, v18;
	v19 =	vadd.f32 v42, v19  }
0x263: {  	v57 =	vperm.xlane v22, v0;
	v24 =	vadd.f32 v26, v24;
	v23 =	vadd.f32 v44, v23  }
0x264: {  	v10 =	vsel vm0, v10, v14;
	v31 =	vperm.xlane v12, v1;
	v58 =	vperm.xlane v19, v0  }
0x265: {  	v13 =	vadd.f32 v29, v61;
	v59 =	vperm.xlane v24, v0;
	v60 =	vperm.xlane v23, v0  }
0x266: {  	v63 =	vsel vm0, v16, v20;
	v22 =	vadd.f32 v57, v22;
	v19 =	vadd.f32 v58, v19  }
0x267: {  	v25 =	vperm.xlane v10, v1;
	v24 =	vadd.f32 v59, v24;
	v23 =	vadd.f32 v60, v23  }
0x268: {  	v14 =	vadd.f32 v30, v62;
	v26 =	vperm.xlane v11, v1;
	v32 =	vperm.xlane v63, v1  }
0x269: {  	v12 =	vadd.f32 v31, v12;
	v27 =	vsel vm0, v22, v19;
	v28 =	vsel vm0, v24, v23  }
0x26a: {  	v10 =	vadd.f32 v25, v10;
	v33 =	vperm.xlane v27, v1;
	v34 =	vperm.xlane v28, v1  }
0x26b: {  	v11 =	vadd.f32 v26, v11;
	v15 =	vadd.f32 v32, v63  }
0x26c: {  	v36 =	vsel vm1, v13, v14;
	v16 =	vadd.f32 v33, v27;
	v35 =	vadd.f32 v34, v28  }
0x26d: {  	v39 =	vperm.xlane v36, v2;
	v10 =	vsel vm1, v10, v11  }
0x26e: {  	v12 =	vsel vm1, v12, v15;
	v38 =	vperm.xlane v10, v2;
	v37 =	vsel vm1, v16, v35  }
0x26f: {  	v40 =	vperm.xlane v12, v2;
	v17 =	vperm.xlane v37, v2  }
0x270: {  	v11 =	vadd.f32 v39, v36;
	v10 =	vadd.f32 v38, v10  }
0x271: {  	v12 =	vadd.f32 v40, v12;
	v13 =	vadd.f32 v17, v37  }
0x272: {  	s4 =	smul.u32 $0x32, s14  }
0x273: {  	v10 =	vsel vm2, v10, v11;
	v41 =	vsel vm2, v12, v13  }
0x274: {  	v43 =	vadd.s32 s4, v4;
	v42 =	vperm.xlane v10, v3;
	v13 =	vperm.xlane v41, v3;
	_ =	sdelay $0x1  }
0x275: {  	v10 =	vadd.f32 v42, v10;
	v11 =	vadd.f32 v13, v41  }
0x276: {  	s16 =	sadd.s32 $0x10, s4  }
0x277: {  	s24 =	sshll.u32 s16, $0x6;
	v10 =	vsel vm3, v10, v11  }
0x278: {  	s9 =	sand.u32 $0x3FFFFF80, s24;
	[tilespmem:v43+s2+$0x0] =	vst.idx.msk $0xffff, v10  }
0x279: {  	v10 =	vld [tilespmem:s9+$0xEED0]  }
0x27a: {  	v44 =	vld [tilespmem:s9+$0xEEE0]  }
0x27b: {  	v51 =	vld [tilespmem:s9+$0xEEF0]  }
0x27c: {  	v52 =	vld [tilespmem:s9+$0xEF00]  }
0x27d: {  	v14 =	vld [tilespmem:s15+$0xF310]  }
0x27e: {  	v53 =	vld [tilespmem:s15+$0xF320]  }
0x27f: {  	v54 =	vld [tilespmem:s15+$0xF330]  }
0x280: {  	v17 =	vld [tilespmem:s15+$0xF340]  }
0x281: {  	v55 =	vld [tilespmem:s15+$0xF350]  }
0x282: {  	v56 =	vld [tilespmem:s15+$0xF360]  }
0x283: {  	v57 =	vld [tilespmem:s15+$0xF370]  }
0x284: {  	v21 =	vld [tilespmem:s15+$0xF380]  }
0x285: {  	v58 =	vld [tilespmem:s15+$0xF390]  }
0x286: {  	v59 =	vld [tilespmem:s15+$0xF3A0]  }
0x287: {  	v60 =	vld [tilespmem:s15+$0xF3B0]  }
0x288: {  	v61 =	vld [tilespmem:s15+$0xF3C0]  }
0x289: {  	v62 =	vld [tilespmem:s15+$0xF3D0]  }
0x28a: {  	v63 =	vld [tilespmem:s15+$0xF3E0]  }
0x28b: {  	v45 =	vld [tilespmem:s15+$0xF3F0]  }
0x28c: {  	v29 =	vld [tilespmem:s15+$0xF400]  }
0x28d: {  	v46 =	vld [tilespmem:s15+$0xF410]  }
0x28e: {  	v47 =	vld [tilespmem:s15+$0xF420]  }
0x28f: {  	v48 =	vld [tilespmem:s15+$0xF430]  }
0x290: {  	v33 =	vld [tilespmem:s15+$0xF440]  }
0x291: {  	v49 =	vld [tilespmem:s15+$0xF450]  }
0x292: {  	v50 =	vld [tilespmem:s15+$0xF460]  }
0x293: {  	v36 =	vld [tilespmem:s15+$0xF470];
	v10 =	vmul.f32 v10, v9  }
0x294: {  	v37 =	vld [tilespmem:s15+$0xF480];
	v11 =	vmul.f32 v44, v8;
	v14 =	vmul.f32 v14, v9  }
0x295: {  	v38 =	vld [tilespmem:s15+$0xF490];
	v15 =	vmul.f32 v53, v8;
	v51 =	vmul.f32 v51, v7  }
0x296: {  	v39 =	vld [tilespmem:s15+$0xF4A0];
	v13 =	vmul.f32 v52, v6;
	v52 =	vmul.f32 v54, v7  }
0x297: {  	v40 =	vld [tilespmem:s15+$0xF4B0];
	v53 =	vmul.f32 v55, v9;
	v54 =	vmul.f32 v56, v8  }
0x298: {  	v41 =	vld [tilespmem:s15+$0xF4C0];
	v55 =	vmul.f32 v58, v9;
	v56 =	vmul.f32 v59, v8  }
0x299: {  	v12 =	vld [tilespmem:s15+$0xF4E0];
	v17 =	vmul.f32 v17, v6;
	v57 =	vmul.f32 v57, v7  }
0x29a: {  	v16 =	vld [tilespmem:s15+$0xF4F0];
	v59 =	vmul.f32 v60, v7;
	v60 =	vmul.f32 v21, v6  }
0x29b: {  	v23 =	vld [tilespmem:s15+$0xF510];
	v61 =	vmul.f32 v61, v6;
	v62 =	vmul.f32 v62, v9  }
0x29c: {  	v20 =	vld [tilespmem:s15+$0xF520];
	v63 =	vmul.f32 v63, v8;
	v43 =	vmul.f32 v45, v7  }
0x29d: {  	v19 =	vld [tilespmem:s15+$0xF500];
	v44 =	vmul.f32 v46, v9;
	v45 =	vmul.f32 v47, v8  }
0x29e: {  	v22 =	vld [tilespmem:s15+$0xF530];
	v46 =	vmul.f32 v29, v6;
	v47 =	vmul.f32 v48, v7  }
0x29f: {  	v18 =	vld [tilespmem:s15+$0xF540];
	v48 =	vmul.f32 v49, v9;
	v49 =	vmul.f32 v50, v8  }
0x2a0: {  	v42 =	vld [tilespmem:s15+$0xF4D0];
	v33 =	vmul.f32 v33, v6;
	v12 =	vmul.f32 v12, v8  }
0x2a1: {  	v24 =	vld [tilespmem:s15+$0xF550];
	v23 =	vmul.f32 v23, v9;
	v20 =	vmul.f32 v20, v8  }
0x2a2: {  	v26 =	vld [tilespmem:s15+$0xF560];
	v16 =	vmul.f32 v16, v7;
	v19 =	vmul.f32 v19, v6;
	v10 =	vadd.f32 v11, v10  }
0x2a3: {  	v28 =	vld [tilespmem:s15+$0xF570];
	v22 =	vmul.f32 v22, v7;
	v14 =	vadd.f32 v15, v14;
	v11 =	vadd.f32 v54, v53  }
0x2a4: {  	v30 =	vld [tilespmem:s15+$0xF580];
	v18 =	vmul.f32 v18, v6;
	v58 =	vadd.f32 v56, v55;
	v15 =	vadd.f32 v45, v44  }
0x2a5: {  	v50 =	vld [tilespmem:s15+$0xF590];
	v27 =	vadd.f32 v49, v48;
	v54 =	vmul.f32 v36, v7;
	v56 =	vmul.f32 v40, v7  }
0x2a6: {  	v53 =	vld [tilespmem:s15+$0xF5A0];
	v20 =	vadd.f32 v20, v23;
	v44 =	vmul.f32 v24, v9;
	v10 =	vadd.f32 v51, v10  }
0x2a7: {  	v55 =	vld [tilespmem:s15+$0xF5B0];
	v45 =	vmul.f32 v26, v8;
	v14 =	vadd.f32 v52, v14;
	v11 =	vadd.f32 v57, v11  }
0x2a8: {  	v40 =	vld [tilespmem:s15+$0xF5F0];
	v51 =	vmul.f32 v38, v9;
	v15 =	vadd.f32 v47, v15;
	v20 =	vadd.f32 v22, v20  }
0x2a9: {  	v49 =	vld [tilespmem:s15+$0xF640];
	v52 =	vmul.f32 v39, v8;
	v10 =	vadd.f32 v13, v10;
	v14 =	vadd.f32 v17, v14  }
0x2aa: {  	v57 =	vld [tilespmem:s15+$0xF5C0];
	v47 =	vmul.f32 v50, v9;
	v13 =	vadd.f32 v59, v58;
	v11 =	vadd.f32 v60, v11  }
0x2ab: {  	v38 =	vld [tilespmem:s15+$0xF680];
	v50 =	vmul.f32 v28, v7;
	v17 =	vadd.f32 v63, v62;
	v25 =	vadd.f32 v52, v51  }
0x2ac: {  	v39 =	vld [tilespmem:s15+$0xF6C0];
	v58 =	vadd.f32 v54, v27;
	v59 =	vmul.f32 v37, v6;
	v15 =	vadd.f32 v33, v15  }
0x2ad: {  	v60 =	vld [tilespmem:s15+$0xF5D0];
	v63 =	vmul.f32 v42, v9;
	v18 =	vadd.f32 v18, v20;
	v48 =	vmul.f32 v53, v8  }
0x2ae: {  	v62 =	vld [tilespmem:s15+$0xF5E0];
	v53 =	vmul.f32 v55, v7;
	v55 =	vmul.f32 v30, v6;
	v13 =	vadd.f32 v61, v13  }
0x2af: {  	v42 =	vld [tilespmem:s15+$0xF610];
	v17 =	vadd.f32 v43, v17;
	v25 =	vadd.f32 v56, v25;
	v61 =	vmul.f32 v41, v6  }
0x2b0: {  	v51 =	vld [tilespmem:s15+$0xF650];
	v12 =	vadd.f32 v12, v63;
	v63 =	vmul.f32 v40, v7;
	v56 =	vmul.f32 v57, v6  }
0x2b1: {  	v54 =	vld [tilespmem:s15+$0xF660];
	v52 =	vadd.f32 v48, v47;
	v26 =	vmul.f32 v38, v6;
	v47 =	vperm.xlane v11, v0  }
0x2b2: {  	v12 =	vadd.f32 v16, v12;
	v16 =	vadd.f32 v45, v44;
	v44 =	vmul.f32 v39, v6  }
0x2b3: {  	v21 =	vadd.f32 v59, v58;
	v45 =	vperm.xlane v10, v0;
	v48 =	vperm.xlane v13, v0  }
0x2b4: {  	v17 =	vadd.f32 v46, v17;
	v58 =	vmul.f32 v60, v9;
	v59 =	vmul.f32 v62, v8  }
0x2b5: {  	v43 =	vld [tilespmem:s15+$0xF620];
	v25 =	vadd.f32 v61, v25;
	v61 =	vmul.f32 v42, v9;
	v24 =	vmul.f32 v51, v9  }
0x2b6: {  	v41 =	vld [tilespmem:s15+$0xF600];
	v20 =	vadd.f32 v53, v52;
	v28 =	vmul.f32 v54, v8;
	v42 =	vmul.f32 v49, v6  }
0x2b7: {  	v36 =	vld [tilespmem:s15+$0xF6B0];
	v11 =	vadd.f32 v47, v11;
	v51 =	vperm.xlane v21, v0;
	v12 =	vadd.f32 v19, v12  }
0x2b8: {  	v57 =	vld [tilespmem:s15+$0xF690];
	v54 =	vperm.xlane v18, v0;
	v16 =	vadd.f32 v50, v16;
	v10 =	vadd.f32 v45, v10  }
0x2b9: {  	v49 =	vperm.xlane v17, v0;
	v13 =	vadd.f32 v48, v13;
	v50 =	vperm.xlane v15, v0  }
0x2ba: {  	v46 =	vld [tilespmem:s15+$0xF630];
	v52 =	vperm.xlane v25, v0;
	v23 =	vmul.f32 v43, v8;
	v20 =	vadd.f32 v56, v20  }
0x2bb: {  	v60 =	vld [tilespmem:s15+$0xF6A0];
	v22 =	vadd.f32 v59, v58;
	v33 =	vmul.f32 v41, v6;
	v24 =	vadd.f32 v28, v24  }
0x2bc: {  	v62 =	vld [tilespmem:s15+$0xF670];
	v43 =	vmul.f32 v36, v7;
	v21 =	vadd.f32 v51, v21;
	v18 =	vadd.f32 v54, v18  }
0x2bd: {  	v16 =	vadd.f32 v55, v16;
	v40 =	vmul.f32 v57, v9;
	v17 =	vadd.f32 v49, v17  }
0x2be: {  	v53 =	vperm.xlane v12, v0;
	v15 =	vadd.f32 v50, v15;
	v25 =	vadd.f32 v52, v25  }
0x2bf: {  	v11 =	vsel vm0, v11, v13;
	v19 =	vadd.f32 v23, v61;
	v37 =	vmul.f32 v46, v7  }
0x2c0: {  	v22 =	vadd.f32 v63, v22;
	v46 =	vperm.xlane v14, v0;
	v56 =	vperm.xlane v20, v0  }
0x2c1: {  	v41 =	vmul.f32 v60, v8;
	v27 =	vmul.f32 v62, v7;
	v12 =	vadd.f32 v53, v12  }
0x2c2: {  	v55 =	vperm.xlane v16, v0;
	v61 =	vsel vm0, v17, v15;
	v19 =	vadd.f32 v37, v19  }
0x2c3: {  	v62 =	vsel vm0, v21, v25;
	v22 =	vadd.f32 v33, v22;
	v23 =	vadd.f32 v41, v40  }
0x2c4: {  	v14 =	vadd.f32 v46, v14;
	v20 =	vadd.f32 v56, v20;
	v29 =	vperm.xlane v61, v1  }
0x2c5: {  	v30 =	vperm.xlane v62, v1;
	v24 =	vadd.f32 v27, v24;
	v23 =	vadd.f32 v43, v23  }
0x2c6: {  	v16 =	vadd.f32 v55, v16;
	v12 =	vsel vm0, v12, v18;
	v19 =	vadd.f32 v42, v19  }
0x2c7: {  	v57 =	vperm.xlane v22, v0;
	v24 =	vadd.f32 v26, v24;
	v23 =	vadd.f32 v44, v23  }
0x2c8: {  	v10 =	vsel vm0, v10, v14;
	v31 =	vperm.xlane v12, v1;
	v58 =	vperm.xlane v19, v0  }
0x2c9: {  	v13 =	vadd.f32 v29, v61;
	v59 =	vperm.xlane v24, v0;
	v60 =	vperm.xlane v23, v0  }
0x2ca: {  	v63 =	vsel vm0, v16, v20;
	v22 =	vadd.f32 v57, v22;
	v19 =	vadd.f32 v58, v19  }
0x2cb: {  	v25 =	vperm.xlane v10, v1;
	v24 =	vadd.f32 v59, v24;
	v23 =	vadd.f32 v60, v23  }
0x2cc: {  	v14 =	vadd.f32 v30, v62;
	v26 =	vperm.xlane v11, v1;
	v32 =	vperm.xlane v63, v1  }
0x2cd: {  	v12 =	vadd.f32 v31, v12;
	v27 =	vsel vm0, v22, v19;
	v28 =	vsel vm0, v24, v23  }
0x2ce: {  	v10 =	vadd.f32 v25, v10;
	v33 =	vperm.xlane v27, v1;
	v34 =	vperm.xlane v28, v1  }
0x2cf: {  	v11 =	vadd.f32 v26, v11;
	v15 =	vadd.f32 v32, v63  }
0x2d0: {  	v36 =	vsel vm1, v13, v14;
	v16 =	vadd.f32 v33, v27;
	v35 =	vadd.f32 v34, v28  }
0x2d1: {  	v39 =	vperm.xlane v36, v2;
	v10 =	vsel vm1, v10, v11  }
0x2d2: {  	v12 =	vsel vm1, v12, v15;
	v38 =	vperm.xlane v10, v2;
	v37 =	vsel vm1, v16, v35  }
0x2d3: {  	v40 =	vperm.xlane v12, v2;
	v17 =	vperm.xlane v37, v2  }
0x2d4: {  	v11 =	vadd.f32 v39, v36;
	v10 =	vadd.f32 v38, v10  }
0x2d5: {  	v12 =	vadd.f32 v40, v12;
	v13 =	vadd.f32 v17, v37;
	_ =	sdelay $0x1  }
0x2d6: {  	v10 =	vsel vm2, v10, v11;
	v41 =	vsel vm2, v12, v13  }
0x2d7: {  	v43 =	vadd.s32 s16, v4;
	v42 =	vperm.xlane v10, v3;
	v13 =	vperm.xlane v41, v3;
	_ =	sdelay $0x1  }
0x2d8: {  	v10 =	vadd.f32 v42, v10;
	v11 =	vadd.f32 v13, v41  }
0x2d9: {  	s16 =	sadd.s32 $0x20, s4  }
0x2da: {  	s24 =	sshll.u32 s16, $0x6;
	v10 =	vsel vm3, v10, v11  }
0x2db: {  	s9 =	sand.u32 $0x3FFFFF80, s24;
	[tilespmem:v43+s2+$0x0] =	vst.idx.msk $0xffff, v10  }
0x2dc: {  	v10 =	vld [tilespmem:s9+$0xEED0]  }
0x2dd: {  	v44 =	vld [tilespmem:s9+$0xEEE0]  }
0x2de: {  	v50 =	vld [tilespmem:s9+$0xEEF0]  }
0x2df: {  	v51 =	vld [tilespmem:s9+$0xEF00]  }
0x2e0: {  	v14 =	vld [tilespmem:s15+$0xF710]  }
0x2e1: {  	v52 =	vld [tilespmem:s15+$0xF720]  }
0x2e2: {  	v53 =	vld [tilespmem:s15+$0xF730]  }
0x2e3: {  	v17 =	vld [tilespmem:s15+$0xF740]  }
0x2e4: {  	v54 =	vld [tilespmem:s15+$0xF750]  }
0x2e5: {  	v55 =	vld [tilespmem:s15+$0xF760]  }
0x2e6: {  	v56 =	vld [tilespmem:s15+$0xF770]  }
0x2e7: {  	v21 =	vld [tilespmem:s15+$0xF780]  }
0x2e8: {  	v57 =	vld [tilespmem:s15+$0xF790]  }
0x2e9: {  	v58 =	vld [tilespmem:s15+$0xF7A0]  }
0x2ea: {  	v59 =	vld [tilespmem:s15+$0xF7B0]  }
0x2eb: {  	v60 =	vld [tilespmem:s15+$0xF7C0]  }
0x2ec: {  	v61 =	vld [tilespmem:s15+$0xF7D0]  }
0x2ed: {  	v62 =	vld [tilespmem:s15+$0xF7E0]  }
0x2ee: {  	v63 =	vld [tilespmem:s15+$0xF7F0]  }
0x2ef: {  	v29 =	vld [tilespmem:s15+$0xF800]  }
0x2f0: {  	v45 =	vld [tilespmem:s15+$0xF810]  }
0x2f1: {  	v46 =	vld [tilespmem:s15+$0xF820]  }
0x2f2: {  	v47 =	vld [tilespmem:s15+$0xF830]  }
0x2f3: {  	v33 =	vld [tilespmem:s15+$0xF840]  }
0x2f4: {  	v48 =	vld [tilespmem:s15+$0xF850]  }
0x2f5: {  	v49 =	vld [tilespmem:s15+$0xF860];
	v10 =	vmul.f32 v10, v9  }
0x2f6: {  	v36 =	vld [tilespmem:s15+$0xF870];
	v11 =	vmul.f32 v44, v8;
	v14 =	vmul.f32 v14, v9  }
0x2f7: {  	v37 =	vld [tilespmem:s15+$0xF880];
	v15 =	vmul.f32 v52, v8;
	v50 =	vmul.f32 v50, v7  }
0x2f8: {  	v38 =	vld [tilespmem:s15+$0xF890];
	v13 =	vmul.f32 v51, v6;
	v51 =	vmul.f32 v53, v7  }
0x2f9: {  	v39 =	vld [tilespmem:s15+$0xF8A0];
	v52 =	vmul.f32 v54, v9;
	v53 =	vmul.f32 v55, v8  }
0x2fa: {  	v40 =	vld [tilespmem:s15+$0xF8B0];
	v54 =	vmul.f32 v57, v9;
	v55 =	vmul.f32 v58, v8  }
0x2fb: {  	v12 =	vld [tilespmem:s15+$0xF8E0];
	v17 =	vmul.f32 v17, v6;
	v56 =	vmul.f32 v56, v7  }
0x2fc: {  	v16 =	vld [tilespmem:s15+$0xF8F0];
	v58 =	vmul.f32 v59, v7;
	v59 =	vmul.f32 v21, v6  }
0x2fd: {  	v23 =	vld [tilespmem:s15+$0xF910];
	v60 =	vmul.f32 v60, v6;
	v61 =	vmul.f32 v61, v9  }
0x2fe: {  	v20 =	vld [tilespmem:s15+$0xF920];
	v62 =	vmul.f32 v62, v8;
	v63 =	vmul.f32 v63, v7  }
0x2ff: {  	v19 =	vld [tilespmem:s15+$0xF900];
	v43 =	vmul.f32 v45, v9;
	v44 =	vmul.f32 v46, v8  }
0x300: {  	v22 =	vld [tilespmem:s15+$0xF930];
	v45 =	vmul.f32 v29, v6;
	v46 =	vmul.f32 v47, v7  }
0x301: {  	v18 =	vld [tilespmem:s15+$0xF940];
	v47 =	vmul.f32 v48, v9;
	v48 =	vmul.f32 v49, v8  }
0x302: {  	v41 =	vld [tilespmem:s15+$0xF8C0];
	v33 =	vmul.f32 v33, v6;
	v12 =	vmul.f32 v12, v8  }
0x303: {  	v24 =	vld [tilespmem:s15+$0xF950];
	v23 =	vmul.f32 v23, v9;
	v20 =	vmul.f32 v20, v8  }
0x304: {  	v26 =	vld [tilespmem:s15+$0xF960];
	v16 =	vmul.f32 v16, v7;
	v19 =	vmul.f32 v19, v6;
	v10 =	vadd.f32 v11, v10  }
0x305: {  	v42 =	vld [tilespmem:s15+$0xF8D0];
	v22 =	vmul.f32 v22, v7;
	v14 =	vadd.f32 v15, v14;
	v11 =	vadd.f32 v53, v52  }
0x306: {  	v28 =	vld [tilespmem:s15+$0xF970];
	v18 =	vmul.f32 v18, v6;
	v57 =	vadd.f32 v55, v54;
	v15 =	vadd.f32 v44, v43  }
0x307: {  	v49 =	vld [tilespmem:s15+$0xF990];
	v27 =	vadd.f32 v48, v47;
	v53 =	vmul.f32 v36, v7;
	v55 =	vmul.f32 v40, v7  }
0x308: {  	v30 =	vld [tilespmem:s15+$0xF980];
	v20 =	vadd.f32 v20, v23;
	v43 =	vmul.f32 v24, v9;
	v10 =	vadd.f32 v50, v10  }
0x309: {  	v52 =	vld [tilespmem:s15+$0xF9A0];
	v44 =	vmul.f32 v26, v8;
	v14 =	vadd.f32 v51, v14;
	v11 =	vadd.f32 v56, v11  }
0x30a: {  	v54 =	vld [tilespmem:s15+$0xF9B0];
	v50 =	vmul.f32 v38, v9;
	v15 =	vadd.f32 v46, v15;
	v20 =	vadd.f32 v22, v20  }
0x30b: {  	v40 =	vld [tilespmem:s15+$0xFA00];
	v51 =	vmul.f32 v39, v8;
	v10 =	vadd.f32 v13, v10;
	v14 =	vadd.f32 v17, v14  }
0x30c: {  	v56 =	vld [tilespmem:s15+$0xF9C0];
	v46 =	vmul.f32 v49, v9;
	v13 =	vadd.f32 v58, v57;
	v11 =	vadd.f32 v59, v11  }
0x30d: {  	v38 =	vld [tilespmem:s15+$0xFAC0];
	v49 =	vmul.f32 v28, v7;
	v17 =	vadd.f32 v62, v61;
	v25 =	vadd.f32 v51, v50  }
0x30e: {  	v57 =	vadd.f32 v53, v27;
	v58 =	vmul.f32 v37, v6;
	v59 =	vld [tilespmem:s15+$0xF9D0];
	v15 =	vadd.f32 v33, v15  }
0x30f: {  	v61 =	vld [tilespmem:s15+$0xF9E0];
	v62 =	vmul.f32 v42, v9;
	v18 =	vadd.f32 v18, v20;
	v47 =	vmul.f32 v52, v8  }
0x310: {  	v42 =	vld [tilespmem:s15+$0xFA20];
	v52 =	vmul.f32 v54, v7;
	v54 =	vmul.f32 v30, v6;
	v13 =	vadd.f32 v60, v13  }
0x311: {  	v50 =	vld [tilespmem:s15+$0xFA50];
	v33 =	vmul.f32 v40, v6;
	v17 =	vadd.f32 v63, v17;
	v25 =	vadd.f32 v55, v25  }
0x312: {  	v53 =	vld [tilespmem:s15+$0xFA60];
	v60 =	vmul.f32 v41, v6;
	v21 =	vadd.f32 v58, v57;
	v12 =	vadd.f32 v12, v62  }
0x313: {  	v37 =	vld [tilespmem:s15+$0xFA80];
	v51 =	vadd.f32 v47, v46;
	v55 =	vmul.f32 v56, v6;
	v46 =	vperm.xlane v11, v0  }
0x314: {  	v12 =	vadd.f32 v16, v12;
	v16 =	vadd.f32 v44, v43;
	v43 =	vmul.f32 v38, v6  }
0x315: {  	v17 =	vadd.f32 v45, v17;
	v44 =	vperm.xlane v10, v0;
	v47 =	vperm.xlane v13, v0  }
0x316: {  	v41 =	vld [tilespmem:s15+$0xFA10];
	v25 =	vadd.f32 v60, v25;
	v57 =	vmul.f32 v59, v9;
	v58 =	vmul.f32 v61, v8  }
0x317: {  	v63 =	vld [tilespmem:s15+$0xF9F0];
	v20 =	vadd.f32 v52, v51;
	v23 =	vmul.f32 v42, v8;
	v24 =	vmul.f32 v50, v9  }
0x318: {  	v48 =	vld [tilespmem:s15+$0xFA40];
	v28 =	vmul.f32 v53, v8;
	v26 =	vmul.f32 v37, v6;
	v11 =	vadd.f32 v46, v11  }
0x319: {  	v50 =	vperm.xlane v21, v0;
	v53 =	vperm.xlane v18, v0;
	v12 =	vadd.f32 v19, v12  }
0x31a: {  	v56 =	vld [tilespmem:s15+$0xFA90];
	v16 =	vadd.f32 v49, v16;
	v10 =	vadd.f32 v44, v10;
	v49 =	vperm.xlane v15, v0  }
0x31b: {  	v13 =	vadd.f32 v47, v13;
	v51 =	vperm.xlane v25, v0;
	v60 =	vmul.f32 v41, v9  }
0x31c: {  	v45 =	vld [tilespmem:s15+$0xFA30];
	v20 =	vadd.f32 v55, v20;
	v22 =	vadd.f32 v58, v57;
	v62 =	vmul.f32 v63, v7  }
0x31d: {  	v59 =	vld [tilespmem:s15+$0xFAA0];
	v41 =	vmul.f32 v48, v6;
	v24 =	vadd.f32 v28, v24;
	v21 =	vadd.f32 v50, v21  }
0x31e: {  	v61 =	vld [tilespmem:s15+$0xFA70];
	v48 =	vperm.xlane v17, v0;
	v18 =	vadd.f32 v53, v18;
	v16 =	vadd.f32 v54, v16  }
0x31f: {  	v39 =	vmul.f32 v56, v9;
	v52 =	vperm.xlane v12, v0;
	v15 =	vadd.f32 v49, v15  }
0x320: {  	v63 =	vld [tilespmem:s15+$0xFAB0];
	v25 =	vadd.f32 v51, v25;
	v11 =	vsel vm0, v11, v13;
	v19 =	vadd.f32 v23, v60  }
0x321: {  	v36 =	vmul.f32 v45, v7;
	v22 =	vadd.f32 v62, v22;
	v45 =	vperm.xlane v14, v0  }
0x322: {  	v17 =	vadd.f32 v48, v17;
	v55 =	vperm.xlane v20, v0;
	v40 =	vmul.f32 v59, v8  }
0x323: {  	v27 =	vmul.f32 v61, v7;
	v12 =	vadd.f32 v52, v12;
	v54 =	vperm.xlane v16, v0  }
0x324: {  	v61 =	vsel vm0, v21, v25;
	v19 =	vadd.f32 v36, v19;
	v22 =	vadd.f32 v33, v22  }
0x325: {  	v14 =	vadd.f32 v45, v14;
	v23 =	vadd.f32 v40, v39;
	v42 =	vmul.f32 v63, v7  }
0x326: {  	v25 =	vperm.xlane v11, v1;
	v20 =	vadd.f32 v55, v20;
	v24 =	vadd.f32 v27, v24  }
0x327: {  	v60 =	vsel vm0, v17, v15;
	v16 =	vadd.f32 v54, v16;
	v23 =	vadd.f32 v42, v23  }
0x328: {  	v29 =	vperm.xlane v61, v1;
	v11 =	vadd.f32 v25, v11;
	v19 =	vadd.f32 v41, v19  }
0x329: {  	v12 =	vsel vm0, v12, v18;
	v24 =	vadd.f32 v26, v24;
	v23 =	vadd.f32 v43, v23  }
0x32a: {  	v56 =	vperm.xlane v22, v0;
	v10 =	vsel vm0, v10, v14;
	v57 =	vperm.xlane v19, v0  }
0x32b: {  	v14 =	vadd.f32 v29, v61;
	v58 =	vperm.xlane v24, v0;
	v59 =	vperm.xlane v23, v0  }
0x32c: {  	v28 =	vperm.xlane v60, v1;
	v22 =	vadd.f32 v56, v22;
	v19 =	vadd.f32 v57, v19  }
0x32d: {  	v30 =	vperm.xlane v12, v1;
	v24 =	vadd.f32 v58, v24;
	v23 =	vadd.f32 v59, v23  }
0x32e: {  	v62 =	vsel vm0, v16, v20;
	v63 =	vperm.xlane v10, v1;
	v13 =	vadd.f32 v28, v60  }
0x32f: {  	v31 =	vperm.xlane v62, v1;
	v26 =	vsel vm0, v22, v19;
	v27 =	vsel vm0, v24, v23  }
0x330: {  	v12 =	vadd.f32 v30, v12;
	v32 =	vperm.xlane v26, v1;
	v33 =	vperm.xlane v27, v1  }
0x331: {  	v10 =	vadd.f32 v63, v10;
	v15 =	vadd.f32 v31, v62  }
0x332: {  	v35 =	vsel vm1, v13, v14;
	v16 =	vadd.f32 v32, v26;
	v34 =	vadd.f32 v33, v27  }
0x333: {  	v38 =	vperm.xlane v35, v2;
	v10 =	vsel vm1, v10, v11  }
0x334: {  	v12 =	vsel vm1, v12, v15;
	v37 =	vperm.xlane v10, v2;
	v36 =	vsel vm1, v16, v34  }
0x335: {  	v39 =	vperm.xlane v12, v2;
	v17 =	vperm.xlane v36, v2  }
0x336: {  	v11 =	vadd.f32 v38, v35;
	v10 =	vadd.f32 v37, v10  }
0x337: {  	v12 =	vadd.f32 v39, v12;
	v13 =	vadd.f32 v17, v36;
	_ =	sdelay $0x1  }
0x338: {  	v10 =	vsel vm2, v10, v11;
	v40 =	vsel vm2, v12, v13  }
0x339: {  	v42 =	vadd.s32 s16, v4;
	v41 =	vperm.xlane v10, v3;
	v13 =	vperm.xlane v40, v3;
	_ =	sdelay $0x1  }
0x33a: {  	v10 =	vadd.f32 v41, v10;
	v11 =	vadd.f32 v13, v40  }
0x33b: {  	s4 =	sadd.s32 $0x30, s4  }
0x33c: {  	s24 =	sshll.u32 s4, $0x6;
	v10 =	vsel vm3, v10, v11  }
0x33d: {  	s9 =	sand.u32 $0x3FFFFF80, s24;
	[tilespmem:v42+s2+$0x0] =	vst.idx.msk $0xffff, v10  }
0x33e: {  	v10 =	vld [tilespmem:s9+$0xEED0]  }
0x33f: {  	v43 =	vld [tilespmem:s9+$0xEEE0]  }
0x340: {  	v47 =	vld [tilespmem:s9+$0xEEF0]  }
0x341: {  	v44 =	vld [tilespmem:s9+$0xEF00]  }
0x342: {  	v14 =	vld [tilespmem:s15+$0xFB10]  }
0x343: {  	v48 =	vld [tilespmem:s15+$0xFB20]  }
0x344: {  	v49 =	vld [tilespmem:s15+$0xFB30]  }
0x345: {  	v50 =	vld [tilespmem:s15+$0xFB40]  }
0x346: {  	v51 =	vld [tilespmem:s15+$0xFB50]  }
0x347: {  	v52 =	vld [tilespmem:s15+$0xFB60]  }
0x348: {  	v53 =	vld [tilespmem:s15+$0xFB70]  }
0x349: {  	v21 =	vld [tilespmem:s15+$0xFB80]  }
0x34a: {  	v54 =	vld [tilespmem:s15+$0xFB90]  }
0x34b: {  	v55 =	vld [tilespmem:s15+$0xFBA0]  }
0x34c: {  	v56 =	vld [tilespmem:s15+$0xFBB0]  }
0x34d: {  	v57 =	vld [tilespmem:s15+$0xFBC0]  }
0x34e: {  	v58 =	vld [tilespmem:s15+$0xFBD0]  }
0x34f: {  	v59 =	vld [tilespmem:s15+$0xFBE0]  }
0x350: {  	v28 =	vld [tilespmem:s15+$0xFBF0]  }
0x351: {  	v29 =	vld [tilespmem:s15+$0xFC00]  }
0x352: {  	v60 =	vld [tilespmem:s15+$0xFC10]  }
0x353: {  	v61 =	vld [tilespmem:s15+$0xFC20]  }
0x354: {  	v62 =	vld [tilespmem:s15+$0xFC30]  }
0x355: {  	v33 =	vld [tilespmem:s15+$0xFC40];
	v10 =	vmul.f32 v10, v9  }
0x356: {  	v63 =	vld [tilespmem:s15+$0xFC50];
	v11 =	vmul.f32 v43, v8;
	v14 =	vmul.f32 v14, v9  }
0x357: {  	v35 =	vld [tilespmem:s15+$0xFC60];
	v15 =	vmul.f32 v48, v8;
	v47 =	vmul.f32 v47, v7  }
0x358: {  	v36 =	vld [tilespmem:s15+$0xFC70];
	v48 =	vmul.f32 v49, v7;
	v49 =	vmul.f32 v44, v6  }
0x359: {  	v37 =	vld [tilespmem:s15+$0xFC80];
	v50 =	vmul.f32 v50, v6;
	v18 =	vmul.f32 v51, v9  }
0x35a: {  	v45 =	vld [tilespmem:s15+$0xFC90];
	v19 =	vmul.f32 v52, v8;
	v51 =	vmul.f32 v54, v9  }
0x35b: {  	v46 =	vld [tilespmem:s15+$0xFCA0];
	v52 =	vmul.f32 v55, v8;
	v53 =	vmul.f32 v53, v7  }
0x35c: {  	v40 =	vld [tilespmem:s15+$0xFCB0];
	v54 =	vmul.f32 v21, v6;
	v55 =	vmul.f32 v56, v7  }
0x35d: {  	v12 =	vld [tilespmem:s15+$0xFCD0];
	v56 =	vmul.f32 v57, v6;
	v57 =	vmul.f32 v58, v9  }
0x35e: {  	v16 =	vld [tilespmem:s15+$0xFCE0];
	v58 =	vmul.f32 v59, v8;
	v59 =	vmul.f32 v60, v9  }
0x35f: {  	v22 =	vld [tilespmem:s15+$0xFD20];
	v60 =	vmul.f32 v61, v8;
	v61 =	vmul.f32 v28, v7  }
0x360: {  	v13 =	vld [tilespmem:s15+$0xFCF0];
	v62 =	vmul.f32 v62, v7;
	v63 =	vmul.f32 v63, v9  }
0x361: {  	v24 =	vld [tilespmem:s15+$0xFD40];
	v43 =	vmul.f32 v35, v8;
	v45 =	vmul.f32 v45, v9  }
0x362: {  	v42 =	vld [tilespmem:s15+$0xFD10];
	v46 =	vmul.f32 v46, v8;
	v29 =	vmul.f32 v29, v6  }
0x363: {  	v17 =	vld [tilespmem:s15+$0xFD00];
	v33 =	vmul.f32 v33, v6;
	v12 =	vmul.f32 v12, v9  }
0x364: {  	v27 =	vld [tilespmem:s15+$0xFD80];
	v16 =	vmul.f32 v16, v8;
	v22 =	vmul.f32 v22, v8;
	v10 =	vadd.f32 v11, v10  }
0x365: {  	v26 =	vld [tilespmem:s15+$0xFD50];
	v13 =	vmul.f32 v13, v7;
	v14 =	vadd.f32 v15, v14;
	v18 =	vadd.f32 v19, v18  }
0x366: {  	v30 =	vld [tilespmem:s15+$0xFD60];
	v24 =	vmul.f32 v24, v6;
	v19 =	vadd.f32 v58, v57;
	v15 =	vadd.f32 v60, v59  }
0x367: {  	v21 =	vld [tilespmem:s15+$0xFD30];
	v20 =	vadd.f32 v43, v63;
	v23 =	vadd.f32 v46, v45;
	v57 =	vmul.f32 v42, v9  }
0x368: {  	v44 =	vld [tilespmem:s15+$0xFD90];
	v12 =	vadd.f32 v16, v12;
	v58 =	vmul.f32 v17, v6;
	v10 =	vadd.f32 v47, v10  }
0x369: {  	v41 =	vld [tilespmem:s15+$0xFCC0];
	v45 =	vmul.f32 v27, v6;
	v14 =	vadd.f32 v48, v14;
	v18 =	vadd.f32 v53, v18  }
0x36a: {  	v25 =	vld [tilespmem:s15+$0xFD70];
	v19 =	vadd.f32 v61, v19;
	v15 =	vadd.f32 v62, v15;
	v48 =	vmul.f32 v36, v7  }
0x36b: {  	v59 =	vld [tilespmem:s15+$0xFE10];
	v22 =	vadd.f32 v22, v57;
	v12 =	vadd.f32 v13, v12;
	v61 =	vmul.f32 v26, v9  }
0x36c: {  	v42 =	vld [tilespmem:s15+$0xFE50];
	v62 =	vmul.f32 v30, v8;
	v21 =	vmul.f32 v21, v7;
	v10 =	vadd.f32 v49, v10  }
0x36d: {  	v60 =	vld [tilespmem:s15+$0xFE20];
	v38 =	vmul.f32 v44, v9;
	v11 =	vadd.f32 v50, v14;
	v14 =	vadd.f32 v52, v51  }
0x36e: {  	v47 =	vld [tilespmem:s15+$0xFDA0];
	v18 =	vadd.f32 v54, v18;
	v50 =	vmul.f32 v40, v7;
	v19 =	vadd.f32 v29, v19  }
0x36f: {  	v53 =	vld [tilespmem:s15+$0xFDD0];
	v20 =	vadd.f32 v48, v20;
	v52 =	vmul.f32 v37, v6;
	v15 =	vadd.f32 v33, v15  }
0x370: {  	v57 =	vld [tilespmem:s15+$0xFE80];
	v54 =	vmul.f32 v41, v6;
	v12 =	vadd.f32 v58, v12;
	v13 =	vadd.f32 v62, v61  }
0x371: {  	v44 =	vld [tilespmem:s15+$0xFE60];
	v41 =	vmul.f32 v25, v7;
	v21 =	vadd.f32 v21, v22;
	v25 =	vmul.f32 v42, v9  }
0x372: {  	v49 =	vld [tilespmem:s15+$0xFDB0];
	v14 =	vadd.f32 v55, v14;
	v20 =	vadd.f32 v52, v20;
	v52 =	vmul.f32 v60, v8  }
0x373: {  	v51 =	vld [tilespmem:s15+$0xFDC0];
	v23 =	vadd.f32 v50, v23;
	v30 =	vperm.xlane v11, v0;
	v31 =	vperm.xlane v18, v0  }
0x374: {  	v37 =	vld [tilespmem:s15+$0xFE00];
	v13 =	vadd.f32 v41, v13;
	v35 =	vperm.xlane v19, v0;
	v36 =	vperm.xlane v15, v0  }
0x375: {  	v40 =	vld [tilespmem:s15+$0xFE40];
	v39 =	vmul.f32 v47, v8;
	v21 =	vadd.f32 v24, v21;
	v48 =	vmul.f32 v53, v9  }
0x376: {  	v28 =	vmul.f32 v57, v6;
	v14 =	vadd.f32 v56, v14;
	v23 =	vadd.f32 v54, v23  }
0x377: {  	v55 =	vld [tilespmem:s15+$0xFDE0];
	v13 =	vadd.f32 v45, v13;
	v26 =	vmul.f32 v44, v8;
	v33 =	vadd.f32 v30, v11  }
0x378: {  	v50 =	vld [tilespmem:s15+$0xFEA0];
	v34 =	vadd.f32 v31, v18;
	v43 =	vmul.f32 v49, v7;
	v46 =	vmul.f32 v51, v6  }
0x379: {  	v47 =	vld [tilespmem:s15+$0xFE90];
	v18 =	vadd.f32 v35, v19;
	v51 =	vmul.f32 v59, v9;
	v59 =	vmul.f32 v37, v6  }
0x37a: {  	v53 =	vld [tilespmem:s15+$0xFE70];
	v22 =	vadd.f32 v39, v38;
	v60 =	vmul.f32 v40, v6;
	v37 =	vperm.xlane v20, v0  }
0x37b: {  	v56 =	vld [tilespmem:s15+$0xFDF0];
	v39 =	vperm.xlane v12, v0;
	v41 =	vperm.xlane v21, v0;
	v25 =	vadd.f32 v26, v25  }
0x37c: {  	v63 =	vld [tilespmem:s15+$0xFE30];
	v38 =	vperm.xlane v23, v0;
	v42 =	vperm.xlane v13, v0;
	v22 =	vadd.f32 v43, v22  }
0x37d: {  	v49 =	vmul.f32 v55, v8;
	v16 =	vadd.f32 v52, v51;
	v40 =	vadd.f32 v37, v20  }
0x37e: {  	v8 =	vmul.f32 v50, v8;
	v12 =	vadd.f32 v39, v12;
	v20 =	vadd.f32 v41, v21  }
0x37f: {  	v9 =	vmul.f32 v47, v9;
	v61 =	vmul.f32 v53, v7;
	v19 =	vadd.f32 v38, v23  }
0x380: {  	v55 =	vld [tilespmem:s15+$0xFEB0];
	v13 =	vadd.f32 v42, v13;
	v24 =	vadd.f32 v49, v48;
	v54 =	vmul.f32 v56, v7  }
0x381: {  	v22 =	vadd.f32 v46, v22;
	v56 =	vmul.f32 v63, v7;
	v8 =	vadd.f32 v8, v9  }
0x382: {  	v58 =	vld [tilespmem:s15+$0xFEC0];
	v12 =	vsel vm0, v12, v20;
	v63 =	vadd.f32 v61, v25;
	v24 =	vadd.f32 v54, v24  }
0x383: {  	v49 =	vsel vm0, v40, v19;
	v16 =	vadd.f32 v56, v16;
	v43 =	vperm.xlane v22, v0  }
0x384: {  	v53 =	vperm.xlane v49, v1;
	v54 =	vperm.xlane v12, v1;
	v17 =	vadd.f32 v59, v24  }
0x385: {  	v7 =	vmul.f32 v55, v7;
	v62 =	vadd.f32 v60, v16;
	v16 =	vadd.f32 v28, v63  }
0x386: {  	v32 =	vperm.xlane v14, v0;
	v21 =	vadd.f32 v43, v22;
	v11 =	vadd.f32 v53, v49  }
0x387: {  	v6 =	vmul.f32 v58, v6;
	v12 =	vadd.f32 v54, v12;
	v7 =	vadd.f32 v7, v8  }
0x388: {  	v29 =	vperm.xlane v10, v0;
	v8 =	vadd.f32 v32, v14;
	v14 =	vadd.f32 v36, v15  }
0x389: {  	v44 =	vperm.xlane v17, v0;
	v45 =	vperm.xlane v62, v0;
	v6 =	vadd.f32 v6, v7  }
0x38a: {  	v46 =	vperm.xlane v16, v0;
	v13 =	vsel vm0, v13, v21;
	v7 =	vadd.f32 v29, v10  }
0x38b: {  	v8 =	vsel vm0, v34, v8;
	v48 =	vsel vm0, v18, v14;
	v47 =	vperm.xlane v6, v0  }
0x38c: {  	v55 =	vperm.xlane v13, v1;
	v17 =	vadd.f32 v44, v17;
	v9 =	vadd.f32 v45, v62  }
0x38d: {  	v16 =	vadd.f32 v46, v16;
	v51 =	vperm.xlane v8, v1;
	v6 =	vadd.f32 v47, v6  }
0x38e: {  	v52 =	vperm.xlane v48, v1;
	v7 =	vsel vm0, v7, v33;
	v13 =	vadd.f32 v55, v13  }
0x38f: {  	v50 =	vperm.xlane v7, v1;
	v9 =	vsel vm0, v17, v9;
	v6 =	vsel vm0, v16, v6  }
0x390: {  	v8 =	vadd.f32 v51, v8;
	v56 =	vperm.xlane v9, v1;
	v57 =	vperm.xlane v6, v1  }
0x391: {  	v10 =	vadd.f32 v52, v48;
	v7 =	vadd.f32 v50, v7  }
0x392: {  	v59 =	vsel vm1, v12, v13;
	v9 =	vadd.f32 v56, v9;
	v6 =	vadd.f32 v57, v6  }
0x393: {  	v58 =	vsel vm1, v10, v11;
	v12 =	vperm.xlane v59, v2  }
0x394: {  	v11 =	vperm.xlane v58, v2;
	v7 =	vsel vm1, v7, v8;
	v6 =	vsel vm1, v9, v6  }
0x395: {  	v60 =	vperm.xlane v7, v2;
	v61 =	vperm.xlane v6, v2  }
0x396: {  	v62 =	vadd.f32 v12, v59;
	v8 =	vadd.f32 v11, v58  }
0x397: {  	v7 =	vadd.f32 v60, v7;
	v6 =	vadd.f32 v61, v6;
	_ =	sdelay $0x1  }
0x398: {  	v7 =	vsel vm2, v7, v8;
	v6 =	vsel vm2, v62, v6  }
0x399: {  	p0 =	sne.s32 s14, $0x7;
	v63 =	vadd.s32 s4, v4;
	v8 =	vperm.xlane v7, v3;
	v9 =	vperm.xlane v6, v3  }
.Ltmp3:
0x39a: {  	_ = 	snop;
	(pc) =	sbr.rel @p0 .LBB2_8-.Ltmp3, $3  }
0x39b: {  	v7 =	vadd.f32 v8, v7;
	v6 =	vadd.f32 v9, v6;
	_ =	sdelay $0x1  }
0x39c: {  	v6 =	vsel vm3, v7, v6  }
0x39d: {  	s14 =	sadd.s32 $0x1, s14;
	[tilespmem:v63+s2+$0x0] =	vst.idx.msk $0x3, v6  }
0x39e: {  	s13 =	sadd.s32 $0x1, s13  }
0x39f: {  	s4 =	smul.u32 $0x190, s7;
	p0 =	sne.s32 s13, $0x20  }
.Ltmp4:
0x3a0: {  	_ = 	snop;
	(pc) =	sbr.rel @p0 .LBB2_2-.Ltmp4, $4  }
0x3a1: {  	s4 =	sadd.s32 s11, s4  }
0x3a2: {  	s4 =	sshrl.u32 s4, $0x3  }
0x3a3: {  	s4 =	sadd.s32 s6, s4  }
0x3a4: {  	[hbm4b:s4+s3] =	stream.linear.scatter [tilespmem:s2], [sflag:$0x7], $0x190, $0x38;
	[tilespmem:$0x15860] =	vst v63  }
0x3a5: {  	_ =	swait.ge [sflag:s22], $0x190  }
0x3a6: {  	[sflag:s22] =	ssyncset.done $0x0  }
0x3a7: {  	[sflag:s22] =	ssyncadd.s32 $0xFFFFFE70  }
0x3a8: {  	_ =	swait.ge [sflag:s8], $0x190  }
0x3a9: {  	s7 =	rddreg [dreg:$0x9]  }
0x3aa: {  	s4 =	rddreg [dreg:$0x8];
	s7 =	sadd.s32 $0x1, s7  }
0x3ab: {  	p0 =	sne.s32 s7, s4  }
.Ltmp5:
0x3ac: {  	_ = 	snop;
	(pc) =	sbr.rel @p0 .LBB2_1-.Ltmp5, $3  }
0x3ad: {  	_ =	sdelay $0x1  }
0x3ae: {  	[sflag:s8] =	ssyncset.done $0x0  }
0x3af: {  	[sflag:s8] =	ssyncadd.s32 $0xFFFFFE70  }
0x3b0: {  	_ =	sfence.sel $0x180000  }
0x3b1: {  	[bflag:$0x0] =	sbarrier.arrive $0xFFFF  }
0x3b2: {  	_ =	strace $0x90000047  }
0x3b3: {  	s0 =	stileid.u32;
	[bflag:$0x2] =	sbarrier.arrive $0xFFFF  }
0x3b4: {  	p0 =	sne.s32 s0, $0x0;
	s0 =	rddreg [dreg:$0x3]  }
0x3b5: {  	s0 =	sadd.s32 @!p0 $0x100000, s0  }
0x3b6: {  	[sflag:s0] =	ssyncadd.tile.s32 @!p0 $0x1;
	_ =	shalt  }
.Lfunc_end2:
_tile_overlayer_lowered:
.L_overlay_start_2:
0x3b7: {  	(tag) =	ssettag $0x2  }
0x3b8: {  	s0 =	rddreg [dreg:$0x0];
	s2 =	stileid.u32  }
0x3b9: {  	s1 =	rddreg [dreg:$0x1];
	p0 =	sne.s32 s2, $0x0  }
0x3ba: {  	s3 =	rddreg [dreg:$0x2];
	[bflag:$0x3] =	sbarrier.arrive $0xFFFF;
	s2 =	simm.s32 @!p0 $0x1C08  }
0x3bb: {  	[timem:s3], [sflag:s2] =	dma.local @!p0 [hbm:s0], s1  }
0x3bc: {  	s0 =	simm.s32 @!p0 $0x8  }
0x3bd: {  	_ =	swait.ge @!p0 [sflag:s0], s1  }
0x3be: {  	s1 =	ssub.s32 @!p0 $0x0, s1;
	[sflag:s0] =	ssyncset.done @!p0 $0x0  }
0x3bf: {  	[sflag:s0] =	ssyncadd.s32 @!p0 s1  }
0x3c0: {  	[bflag:$0x3] =	sbarrier.arrive $0xFFFF  }
0x3c1: {  	_ =	shalt  }

</sc_bundles>
